<compile_context>
chip_gen: v7x
topology: tpu7x:2x2x1
jax: 0.10.2.dev20260603
libtpu: 0.0.44.dev20260713+nightly
codegen_flags: <defaults>
</compile_context>

<pallas_src>
import jax
import jax.numpy as jnp
from jax import lax
from jax.experimental import pallas as pl
from jax.experimental.pallas import tpu as pltpu
from jax.experimental.pallas import tpu_sc as plsc

BATCH = 16384
N_FIELDS = 26
VOCAB = 100000
EMBED_DIM = 32
CONT_DIM = 13
OUT_DIM = CONT_DIM + N_FIELDS * EMBED_DIM

NC = 2
NS = 16
LANES = 16
NW = NC * NS
ROWS_W = BATCH // NW
CR = 32
NCHUNK = ROWS_W // CR


def _body(cont_hbm, catt_hbm, tab_hbm, out_hbm,
          catw_v, cont_v, rows_v, out_v,
          sem_cat, sem_cont, sem_g, sem_w):
    wid = lax.axis_index("s") * NC + lax.axis_index("c")
    base = wid * ROWS_W

    pltpu.sync_copy(catt_hbm.at[:, pl.ds(base, ROWS_W)], catw_v)

    def start_in(c):
        b = c % 3
        row0 = base + c * CR
        pltpu.async_copy(cont_hbm.at[pl.ds(row0 * CONT_DIM, CR * CONT_DIM)],
                         cont_v.at[b, pl.ds(0, CR * CONT_DIM)],
                         sem_cont.at[b])

    def wait_in(c):
        b = c % 3
        row0 = base + c * CR
        pltpu.make_async_copy(cont_hbm.at[pl.ds(row0 * CONT_DIM, CR * CONT_DIM)],
                              cont_v.at[b, pl.ds(0, CR * CONT_DIM)],
                              sem_cont.at[b]).wait()

    def start_gathers(c):
        b2 = c & 1

        def fire(f, _):
            pltpu.async_copy(
                tab_hbm.at[f].at[catw_v.at[f, pl.ds(c * CR, CR)]],
                rows_v.at[b2, f], sem_g.at[b2])
            return 0

        lax.fori_loop(0, N_FIELDS, fire, 0)

    def wait_gathers(c):
        b2 = c & 1

        def drain(f, _):
            pltpu.make_async_copy(
                tab_hbm.at[f].at[catw_v.at[f, pl.ds(c * CR, CR)]],
                rows_v.at[b2, f], sem_g.at[b2]).wait()
            return 0

        lax.fori_loop(0, N_FIELDS, drain, 0)

    def assemble(c):
        b3, b2 = c % 3, c & 1

        def asm_row(i, _):
            out_v[b2, pl.ds(i * OUT_DIM, LANES)] = (
                cont_v[b3, pl.ds(i * CONT_DIM, LANES)])

            def asm_j(j, _):
                d = i * OUT_DIM + CONT_DIM + j * EMBED_DIM
                out_v[b2, pl.ds(d, LANES)] = rows_v[b2, j, i, pl.ds(0, LANES)]
                out_v[b2, pl.ds(d + LANES, LANES)] = (
                    rows_v[b2, j, i, pl.ds(LANES, LANES)])
                return 0

            return lax.fori_loop(0, N_FIELDS, asm_j, 0)

        lax.fori_loop(0, CR, asm_row, 0)

    def out_slice(c):
        row0 = base + c * CR
        return out_hbm.at[pl.ds(row0 * OUT_DIM, CR * OUT_DIM)]

    def start_write(c):
        pltpu.async_copy(out_v.at[c & 1], out_slice(c), sem_w.at[c & 1])

    def wait_write(c):
        pltpu.make_async_copy(out_v.at[c & 1], out_slice(c),
                              sem_w.at[c & 1]).wait()

    start_in(0)
    start_in(1)
    for c in range(NCHUNK):
        wait_in(c)
        start_gathers(c)
        if c >= 1:
            wait_gathers(c - 1)
            if c >= 3:
                wait_write(c - 3)
            assemble(c - 1)
            start_write(c - 1)
        if c + 2 < NCHUNK:
            start_in(c + 2)

    wait_gathers(NCHUNK - 1)
    wait_write(NCHUNK - 3)
    assemble(NCHUNK - 1)
    start_write(NCHUNK - 1)
    wait_write(NCHUNK - 2)
    wait_write(NCHUNK - 1)


@jax.jit
def kernel(continuous_data, categorical_data, tables):
    catt = categorical_data.astype(jnp.int32).T
    cont = continuous_data.reshape(BATCH * CONT_DIM)
    mesh = plsc.VectorSubcoreMesh(core_axis_name="c", subcore_axis_name="s")
    run = pl.kernel(
        _body,
        out_type=jax.ShapeDtypeStruct((BATCH * OUT_DIM,), jnp.float32),
        mesh=mesh,
        scratch_types=[
            pltpu.VMEM((N_FIELDS, ROWS_W), jnp.int32),
            pltpu.VMEM((3, CR * CONT_DIM + LANES,), jnp.float32),
            pltpu.VMEM((2, N_FIELDS, CR, EMBED_DIM), jnp.float32),
            pltpu.VMEM((2, CR * OUT_DIM,), jnp.float32),
            pltpu.SemaphoreType.DMA((3,)),
            pltpu.SemaphoreType.DMA((3,)),
            pltpu.SemaphoreType.DMA((2,)),
            pltpu.SemaphoreType.DMA((2,)),
        ],
        compiler_params=pltpu.CompilerParams(use_tc_tiling_on_sc=False),
    )
    out = run(cont, catt, tables)
    return out.reshape(BATCH, OUT_DIM)

# --- scband reference (transcript-rebuilt; emitter-appended) ---
"""Pipeline reference for scband-embedding1d-layer-33054068310753 (READ-ONLY COPY).

The authoritative reference and input builder live on the scoring server;
editing this copy changes nothing except your own understanding.
"""

import jax, jax.numpy as jnp
import numpy as np

BATCH = 16384
N_FIELDS = 26
VOCAB = 100000
EMBED_DIM = 32
CONT_DIM = 13


def setup_inputs(seed: int = 0) -> dict:
    key = jax.random.key(seed)
    k1, k2, k3 = jax.random.split(key, 3)
    continuous_data = jax.random.normal(k1, (BATCH, CONT_DIM), dtype=jnp.float32)
    categorical_data = jax.random.randint(k2, (BATCH, N_FIELDS), 0, VOCAB)
    # 26 embedding tables, all [VOCAB, EMBED_DIM]; stacked into one array for convenience
    tables = jax.random.normal(k3, (N_FIELDS, VOCAB, EMBED_DIM), dtype=jnp.float32) * 0.01
    return {
        "continuous_data": continuous_data,
        "categorical_data": categorical_data,
        "tables": tables,
    }


def reference(continuous_data, categorical_data, tables):
    # Per-field embedding lookup (equivalent to torch: cat([emb_i(cat[:, i]) for i]))
    # tables[i][categorical_data[:, i]] for each of the 26 fields
    cat_embed = jax.vmap(lambda t, idx: jnp.take(t, idx, axis=0), in_axes=(0, 1), out_axes=1)(
        tables, categorical_data
    )  # [B, N_FIELDS, EMBED_DIM]
    cat_embed = cat_embed.reshape(cat_embed.shape[0], -1)  # [B, N_FIELDS*EMBED_DIM]
    # continuous_dim > 0 and no batch norm: embed = continuous_data, then concat
    embed = jnp.concatenate([continuous_data, cat_embed], axis=1)  # [B, 13 + 832]
    # embedding_dropout == 0.0 -> no dropout
    return embed

if __name__ == "__main__":
    import jax
    _d = setup_inputs()
    print(jax.jit(kernel)(*tuple(_d.values())))

</pallas_src>

<mosaic_0001>
#map = affine_map<(d0, d1) -> (0)>
#map1 = affine_map<(d0, d1) -> (0, 0)>
#map2 = affine_map<(d0, d1) -> (0, 0, 0)>
module attributes {stable_mosaic.version = 14 : i64} {
  func.func @_body(%arg0: i32, %arg1: i32, %arg2: memref<212992xf32, #tpu.memory_space<hbm>>, %arg3: memref<26x16384xi32, #tpu.memory_space<hbm>>, %arg4: memref<26x100000x32xf32, #tpu.memory_space<hbm>>, %arg5: memref<13844480xf32, #tpu.memory_space<hbm>>, %arg6: memref<26x512xi32, #tpu.memory_space<vmem>>, %arg7: memref<3x432xf32, #tpu.memory_space<vmem>>, %arg8: memref<2x26x32x32xf32, #tpu.memory_space<vmem>>, %arg9: memref<2x27040xf32, #tpu.memory_space<vmem>>, %arg10: memref<3x!tpu.dma_semaphore, #tpu.memory_space<semaphore_mem>>, %arg11: memref<3x!tpu.dma_semaphore, #tpu.memory_space<semaphore_mem>>, %arg12: memref<2x!tpu.dma_semaphore, #tpu.memory_space<semaphore_mem>>, %arg13: memref<2x!tpu.dma_semaphore, #tpu.memory_space<semaphore_mem>>) attributes {dimension_semantics = [#tpu.dimension_semantics<core_parallel>, #tpu.dimension_semantics<subcore_parallel>], iteration_bounds = array<i64: 2, 16>, scalar_prefetch = 0 : i64, scratch_operands = 8 : i64, tpu.core_type = #tpu.core_type<sc_vector_subcore>, window_params = [{transform_indices = #map}, {transform_indices = #map1}, {transform_indices = #map2}, {transform_indices = #map}]} {
    %mul3A = arith.constant 2 : i32
    %mul3A_0 = arith.muli %arg1, %mul3A : i32
    %add3A = arith.addi %mul3A_0, %arg0 : i32
    %mul3A_1 = arith.constant 512 : i32
    %mul3A_2 = arith.muli %add3A, %mul3A_1 : i32
    "tpu.region"() ({
      %run_scoped3A = tpu.sem_alloc : memref<!tpu.dma_semaphore, #tpu.memory_space<semaphore_mem>>
      %dma_start3A_1360 = arith.constant 0 : i32
      %dma_start3A_1361 = tpu.memref_slice %arg3[%dma_start3A_1360, %mul3A_2] : memref<26x16384xi32, #tpu.memory_space<hbm>> -> memref<26x512xi32, #tpu.memory_space<hbm>>
      %dma_start3A_1362 = arith.constant 0 : i32
      %dma_start3A_1363 = tpu.memref_slice %arg3[%dma_start3A_1362, %mul3A_2] : memref<26x16384xi32, #tpu.memory_space<hbm>> -> memref<26x512xi32, #tpu.memory_space<hbm>>
      tpu.enqueue_dma source(%dma_start3A_1363 : memref<26x512xi32, #tpu.memory_space<hbm>>) target(%arg6 : memref<26x512xi32, #tpu.memory_space<vmem>>) target_semaphore(%run_scoped3A : memref<!tpu.dma_semaphore, #tpu.memory_space<semaphore_mem>>)
      %dma_wait3A_1364 = arith.constant 0 : i32
      %dma_wait3A_1365 = tpu.memref_slice %arg3[%dma_wait3A_1364, %mul3A_2] : memref<26x16384xi32, #tpu.memory_space<hbm>> -> memref<26x512xi32, #tpu.memory_space<hbm>>
      %dma_wait3A_1366 = arith.constant 0 : i32
      %dma_wait3A_1367 = tpu.memref_slice %arg3[%dma_wait3A_1366, %mul3A_2] : memref<26x16384xi32, #tpu.memory_space<hbm>> -> memref<26x512xi32, #tpu.memory_space<hbm>>
      tpu.wait_dma2 semaphore(%run_scoped3A : memref<!tpu.dma_semaphore, #tpu.memory_space<semaphore_mem>>) src(%dma_wait3A_1367 : memref<26x512xi32, #tpu.memory_space<hbm>>) dst(%arg6 : memref<26x512xi32, #tpu.memory_space<vmem>>)
      tpu.yield
    }) : () -> ()
    %add3A_3 = arith.constant 0 : i32
    %add3A_4 = arith.addi %mul3A_2, %add3A_3 : i32
    %mul3A_5 = arith.constant 13 : i32
    %mul3A_6 = arith.muli %add3A_4, %mul3A_5 : i32
    %dma_start3A = arith.constant 0 : i32
    %dma_start3A_7 = arith.constant 0 : i32
    %dma_start3A_8 = arith.constant 0 : i32
    %dma_start3A_9 = tpu.memref_slice %arg7[%dma_start3A, %dma_start3A_8] : memref<3x432xf32, #tpu.memory_space<vmem>> -> memref<1x416xf32, #tpu.memory_space<vmem>>
    %dma_start3A_10 = tpu.memref_squeeze %dma_start3A_9 : memref<1x416xf32, #tpu.memory_space<vmem>> -> memref<416xf32, #tpu.memory_space<vmem>>
    %dma_start3A_11 = tpu.memref_slice %arg2[%mul3A_6] : memref<212992xf32, #tpu.memory_space<hbm>> -> memref<416xf32, #tpu.memory_space<hbm>>
    %dma_start3A_12 = tpu.memref_slice %arg11[%dma_start3A_7] : memref<3x!tpu.dma_semaphore, #tpu.memory_space<semaphore_mem>> -> memref<1x!tpu.dma_semaphore, #tpu.memory_space<semaphore_mem>>
    %dma_start3A_13 = tpu.memref_squeeze %dma_start3A_12 : memref<1x!tpu.dma_semaphore, #tpu.memory_space<semaphore_mem>> -> memref<!tpu.dma_semaphore, #tpu.memory_space<semaphore_mem>>
    %dma_start3A_14 = arith.constant 0 : i32
    %dma_start3A_15 = tpu.memref_slice %arg7[%dma_start3A, %dma_start3A_14] : memref<3x432xf32, #tpu.memory_space<vmem>> -> memref<1x416xf32, #tpu.memory_space<vmem>>
    %dma_start3A_16 = tpu.memref_squeeze %dma_start3A_15 : memref<1x416xf32, #tpu.memory_space<vmem>> -> memref<416xf32, #tpu.memory_space<vmem>>
    %dma_start3A_17 = tpu.memref_slice %arg2[%mul3A_6] : memref<212992xf32, #tpu.memory_space<hbm>> -> memref<416xf32, #tpu.memory_space<hbm>>
    tpu.enqueue_dma source(%dma_start3A_17 : memref<416xf32, #tpu.memory_space<hbm>>) target(%dma_start3A_16 : memref<416xf32, #tpu.memory_space<vmem>>) target_semaphore(%dma_start3A_13 : memref<!tpu.dma_semaphore, #tpu.memory_space<semaphore_mem>>)
    %add3A_18 = arith.constant 32 : i32
    %add3A_19 = arith.addi %mul3A_2, %add3A_18 : i32
    %mul3A_20 = arith.constant 13 : i32
    %mul3A_21 = arith.muli %add3A_19, %mul3A_20 : i32
    %dma_start3A_22 = arith.constant 1 : i32
    %dma_start3A_23 = arith.constant 1 : i32
    %dma_start3A_24 = arith.constant 0 : i32
    %dma_start3A_25 = tpu.memref_slice %arg7[%dma_start3A_22, %dma_start3A_24] : memref<3x432xf32, #tpu.memory_space<vmem>> -> memref<1x416xf32, #tpu.memory_space<vmem>>
    %dma_start3A_26 = tpu.memref_squeeze %dma_start3A_25 : memref<1x416xf32, #tpu.memory_space<vmem>> -> memref<416xf32, #tpu.memory_space<vmem>>
    %dma_start3A_27 = tpu.memref_slice %arg2[%mul3A_21] : memref<212992xf32, #tpu.memory_space<hbm>> -> memref<416xf32, #tpu.memory_space<hbm>>
    %dma_start3A_28 = tpu.memref_slice %arg11[%dma_start3A_23] : memref<3x!tpu.dma_semaphore, #tpu.memory_space<semaphore_mem>> -> memref<1x!tpu.dma_semaphore, #tpu.memory_space<semaphore_mem>>
    %dma_start3A_29 = tpu.memref_squeeze %dma_start3A_28 : memref<1x!tpu.dma_semaphore, #tpu.memory_space<semaphore_mem>> -> memref<!tpu.dma_semaphore, #tpu.memory_space<semaphore_mem>>
    %dma_start3A_30 = arith.constant 0 : i32
    %dma_start3A_31 = tpu.memref_slice %arg7[%dma_start3A_22, %dma_start3A_30] : memref<3x432xf32, #tpu.memory_space<vmem>> -> memref<1x416xf32, #tpu.memory_space<vmem>>
    %dma_start3A_32 = tpu.memref_squeeze %dma_start3A_31 : memref<1x416xf32, #tpu.memory_space<vmem>> -> memref<416xf32, #tpu.memory_space<vmem>>
    %dma_start3A_33 = tpu.memref_slice %arg2[%mul3A_21] : memref<212992xf32, #tpu.memory_space<hbm>> -> memref<416xf32, #tpu.memory_space<hbm>>
    tpu.enqueue_dma source(%dma_start3A_33 : memref<416xf32, #tpu.memory_space<hbm>>) target(%dma_start3A_32 : memref<416xf32, #tpu.memory_space<vmem>>) target_semaphore(%dma_start3A_29 : memref<!tpu.dma_semaphore, #tpu.memory_space<semaphore_mem>>)
    %add3A_34 = arith.constant 0 : i32
    %add3A_35 = arith.addi %mul3A_2, %add3A_34 : i32
    %mul3A_36 = arith.constant 13 : i32
    %mul3A_37 = arith.muli %add3A_35, %mul3A_36 : i32
    %dma_wait3A = arith.constant 0 : i32
    %dma_wait3A_38 = arith.constant 0 : i32
    %dma_wait3A_39 = arith.constant 0 : i32
    %dma_wait3A_40 = tpu.memref_slice %arg7[%dma_wait3A, %dma_wait3A_39] : memref<3x432xf32, #tpu.memory_space<vmem>> -> memref<1x416xf32, #tpu.memory_space<vmem>>
    %dma_wait3A_41 = tpu.memref_squeeze %dma_wait3A_40 : memref<1x416xf32, #tpu.memory_space<vmem>> -> memref<416xf32, #tpu.memory_space<vmem>>
    %dma_wait3A_42 = tpu.memref_slice %arg2[%mul3A_37] : memref<212992xf32, #tpu.memory_space<hbm>> -> memref<416xf32, #tpu.memory_space<hbm>>
    %dma_wait3A_43 = tpu.memref_slice %arg11[%dma_wait3A_38] : memref<3x!tpu.dma_semaphore, #tpu.memory_space<semaphore_mem>> -> memref<1x!tpu.dma_semaphore, #tpu.memory_space<semaphore_mem>>
    %dma_wait3A_44 = tpu.memref_squeeze %dma_wait3A_43 : memref<1x!tpu.dma_semaphore, #tpu.memory_space<semaphore_mem>> -> memref<!tpu.dma_semaphore, #tpu.memory_space<semaphore_mem>>
    %dma_wait3A_45 = arith.constant 0 : i32
    %dma_wait3A_46 = tpu.memref_slice %arg7[%dma_wait3A, %dma_wait3A_45] : memref<3x432xf32, #tpu.memory_space<vmem>> -> memref<1x416xf32, #tpu.memory_space<vmem>>
    %dma_wait3A_47 = tpu.memref_squeeze %dma_wait3A_46 : memref<1x416xf32, #tpu.memory_space<vmem>> -> memref<416xf32, #tpu.memory_space<vmem>>
    %dma_wait3A_48 = tpu.memref_slice %arg2[%mul3A_37] : memref<212992xf32, #tpu.memory_space<hbm>> -> memref<416xf32, #tpu.memory_space<hbm>>
    tpu.wait_dma2 semaphore(%dma_wait3A_44 : memref<!tpu.dma_semaphore, #tpu.memory_space<semaphore_mem>>) src(%dma_wait3A_48 : memref<416xf32, #tpu.memory_space<hbm>>) dst(%dma_wait3A_47 : memref<416xf32, #tpu.memory_space<vmem>>)
    %scan3A = arith.constant 0 : i32
    %scan3A_49 = arith.constant 0 : i32
    %scan3A_50 = arith.constant 26 : i32
    %scan3A_51 = arith.addi %scan3A_49, %scan3A_50 : i32
    %scan3A_52 = arith.constant 1 : i32
    %scan3A_53 = scf.for %scan3A_1360 = %scan3A_49 to %scan3A_51 step %scan3A_52 iter_args(%scan3A_1361 = %scan3A) -> (i32)  : i32 {
      %dma_start3A_1362 = arith.constant 0 : i32
      %dma_start3A_1363 = arith.constant 0 : i32
      %dma_start3A_1364 = arith.constant 0 : i32
      %dma_start3A_1365 = arith.constant 0 : i32
      %dma_start3A_1366 = tpu.memref_slice %arg8[%dma_start3A_1362, %scan3A_1360, %dma_start3A_1364, %dma_start3A_1365] : memref<2x26x32x32xf32, #tpu.memory_space<vmem>> -> memref<1x1x32x32xf32, #tpu.memory_space<vmem>>
      %dma_start3A_1367 = tpu.memref_squeeze %dma_start3A_1366 : memref<1x1x32x32xf32, #tpu.memory_space<vmem>> -> memref<32x32xf32, #tpu.memory_space<vmem>>
      %dma_start3A_1368 = arith.constant 0 : i32
      %dma_start3A_1369 = tpu.memref_slice %arg6[%scan3A_1360, %dma_start3A_1368] : memref<26x512xi32, #tpu.memory_space<vmem>> -> memref<1x32xi32, #tpu.memory_space<vmem>>
      %dma_start3A_1370 = tpu.memref_squeeze %dma_start3A_1369 : memref<1x32xi32, #tpu.memory_space<vmem>> -> memref<32xi32, #tpu.memory_space<vmem>>
      %dma_start3A_1371 = arith.constant 0 : i32
      %dma_start3A_1372 = arith.constant 0 : i32
      %dma_start3A_1373 = tpu.memref_slice %arg4[%scan3A_1360, %dma_start3A_1371, %dma_start3A_1372] : memref<26x100000x32xf32, #tpu.memory_space<hbm>> -> memref<1x100000x32xf32, #tpu.memory_space<hbm>>
      %dma_start3A_1374 = tpu.memref_squeeze %dma_start3A_1373 : memref<1x100000x32xf32, #tpu.memory_space<hbm>> -> memref<100000x32xf32, #tpu.memory_space<hbm>>
      %dma_start3A_1375 = arith.constant 0 : i32
      %dma_start3A_1376 = arith.constant 0 : i32
      %dma_start3A_1377 = tpu.memref_slice %dma_start3A_1374[%dma_start3A_1375, %dma_start3A_1376] : memref<100000x32xf32, #tpu.memory_space<hbm>> -> memref<100000x32xf32, #tpu.memory_space<hbm>>
      %dma_start3A_1378 = tpu.memref_slice %arg12[%dma_start3A_1363] : memref<2x!tpu.dma_semaphore, #tpu.memory_space<semaphore_mem>> -> memref<1x!tpu.dma_semaphore, #tpu.memory_space<semaphore_mem>>
      %dma_start3A_1379 = tpu.memref_squeeze %dma_start3A_1378 : memref<1x!tpu.dma_semaphore, #tpu.memory_space<semaphore_mem>> -> memref<!tpu.dma_semaphore, #tpu.memory_space<semaphore_mem>>
      tpu.enqueue_indirect_dma source(%dma_start3A_1377 : memref<100000x32xf32, #tpu.memory_space<hbm>>) target(%dma_start3A_1367 : memref<32x32xf32, #tpu.memory_space<vmem>>) offsets(%dma_start3A_1370 : memref<32xi32, #tpu.memory_space<vmem>>) semaphore(%dma_start3A_1379 : memref<!tpu.dma_semaphore, #tpu.memory_space<semaphore_mem>>)
      %scan3A_1380 = arith.constant 0 : i32
      scf.yield %scan3A_1380 : i32
    }
    %scan3A_54 = arith.constant 26 : i32
    %add3A_55 = arith.constant 64 : i32
    %add3A_56 = arith.addi %mul3A_2, %add3A_55 : i32
    %mul3A_57 = arith.constant 13 : i32
    %mul3A_58 = arith.muli %add3A_56, %mul3A_57 : i32
    %dma_start3A_59 = arith.constant 2 : i32
    %dma_start3A_60 = arith.constant 2 : i32
    %dma_start3A_61 = arith.constant 0 : i32
    %dma_start3A_62 = tpu.memref_slice %arg7[%dma_start3A_59, %dma_start3A_61] : memref<3x432xf32, #tpu.memory_space<vmem>> -> memref<1x416xf32, #tpu.memory_space<vmem>>
    %dma_start3A_63 = tpu.memref_squeeze %dma_start3A_62 : memref<1x416xf32, #tpu.memory_space<vmem>> -> memref<416xf32, #tpu.memory_space<vmem>>
    %dma_start3A_64 = tpu.memref_slice %arg2[%mul3A_58] : memref<212992xf32, #tpu.memory_space<hbm>> -> memref<416xf32, #tpu.memory_space<hbm>>
    %dma_start3A_65 = tpu.memref_slice %arg11[%dma_start3A_60] : memref<3x!tpu.dma_semaphore, #tpu.memory_space<semaphore_mem>> -> memref<1x!tpu.dma_semaphore, #tpu.memory_space<semaphore_mem>>
    %dma_start3A_66 = tpu.memref_squeeze %dma_start3A_65 : memref<1x!tpu.dma_semaphore, #tpu.memory_space<semaphore_mem>> -> memref<!tpu.dma_semaphore, #tpu.memory_space<semaphore_mem>>
    %dma_start3A_67 = arith.constant 0 : i32
    %dma_start3A_68 = tpu.memref_slice %arg7[%dma_start3A_59, %dma_start3A_67] : memref<3x432xf32, #tpu.memory_space<vmem>> -> memref<1x416xf32, #tpu.memory_space<vmem>>
    %dma_start3A_69 = tpu.memref_squeeze %dma_start3A_68 : memref<1x416xf32, #tpu.memory_space<vmem>> -> memref<416xf32, #tpu.memory_space<vmem>>
    %dma_start3A_70 = tpu.memref_slice %arg2[%mul3A_58] : memref<212992xf32, #tpu.memory_space<hbm>> -> memref<416xf32, #tpu.memory_space<hbm>>
    tpu.enqueue_dma source(%dma_start3A_70 : memref<416xf32, #tpu.memory_space<hbm>>) target(%dma_start3A_69 : memref<416xf32, #tpu.memory_space<vmem>>) target_semaphore(%dma_start3A_66 : memref<!tpu.dma_semaphore, #tpu.memory_space<semaphore_mem>>)
    %add3A_71 = arith.constant 32 : i32
    %add3A_72 = arith.addi %mul3A_2, %add3A_71 : i32
    %mul3A_73 = arith.constant 13 : i32
    %mul3A_74 = arith.muli %add3A_72, %mul3A_73 : i32
    %dma_wait3A_75 = arith.constant 1 : i32
    %dma_wait3A_76 = arith.constant 1 : i32
    %dma_wait3A_77 = arith.constant 0 : i32
    %dma_wait3A_78 = tpu.memref_slice %arg7[%dma_wait3A_75, %dma_wait3A_77] : memref<3x432xf32, #tpu.memory_space<vmem>> -> memref<1x416xf32, #tpu.memory_space<vmem>>
    %dma_wait3A_79 = tpu.memref_squeeze %dma_wait3A_78 : memref<1x416xf32, #tpu.memory_space<vmem>> -> memref<416xf32, #tpu.memory_space<vmem>>
    %dma_wait3A_80 = tpu.memref_slice %arg2[%mul3A_74] : memref<212992xf32, #tpu.memory_space<hbm>> -> memref<416xf32, #tpu.memory_space<hbm>>
    %dma_wait3A_81 = tpu.memref_slice %arg11[%dma_wait3A_76] : memref<3x!tpu.dma_semaphore, #tpu.memory_space<semaphore_mem>> -> memref<1x!tpu.dma_semaphore, #tpu.memory_space<semaphore_mem>>
    %dma_wait3A_82 = tpu.memref_squeeze %dma_wait3A_81 : memref<1x!tpu.dma_semaphore, #tpu.memory_space<semaphore_mem>> -> memref<!tpu.dma_semaphore, #tpu.memory_space<semaphore_mem>>
    %dma_wait3A_83 = arith.constant 0 : i32
    %dma_wait3A_84 = tpu.memref_slice %arg7[%dma_wait3A_75, %dma_wait3A_83] : memref<3x432xf32, #tpu.memory_space<vmem>> -> memref<1x416xf32, #tpu.memory_space<vmem>>
    %dma_wait3A_85 = tpu.memref_squeeze %dma_wait3A_84 : memref<1x416xf32, #tpu.memory_space<vmem>> -> memref<416xf32, #tpu.memory_space<vmem>>
    %dma_wait3A_86 = tpu.memref_slice %arg2[%mul3A_74] : memref<212992xf32, #tpu.memory_space<hbm>> -> memref<416xf32, #tpu.memory_space<hbm>>
    tpu.wait_dma2 semaphore(%dma_wait3A_82 : memref<!tpu.dma_semaphore, #tpu.memory_space<semaphore_mem>>) src(%dma_wait3A_86 : memref<416xf32, #tpu.memory_space<hbm>>) dst(%dma_wait3A_85 : memref<416xf32, #tpu.memory_space<vmem>>)
    %scan3A_87 = arith.constant 0 : i32
    %scan3A_88 = arith.constant 0 : i32
    %scan3A_89 = arith.constant 26 : i32
    %scan3A_90 = arith.addi %scan3A_88, %scan3A_89 : i32
    %scan3A_91 = arith.constant 1 : i32
    %scan3A_92 = scf.for %scan3A_1360 = %scan3A_88 to %scan3A_90 step %scan3A_91 iter_args(%scan3A_1361 = %scan3A_87) -> (i32)  : i32 {
      %dma_start3A_1362 = arith.constant 1 : i32
      %dma_start3A_1363 = arith.constant 1 : i32
      %dma_start3A_1364 = arith.constant 0 : i32
      %dma_start3A_1365 = arith.constant 0 : i32
      %dma_start3A_1366 = tpu.memref_slice %arg8[%dma_start3A_1362, %scan3A_1360, %dma_start3A_1364, %dma_start3A_1365] : memref<2x26x32x32xf32, #tpu.memory_space<vmem>> -> memref<1x1x32x32xf32, #tpu.memory_space<vmem>>
      %dma_start3A_1367 = tpu.memref_squeeze %dma_start3A_1366 : memref<1x1x32x32xf32, #tpu.memory_space<vmem>> -> memref<32x32xf32, #tpu.memory_space<vmem>>
      %dma_start3A_1368 = arith.constant 32 : i32
      %dma_start3A_1369 = tpu.memref_slice %arg6[%scan3A_1360, %dma_start3A_1368] : memref<26x512xi32, #tpu.memory_space<vmem>> -> memref<1x32xi32, #tpu.memory_space<vmem>>
      %dma_start3A_1370 = tpu.memref_squeeze %dma_start3A_1369 : memref<1x32xi32, #tpu.memory_space<vmem>> -> memref<32xi32, #tpu.memory_space<vmem>>
      %dma_start3A_1371 = arith.constant 0 : i32
      %dma_start3A_1372 = arith.constant 0 : i32
      %dma_start3A_1373 = tpu.memref_slice %arg4[%scan3A_1360, %dma_start3A_1371, %dma_start3A_1372] : memref<26x100000x32xf32, #tpu.memory_space<hbm>> -> memref<1x100000x32xf32, #tpu.memory_space<hbm>>
      %dma_start3A_1374 = tpu.memref_squeeze %dma_start3A_1373 : memref<1x100000x32xf32, #tpu.memory_space<hbm>> -> memref<100000x32xf32, #tpu.memory_space<hbm>>
      %dma_start3A_1375 = arith.constant 0 : i32
      %dma_start3A_1376 = arith.constant 0 : i32
      %dma_start3A_1377 = tpu.memref_slice %dma_start3A_1374[%dma_start3A_1375, %dma_start3A_1376] : memref<100000x32xf32, #tpu.memory_space<hbm>> -> memref<100000x32xf32, #tpu.memory_space<hbm>>
      %dma_start3A_1378 = tpu.memref_slice %arg12[%dma_start3A_1363] : memref<2x!tpu.dma_semaphore, #tpu.memory_space<semaphore_mem>> -> memref<1x!tpu.dma_semaphore, #tpu.memory_space<semaphore_mem>>
      %dma_start3A_1379 = tpu.memref_squeeze %dma_start3A_1378 : memref<1x!tpu.dma_semaphore, #tpu.memory_space<semaphore_mem>> -> memref<!tpu.dma_semaphore, #tpu.memory_space<semaphore_mem>>
      tpu.enqueue_indirect_dma source(%dma_start3A_1377 : memref<100000x32xf32, #tpu.memory_space<hbm>>) target(%dma_start3A_1367 : memref<32x32xf32, #tpu.memory_space<vmem>>) offsets(%dma_start3A_1370 : memref<32xi32, #tpu.memory_space<vmem>>) semaphore(%dma_start3A_1379 : memref<!tpu.dma_semaphore, #tpu.memory_space<semaphore_mem>>)
      %scan3A_1380 = arith.constant 0 : i32
      scf.yield %scan3A_1380 : i32
    }
    %scan3A_93 = arith.constant 26 : i32
    %scan3A_94 = arith.constant 0 : i32
    %scan3A_95 = arith.constant 0 : i32
    %scan3A_96 = arith.constant 26 : i32
    %scan3A_97 = arith.addi %scan3A_95, %scan3A_96 : i32
    %scan3A_98 = arith.constant 1 : i32
    %scan3A_99 = scf.for %scan3A_1360 = %scan3A_95 to %scan3A_97 step %scan3A_98 iter_args(%scan3A_1361 = %scan3A_94) -> (i32)  : i32 {
      %dma_wait3A_1362 = arith.constant 0 : i32
      %dma_wait3A_1363 = arith.constant 0 : i32
      %dma_wait3A_1364 = arith.constant 0 : i32
      %dma_wait3A_1365 = arith.constant 0 : i32
      %dma_wait3A_1366 = tpu.memref_slice %arg8[%dma_wait3A_1362, %scan3A_1360, %dma_wait3A_1364, %dma_wait3A_1365] : memref<2x26x32x32xf32, #tpu.memory_space<vmem>> -> memref<1x1x32x32xf32, #tpu.memory_space<vmem>>
      %dma_wait3A_1367 = tpu.memref_squeeze %dma_wait3A_1366 : memref<1x1x32x32xf32, #tpu.memory_space<vmem>> -> memref<32x32xf32, #tpu.memory_space<vmem>>
      %dma_wait3A_1368 = arith.constant 0 : i32
      %dma_wait3A_1369 = tpu.memref_slice %arg6[%scan3A_1360, %dma_wait3A_1368] : memref<26x512xi32, #tpu.memory_space<vmem>> -> memref<1x32xi32, #tpu.memory_space<vmem>>
      %dma_wait3A_1370 = tpu.memref_squeeze %dma_wait3A_1369 : memref<1x32xi32, #tpu.memory_space<vmem>> -> memref<32xi32, #tpu.memory_space<vmem>>
      %dma_wait3A_1371 = arith.constant 0 : i32
      %dma_wait3A_1372 = arith.constant 0 : i32
      %dma_wait3A_1373 = tpu.memref_slice %arg4[%scan3A_1360, %dma_wait3A_1371, %dma_wait3A_1372] : memref<26x100000x32xf32, #tpu.memory_space<hbm>> -> memref<1x100000x32xf32, #tpu.memory_space<hbm>>
      %dma_wait3A_1374 = tpu.memref_squeeze %dma_wait3A_1373 : memref<1x100000x32xf32, #tpu.memory_space<hbm>> -> memref<100000x32xf32, #tpu.memory_space<hbm>>
      %dma_wait3A_1375 = arith.constant 0 : i32
      %dma_wait3A_1376 = arith.constant 0 : i32
      %dma_wait3A_1377 = tpu.memref_slice %dma_wait3A_1374[%dma_wait3A_1375, %dma_wait3A_1376] : memref<100000x32xf32, #tpu.memory_space<hbm>> -> memref<100000x32xf32, #tpu.memory_space<hbm>>
      %dma_wait3A_1378 = tpu.memref_slice %arg12[%dma_wait3A_1363] : memref<2x!tpu.dma_semaphore, #tpu.memory_space<semaphore_mem>> -> memref<1x!tpu.dma_semaphore, #tpu.memory_space<semaphore_mem>>
      %dma_wait3A_1379 = tpu.memref_squeeze %dma_wait3A_1378 : memref<1x!tpu.dma_semaphore, #tpu.memory_space<semaphore_mem>> -> memref<!tpu.dma_semaphore, #tpu.memory_space<semaphore_mem>>
      tpu.wait_indirect_dma semaphore(%dma_wait3A_1379 : memref<!tpu.dma_semaphore, #tpu.memory_space<semaphore_mem>>) src(%dma_wait3A_1377 : memref<100000x32xf32, #tpu.memory_space<hbm>>) dst(%dma_wait3A_1367 : memref<32x32xf32, #tpu.memory_space<vmem>>)
      %scan3A_1380 = arith.constant 0 : i32
      scf.yield %scan3A_1380 : i32
    }
    %scan3A_100 = arith.constant 26 : i32
    %scan3A_101 = arith.constant 0 : i32
    %scan3A_102 = arith.constant 0 : i32
    %scan3A_103 = arith.constant 32 : i32
    %scan3A_104 = arith.addi %scan3A_102, %scan3A_103 : i32
    %scan3A_105 = arith.constant 1 : i32
    %scan3A_106 = scf.for %scan3A_1360 = %scan3A_102 to %scan3A_104 step %scan3A_105 iter_args(%scan3A_1361 = %scan3A_101) -> (i32)  : i32 {
      %mul3A_1362 = arith.constant 13 : i32
      %mul3A_1363 = arith.muli %scan3A_1360, %mul3A_1362 : i32
      %get3A = arith.constant 0 : i32
      %get3A_1364 = arith.index_cast %get3A : i32 to index
      %get3A_1365 = arith.index_cast %mul3A_1363 : i32 to index
      %get3A_1366 = tpu.vector_load %arg7[%get3A_1364, %get3A_1365] {strides = array<i32>} : memref<3x432xf32, #tpu.memory_space<vmem>>, vector<1x16xf32>,
      %get3A_1367 = vector.shape_cast %get3A_1366 : vector<1x16xf32> to vector<16xf32>
      %mul3A_1368 = arith.constant 845 : i32
      %mul3A_1369 = arith.muli %scan3A_1360, %mul3A_1368 : i32
      %swap3A = arith.constant 0 : i32
      %swap3A_1370 = arith.index_cast %swap3A : i32 to index
      %swap3A_1371 = arith.index_cast %mul3A_1369 : i32 to index
      %swap3A_1372 = tpu.vector_load %arg9[%swap3A_1370, %swap3A_1371] {strides = array<i32>} : memref<2x27040xf32, #tpu.memory_space<vmem>>, vector<1x16xf32>,
      %swap3A_1373 = vector.shape_cast %swap3A_1372 : vector<1x16xf32> to vector<16xf32>
      %swap3A_1374 = vector.shape_cast %get3A_1367 : vector<16xf32> to vector<1x16xf32>
      tpu.vector_store %arg9[%swap3A_1370, %swap3A_1371], %swap3A_1374 {strides = array<i32>} : memref<2x27040xf32, #tpu.memory_space<vmem>>, vector<1x16xf32>,
      %scan3A_1375 = arith.constant 0 : i32
      %scan3A_1376 = arith.constant 0 : i32
      %scan3A_1377 = arith.constant 26 : i32
      %scan3A_1378 = arith.addi %scan3A_1376, %scan3A_1377 : i32
      %scan3A_1379 = arith.constant 1 : i32
      %scan3A_1380 = scf.for %scan3A_1382 = %scan3A_1376 to %scan3A_1378 step %scan3A_1379 iter_args(%scan3A_1383 = %scan3A_1375) -> (i32)  : i32 {
        %mul3A_1384 = arith.constant 845 : i32
        %mul3A_1385 = arith.muli %scan3A_1360, %mul3A_1384 : i32
        %add3A_1386 = arith.constant 13 : i32
        %add3A_1387 = arith.addi %mul3A_1385, %add3A_1386 : i32
        %mul3A_1388 = arith.constant 32 : i32
        %mul3A_1389 = arith.muli %scan3A_1382, %mul3A_1388 : i32
        %add3A_1390 = arith.addi %add3A_1387, %mul3A_1389 : i32
        %get3A_1391 = arith.constant 0 : i32
        %get3A_1392 = arith.index_cast %get3A_1391 : i32 to index
        %get3A_1393 = arith.index_cast %scan3A_1382 : i32 to index
        %get3A_1394 = arith.index_cast %scan3A_1360 : i32 to index
        %get3A_1395 = arith.constant 0 : index
        %get3A_1396 = tpu.vector_load %arg8[%get3A_1392, %get3A_1393, %get3A_1394, %get3A_1395] {strides = array<i32>} : memref<2x26x32x32xf32, #tpu.memory_space<vmem>>, vector<1x1x1x16xf32>,
        %get3A_1397 = vector.shape_cast %get3A_1396 : vector<1x1x1x16xf32> to vector<16xf32>
        %swap3A_1398 = arith.constant 0 : i32
        %swap3A_1399 = arith.index_cast %swap3A_1398 : i32 to index
        %swap3A_1400 = arith.index_cast %add3A_1390 : i32 to index
        %swap3A_1401 = tpu.vector_load %arg9[%swap3A_1399, %swap3A_1400] {strides = array<i32>} : memref<2x27040xf32, #tpu.memory_space<vmem>>, vector<1x16xf32>,
        %swap3A_1402 = vector.shape_cast %swap3A_1401 : vector<1x16xf32> to vector<16xf32>
        %swap3A_1403 = vector.shape_cast %get3A_1397 : vector<16xf32> to vector<1x16xf32>
        tpu.vector_store %arg9[%swap3A_1399, %swap3A_1400], %swap3A_1403 {strides = array<i32>} : memref<2x27040xf32, #tpu.memory_space<vmem>>, vector<1x16xf32>,
        %get3A_1404 = arith.constant 0 : i32
        %get3A_1405 = arith.index_cast %get3A_1404 : i32 to index
        %get3A_1406 = arith.index_cast %scan3A_1382 : i32 to index
        %get3A_1407 = arith.index_cast %scan3A_1360 : i32 to index
        %get3A_1408 = arith.constant 16 : index
        %get3A_1409 = tpu.vector_load %arg8[%get3A_1405, %get3A_1406, %get3A_1407, %get3A_1408] {strides = array<i32>} : memref<2x26x32x32xf32, #tpu.memory_space<vmem>>, vector<1x1x1x16xf32>,
        %get3A_1410 = vector.shape_cast %get3A_1409 : vector<1x1x1x16xf32> to vector<16xf32>
        %add3A_1411 = arith.constant 16 : i32
        %add3A_1412 = arith.addi %add3A_1390, %add3A_1411 : i32
        %swap3A_1413 = arith.constant 0 : i32
        %swap3A_1414 = arith.index_cast %swap3A_1413 : i32 to index
        %swap3A_1415 = arith.index_cast %add3A_1412 : i32 to index
        %swap3A_1416 = tpu.vector_load %arg9[%swap3A_1414, %swap3A_1415] {strides = array<i32>} : memref<2x27040xf32, #tpu.memory_space<vmem>>, vector<1x16xf32>,
        %swap3A_1417 = vector.shape_cast %swap3A_1416 : vector<1x16xf32> to vector<16xf32>
        %swap3A_1418 = vector.shape_cast %get3A_1410 : vector<16xf32> to vector<1x16xf32>
        tpu.vector_store %arg9[%swap3A_1414, %swap3A_1415], %swap3A_1418 {strides = array<i32>} : memref<2x27040xf32, #tpu.memory_space<vmem>>, vector<1x16xf32>,
        %scan3A_1419 = arith.constant 0 : i32
        scf.yield %scan3A_1419 : i32
      }
      %scan3A_1381 = arith.constant 26 : i32
      scf.yield %scan3A_1380 : i32
    }
    %scan3A_107 = arith.constant 32 : i32
    %add3A_108 = arith.constant 0 : i32
    %add3A_109 = arith.addi %mul3A_2, %add3A_108 : i32
    %mul3A_110 = arith.constant 845 : i32
    %mul3A_111 = arith.muli %add3A_109, %mul3A_110 : i32
    %dma_start3A_112 = arith.constant 0 : i32
    %dma_start3A_113 = arith.constant 0 : i32
    %dma_start3A_114 = arith.constant 0 : i32
    %dma_start3A_115 = tpu.memref_slice %arg9[%dma_start3A_112, %dma_start3A_114] : memref<2x27040xf32, #tpu.memory_space<vmem>> -> memref<1x27040xf32, #tpu.memory_space<vmem>>
    %dma_start3A_116 = tpu.memref_squeeze %dma_start3A_115 : memref<1x27040xf32, #tpu.memory_space<vmem>> -> memref<27040xf32, #tpu.memory_space<vmem>>
    %dma_start3A_117 = tpu.memref_slice %arg5[%mul3A_111] : memref<13844480xf32, #tpu.memory_space<hbm>> -> memref<27040xf32, #tpu.memory_space<hbm>>
    %dma_start3A_118 = tpu.memref_slice %arg13[%dma_start3A_113] : memref<2x!tpu.dma_semaphore, #tpu.memory_space<semaphore_mem>> -> memref<1x!tpu.dma_semaphore, #tpu.memory_space<semaphore_mem>>
    %dma_start3A_119 = tpu.memref_squeeze %dma_start3A_118 : memref<1x!tpu.dma_semaphore, #tpu.memory_space<semaphore_mem>> -> memref<!tpu.dma_semaphore, #tpu.memory_space<semaphore_mem>>
    %dma_start3A_120 = tpu.memref_slice %arg5[%mul3A_111] : memref<13844480xf32, #tpu.memory_space<hbm>> -> memref<27040xf32, #tpu.memory_space<hbm>>
    %dma_start3A_121 = arith.constant 0 : i32
    %dma_start3A_122 = tpu.memref_slice %arg9[%dma_start3A_112, %dma_start3A_121] : memref<2x27040xf32, #tpu.memory_space<vmem>> -> memref<1x27040xf32, #tpu.memory_space<vmem>>
    %dma_start3A_123 = tpu.memref_squeeze %dma_start3A_122 : memref<1x27040xf32, #tpu.memory_space<vmem>> -> memref<27040xf32, #tpu.memory_space<vmem>>
    tpu.enqueue_dma source(%dma_start3A_123 : memref<27040xf32, #tpu.memory_space<vmem>>) target(%dma_start3A_120 : memref<27040xf32, #tpu.memory_space<hbm>>) target_semaphore(%dma_start3A_119 : memref<!tpu.dma_semaphore, #tpu.memory_space<semaphore_mem>>)
    %add3A_124 = arith.constant 96 : i32
    %add3A_125 = arith.addi %mul3A_2, %add3A_124 : i32
    %mul3A_126 = arith.constant 13 : i32
    %mul3A_127 = arith.muli %add3A_125, %mul3A_126 : i32
    %dma_start3A_128 = arith.constant 0 : i32
    %dma_start3A_129 = arith.constant 0 : i32
    %dma_start3A_130 = arith.constant 0 : i32
    %dma_start3A_131 = tpu.memref_slice %arg7[%dma_start3A_128, %dma_start3A_130] : memref<3x432xf32, #tpu.memory_space<vmem>> -> memref<1x416xf32, #tpu.memory_space<vmem>>
    %dma_start3A_132 = tpu.memref_squeeze %dma_start3A_131 : memref<1x416xf32, #tpu.memory_space<vmem>> -> memref<416xf32, #tpu.memory_space<vmem>>
    %dma_start3A_133 = tpu.memref_slice %arg2[%mul3A_127] : memref<212992xf32, #tpu.memory_space<hbm>> -> memref<416xf32, #tpu.memory_space<hbm>>
    %dma_start3A_134 = tpu.memref_slice %arg11[%dma_start3A_129] : memref<3x!tpu.dma_semaphore, #tpu.memory_space<semaphore_mem>> -> memref<1x!tpu.dma_semaphore, #tpu.memory_space<semaphore_mem>>
    %dma_start3A_135 = tpu.memref_squeeze %dma_start3A_134 : memref<1x!tpu.dma_semaphore, #tpu.memory_space<semaphore_mem>> -> memref<!tpu.dma_semaphore, #tpu.memory_space<semaphore_mem>>
    %dma_start3A_136 = arith.constant 0 : i32
    %dma_start3A_137 = tpu.memref_slice %arg7[%dma_start3A_128, %dma_start3A_136] : memref<3x432xf32, #tpu.memory_space<vmem>> -> memref<1x416xf32, #tpu.memory_space<vmem>>
    %dma_start3A_138 = tpu.memref_squeeze %dma_start3A_137 : memref<1x416xf32, #tpu.memory_space<vmem>> -> memref<416xf32, #tpu.memory_space<vmem>>
    %dma_start3A_139 = tpu.memref_slice %arg2[%mul3A_127] : memref<212992xf32, #tpu.memory_space<hbm>> -> memref<416xf32, #tpu.memory_space<hbm>>
    tpu.enqueue_dma source(%dma_start3A_139 : memref<416xf32, #tpu.memory_space<hbm>>) target(%dma_start3A_138 : memref<416xf32, #tpu.memory_space<vmem>>) target_semaphore(%dma_start3A_135 : memref<!tpu.dma_semaphore, #tpu.memory_space<semaphore_mem>>)
    %add3A_140 = arith.constant 64 : i32
    %add3A_141 = arith.addi %mul3A_2, %add3A_140 : i32
    %mul3A_142 = arith.constant 13 : i32
    %mul3A_143 = arith.muli %add3A_141, %mul3A_142 : i32
    %dma_wait3A_144 = arith.constant 2 : i32
    %dma_wait3A_145 = arith.constant 2 : i32
    %dma_wait3A_146 = arith.constant 0 : i32
    %dma_wait3A_147 = tpu.memref_slice %arg7[%dma_wait3A_144, %dma_wait3A_146] : memref<3x432xf32, #tpu.memory_space<vmem>> -> memref<1x416xf32, #tpu.memory_space<vmem>>
    %dma_wait3A_148 = tpu.memref_squeeze %dma_wait3A_147 : memref<1x416xf32, #tpu.memory_space<vmem>> -> memref<416xf32, #tpu.memory_space<vmem>>
    %dma_wait3A_149 = tpu.memref_slice %arg2[%mul3A_143] : memref<212992xf32, #tpu.memory_space<hbm>> -> memref<416xf32, #tpu.memory_space<hbm>>
    %dma_wait3A_150 = tpu.memref_slice %arg11[%dma_wait3A_145] : memref<3x!tpu.dma_semaphore, #tpu.memory_space<semaphore_mem>> -> memref<1x!tpu.dma_semaphore, #tpu.memory_space<semaphore_mem>>
    %dma_wait3A_151 = tpu.memref_squeeze %dma_wait3A_150 : memref<1x!tpu.dma_semaphore, #tpu.memory_space<semaphore_mem>> -> memref<!tpu.dma_semaphore, #tpu.memory_space<semaphore_mem>>
    %dma_wait3A_152 = arith.constant 0 : i32
    %dma_wait3A_153 = tpu.memref_slice %arg7[%dma_wait3A_144, %dma_wait3A_152] : memref<3x432xf32, #tpu.memory_space<vmem>> -> memref<1x416xf32, #tpu.memory_space<vmem>>
    %dma_wait3A_154 = tpu.memref_squeeze %dma_wait3A_153 : memref<1x416xf32, #tpu.memory_space<vmem>> -> memref<416xf32, #tpu.memory_space<vmem>>
    %dma_wait3A_155 = tpu.memref_slice %arg2[%mul3A_143] : memref<212992xf32, #tpu.memory_space<hbm>> -> memref<416xf32, #tpu.memory_space<hbm>>
    tpu.wait_dma2 semaphore(%dma_wait3A_151 : memref<!tpu.dma_semaphore, #tpu.memory_space<semaphore_mem>>) src(%dma_wait3A_155 : memref<416xf32, #tpu.memory_space<hbm>>) dst(%dma_wait3A_154 : memref<416xf32, #tpu.memory_space<vmem>>)
    %scan3A_156 = arith.constant 0 : i32
    %scan3A_157 = arith.constant 0 : i32
    %scan3A_158 = arith.constant 26 : i32
    %scan3A_159 = arith.addi %scan3A_157, %scan3A_158 : i32
    %scan3A_160 = arith.constant 1 : i32
    %scan3A_161 = scf.for %scan3A_1360 = %scan3A_157 to %scan3A_159 step %scan3A_160 iter_args(%scan3A_1361 = %scan3A_156) -> (i32)  : i32 {
      %dma_start3A_1362 = arith.constant 0 : i32
      %dma_start3A_1363 = arith.constant 0 : i32
      %dma_start3A_1364 = arith.constant 0 : i32
      %dma_start3A_1365 = arith.constant 0 : i32
      %dma_start3A_1366 = tpu.memref_slice %arg8[%dma_start3A_1362, %scan3A_1360, %dma_start3A_1364, %dma_start3A_1365] : memref<2x26x32x32xf32, #tpu.memory_space<vmem>> -> memref<1x1x32x32xf32, #tpu.memory_space<vmem>>
      %dma_start3A_1367 = tpu.memref_squeeze %dma_start3A_1366 : memref<1x1x32x32xf32, #tpu.memory_space<vmem>> -> memref<32x32xf32, #tpu.memory_space<vmem>>
      %dma_start3A_1368 = arith.constant 64 : i32
      %dma_start3A_1369 = tpu.memref_slice %arg6[%scan3A_1360, %dma_start3A_1368] : memref<26x512xi32, #tpu.memory_space<vmem>> -> memref<1x32xi32, #tpu.memory_space<vmem>>
      %dma_start3A_1370 = tpu.memref_squeeze %dma_start3A_1369 : memref<1x32xi32, #tpu.memory_space<vmem>> -> memref<32xi32, #tpu.memory_space<vmem>>
      %dma_start3A_1371 = arith.constant 0 : i32
      %dma_start3A_1372 = arith.constant 0 : i32
      %dma_start3A_1373 = tpu.memref_slice %arg4[%scan3A_1360, %dma_start3A_1371, %dma_start3A_1372] : memref<26x100000x32xf32, #tpu.memory_space<hbm>> -> memref<1x100000x32xf32, #tpu.memory_space<hbm>>
      %dma_start3A_1374 = tpu.memref_squeeze %dma_start3A_1373 : memref<1x100000x32xf32, #tpu.memory_space<hbm>> -> memref<100000x32xf32, #tpu.memory_space<hbm>>
      %dma_start3A_1375 = arith.constant 0 : i32
      %dma_start3A_1376 = arith.constant 0 : i32
      %dma_start3A_1377 = tpu.memref_slice %dma_start3A_1374[%dma_start3A_1375, %dma_start3A_1376] : memref<100000x32xf32, #tpu.memory_space<hbm>> -> memref<100000x32xf32, #tpu.memory_space<hbm>>
      %dma_start3A_1378 = tpu.memref_slice %arg12[%dma_start3A_1363] : memref<2x!tpu.dma_semaphore, #tpu.memory_space<semaphore_mem>> -> memref<1x!tpu.dma_semaphore, #tpu.memory_space<semaphore_mem>>
      %dma_start3A_1379 = tpu.memref_squeeze %dma_start3A_1378 : memref<1x!tpu.dma_semaphore, #tpu.memory_space<semaphore_mem>> -> memref<!tpu.dma_semaphore, #tpu.memory_space<semaphore_mem>>
      tpu.enqueue_indirect_dma source(%dma_start3A_1377 : memref<100000x32xf32, #tpu.memory_space<hbm>>) target(%dma_start3A_1367 : memref<32x32xf32, #tpu.memory_space<vmem>>) offsets(%dma_start3A_1370 : memref<32xi32, #tpu.memory_space<vmem>>) semaphore(%dma_start3A_1379 : memref<!tpu.dma_semaphore, #tpu.memory_space<semaphore_mem>>)
      %scan3A_1380 = arith.constant 0 : i32
      scf.yield %scan3A_1380 : i32
    }
    %scan3A_162 = arith.constant 26 : i32
    %scan3A_163 = arith.constant 0 : i32
    %scan3A_164 = arith.constant 0 : i32
    %scan3A_165 = arith.constant 26 : i32
    %scan3A_166 = arith.addi %scan3A_164, %scan3A_165 : i32
    %scan3A_167 = arith.constant 1 : i32
    %scan3A_168 = scf.for %scan3A_1360 = %scan3A_164 to %scan3A_166 step %scan3A_167 iter_args(%scan3A_1361 = %scan3A_163) -> (i32)  : i32 {
      %dma_wait3A_1362 = arith.constant 1 : i32
      %dma_wait3A_1363 = arith.constant 1 : i32
      %dma_wait3A_1364 = arith.constant 0 : i32
      %dma_wait3A_1365 = arith.constant 0 : i32
      %dma_wait3A_1366 = tpu.memref_slice %arg8[%dma_wait3A_1362, %scan3A_1360, %dma_wait3A_1364, %dma_wait3A_1365] : memref<2x26x32x32xf32, #tpu.memory_space<vmem>> -> memref<1x1x32x32xf32, #tpu.memory_space<vmem>>
      %dma_wait3A_1367 = tpu.memref_squeeze %dma_wait3A_1366 : memref<1x1x32x32xf32, #tpu.memory_space<vmem>> -> memref<32x32xf32, #tpu.memory_space<vmem>>
      %dma_wait3A_1368 = arith.constant 32 : i32
      %dma_wait3A_1369 = tpu.memref_slice %arg6[%scan3A_1360, %dma_wait3A_1368] : memref<26x512xi32, #tpu.memory_space<vmem>> -> memref<1x32xi32, #tpu.memory_space<vmem>>
      %dma_wait3A_1370 = tpu.memref_squeeze %dma_wait3A_1369 : memref<1x32xi32, #tpu.memory_space<vmem>> -> memref<32xi32, #tpu.memory_space<vmem>>
      %dma_wait3A_1371 = arith.constant 0 : i32
      %dma_wait3A_1372 = arith.constant 0 : i32
      %dma_wait3A_1373 = tpu.memref_slice %arg4[%scan3A_1360, %dma_wait3A_1371, %dma_wait3A_1372] : memref<26x100000x32xf32, #tpu.memory_space<hbm>> -> memref<1x100000x32xf32, #tpu.memory_space<hbm>>
      %dma_wait3A_1374 = tpu.memref_squeeze %dma_wait3A_1373 : memref<1x100000x32xf32, #tpu.memory_space<hbm>> -> memref<100000x32xf32, #tpu.memory_space<hbm>>
      %dma_wait3A_1375 = arith.constant 0 : i32
      %dma_wait3A_1376 = arith.constant 0 : i32
      %dma_wait3A_1377 = tpu.memref_slice %dma_wait3A_1374[%dma_wait3A_1375, %dma_wait3A_1376] : memref<100000x32xf32, #tpu.memory_space<hbm>> -> memref<100000x32xf32, #tpu.memory_space<hbm>>
      %dma_wait3A_1378 = tpu.memref_slice %arg12[%dma_wait3A_1363] : memref<2x!tpu.dma_semaphore, #tpu.memory_space<semaphore_mem>> -> memref<1x!tpu.dma_semaphore, #tpu.memory_space<semaphore_mem>>
      %dma_wait3A_1379 = tpu.memref_squeeze %dma_wait3A_1378 : memref<1x!tpu.dma_semaphore, #tpu.memory_space<semaphore_mem>> -> memref<!tpu.dma_semaphore, #tpu.memory_space<semaphore_mem>>
      tpu.wait_indirect_dma semaphore(%dma_wait3A_1379 : memref<!tpu.dma_semaphore, #tpu.memory_space<semaphore_mem>>) src(%dma_wait3A_1377 : memref<100000x32xf32, #tpu.memory_space<hbm>>) dst(%dma_wait3A_1367 : memref<32x32xf32, #tpu.memory_space<vmem>>)
      %scan3A_1380 = arith.constant 0 : i32
      scf.yield %scan3A_1380 : i32
    }
    %scan3A_169 = arith.constant 26 : i32
    %scan3A_170 = arith.constant 0 : i32
    %scan3A_171 = arith.constant 0 : i32
    %scan3A_172 = arith.constant 32 : i32
    %scan3A_173 = arith.addi %scan3A_171, %scan3A_172 : i32
    %scan3A_174 = arith.constant 1 : i32
    %scan3A_175 = scf.for %scan3A_1360 = %scan3A_171 to %scan3A_173 step %scan3A_174 iter_args(%scan3A_1361 = %scan3A_170) -> (i32)  : i32 {
      %mul3A_1362 = arith.constant 13 : i32
      %mul3A_1363 = arith.muli %scan3A_1360, %mul3A_1362 : i32
      %get3A = arith.constant 1 : i32
      %get3A_1364 = arith.index_cast %get3A : i32 to index
      %get3A_1365 = arith.index_cast %mul3A_1363 : i32 to index
      %get3A_1366 = tpu.vector_load %arg7[%get3A_1364, %get3A_1365] {strides = array<i32>} : memref<3x432xf32, #tpu.memory_space<vmem>>, vector<1x16xf32>,
      %get3A_1367 = vector.shape_cast %get3A_1366 : vector<1x16xf32> to vector<16xf32>
      %mul3A_1368 = arith.constant 845 : i32
      %mul3A_1369 = arith.muli %scan3A_1360, %mul3A_1368 : i32
      %swap3A = arith.constant 1 : i32
      %swap3A_1370 = arith.index_cast %swap3A : i32 to index
      %swap3A_1371 = arith.index_cast %mul3A_1369 : i32 to index
      %swap3A_1372 = tpu.vector_load %arg9[%swap3A_1370, %swap3A_1371] {strides = array<i32>} : memref<2x27040xf32, #tpu.memory_space<vmem>>, vector<1x16xf32>,
      %swap3A_1373 = vector.shape_cast %swap3A_1372 : vector<1x16xf32> to vector<16xf32>
      %swap3A_1374 = vector.shape_cast %get3A_1367 : vector<16xf32> to vector<1x16xf32>
      tpu.vector_store %arg9[%swap3A_1370, %swap3A_1371], %swap3A_1374 {strides = array<i32>} : memref<2x27040xf32, #tpu.memory_space<vmem>>, vector<1x16xf32>,
      %scan3A_1375 = arith.constant 0 : i32
      %scan3A_1376 = arith.constant 0 : i32
      %scan3A_1377 = arith.constant 26 : i32
      %scan3A_1378 = arith.addi %scan3A_1376, %scan3A_1377 : i32
      %scan3A_1379 = arith.constant 1 : i32
      %scan3A_1380 = scf.for %scan3A_1382 = %scan3A_1376 to %scan3A_1378 step %scan3A_1379 iter_args(%scan3A_1383 = %scan3A_1375) -> (i32)  : i32 {
        %mul3A_1384 = arith.constant 845 : i32
        %mul3A_1385 = arith.muli %scan3A_1360, %mul3A_1384 : i32
        %add3A_1386 = arith.constant 13 : i32
        %add3A_1387 = arith.addi %mul3A_1385, %add3A_1386 : i32
        %mul3A_1388 = arith.constant 32 : i32
        %mul3A_1389 = arith.muli %scan3A_1382, %mul3A_1388 : i32
        %add3A_1390 = arith.addi %add3A_1387, %mul3A_1389 : i32
        %get3A_1391 = arith.constant 1 : i32
        %get3A_1392 = arith.index_cast %get3A_1391 : i32 to index
        %get3A_1393 = arith.index_cast %scan3A_1382 : i32 to index
        %get3A_1394 = arith.index_cast %scan3A_1360 : i32 to index
        %get3A_1395 = arith.constant 0 : index
        %get3A_1396 = tpu.vector_load %arg8[%get3A_1392, %get3A_1393, %get3A_1394, %get3A_1395] {strides = array<i32>} : memref<2x26x32x32xf32, #tpu.memory_space<vmem>>, vector<1x1x1x16xf32>,
        %get3A_1397 = vector.shape_cast %get3A_1396 : vector<1x1x1x16xf32> to vector<16xf32>
        %swap3A_1398 = arith.constant 1 : i32
        %swap3A_1399 = arith.index_cast %swap3A_1398 : i32 to index
        %swap3A_1400 = arith.index_cast %add3A_1390 : i32 to index
        %swap3A_1401 = tpu.vector_load %arg9[%swap3A_1399, %swap3A_1400] {strides = array<i32>} : memref<2x27040xf32, #tpu.memory_space<vmem>>, vector<1x16xf32>,
        %swap3A_1402 = vector.shape_cast %swap3A_1401 : vector<1x16xf32> to vector<16xf32>
        %swap3A_1403 = vector.shape_cast %get3A_1397 : vector<16xf32> to vector<1x16xf32>
        tpu.vector_store %arg9[%swap3A_1399, %swap3A_1400], %swap3A_1403 {strides = array<i32>} : memref<2x27040xf32, #tpu.memory_space<vmem>>, vector<1x16xf32>,
        %get3A_1404 = arith.constant 1 : i32
        %get3A_1405 = arith.index_cast %get3A_1404 : i32 to index
        %get3A_1406 = arith.index_cast %scan3A_1382 : i32 to index
        %get3A_1407 = arith.index_cast %scan3A_1360 : i32 to index
        %get3A_1408 = arith.constant 16 : index
        %get3A_1409 = tpu.vector_load %arg8[%get3A_1405, %get3A_1406, %get3A_1407, %get3A_1408] {strides = array<i32>} : memref<2x26x32x32xf32, #tpu.memory_space<vmem>>, vector<1x1x1x16xf32>,
        %get3A_1410 = vector.shape_cast %get3A_1409 : vector<1x1x1x16xf32> to vector<16xf32>
        %add3A_1411 = arith.constant 16 : i32
        %add3A_1412 = arith.addi %add3A_1390, %add3A_1411 : i32
        %swap3A_1413 = arith.constant 1 : i32
        %swap3A_1414 = arith.index_cast %swap3A_1413 : i32 to index
        %swap3A_1415 = arith.index_cast %add3A_1412 : i32 to index
        %swap3A_1416 = tpu.vector_load %arg9[%swap3A_1414, %swap3A_1415] {strides = array<i32>} : memref<2x27040xf32, #tpu.memory_space<vmem>>, vector<1x16xf32>,
        %swap3A_1417 = vector.shape_cast %swap3A_1416 : vector<1x16xf32> to vector<16xf32>
        %swap3A_1418 = vector.shape_cast %get3A_1410 : vector<16xf32> to vector<1x16xf32>
        tpu.vector_store %arg9[%swap3A_1414, %swap3A_1415], %swap3A_1418 {strides = array<i32>} : memref<2x27040xf32, #tpu.memory_space<vmem>>, vector<1x16xf32>,
        %scan3A_1419 = arith.constant 0 : i32
        scf.yield %scan3A_1419 : i32
      }
      %scan3A_1381 = arith.constant 26 : i32
      scf.yield %scan3A_1380 : i32
    }
    %scan3A_176 = arith.constant 32 : i32
    %add3A_177 = arith.constant 32 : i32
    %add3A_178 = arith.addi %mul3A_2, %add3A_177 : i32
    %mul3A_179 = arith.constant 845 : i32
    %mul3A_180 = arith.muli %add3A_178, %mul3A_179 : i32
    %dma_start3A_181 = arith.constant 1 : i32
    %dma_start3A_182 = arith.constant 1 : i32
    %dma_start3A_183 = arith.constant 0 : i32
    %dma_start3A_184 = tpu.memref_slice %arg9[%dma_start3A_181, %dma_start3A_183] : memref<2x27040xf32, #tpu.memory_space<vmem>> -> memref<1x27040xf32, #tpu.memory_space<vmem>>
    %dma_start3A_185 = tpu.memref_squeeze %dma_start3A_184 : memref<1x27040xf32, #tpu.memory_space<vmem>> -> memref<27040xf32, #tpu.memory_space<vmem>>
    %dma_start3A_186 = tpu.memref_slice %arg5[%mul3A_180] : memref<13844480xf32, #tpu.memory_space<hbm>> -> memref<27040xf32, #tpu.memory_space<hbm>>
    %dma_start3A_187 = tpu.memref_slice %arg13[%dma_start3A_182] : memref<2x!tpu.dma_semaphore, #tpu.memory_space<semaphore_mem>> -> memref<1x!tpu.dma_semaphore, #tpu.memory_space<semaphore_mem>>
    %dma_start3A_188 = tpu.memref_squeeze %dma_start3A_187 : memref<1x!tpu.dma_semaphore, #tpu.memory_space<semaphore_mem>> -> memref<!tpu.dma_semaphore, #tpu.memory_space<semaphore_mem>>
    %dma_start3A_189 = tpu.memref_slice %arg5[%mul3A_180] : memref<13844480xf32, #tpu.memory_space<hbm>> -> memref<27040xf32, #tpu.memory_space<hbm>>
    %dma_start3A_190 = arith.constant 0 : i32
    %dma_start3A_191 = tpu.memref_slice %arg9[%dma_start3A_181, %dma_start3A_190] : memref<2x27040xf32, #tpu.memory_space<vmem>> -> memref<1x27040xf32, #tpu.memory_space<vmem>>
    %dma_start3A_192 = tpu.memref_squeeze %dma_start3A_191 : memref<1x27040xf32, #tpu.memory_space<vmem>> -> memref<27040xf32, #tpu.memory_space<vmem>>
    tpu.enqueue_dma source(%dma_start3A_192 : memref<27040xf32, #tpu.memory_space<vmem>>) target(%dma_start3A_189 : memref<27040xf32, #tpu.memory_space<hbm>>) target_semaphore(%dma_start3A_188 : memref<!tpu.dma_semaphore, #tpu.memory_space<semaphore_mem>>)
    %add3A_193 = arith.constant 128 : i32
    %add3A_194 = arith.addi %mul3A_2, %add3A_193 : i32
    %mul3A_195 = arith.constant 13 : i32
    %mul3A_196 = arith.muli %add3A_194, %mul3A_195 : i32
    %dma_start3A_197 = arith.constant 1 : i32
    %dma_start3A_198 = arith.constant 1 : i32
    %dma_start3A_199 = arith.constant 0 : i32
    %dma_start3A_200 = tpu.memref_slice %arg7[%dma_start3A_197, %dma_start3A_199] : memref<3x432xf32, #tpu.memory_space<vmem>> -> memref<1x416xf32, #tpu.memory_space<vmem>>
    %dma_start3A_201 = tpu.memref_squeeze %dma_start3A_200 : memref<1x416xf32, #tpu.memory_space<vmem>> -> memref<416xf32, #tpu.memory_space<vmem>>
    %dma_start3A_202 = tpu.memref_slice %arg2[%mul3A_196] : memref<212992xf32, #tpu.memory_space<hbm>> -> memref<416xf32, #tpu.memory_space<hbm>>
    %dma_start3A_203 = tpu.memref_slice %arg11[%dma_start3A_198] : memref<3x!tpu.dma_semaphore, #tpu.memory_space<semaphore_mem>> -> memref<1x!tpu.dma_semaphore, #tpu.memory_space<semaphore_mem>>
    %dma_start3A_204 = tpu.memref_squeeze %dma_start3A_203 : memref<1x!tpu.dma_semaphore, #tpu.memory_space<semaphore_mem>> -> memref<!tpu.dma_semaphore, #tpu.memory_space<semaphore_mem>>
    %dma_start3A_205 = arith.constant 0 : i32
    %dma_start3A_206 = tpu.memref_slice %arg7[%dma_start3A_197, %dma_start3A_205] : memref<3x432xf32, #tpu.memory_space<vmem>> -> memref<1x416xf32, #tpu.memory_space<vmem>>
    %dma_start3A_207 = tpu.memref_squeeze %dma_start3A_206 : memref<1x416xf32, #tpu.memory_space<vmem>> -> memref<416xf32, #tpu.memory_space<vmem>>
    %dma_start3A_208 = tpu.memref_slice %arg2[%mul3A_196] : memref<212992xf32, #tpu.memory_space<hbm>> -> memref<416xf32, #tpu.memory_space<hbm>>
    tpu.enqueue_dma source(%dma_start3A_208 : memref<416xf32, #tpu.memory_space<hbm>>) target(%dma_start3A_207 : memref<416xf32, #tpu.memory_space<vmem>>) target_semaphore(%dma_start3A_204 : memref<!tpu.dma_semaphore, #tpu.memory_space<semaphore_mem>>)
    %add3A_209 = arith.constant 96 : i32
    %add3A_210 = arith.addi %mul3A_2, %add3A_209 : i32
    %mul3A_211 = arith.constant 13 : i32
    %mul3A_212 = arith.muli %add3A_210, %mul3A_211 : i32
    %dma_wait3A_213 = arith.constant 0 : i32
    %dma_wait3A_214 = arith.constant 0 : i32
    %dma_wait3A_215 = arith.constant 0 : i32
    %dma_wait3A_216 = tpu.memref_slice %arg7[%dma_wait3A_213, %dma_wait3A_215] : memref<3x432xf32, #tpu.memory_space<vmem>> -> memref<1x416xf32, #tpu.memory_space<vmem>>
    %dma_wait3A_217 = tpu.memref_squeeze %dma_wait3A_216 : memref<1x416xf32, #tpu.memory_space<vmem>> -> memref<416xf32, #tpu.memory_space<vmem>>
    %dma_wait3A_218 = tpu.memref_slice %arg2[%mul3A_212] : memref<212992xf32, #tpu.memory_space<hbm>> -> memref<416xf32, #tpu.memory_space<hbm>>
    %dma_wait3A_219 = tpu.memref_slice %arg11[%dma_wait3A_214] : memref<3x!tpu.dma_semaphore, #tpu.memory_space<semaphore_mem>> -> memref<1x!tpu.dma_semaphore, #tpu.memory_space<semaphore_mem>>
    %dma_wait3A_220 = tpu.memref_squeeze %dma_wait3A_219 : memref<1x!tpu.dma_semaphore, #tpu.memory_space<semaphore_mem>> -> memref<!tpu.dma_semaphore, #tpu.memory_space<semaphore_mem>>
    %dma_wait3A_221 = arith.constant 0 : i32
    %dma_wait3A_222 = tpu.memref_slice %arg7[%dma_wait3A_213, %dma_wait3A_221] : memref<3x432xf32, #tpu.memory_space<vmem>> -> memref<1x416xf32, #tpu.memory_space<vmem>>
    %dma_wait3A_223 = tpu.memref_squeeze %dma_wait3A_222 : memref<1x416xf32, #tpu.memory_space<vmem>> -> memref<416xf32, #tpu.memory_space<vmem>>
    %dma_wait3A_224 = tpu.memref_slice %arg2[%mul3A_212] : memref<212992xf32, #tpu.memory_space<hbm>> -> memref<416xf32, #tpu.memory_space<hbm>>
    tpu.wait_dma2 semaphore(%dma_wait3A_220 : memref<!tpu.dma_semaphore, #tpu.memory_space<semaphore_mem>>) src(%dma_wait3A_224 : memref<416xf32, #tpu.memory_space<hbm>>) dst(%dma_wait3A_223 : memref<416xf32, #tpu.memory_space<vmem>>)
    %scan3A_225 = arith.constant 0 : i32
    %scan3A_226 = arith.constant 0 : i32
    %scan3A_227 = arith.constant 26 : i32
    %scan3A_228 = arith.addi %scan3A_226, %scan3A_227 : i32
    %scan3A_229 = arith.constant 1 : i32
    %scan3A_230 = scf.for %scan3A_1360 = %scan3A_226 to %scan3A_228 step %scan3A_229 iter_args(%scan3A_1361 = %scan3A_225) -> (i32)  : i32 {
      %dma_start3A_1362 = arith.constant 1 : i32
      %dma_start3A_1363 = arith.constant 1 : i32
      %dma_start3A_1364 = arith.constant 0 : i32
      %dma_start3A_1365 = arith.constant 0 : i32
      %dma_start3A_1366 = tpu.memref_slice %arg8[%dma_start3A_1362, %scan3A_1360, %dma_start3A_1364, %dma_start3A_1365] : memref<2x26x32x32xf32, #tpu.memory_space<vmem>> -> memref<1x1x32x32xf32, #tpu.memory_space<vmem>>
      %dma_start3A_1367 = tpu.memref_squeeze %dma_start3A_1366 : memref<1x1x32x32xf32, #tpu.memory_space<vmem>> -> memref<32x32xf32, #tpu.memory_space<vmem>>
      %dma_start3A_1368 = arith.constant 96 : i32
      %dma_start3A_1369 = tpu.memref_slice %arg6[%scan3A_1360, %dma_start3A_1368] : memref<26x512xi32, #tpu.memory_space<vmem>> -> memref<1x32xi32, #tpu.memory_space<vmem>>
      %dma_start3A_1370 = tpu.memref_squeeze %dma_start3A_1369 : memref<1x32xi32, #tpu.memory_space<vmem>> -> memref<32xi32, #tpu.memory_space<vmem>>
      %dma_start3A_1371 = arith.constant 0 : i32
      %dma_start3A_1372 = arith.constant 0 : i32
      %dma_start3A_1373 = tpu.memref_slice %arg4[%scan3A_1360, %dma_start3A_1371, %dma_start3A_1372] : memref<26x100000x32xf32, #tpu.memory_space<hbm>> -> memref<1x100000x32xf32, #tpu.memory_space<hbm>>
      %dma_start3A_1374 = tpu.memref_squeeze %dma_start3A_1373 : memref<1x100000x32xf32, #tpu.memory_space<hbm>> -> memref<100000x32xf32, #tpu.memory_space<hbm>>
      %dma_start3A_1375 = arith.constant 0 : i32
      %dma_start3A_1376 = arith.constant 0 : i32
      %dma_start3A_1377 = tpu.memref_slice %dma_start3A_1374[%dma_start3A_1375, %dma_start3A_1376] : memref<100000x32xf32, #tpu.memory_space<hbm>> -> memref<100000x32xf32, #tpu.memory_space<hbm>>
      %dma_start3A_1378 = tpu.memref_slice %arg12[%dma_start3A_1363] : memref<2x!tpu.dma_semaphore, #tpu.memory_space<semaphore_mem>> -> memref<1x!tpu.dma_semaphore, #tpu.memory_space<semaphore_mem>>
      %dma_start3A_1379 = tpu.memref_squeeze %dma_start3A_1378 : memref<1x!tpu.dma_semaphore, #tpu.memory_space<semaphore_mem>> -> memref<!tpu.dma_semaphore, #tpu.memory_space<semaphore_mem>>
      tpu.enqueue_indirect_dma source(%dma_start3A_1377 : memref<100000x32xf32, #tpu.memory_space<hbm>>) target(%dma_start3A_1367 : memref<32x32xf32, #tpu.memory_space<vmem>>) offsets(%dma_start3A_1370 : memref<32xi32, #tpu.memory_space<vmem>>) semaphore(%dma_start3A_1379 : memref<!tpu.dma_semaphore, #tpu.memory_space<semaphore_mem>>)
      %scan3A_1380 = arith.constant 0 : i32
      scf.yield %scan3A_1380 : i32
    }
    %scan3A_231 = arith.constant 26 : i32
    %scan3A_232 = arith.constant 0 : i32
    %scan3A_233 = arith.constant 0 : i32
    %scan3A_234 = arith.constant 26 : i32
    %scan3A_235 = arith.addi %scan3A_233, %scan3A_234 : i32
    %scan3A_236 = arith.constant 1 : i32
    %scan3A_237 = scf.for %scan3A_1360 = %scan3A_233 to %scan3A_235 step %scan3A_236 iter_args(%scan3A_1361 = %scan3A_232) -> (i32)  : i32 {
      %dma_wait3A_1362 = arith.constant 0 : i32
      %dma_wait3A_1363 = arith.constant 0 : i32
      %dma_wait3A_1364 = arith.constant 0 : i32
      %dma_wait3A_1365 = arith.constant 0 : i32
      %dma_wait3A_1366 = tpu.memref_slice %arg8[%dma_wait3A_1362, %scan3A_1360, %dma_wait3A_1364, %dma_wait3A_1365] : memref<2x26x32x32xf32, #tpu.memory_space<vmem>> -> memref<1x1x32x32xf32, #tpu.memory_space<vmem>>
      %dma_wait3A_1367 = tpu.memref_squeeze %dma_wait3A_1366 : memref<1x1x32x32xf32, #tpu.memory_space<vmem>> -> memref<32x32xf32, #tpu.memory_space<vmem>>
      %dma_wait3A_1368 = arith.constant 64 : i32
      %dma_wait3A_1369 = tpu.memref_slice %arg6[%scan3A_1360, %dma_wait3A_1368] : memref<26x512xi32, #tpu.memory_space<vmem>> -> memref<1x32xi32, #tpu.memory_space<vmem>>
      %dma_wait3A_1370 = tpu.memref_squeeze %dma_wait3A_1369 : memref<1x32xi32, #tpu.memory_space<vmem>> -> memref<32xi32, #tpu.memory_space<vmem>>
      %dma_wait3A_1371 = arith.constant 0 : i32
      %dma_wait3A_1372 = arith.constant 0 : i32
      %dma_wait3A_1373 = tpu.memref_slice %arg4[%scan3A_1360, %dma_wait3A_1371, %dma_wait3A_1372] : memref<26x100000x32xf32, #tpu.memory_space<hbm>> -> memref<1x100000x32xf32, #tpu.memory_space<hbm>>
      %dma_wait3A_1374 = tpu.memref_squeeze %dma_wait3A_1373 : memref<1x100000x32xf32, #tpu.memory_space<hbm>> -> memref<100000x32xf32, #tpu.memory_space<hbm>>
      %dma_wait3A_1375 = arith.constant 0 : i32
      %dma_wait3A_1376 = arith.constant 0 : i32
      %dma_wait3A_1377 = tpu.memref_slice %dma_wait3A_1374[%dma_wait3A_1375, %dma_wait3A_1376] : memref<100000x32xf32, #tpu.memory_space<hbm>> -> memref<100000x32xf32, #tpu.memory_space<hbm>>
      %dma_wait3A_1378 = tpu.memref_slice %arg12[%dma_wait3A_1363] : memref<2x!tpu.dma_semaphore, #tpu.memory_space<semaphore_mem>> -> memref<1x!tpu.dma_semaphore, #tpu.memory_space<semaphore_mem>>
      %dma_wait3A_1379 = tpu.memref_squeeze %dma_wait3A_1378 : memref<1x!tpu.dma_semaphore, #tpu.memory_space<semaphore_mem>> -> memref<!tpu.dma_semaphore, #tpu.memory_space<semaphore_mem>>
      tpu.wait_indirect_dma semaphore(%dma_wait3A_1379 : memref<!tpu.dma_semaphore, #tpu.memory_space<semaphore_mem>>) src(%dma_wait3A_1377 : memref<100000x32xf32, #tpu.memory_space<hbm>>) dst(%dma_wait3A_1367 : memref<32x32xf32, #tpu.memory_space<vmem>>)
      %scan3A_1380 = arith.constant 0 : i32
      scf.yield %scan3A_1380 : i32
    }
    %scan3A_238 = arith.constant 26 : i32
    %add3A_239 = arith.constant 0 : i32
    %add3A_240 = arith.addi %mul3A_2, %add3A_239 : i32
    %mul3A_241 = arith.constant 845 : i32
    %mul3A_242 = arith.muli %add3A_240, %mul3A_241 : i32
    %dma_wait3A_243 = arith.constant 0 : i32
    %dma_wait3A_244 = arith.constant 0 : i32
    %dma_wait3A_245 = arith.constant 0 : i32
    %dma_wait3A_246 = tpu.memref_slice %arg9[%dma_wait3A_243, %dma_wait3A_245] : memref<2x27040xf32, #tpu.memory_space<vmem>> -> memref<1x27040xf32, #tpu.memory_space<vmem>>
    %dma_wait3A_247 = tpu.memref_squeeze %dma_wait3A_246 : memref<1x27040xf32, #tpu.memory_space<vmem>> -> memref<27040xf32, #tpu.memory_space<vmem>>
    %dma_wait3A_248 = tpu.memref_slice %arg5[%mul3A_242] : memref<13844480xf32, #tpu.memory_space<hbm>> -> memref<27040xf32, #tpu.memory_space<hbm>>
    %dma_wait3A_249 = tpu.memref_slice %arg13[%dma_wait3A_244] : memref<2x!tpu.dma_semaphore, #tpu.memory_space<semaphore_mem>> -> memref<1x!tpu.dma_semaphore, #tpu.memory_space<semaphore_mem>>
    %dma_wait3A_250 = tpu.memref_squeeze %dma_wait3A_249 : memref<1x!tpu.dma_semaphore, #tpu.memory_space<semaphore_mem>> -> memref<!tpu.dma_semaphore, #tpu.memory_space<semaphore_mem>>
    %dma_wait3A_251 = tpu.memref_slice %arg5[%mul3A_242] : memref<13844480xf32, #tpu.memory_space<hbm>> -> memref<27040xf32, #tpu.memory_space<hbm>>
    %dma_wait3A_252 = arith.constant 0 : i32
    %dma_wait3A_253 = tpu.memref_slice %arg9[%dma_wait3A_243, %dma_wait3A_252] : memref<2x27040xf32, #tpu.memory_space<vmem>> -> memref<1x27040xf32, #tpu.memory_space<vmem>>
    %dma_wait3A_254 = tpu.memref_squeeze %dma_wait3A_253 : memref<1x27040xf32, #tpu.memory_space<vmem>> -> memref<27040xf32, #tpu.memory_space<vmem>>
    tpu.wait_dma2 semaphore(%dma_wait3A_250 : memref<!tpu.dma_semaphore, #tpu.memory_space<semaphore_mem>>) src(%dma_wait3A_254 : memref<27040xf32, #tpu.memory_space<vmem>>) dst(%dma_wait3A_251 : memref<27040xf32, #tpu.memory_space<hbm>>)
    %scan3A_255 = arith.constant 0 : i32
    %scan3A_256 = arith.constant 0 : i32
    %scan3A_257 = arith.constant 32 : i32
    %scan3A_258 = arith.addi %scan3A_256, %scan3A_257 : i32
    %scan3A_259 = arith.constant 1 : i32
    %scan3A_260 = scf.for %scan3A_1360 = %scan3A_256 to %scan3A_258 step %scan3A_259 iter_args(%scan3A_1361 = %scan3A_255) -> (i32)  : i32 {
      %mul3A_1362 = arith.constant 13 : i32
      %mul3A_1363 = arith.muli %scan3A_1360, %mul3A_1362 : i32
      %get3A = arith.constant 2 : i32
      %get3A_1364 = arith.index_cast %get3A : i32 to index
      %get3A_1365 = arith.index_cast %mul3A_1363 : i32 to index
      %get3A_1366 = tpu.vector_load %arg7[%get3A_1364, %get3A_1365] {strides = array<i32>} : memref<3x432xf32, #tpu.memory_space<vmem>>, vector<1x16xf32>,
      %get3A_1367 = vector.shape_cast %get3A_1366 : vector<1x16xf32> to vector<16xf32>
      %mul3A_1368 = arith.constant 845 : i32
      %mul3A_1369 = arith.muli %scan3A_1360, %mul3A_1368 : i32
      %swap3A = arith.constant 0 : i32
      %swap3A_1370 = arith.index_cast %swap3A : i32 to index
      %swap3A_1371 = arith.index_cast %mul3A_1369 : i32 to index
      %swap3A_1372 = tpu.vector_load %arg9[%swap3A_1370, %swap3A_1371] {strides = array<i32>} : memref<2x27040xf32, #tpu.memory_space<vmem>>, vector<1x16xf32>,
      %swap3A_1373 = vector.shape_cast %swap3A_1372 : vector<1x16xf32> to vector<16xf32>
      %swap3A_1374 = vector.shape_cast %get3A_1367 : vector<16xf32> to vector<1x16xf32>
      tpu.vector_store %arg9[%swap3A_1370, %swap3A_1371], %swap3A_1374 {strides = array<i32>} : memref<2x27040xf32, #tpu.memory_space<vmem>>, vector<1x16xf32>,
      %scan3A_1375 = arith.constant 0 : i32
      %scan3A_1376 = arith.constant 0 : i32
      %scan3A_1377 = arith.constant 26 : i32
      %scan3A_1378 = arith.addi %scan3A_1376, %scan3A_1377 : i32
      %scan3A_1379 = arith.constant 1 : i32
      %scan3A_1380 = scf.for %scan3A_1382 = %scan3A_1376 to %scan3A_1378 step %scan3A_1379 iter_args(%scan3A_1383 = %scan3A_1375) -> (i32)  : i32 {
        %mul3A_1384 = arith.constant 845 : i32
        %mul3A_1385 = arith.muli %scan3A_1360, %mul3A_1384 : i32
        %add3A_1386 = arith.constant 13 : i32
        %add3A_1387 = arith.addi %mul3A_1385, %add3A_1386 : i32
        %mul3A_1388 = arith.constant 32 : i32
        %mul3A_1389 = arith.muli %scan3A_1382, %mul3A_1388 : i32
        %add3A_1390 = arith.addi %add3A_1387, %mul3A_1389 : i32
        %get3A_1391 = arith.constant 0 : i32
        %get3A_1392 = arith.index_cast %get3A_1391 : i32 to index
        %get3A_1393 = arith.index_cast %scan3A_1382 : i32 to index
        %get3A_1394 = arith.index_cast %scan3A_1360 : i32 to index
        %get3A_1395 = arith.constant 0 : index
        %get3A_1396 = tpu.vector_load %arg8[%get3A_1392, %get3A_1393, %get3A_1394, %get3A_1395] {strides = array<i32>} : memref<2x26x32x32xf32, #tpu.memory_space<vmem>>, vector<1x1x1x16xf32>,
        %get3A_1397 = vector.shape_cast %get3A_1396 : vector<1x1x1x16xf32> to vector<16xf32>
        %swap3A_1398 = arith.constant 0 : i32
        %swap3A_1399 = arith.index_cast %swap3A_1398 : i32 to index
        %swap3A_1400 = arith.index_cast %add3A_1390 : i32 to index
        %swap3A_1401 = tpu.vector_load %arg9[%swap3A_1399, %swap3A_1400] {strides = array<i32>} : memref<2x27040xf32, #tpu.memory_space<vmem>>, vector<1x16xf32>,
        %swap3A_1402 = vector.shape_cast %swap3A_1401 : vector<1x16xf32> to vector<16xf32>
        %swap3A_1403 = vector.shape_cast %get3A_1397 : vector<16xf32> to vector<1x16xf32>
        tpu.vector_store %arg9[%swap3A_1399, %swap3A_1400], %swap3A_1403 {strides = array<i32>} : memref<2x27040xf32, #tpu.memory_space<vmem>>, vector<1x16xf32>,
        %get3A_1404 = arith.constant 0 : i32
        %get3A_1405 = arith.index_cast %get3A_1404 : i32 to index
        %get3A_1406 = arith.index_cast %scan3A_1382 : i32 to index
        %get3A_1407 = arith.index_cast %scan3A_1360 : i32 to index
        %get3A_1408 = arith.constant 16 : index
        %get3A_1409 = tpu.vector_load %arg8[%get3A_1405, %get3A_1406, %get3A_1407, %get3A_1408] {strides = array<i32>} : memref<2x26x32x32xf32, #tpu.memory_space<vmem>>, vector<1x1x1x16xf32>,
        %get3A_1410 = vector.shape_cast %get3A_1409 : vector<1x1x1x16xf32> to vector<16xf32>
        %add3A_1411 = arith.constant 16 : i32
        %add3A_1412 = arith.addi %add3A_1390, %add3A_1411 : i32
        %swap3A_1413 = arith.constant 0 : i32
        %swap3A_1414 = arith.index_cast %swap3A_1413 : i32 to index
        %swap3A_1415 = arith.index_cast %add3A_1412 : i32 to index
        %swap3A_1416 = tpu.vector_load %arg9[%swap3A_1414, %swap3A_1415] {strides = array<i32>} : memref<2x27040xf32, #tpu.memory_space<vmem>>, vector<1x16xf32>,
        %swap3A_1417 = vector.shape_cast %swap3A_1416 : vector<1x16xf32> to vector<16xf32>
        %swap3A_1418 = vector.shape_cast %get3A_1410 : vector<16xf32> to vector<1x16xf32>
        tpu.vector_store %arg9[%swap3A_1414, %swap3A_1415], %swap3A_1418 {strides = array<i32>} : memref<2x27040xf32, #tpu.memory_space<vmem>>, vector<1x16xf32>,
        %scan3A_1419 = arith.constant 0 : i32
        scf.yield %scan3A_1419 : i32
      }
      %scan3A_1381 = arith.constant 26 : i32
      scf.yield %scan3A_1380 : i32
    }
    %scan3A_261 = arith.constant 32 : i32
    %add3A_262 = arith.constant 64 : i32
    %add3A_263 = arith.addi %mul3A_2, %add3A_262 : i32
    %mul3A_264 = arith.constant 845 : i32
    %mul3A_265 = arith.muli %add3A_263, %mul3A_264 : i32
    %dma_start3A_266 = arith.constant 0 : i32
    %dma_start3A_267 = arith.constant 0 : i32
    %dma_start3A_268 = arith.constant 0 : i32
    %dma_start3A_269 = tpu.memref_slice %arg9[%dma_start3A_266, %dma_start3A_268] : memref<2x27040xf32, #tpu.memory_space<vmem>> -> memref<1x27040xf32, #tpu.memory_space<vmem>>
    %dma_start3A_270 = tpu.memref_squeeze %dma_start3A_269 : memref<1x27040xf32, #tpu.memory_space<vmem>> -> memref<27040xf32, #tpu.memory_space<vmem>>
    %dma_start3A_271 = tpu.memref_slice %arg5[%mul3A_265] : memref<13844480xf32, #tpu.memory_space<hbm>> -> memref<27040xf32, #tpu.memory_space<hbm>>
    %dma_start3A_272 = tpu.memref_slice %arg13[%dma_start3A_267] : memref<2x!tpu.dma_semaphore, #tpu.memory_space<semaphore_mem>> -> memref<1x!tpu.dma_semaphore, #tpu.memory_space<semaphore_mem>>
    %dma_start3A_273 = tpu.memref_squeeze %dma_start3A_272 : memref<1x!tpu.dma_semaphore, #tpu.memory_space<semaphore_mem>> -> memref<!tpu.dma_semaphore, #tpu.memory_space<semaphore_mem>>
    %dma_start3A_274 = tpu.memref_slice %arg5[%mul3A_265] : memref<13844480xf32, #tpu.memory_space<hbm>> -> memref<27040xf32, #tpu.memory_space<hbm>>
    %dma_start3A_275 = arith.constant 0 : i32
    %dma_start3A_276 = tpu.memref_slice %arg9[%dma_start3A_266, %dma_start3A_275] : memref<2x27040xf32, #tpu.memory_space<vmem>> -> memref<1x27040xf32, #tpu.memory_space<vmem>>
    %dma_start3A_277 = tpu.memref_squeeze %dma_start3A_276 : memref<1x27040xf32, #tpu.memory_space<vmem>> -> memref<27040xf32, #tpu.memory_space<vmem>>
    tpu.enqueue_dma source(%dma_start3A_277 : memref<27040xf32, #tpu.memory_space<vmem>>) target(%dma_start3A_274 : memref<27040xf32, #tpu.memory_space<hbm>>) target_semaphore(%dma_start3A_273 : memref<!tpu.dma_semaphore, #tpu.memory_space<semaphore_mem>>)
    %add3A_278 = arith.constant 160 : i32
    %add3A_279 = arith.addi %mul3A_2, %add3A_278 : i32
    %mul3A_280 = arith.constant 13 : i32
    %mul3A_281 = arith.muli %add3A_279, %mul3A_280 : i32
    %dma_start3A_282 = arith.constant 2 : i32
    %dma_start3A_283 = arith.constant 2 : i32
    %dma_start3A_284 = arith.constant 0 : i32
    %dma_start3A_285 = tpu.memref_slice %arg7[%dma_start3A_282, %dma_start3A_284] : memref<3x432xf32, #tpu.memory_space<vmem>> -> memref<1x416xf32, #tpu.memory_space<vmem>>
    %dma_start3A_286 = tpu.memref_squeeze %dma_start3A_285 : memref<1x416xf32, #tpu.memory_space<vmem>> -> memref<416xf32, #tpu.memory_space<vmem>>
    %dma_start3A_287 = tpu.memref_slice %arg2[%mul3A_281] : memref<212992xf32, #tpu.memory_space<hbm>> -> memref<416xf32, #tpu.memory_space<hbm>>
    %dma_start3A_288 = tpu.memref_slice %arg11[%dma_start3A_283] : memref<3x!tpu.dma_semaphore, #tpu.memory_space<semaphore_mem>> -> memref<1x!tpu.dma_semaphore, #tpu.memory_space<semaphore_mem>>
    %dma_start3A_289 = tpu.memref_squeeze %dma_start3A_288 : memref<1x!tpu.dma_semaphore, #tpu.memory_space<semaphore_mem>> -> memref<!tpu.dma_semaphore, #tpu.memory_space<semaphore_mem>>
    %dma_start3A_290 = arith.constant 0 : i32
    %dma_start3A_291 = tpu.memref_slice %arg7[%dma_start3A_282, %dma_start3A_290] : memref<3x432xf32, #tpu.memory_space<vmem>> -> memref<1x416xf32, #tpu.memory_space<vmem>>
    %dma_start3A_292 = tpu.memref_squeeze %dma_start3A_291 : memref<1x416xf32, #tpu.memory_space<vmem>> -> memref<416xf32, #tpu.memory_space<vmem>>
    %dma_start3A_293 = tpu.memref_slice %arg2[%mul3A_281] : memref<212992xf32, #tpu.memory_space<hbm>> -> memref<416xf32, #tpu.memory_space<hbm>>
    tpu.enqueue_dma source(%dma_start3A_293 : memref<416xf32, #tpu.memory_space<hbm>>) target(%dma_start3A_292 : memref<416xf32, #tpu.memory_space<vmem>>) target_semaphore(%dma_start3A_289 : memref<!tpu.dma_semaphore, #tpu.memory_space<semaphore_mem>>)
    %add3A_294 = arith.constant 128 : i32
    %add3A_295 = arith.addi %mul3A_2, %add3A_294 : i32
    %mul3A_296 = arith.constant 13 : i32
    %mul3A_297 = arith.muli %add3A_295, %mul3A_296 : i32
    %dma_wait3A_298 = arith.constant 1 : i32
    %dma_wait3A_299 = arith.constant 1 : i32
    %dma_wait3A_300 = arith.constant 0 : i32
    %dma_wait3A_301 = tpu.memref_slice %arg7[%dma_wait3A_298, %dma_wait3A_300] : memref<3x432xf32, #tpu.memory_space<vmem>> -> memref<1x416xf32, #tpu.memory_space<vmem>>
    %dma_wait3A_302 = tpu.memref_squeeze %dma_wait3A_301 : memref<1x416xf32, #tpu.memory_space<vmem>> -> memref<416xf32, #tpu.memory_space<vmem>>
    %dma_wait3A_303 = tpu.memref_slice %arg2[%mul3A_297] : memref<212992xf32, #tpu.memory_space<hbm>> -> memref<416xf32, #tpu.memory_space<hbm>>
    %dma_wait3A_304 = tpu.memref_slice %arg11[%dma_wait3A_299] : memref<3x!tpu.dma_semaphore, #tpu.memory_space<semaphore_mem>> -> memref<1x!tpu.dma_semaphore, #tpu.memory_space<semaphore_mem>>
    %dma_wait3A_305 = tpu.memref_squeeze %dma_wait3A_304 : memref<1x!tpu.dma_semaphore, #tpu.memory_space<semaphore_mem>> -> memref<!tpu.dma_semaphore, #tpu.memory_space<semaphore_mem>>
    %dma_wait3A_306 = arith.constant 0 : i32
    %dma_wait3A_307 = tpu.memref_slice %arg7[%dma_wait3A_298, %dma_wait3A_306] : memref<3x432xf32, #tpu.memory_space<vmem>> -> memref<1x416xf32, #tpu.memory_space<vmem>>
    %dma_wait3A_308 = tpu.memref_squeeze %dma_wait3A_307 : memref<1x416xf32, #tpu.memory_space<vmem>> -> memref<416xf32, #tpu.memory_space<vmem>>
    %dma_wait3A_309 = tpu.memref_slice %arg2[%mul3A_297] : memref<212992xf32, #tpu.memory_space<hbm>> -> memref<416xf32, #tpu.memory_space<hbm>>
    tpu.wait_dma2 semaphore(%dma_wait3A_305 : memref<!tpu.dma_semaphore, #tpu.memory_space<semaphore_mem>>) src(%dma_wait3A_309 : memref<416xf32, #tpu.memory_space<hbm>>) dst(%dma_wait3A_308 : memref<416xf32, #tpu.memory_space<vmem>>)
    %scan3A_310 = arith.constant 0 : i32
    %scan3A_311 = arith.constant 0 : i32
    %scan3A_312 = arith.constant 26 : i32
    %scan3A_313 = arith.addi %scan3A_311, %scan3A_312 : i32
    %scan3A_314 = arith.constant 1 : i32
    %scan3A_315 = scf.for %scan3A_1360 = %scan3A_311 to %scan3A_313 step %scan3A_314 iter_args(%scan3A_1361 = %scan3A_310) -> (i32)  : i32 {
      %dma_start3A_1362 = arith.constant 0 : i32
      %dma_start3A_1363 = arith.constant 0 : i32
      %dma_start3A_1364 = arith.constant 0 : i32
      %dma_start3A_1365 = arith.constant 0 : i32
      %dma_start3A_1366 = tpu.memref_slice %arg8[%dma_start3A_1362, %scan3A_1360, %dma_start3A_1364, %dma_start3A_1365] : memref<2x26x32x32xf32, #tpu.memory_space<vmem>> -> memref<1x1x32x32xf32, #tpu.memory_space<vmem>>
      %dma_start3A_1367 = tpu.memref_squeeze %dma_start3A_1366 : memref<1x1x32x32xf32, #tpu.memory_space<vmem>> -> memref<32x32xf32, #tpu.memory_space<vmem>>
      %dma_start3A_1368 = arith.constant 128 : i32
      %dma_start3A_1369 = tpu.memref_slice %arg6[%scan3A_1360, %dma_start3A_1368] : memref<26x512xi32, #tpu.memory_space<vmem>> -> memref<1x32xi32, #tpu.memory_space<vmem>>
      %dma_start3A_1370 = tpu.memref_squeeze %dma_start3A_1369 : memref<1x32xi32, #tpu.memory_space<vmem>> -> memref<32xi32, #tpu.memory_space<vmem>>
      %dma_start3A_1371 = arith.constant 0 : i32
      %dma_start3A_1372 = arith.constant 0 : i32
      %dma_start3A_1373 = tpu.memref_slice %arg4[%scan3A_1360, %dma_start3A_1371, %dma_start3A_1372] : memref<26x100000x32xf32, #tpu.memory_space<hbm>> -> memref<1x100000x32xf32, #tpu.memory_space<hbm>>
      %dma_start3A_1374 = tpu.memref_squeeze %dma_start3A_1373 : memref<1x100000x32xf32, #tpu.memory_space<hbm>> -> memref<100000x32xf32, #tpu.memory_space<hbm>>
      %dma_start3A_1375 = arith.constant 0 : i32
      %dma_start3A_1376 = arith.constant 0 : i32
      %dma_start3A_1377 = tpu.memref_slice %dma_start3A_1374[%dma_start3A_1375, %dma_start3A_1376] : memref<100000x32xf32, #tpu.memory_space<hbm>> -> memref<100000x32xf32, #tpu.memory_space<hbm>>
      %dma_start3A_1378 = tpu.memref_slice %arg12[%dma_start3A_1363] : memref<2x!tpu.dma_semaphore, #tpu.memory_space<semaphore_mem>> -> memref<1x!tpu.dma_semaphore, #tpu.memory_space<semaphore_mem>>
      %dma_start3A_1379 = tpu.memref_squeeze %dma_start3A_1378 : memref<1x!tpu.dma_semaphore, #tpu.memory_space<semaphore_mem>> -> memref<!tpu.dma_semaphore, #tpu.memory_space<semaphore_mem>>
      tpu.enqueue_indirect_dma source(%dma_start3A_1377 : memref<100000x32xf32, #tpu.memory_space<hbm>>) target(%dma_start3A_1367 : memref<32x32xf32, #tpu.memory_space<vmem>>) offsets(%dma_start3A_1370 : memref<32xi32, #tpu.memory_space<vmem>>) semaphore(%dma_start3A_1379 : memref<!tpu.dma_semaphore, #tpu.memory_space<semaphore_mem>>)
      %scan3A_1380 = arith.constant 0 : i32
      scf.yield %scan3A_1380 : i32
    }
    %scan3A_316 = arith.constant 26 : i32
    %scan3A_317 = arith.constant 0 : i32
    %scan3A_318 = arith.constant 0 : i32
    %scan3A_319 = arith.constant 26 : i32
    %scan3A_320 = arith.addi %scan3A_318, %scan3A_319 : i32
    %scan3A_321 = arith.constant 1 : i32
    %scan3A_322 = scf.for %scan3A_1360 = %scan3A_318 to %scan3A_320 step %scan3A_321 iter_args(%scan3A_1361 = %scan3A_317) -> (i32)  : i32 {
      %dma_wait3A_1362 = arith.constant 1 : i32
      %dma_wait3A_1363 = arith.constant 1 : i32
      %dma_wait3A_1364 = arith.constant 0 : i32
      %dma_wait3A_1365 = arith.constant 0 : i32
      %dma_wait3A_1366 = tpu.memref_slice %arg8[%dma_wait3A_1362, %scan3A_1360, %dma_wait3A_1364, %dma_wait3A_1365] : memref<2x26x32x32xf32, #tpu.memory_space<vmem>> -> memref<1x1x32x32xf32, #tpu.memory_space<vmem>>
      %dma_wait3A_1367 = tpu.memref_squeeze %dma_wait3A_1366 : memref<1x1x32x32xf32, #tpu.memory_space<vmem>> -> memref<32x32xf32, #tpu.memory_space<vmem>>
      %dma_wait3A_1368 = arith.constant 96 : i32
      %dma_wait3A_1369 = tpu.memref_slice %arg6[%scan3A_1360, %dma_wait3A_1368] : memref<26x512xi32, #tpu.memory_space<vmem>> -> memref<1x32xi32, #tpu.memory_space<vmem>>
      %dma_wait3A_1370 = tpu.memref_squeeze %dma_wait3A_1369 : memref<1x32xi32, #tpu.memory_space<vmem>> -> memref<32xi32, #tpu.memory_space<vmem>>
      %dma_wait3A_1371 = arith.constant 0 : i32
      %dma_wait3A_1372 = arith.constant 0 : i32
      %dma_wait3A_1373 = tpu.memref_slice %arg4[%scan3A_1360, %dma_wait3A_1371, %dma_wait3A_1372] : memref<26x100000x32xf32, #tpu.memory_space<hbm>> -> memref<1x100000x32xf32, #tpu.memory_space<hbm>>
      %dma_wait3A_1374 = tpu.memref_squeeze %dma_wait3A_1373 : memref<1x100000x32xf32, #tpu.memory_space<hbm>> -> memref<100000x32xf32, #tpu.memory_space<hbm>>
      %dma_wait3A_1375 = arith.constant 0 : i32
      %dma_wait3A_1376 = arith.constant 0 : i32
      %dma_wait3A_1377 = tpu.memref_slice %dma_wait3A_1374[%dma_wait3A_1375, %dma_wait3A_1376] : memref<100000x32xf32, #tpu.memory_space<hbm>> -> memref<100000x32xf32, #tpu.memory_space<hbm>>
      %dma_wait3A_1378 = tpu.memref_slice %arg12[%dma_wait3A_1363] : memref<2x!tpu.dma_semaphore, #tpu.memory_space<semaphore_mem>> -> memref<1x!tpu.dma_semaphore, #tpu.memory_space<semaphore_mem>>
      %dma_wait3A_1379 = tpu.memref_squeeze %dma_wait3A_1378 : memref<1x!tpu.dma_semaphore, #tpu.memory_space<semaphore_mem>> -> memref<!tpu.dma_semaphore, #tpu.memory_space<semaphore_mem>>
      tpu.wait_indirect_dma semaphore(%dma_wait3A_1379 : memref<!tpu.dma_semaphore, #tpu.memory_space<semaphore_mem>>) src(%dma_wait3A_1377 : memref<100000x32xf32, #tpu.memory_space<hbm>>) dst(%dma_wait3A_1367 : memref<32x32xf32, #tpu.memory_space<vmem>>)
      %scan3A_1380 = arith.constant 0 : i32
      scf.yield %scan3A_1380 : i32
    }
    %scan3A_323 = arith.constant 26 : i32
    %add3A_324 = arith.constant 32 : i32
    %add3A_325 = arith.addi %mul3A_2, %add3A_324 : i32
    %mul3A_326 = arith.constant 845 : i32
    %mul3A_327 = arith.muli %add3A_325, %mul3A_326 : i32
    %dma_wait3A_328 = arith.constant 1 : i32
    %dma_wait3A_329 = arith.constant 1 : i32
    %dma_wait3A_330 = arith.constant 0 : i32
    %dma_wait3A_331 = tpu.memref_slice %arg9[%dma_wait3A_328, %dma_wait3A_330] : memref<2x27040xf32, #tpu.memory_space<vmem>> -> memref<1x27040xf32, #tpu.memory_space<vmem>>
    %dma_wait3A_332 = tpu.memref_squeeze %dma_wait3A_331 : memref<1x27040xf32, #tpu.memory_space<vmem>> -> memref<27040xf32, #tpu.memory_space<vmem>>
    %dma_wait3A_333 = tpu.memref_slice %arg5[%mul3A_327] : memref<13844480xf32, #tpu.memory_space<hbm>> -> memref<27040xf32, #tpu.memory_space<hbm>>
    %dma_wait3A_334 = tpu.memref_slice %arg13[%dma_wait3A_329] : memref<2x!tpu.dma_semaphore, #tpu.memory_space<semaphore_mem>> -> memref<1x!tpu.dma_semaphore, #tpu.memory_space<semaphore_mem>>
    %dma_wait3A_335 = tpu.memref_squeeze %dma_wait3A_334 : memref<1x!tpu.dma_semaphore, #tpu.memory_space<semaphore_mem>> -> memref<!tpu.dma_semaphore, #tpu.memory_space<semaphore_mem>>
    %dma_wait3A_336 = tpu.memref_slice %arg5[%mul3A_327] : memref<13844480xf32, #tpu.memory_space<hbm>> -> memref<27040xf32, #tpu.memory_space<hbm>>
    %dma_wait3A_337 = arith.constant 0 : i32
    %dma_wait3A_338 = tpu.memref_slice %arg9[%dma_wait3A_328, %dma_wait3A_337] : memref<2x27040xf32, #tpu.memory_space<vmem>> -> memref<1x27040xf32, #tpu.memory_space<vmem>>
    %dma_wait3A_339 = tpu.memref_squeeze %dma_wait3A_338 : memref<1x27040xf32, #tpu.memory_space<vmem>> -> memref<27040xf32, #tpu.memory_space<vmem>>
    tpu.wait_dma2 semaphore(%dma_wait3A_335 : memref<!tpu.dma_semaphore, #tpu.memory_space<semaphore_mem>>) src(%dma_wait3A_339 : memref<27040xf32, #tpu.memory_space<vmem>>) dst(%dma_wait3A_336 : memref<27040xf32, #tpu.memory_space<hbm>>)
    %scan3A_340 = arith.constant 0 : i32
    %scan3A_341 = arith.constant 0 : i32
    %scan3A_342 = arith.constant 32 : i32
    %scan3A_343 = arith.addi %scan3A_341, %scan3A_342 : i32
    %scan3A_344 = arith.constant 1 : i32
    %scan3A_345 = scf.for %scan3A_1360 = %scan3A_341 to %scan3A_343 step %scan3A_344 iter_args(%scan3A_1361 = %scan3A_340) -> (i32)  : i32 {
      %mul3A_1362 = arith.constant 13 : i32
      %mul3A_1363 = arith.muli %scan3A_1360, %mul3A_1362 : i32
      %get3A = arith.constant 0 : i32
      %get3A_1364 = arith.index_cast %get3A : i32 to index
      %get3A_1365 = arith.index_cast %mul3A_1363 : i32 to index
      %get3A_1366 = tpu.vector_load %arg7[%get3A_1364, %get3A_1365] {strides = array<i32>} : memref<3x432xf32, #tpu.memory_space<vmem>>, vector<1x16xf32>,
      %get3A_1367 = vector.shape_cast %get3A_1366 : vector<1x16xf32> to vector<16xf32>
      %mul3A_1368 = arith.constant 845 : i32
      %mul3A_1369 = arith.muli %scan3A_1360, %mul3A_1368 : i32
      %swap3A = arith.constant 1 : i32
      %swap3A_1370 = arith.index_cast %swap3A : i32 to index
      %swap3A_1371 = arith.index_cast %mul3A_1369 : i32 to index
      %swap3A_1372 = tpu.vector_load %arg9[%swap3A_1370, %swap3A_1371] {strides = array<i32>} : memref<2x27040xf32, #tpu.memory_space<vmem>>, vector<1x16xf32>,
      %swap3A_1373 = vector.shape_cast %swap3A_1372 : vector<1x16xf32> to vector<16xf32>
      %swap3A_1374 = vector.shape_cast %get3A_1367 : vector<16xf32> to vector<1x16xf32>
      tpu.vector_store %arg9[%swap3A_1370, %swap3A_1371], %swap3A_1374 {strides = array<i32>} : memref<2x27040xf32, #tpu.memory_space<vmem>>, vector<1x16xf32>,
      %scan3A_1375 = arith.constant 0 : i32
      %scan3A_1376 = arith.constant 0 : i32
      %scan3A_1377 = arith.constant 26 : i32
      %scan3A_1378 = arith.addi %scan3A_1376, %scan3A_1377 : i32
      %scan3A_1379 = arith.constant 1 : i32
      %scan3A_1380 = scf.for %scan3A_1382 = %scan3A_1376 to %scan3A_1378 step %scan3A_1379 iter_args(%scan3A_1383 = %scan3A_1375) -> (i32)  : i32 {
        %mul3A_1384 = arith.constant 845 : i32
        %mul3A_1385 = arith.muli %scan3A_1360, %mul3A_1384 : i32
        %add3A_1386 = arith.constant 13 : i32
        %add3A_1387 = arith.addi %mul3A_1385, %add3A_1386 : i32
        %mul3A_1388 = arith.constant 32 : i32
        %mul3A_1389 = arith.muli %scan3A_1382, %mul3A_1388 : i32
        %add3A_1390 = arith.addi %add3A_1387, %mul3A_1389 : i32
        %get3A_1391 = arith.constant 1 : i32
        %get3A_1392 = arith.index_cast %get3A_1391 : i32 to index
        %get3A_1393 = arith.index_cast %scan3A_1382 : i32 to index
        %get3A_1394 = arith.index_cast %scan3A_1360 : i32 to index
        %get3A_1395 = arith.constant 0 : index
        %get3A_1396 = tpu.vector_load %arg8[%get3A_1392, %get3A_1393, %get3A_1394, %get3A_1395] {strides = array<i32>} : memref<2x26x32x32xf32, #tpu.memory_space<vmem>>, vector<1x1x1x16xf32>,
        %get3A_1397 = vector.shape_cast %get3A_1396 : vector<1x1x1x16xf32> to vector<16xf32>
        %swap3A_1398 = arith.constant 1 : i32
        %swap3A_1399 = arith.index_cast %swap3A_1398 : i32 to index
        %swap3A_1400 = arith.index_cast %add3A_1390 : i32 to index
        %swap3A_1401 = tpu.vector_load %arg9[%swap3A_1399, %swap3A_1400] {strides = array<i32>} : memref<2x27040xf32, #tpu.memory_space<vmem>>, vector<1x16xf32>,
        %swap3A_1402 = vector.shape_cast %swap3A_1401 : vector<1x16xf32> to vector<16xf32>
        %swap3A_1403 = vector.shape_cast %get3A_1397 : vector<16xf32> to vector<1x16xf32>
        tpu.vector_store %arg9[%swap3A_1399, %swap3A_1400], %swap3A_1403 {strides = array<i32>} : memref<2x27040xf32, #tpu.memory_space<vmem>>, vector<1x16xf32>,
        %get3A_1404 = arith.constant 1 : i32
        %get3A_1405 = arith.index_cast %get3A_1404 : i32 to index
        %get3A_1406 = arith.index_cast %scan3A_1382 : i32 to index
        %get3A_1407 = arith.index_cast %scan3A_1360 : i32 to index
        %get3A_1408 = arith.constant 16 : index
        %get3A_1409 = tpu.vector_load %arg8[%get3A_1405, %get3A_1406, %get3A_1407, %get3A_1408] {strides = array<i32>} : memref<2x26x32x32xf32, #tpu.memory_space<vmem>>, vector<1x1x1x16xf32>,
        %get3A_1410 = vector.shape_cast %get3A_1409 : vector<1x1x1x16xf32> to vector<16xf32>
        %add3A_1411 = arith.constant 16 : i32
        %add3A_1412 = arith.addi %add3A_1390, %add3A_1411 : i32
        %swap3A_1413 = arith.constant 1 : i32
        %swap3A_1414 = arith.index_cast %swap3A_1413 : i32 to index
        %swap3A_1415 = arith.index_cast %add3A_1412 : i32 to index
        %swap3A_1416 = tpu.vector_load %arg9[%swap3A_1414, %swap3A_1415] {strides = array<i32>} : memref<2x27040xf32, #tpu.memory_space<vmem>>, vector<1x16xf32>,
        %swap3A_1417 = vector.shape_cast %swap3A_1416 : vector<1x16xf32> to vector<16xf32>
        %swap3A_1418 = vector.shape_cast %get3A_1410 : vector<16xf32> to vector<1x16xf32>
        tpu.vector_store %arg9[%swap3A_1414, %swap3A_1415], %swap3A_1418 {strides = array<i32>} : memref<2x27040xf32, #tpu.memory_space<vmem>>, vector<1x16xf32>,
        %scan3A_1419 = arith.constant 0 : i32
        scf.yield %scan3A_1419 : i32
      }
      %scan3A_1381 = arith.constant 26 : i32
      scf.yield %scan3A_1380 : i32
    }
    %scan3A_346 = arith.constant 32 : i32
    %add3A_347 = arith.constant 96 : i32
    %add3A_348 = arith.addi %mul3A_2, %add3A_347 : i32
    %mul3A_349 = arith.constant 845 : i32
    %mul3A_350 = arith.muli %add3A_348, %mul3A_349 : i32
    %dma_start3A_351 = arith.constant 1 : i32
    %dma_start3A_352 = arith.constant 1 : i32
    %dma_start3A_353 = arith.constant 0 : i32
    %dma_start3A_354 = tpu.memref_slice %arg9[%dma_start3A_351, %dma_start3A_353] : memref<2x27040xf32, #tpu.memory_space<vmem>> -> memref<1x27040xf32, #tpu.memory_space<vmem>>
    %dma_start3A_355 = tpu.memref_squeeze %dma_start3A_354 : memref<1x27040xf32, #tpu.memory_space<vmem>> -> memref<27040xf32, #tpu.memory_space<vmem>>
    %dma_start3A_356 = tpu.memref_slice %arg5[%mul3A_350] : memref<13844480xf32, #tpu.memory_space<hbm>> -> memref<27040xf32, #tpu.memory_space<hbm>>
    %dma_start3A_357 = tpu.memref_slice %arg13[%dma_start3A_352] : memref<2x!tpu.dma_semaphore, #tpu.memory_space<semaphore_mem>> -> memref<1x!tpu.dma_semaphore, #tpu.memory_space<semaphore_mem>>
    %dma_start3A_358 = tpu.memref_squeeze %dma_start3A_357 : memref<1x!tpu.dma_semaphore, #tpu.memory_space<semaphore_mem>> -> memref<!tpu.dma_semaphore, #tpu.memory_space<semaphore_mem>>
    %dma_start3A_359 = tpu.memref_slice %arg5[%mul3A_350] : memref<13844480xf32, #tpu.memory_space<hbm>> -> memref<27040xf32, #tpu.memory_space<hbm>>
    %dma_start3A_360 = arith.constant 0 : i32
    %dma_start3A_361 = tpu.memref_slice %arg9[%dma_start3A_351, %dma_start3A_360] : memref<2x27040xf32, #tpu.memory_space<vmem>> -> memref<1x27040xf32, #tpu.memory_space<vmem>>
    %dma_start3A_362 = tpu.memref_squeeze %dma_start3A_361 : memref<1x27040xf32, #tpu.memory_space<vmem>> -> memref<27040xf32, #tpu.memory_space<vmem>>
    tpu.enqueue_dma source(%dma_start3A_362 : memref<27040xf32, #tpu.memory_space<vmem>>) target(%dma_start3A_359 : memref<27040xf32, #tpu.memory_space<hbm>>) target_semaphore(%dma_start3A_358 : memref<!tpu.dma_semaphore, #tpu.memory_space<semaphore_mem>>)
    %add3A_363 = arith.constant 192 : i32
    %add3A_364 = arith.addi %mul3A_2, %add3A_363 : i32
    %mul3A_365 = arith.constant 13 : i32
    %mul3A_366 = arith.muli %add3A_364, %mul3A_365 : i32
    %dma_start3A_367 = arith.constant 0 : i32
    %dma_start3A_368 = arith.constant 0 : i32
    %dma_start3A_369 = arith.constant 0 : i32
    %dma_start3A_370 = tpu.memref_slice %arg7[%dma_start3A_367, %dma_start3A_369] : memref<3x432xf32, #tpu.memory_space<vmem>> -> memref<1x416xf32, #tpu.memory_space<vmem>>
    %dma_start3A_371 = tpu.memref_squeeze %dma_start3A_370 : memref<1x416xf32, #tpu.memory_space<vmem>> -> memref<416xf32, #tpu.memory_space<vmem>>
    %dma_start3A_372 = tpu.memref_slice %arg2[%mul3A_366] : memref<212992xf32, #tpu.memory_space<hbm>> -> memref<416xf32, #tpu.memory_space<hbm>>
    %dma_start3A_373 = tpu.memref_slice %arg11[%dma_start3A_368] : memref<3x!tpu.dma_semaphore, #tpu.memory_space<semaphore_mem>> -> memref<1x!tpu.dma_semaphore, #tpu.memory_space<semaphore_mem>>
    %dma_start3A_374 = tpu.memref_squeeze %dma_start3A_373 : memref<1x!tpu.dma_semaphore, #tpu.memory_space<semaphore_mem>> -> memref<!tpu.dma_semaphore, #tpu.memory_space<semaphore_mem>>
    %dma_start3A_375 = arith.constant 0 : i32
    %dma_start3A_376 = tpu.memref_slice %arg7[%dma_start3A_367, %dma_start3A_375] : memref<3x432xf32, #tpu.memory_space<vmem>> -> memref<1x416xf32, #tpu.memory_space<vmem>>
    %dma_start3A_377 = tpu.memref_squeeze %dma_start3A_376 : memref<1x416xf32, #tpu.memory_space<vmem>> -> memref<416xf32, #tpu.memory_space<vmem>>
    %dma_start3A_378 = tpu.memref_slice %arg2[%mul3A_366] : memref<212992xf32, #tpu.memory_space<hbm>> -> memref<416xf32, #tpu.memory_space<hbm>>
    tpu.enqueue_dma source(%dma_start3A_378 : memref<416xf32, #tpu.memory_space<hbm>>) target(%dma_start3A_377 : memref<416xf32, #tpu.memory_space<vmem>>) target_semaphore(%dma_start3A_374 : memref<!tpu.dma_semaphore, #tpu.memory_space<semaphore_mem>>)
    %add3A_379 = arith.constant 160 : i32
    %add3A_380 = arith.addi %mul3A_2, %add3A_379 : i32
    %mul3A_381 = arith.constant 13 : i32
    %mul3A_382 = arith.muli %add3A_380, %mul3A_381 : i32
    %dma_wait3A_383 = arith.constant 2 : i32
    %dma_wait3A_384 = arith.constant 2 : i32
    %dma_wait3A_385 = arith.constant 0 : i32
    %dma_wait3A_386 = tpu.memref_slice %arg7[%dma_wait3A_383, %dma_wait3A_385] : memref<3x432xf32, #tpu.memory_space<vmem>> -> memref<1x416xf32, #tpu.memory_space<vmem>>
    %dma_wait3A_387 = tpu.memref_squeeze %dma_wait3A_386 : memref<1x416xf32, #tpu.memory_space<vmem>> -> memref<416xf32, #tpu.memory_space<vmem>>
    %dma_wait3A_388 = tpu.memref_slice %arg2[%mul3A_382] : memref<212992xf32, #tpu.memory_space<hbm>> -> memref<416xf32, #tpu.memory_space<hbm>>
    %dma_wait3A_389 = tpu.memref_slice %arg11[%dma_wait3A_384] : memref<3x!tpu.dma_semaphore, #tpu.memory_space<semaphore_mem>> -> memref<1x!tpu.dma_semaphore, #tpu.memory_space<semaphore_mem>>
    %dma_wait3A_390 = tpu.memref_squeeze %dma_wait3A_389 : memref<1x!tpu.dma_semaphore, #tpu.memory_space<semaphore_mem>> -> memref<!tpu.dma_semaphore, #tpu.memory_space<semaphore_mem>>
    %dma_wait3A_391 = arith.constant 0 : i32
    %dma_wait3A_392 = tpu.memref_slice %arg7[%dma_wait3A_383, %dma_wait3A_391] : memref<3x432xf32, #tpu.memory_space<vmem>> -> memref<1x416xf32, #tpu.memory_space<vmem>>
    %dma_wait3A_393 = tpu.memref_squeeze %dma_wait3A_392 : memref<1x416xf32, #tpu.memory_space<vmem>> -> memref<416xf32, #tpu.memory_space<vmem>>
    %dma_wait3A_394 = tpu.memref_slice %arg2[%mul3A_382] : memref<212992xf32, #tpu.memory_space<hbm>> -> memref<416xf32, #tpu.memory_space<hbm>>
    tpu.wait_dma2 semaphore(%dma_wait3A_390 : memref<!tpu.dma_semaphore, #tpu.memory_space<semaphore_mem>>) src(%dma_wait3A_394 : memref<416xf32, #tpu.memory_space<hbm>>) dst(%dma_wait3A_393 : memref<416xf32, #tpu.memory_space<vmem>>)
    %scan3A_395 = arith.constant 0 : i32
    %scan3A_396 = arith.constant 0 : i32
    %scan3A_397 = arith.constant 26 : i32
    %scan3A_398 = arith.addi %scan3A_396, %scan3A_397 : i32
    %scan3A_399 = arith.constant 1 : i32
    %scan3A_400 = scf.for %scan3A_1360 = %scan3A_396 to %scan3A_398 step %scan3A_399 iter_args(%scan3A_1361 = %scan3A_395) -> (i32)  : i32 {
      %dma_start3A_1362 = arith.constant 1 : i32
      %dma_start3A_1363 = arith.constant 1 : i32
      %dma_start3A_1364 = arith.constant 0 : i32
      %dma_start3A_1365 = arith.constant 0 : i32
      %dma_start3A_1366 = tpu.memref_slice %arg8[%dma_start3A_1362, %scan3A_1360, %dma_start3A_1364, %dma_start3A_1365] : memref<2x26x32x32xf32, #tpu.memory_space<vmem>> -> memref<1x1x32x32xf32, #tpu.memory_space<vmem>>
      %dma_start3A_1367 = tpu.memref_squeeze %dma_start3A_1366 : memref<1x1x32x32xf32, #tpu.memory_space<vmem>> -> memref<32x32xf32, #tpu.memory_space<vmem>>
      %dma_start3A_1368 = arith.constant 160 : i32
      %dma_start3A_1369 = tpu.memref_slice %arg6[%scan3A_1360, %dma_start3A_1368] : memref<26x512xi32, #tpu.memory_space<vmem>> -> memref<1x32xi32, #tpu.memory_space<vmem>>
      %dma_start3A_1370 = tpu.memref_squeeze %dma_start3A_1369 : memref<1x32xi32, #tpu.memory_space<vmem>> -> memref<32xi32, #tpu.memory_space<vmem>>
      %dma_start3A_1371 = arith.constant 0 : i32
      %dma_start3A_1372 = arith.constant 0 : i32
      %dma_start3A_1373 = tpu.memref_slice %arg4[%scan3A_1360, %dma_start3A_1371, %dma_start3A_1372] : memref<26x100000x32xf32, #tpu.memory_space<hbm>> -> memref<1x100000x32xf32, #tpu.memory_space<hbm>>
      %dma_start3A_1374 = tpu.memref_squeeze %dma_start3A_1373 : memref<1x100000x32xf32, #tpu.memory_space<hbm>> -> memref<100000x32xf32, #tpu.memory_space<hbm>>
      %dma_start3A_1375 = arith.constant 0 : i32
      %dma_start3A_1376 = arith.constant 0 : i32
      %dma_start3A_1377 = tpu.memref_slice %dma_start3A_1374[%dma_start3A_1375, %dma_start3A_1376] : memref<100000x32xf32, #tpu.memory_space<hbm>> -> memref<100000x32xf32, #tpu.memory_space<hbm>>
      %dma_start3A_1378 = tpu.memref_slice %arg12[%dma_start3A_1363] : memref<2x!tpu.dma_semaphore, #tpu.memory_space<semaphore_mem>> -> memref<1x!tpu.dma_semaphore, #tpu.memory_space<semaphore_mem>>
      %dma_start3A_1379 = tpu.memref_squeeze %dma_start3A_1378 : memref<1x!tpu.dma_semaphore, #tpu.memory_space<semaphore_mem>> -> memref<!tpu.dma_semaphore, #tpu.memory_space<semaphore_mem>>
      tpu.enqueue_indirect_dma source(%dma_start3A_1377 : memref<100000x32xf32, #tpu.memory_space<hbm>>) target(%dma_start3A_1367 : memref<32x32xf32, #tpu.memory_space<vmem>>) offsets(%dma_start3A_1370 : memref<32xi32, #tpu.memory_space<vmem>>) semaphore(%dma_start3A_1379 : memref<!tpu.dma_semaphore, #tpu.memory_space<semaphore_mem>>)
      %scan3A_1380 = arith.constant 0 : i32
      scf.yield %scan3A_1380 : i32
    }
    %scan3A_401 = arith.constant 26 : i32
    %scan3A_402 = arith.constant 0 : i32
    %scan3A_403 = arith.constant 0 : i32
    %scan3A_404 = arith.constant 26 : i32
    %scan3A_405 = arith.addi %scan3A_403, %scan3A_404 : i32
    %scan3A_406 = arith.constant 1 : i32
    %scan3A_407 = scf.for %scan3A_1360 = %scan3A_403 to %scan3A_405 step %scan3A_406 iter_args(%scan3A_1361 = %scan3A_402) -> (i32)  : i32 {
      %dma_wait3A_1362 = arith.constant 0 : i32
      %dma_wait3A_1363 = arith.constant 0 : i32
      %dma_wait3A_1364 = arith.constant 0 : i32
      %dma_wait3A_1365 = arith.constant 0 : i32
      %dma_wait3A_1366 = tpu.memref_slice %arg8[%dma_wait3A_1362, %scan3A_1360, %dma_wait3A_1364, %dma_wait3A_1365] : memref<2x26x32x32xf32, #tpu.memory_space<vmem>> -> memref<1x1x32x32xf32, #tpu.memory_space<vmem>>
      %dma_wait3A_1367 = tpu.memref_squeeze %dma_wait3A_1366 : memref<1x1x32x32xf32, #tpu.memory_space<vmem>> -> memref<32x32xf32, #tpu.memory_space<vmem>>
      %dma_wait3A_1368 = arith.constant 128 : i32
      %dma_wait3A_1369 = tpu.memref_slice %arg6[%scan3A_1360, %dma_wait3A_1368] : memref<26x512xi32, #tpu.memory_space<vmem>> -> memref<1x32xi32, #tpu.memory_space<vmem>>
      %dma_wait3A_1370 = tpu.memref_squeeze %dma_wait3A_1369 : memref<1x32xi32, #tpu.memory_space<vmem>> -> memref<32xi32, #tpu.memory_space<vmem>>
      %dma_wait3A_1371 = arith.constant 0 : i32
      %dma_wait3A_1372 = arith.constant 0 : i32
      %dma_wait3A_1373 = tpu.memref_slice %arg4[%scan3A_1360, %dma_wait3A_1371, %dma_wait3A_1372] : memref<26x100000x32xf32, #tpu.memory_space<hbm>> -> memref<1x100000x32xf32, #tpu.memory_space<hbm>>
      %dma_wait3A_1374 = tpu.memref_squeeze %dma_wait3A_1373 : memref<1x100000x32xf32, #tpu.memory_space<hbm>> -> memref<100000x32xf32, #tpu.memory_space<hbm>>
      %dma_wait3A_1375 = arith.constant 0 : i32
      %dma_wait3A_1376 = arith.constant 0 : i32
      %dma_wait3A_1377 = tpu.memref_slice %dma_wait3A_1374[%dma_wait3A_1375, %dma_wait3A_1376] : memref<100000x32xf32, #tpu.memory_space<hbm>> -> memref<100000x32xf32, #tpu.memory_space<hbm>>
      %dma_wait3A_1378 = tpu.memref_slice %arg12[%dma_wait3A_1363] : memref<2x!tpu.dma_semaphore, #tpu.memory_space<semaphore_mem>> -> memref<1x!tpu.dma_semaphore, #tpu.memory_space<semaphore_mem>>
      %dma_wait3A_1379 = tpu.memref_squeeze %dma_wait3A_1378 : memref<1x!tpu.dma_semaphore, #tpu.memory_space<semaphore_mem>> -> memref<!tpu.dma_semaphore, #tpu.memory_space<semaphore_mem>>
      tpu.wait_indirect_dma semaphore(%dma_wait3A_1379 : memref<!tpu.dma_semaphore, #tpu.memory_space<semaphore_mem>>) src(%dma_wait3A_1377 : memref<100000x32xf32, #tpu.memory_space<hbm>>) dst(%dma_wait3A_1367 : memref<32x32xf32, #tpu.memory_space<vmem>>)
      %scan3A_1380 = arith.constant 0 : i32
      scf.yield %scan3A_1380 : i32
    }
    %scan3A_408 = arith.constant 26 : i32
    %add3A_409 = arith.constant 64 : i32
    %add3A_410 = arith.addi %mul3A_2, %add3A_409 : i32
    %mul3A_411 = arith.constant 845 : i32
    %mul3A_412 = arith.muli %add3A_410, %mul3A_411 : i32
    %dma_wait3A_413 = arith.constant 0 : i32
    %dma_wait3A_414 = arith.constant 0 : i32
    %dma_wait3A_415 = arith.constant 0 : i32
    %dma_wait3A_416 = tpu.memref_slice %arg9[%dma_wait3A_413, %dma_wait3A_415] : memref<2x27040xf32, #tpu.memory_space<vmem>> -> memref<1x27040xf32, #tpu.memory_space<vmem>>
    %dma_wait3A_417 = tpu.memref_squeeze %dma_wait3A_416 : memref<1x27040xf32, #tpu.memory_space<vmem>> -> memref<27040xf32, #tpu.memory_space<vmem>>
    %dma_wait3A_418 = tpu.memref_slice %arg5[%mul3A_412] : memref<13844480xf32, #tpu.memory_space<hbm>> -> memref<27040xf32, #tpu.memory_space<hbm>>
    %dma_wait3A_419 = tpu.memref_slice %arg13[%dma_wait3A_414] : memref<2x!tpu.dma_semaphore, #tpu.memory_space<semaphore_mem>> -> memref<1x!tpu.dma_semaphore, #tpu.memory_space<semaphore_mem>>
    %dma_wait3A_420 = tpu.memref_squeeze %dma_wait3A_419 : memref<1x!tpu.dma_semaphore, #tpu.memory_space<semaphore_mem>> -> memref<!tpu.dma_semaphore, #tpu.memory_space<semaphore_mem>>
    %dma_wait3A_421 = tpu.memref_slice %arg5[%mul3A_412] : memref<13844480xf32, #tpu.memory_space<hbm>> -> memref<27040xf32, #tpu.memory_space<hbm>>
    %dma_wait3A_422 = arith.constant 0 : i32
    %dma_wait3A_423 = tpu.memref_slice %arg9[%dma_wait3A_413, %dma_wait3A_422] : memref<2x27040xf32, #tpu.memory_space<vmem>> -> memref<1x27040xf32, #tpu.memory_space<vmem>>
    %dma_wait3A_424 = tpu.memref_squeeze %dma_wait3A_423 : memref<1x27040xf32, #tpu.memory_space<vmem>> -> memref<27040xf32, #tpu.memory_space<vmem>>
    tpu.wait_dma2 semaphore(%dma_wait3A_420 : memref<!tpu.dma_semaphore, #tpu.memory_space<semaphore_mem>>) src(%dma_wait3A_424 : memref<27040xf32, #tpu.memory_space<vmem>>) dst(%dma_wait3A_421 : memref<27040xf32, #tpu.memory_space<hbm>>)
    %scan3A_425 = arith.constant 0 : i32
    %scan3A_426 = arith.constant 0 : i32
    %scan3A_427 = arith.constant 32 : i32
    %scan3A_428 = arith.addi %scan3A_426, %scan3A_427 : i32
    %scan3A_429 = arith.constant 1 : i32
    %scan3A_430 = scf.for %scan3A_1360 = %scan3A_426 to %scan3A_428 step %scan3A_429 iter_args(%scan3A_1361 = %scan3A_425) -> (i32)  : i32 {
      %mul3A_1362 = arith.constant 13 : i32
      %mul3A_1363 = arith.muli %scan3A_1360, %mul3A_1362 : i32
      %get3A = arith.constant 1 : i32
      %get3A_1364 = arith.index_cast %get3A : i32 to index
      %get3A_1365 = arith.index_cast %mul3A_1363 : i32 to index
      %get3A_1366 = tpu.vector_load %arg7[%get3A_1364, %get3A_1365] {strides = array<i32>} : memref<3x432xf32, #tpu.memory_space<vmem>>, vector<1x16xf32>,
      %get3A_1367 = vector.shape_cast %get3A_1366 : vector<1x16xf32> to vector<16xf32>
      %mul3A_1368 = arith.constant 845 : i32
      %mul3A_1369 = arith.muli %scan3A_1360, %mul3A_1368 : i32
      %swap3A = arith.constant 0 : i32
      %swap3A_1370 = arith.index_cast %swap3A : i32 to index
      %swap3A_1371 = arith.index_cast %mul3A_1369 : i32 to index
      %swap3A_1372 = tpu.vector_load %arg9[%swap3A_1370, %swap3A_1371] {strides = array<i32>} : memref<2x27040xf32, #tpu.memory_space<vmem>>, vector<1x16xf32>,
      %swap3A_1373 = vector.shape_cast %swap3A_1372 : vector<1x16xf32> to vector<16xf32>
      %swap3A_1374 = vector.shape_cast %get3A_1367 : vector<16xf32> to vector<1x16xf32>
      tpu.vector_store %arg9[%swap3A_1370, %swap3A_1371], %swap3A_1374 {strides = array<i32>} : memref<2x27040xf32, #tpu.memory_space<vmem>>, vector<1x16xf32>,
      %scan3A_1375 = arith.constant 0 : i32
      %scan3A_1376 = arith.constant 0 : i32
      %scan3A_1377 = arith.constant 26 : i32
      %scan3A_1378 = arith.addi %scan3A_1376, %scan3A_1377 : i32
      %scan3A_1379 = arith.constant 1 : i32
      %scan3A_1380 = scf.for %scan3A_1382 = %scan3A_1376 to %scan3A_1378 step %scan3A_1379 iter_args(%scan3A_1383 = %scan3A_1375) -> (i32)  : i32 {
        %mul3A_1384 = arith.constant 845 : i32
        %mul3A_1385 = arith.muli %scan3A_1360, %mul3A_1384 : i32
        %add3A_1386 = arith.constant 13 : i32
        %add3A_1387 = arith.addi %mul3A_1385, %add3A_1386 : i32
        %mul3A_1388 = arith.constant 32 : i32
        %mul3A_1389 = arith.muli %scan3A_1382, %mul3A_1388 : i32
        %add3A_1390 = arith.addi %add3A_1387, %mul3A_1389 : i32
        %get3A_1391 = arith.constant 0 : i32
        %get3A_1392 = arith.index_cast %get3A_1391 : i32 to index
        %get3A_1393 = arith.index_cast %scan3A_1382 : i32 to index
        %get3A_1394 = arith.index_cast %scan3A_1360 : i32 to index
        %get3A_1395 = arith.constant 0 : index
        %get3A_1396 = tpu.vector_load %arg8[%get3A_1392, %get3A_1393, %get3A_1394, %get3A_1395] {strides = array<i32>} : memref<2x26x32x32xf32, #tpu.memory_space<vmem>>, vector<1x1x1x16xf32>,
        %get3A_1397 = vector.shape_cast %get3A_1396 : vector<1x1x1x16xf32> to vector<16xf32>
        %swap3A_1398 = arith.constant 0 : i32
        %swap3A_1399 = arith.index_cast %swap3A_1398 : i32 to index
        %swap3A_1400 = arith.index_cast %add3A_1390 : i32 to index
        %swap3A_1401 = tpu.vector_load %arg9[%swap3A_1399, %swap3A_1400] {strides = array<i32>} : memref<2x27040xf32, #tpu.memory_space<vmem>>, vector<1x16xf32>,
        %swap3A_1402 = vector.shape_cast %swap3A_1401 : vector<1x16xf32> to vector<16xf32>
        %swap3A_1403 = vector.shape_cast %get3A_1397 : vector<16xf32> to vector<1x16xf32>
        tpu.vector_store %arg9[%swap3A_1399, %swap3A_1400], %swap3A_1403 {strides = array<i32>} : memref<2x27040xf32, #tpu.memory_space<vmem>>, vector<1x16xf32>,
        %get3A_1404 = arith.constant 0 : i32
        %get3A_1405 = arith.index_cast %get3A_1404 : i32 to index
        %get3A_1406 = arith.index_cast %scan3A_1382 : i32 to index
        %get3A_1407 = arith.index_cast %scan3A_1360 : i32 to index
        %get3A_1408 = arith.constant 16 : index
        %get3A_1409 = tpu.vector_load %arg8[%get3A_1405, %get3A_1406, %get3A_1407, %get3A_1408] {strides = array<i32>} : memref<2x26x32x32xf32, #tpu.memory_space<vmem>>, vector<1x1x1x16xf32>,
        %get3A_1410 = vector.shape_cast %get3A_1409 : vector<1x1x1x16xf32> to vector<16xf32>
        %add3A_1411 = arith.constant 16 : i32
        %add3A_1412 = arith.addi %add3A_1390, %add3A_1411 : i32
        %swap3A_1413 = arith.constant 0 : i32
        %swap3A_1414 = arith.index_cast %swap3A_1413 : i32 to index
        %swap3A_1415 = arith.index_cast %add3A_1412 : i32 to index
        %swap3A_1416 = tpu.vector_load %arg9[%swap3A_1414, %swap3A_1415] {strides = array<i32>} : memref<2x27040xf32, #tpu.memory_space<vmem>>, vector<1x16xf32>,
        %swap3A_1417 = vector.shape_cast %swap3A_1416 : vector<1x16xf32> to vector<16xf32>
        %swap3A_1418 = vector.shape_cast %get3A_1410 : vector<16xf32> to vector<1x16xf32>
        tpu.vector_store %arg9[%swap3A_1414, %swap3A_1415], %swap3A_1418 {strides = array<i32>} : memref<2x27040xf32, #tpu.memory_space<vmem>>, vector<1x16xf32>,
        %scan3A_1419 = arith.constant 0 : i32
        scf.yield %scan3A_1419 : i32
      }
      %scan3A_1381 = arith.constant 26 : i32
      scf.yield %scan3A_1380 : i32
    }
    %scan3A_431 = arith.constant 32 : i32
    %add3A_432 = arith.constant 128 : i32
    %add3A_433 = arith.addi %mul3A_2, %add3A_432 : i32
    %mul3A_434 = arith.constant 845 : i32
    %mul3A_435 = arith.muli %add3A_433, %mul3A_434 : i32
    %dma_start3A_436 = arith.constant 0 : i32
    %dma_start3A_437 = arith.constant 0 : i32
    %dma_start3A_438 = arith.constant 0 : i32
    %dma_start3A_439 = tpu.memref_slice %arg9[%dma_start3A_436, %dma_start3A_438] : memref<2x27040xf32, #tpu.memory_space<vmem>> -> memref<1x27040xf32, #tpu.memory_space<vmem>>
    %dma_start3A_440 = tpu.memref_squeeze %dma_start3A_439 : memref<1x27040xf32, #tpu.memory_space<vmem>> -> memref<27040xf32, #tpu.memory_space<vmem>>
    %dma_start3A_441 = tpu.memref_slice %arg5[%mul3A_435] : memref<13844480xf32, #tpu.memory_space<hbm>> -> memref<27040xf32, #tpu.memory_space<hbm>>
    %dma_start3A_442 = tpu.memref_slice %arg13[%dma_start3A_437] : memref<2x!tpu.dma_semaphore, #tpu.memory_space<semaphore_mem>> -> memref<1x!tpu.dma_semaphore, #tpu.memory_space<semaphore_mem>>
    %dma_start3A_443 = tpu.memref_squeeze %dma_start3A_442 : memref<1x!tpu.dma_semaphore, #tpu.memory_space<semaphore_mem>> -> memref<!tpu.dma_semaphore, #tpu.memory_space<semaphore_mem>>
    %dma_start3A_444 = tpu.memref_slice %arg5[%mul3A_435] : memref<13844480xf32, #tpu.memory_space<hbm>> -> memref<27040xf32, #tpu.memory_space<hbm>>
    %dma_start3A_445 = arith.constant 0 : i32
    %dma_start3A_446 = tpu.memref_slice %arg9[%dma_start3A_436, %dma_start3A_445] : memref<2x27040xf32, #tpu.memory_space<vmem>> -> memref<1x27040xf32, #tpu.memory_space<vmem>>
    %dma_start3A_447 = tpu.memref_squeeze %dma_start3A_446 : memref<1x27040xf32, #tpu.memory_space<vmem>> -> memref<27040xf32, #tpu.memory_space<vmem>>
    tpu.enqueue_dma source(%dma_start3A_447 : memref<27040xf32, #tpu.memory_space<vmem>>) target(%dma_start3A_444 : memref<27040xf32, #tpu.memory_space<hbm>>) target_semaphore(%dma_start3A_443 : memref<!tpu.dma_semaphore, #tpu.memory_space<semaphore_mem>>)
    %add3A_448 = arith.constant 224 : i32
    %add3A_449 = arith.addi %mul3A_2, %add3A_448 : i32
    %mul3A_450 = arith.constant 13 : i32
    %mul3A_451 = arith.muli %add3A_449, %mul3A_450 : i32
    %dma_start3A_452 = arith.constant 1 : i32
    %dma_start3A_453 = arith.constant 1 : i32
    %dma_start3A_454 = arith.constant 0 : i32
    %dma_start3A_455 = tpu.memref_slice %arg7[%dma_start3A_452, %dma_start3A_454] : memref<3x432xf32, #tpu.memory_space<vmem>> -> memref<1x416xf32, #tpu.memory_space<vmem>>
    %dma_start3A_456 = tpu.memref_squeeze %dma_start3A_455 : memref<1x416xf32, #tpu.memory_space<vmem>> -> memref<416xf32, #tpu.memory_space<vmem>>
    %dma_start3A_457 = tpu.memref_slice %arg2[%mul3A_451] : memref<212992xf32, #tpu.memory_space<hbm>> -> memref<416xf32, #tpu.memory_space<hbm>>
    %dma_start3A_458 = tpu.memref_slice %arg11[%dma_start3A_453] : memref<3x!tpu.dma_semaphore, #tpu.memory_space<semaphore_mem>> -> memref<1x!tpu.dma_semaphore, #tpu.memory_space<semaphore_mem>>
    %dma_start3A_459 = tpu.memref_squeeze %dma_start3A_458 : memref<1x!tpu.dma_semaphore, #tpu.memory_space<semaphore_mem>> -> memref<!tpu.dma_semaphore, #tpu.memory_space<semaphore_mem>>
    %dma_start3A_460 = arith.constant 0 : i32
    %dma_start3A_461 = tpu.memref_slice %arg7[%dma_start3A_452, %dma_start3A_460] : memref<3x432xf32, #tpu.memory_space<vmem>> -> memref<1x416xf32, #tpu.memory_space<vmem>>
    %dma_start3A_462 = tpu.memref_squeeze %dma_start3A_461 : memref<1x416xf32, #tpu.memory_space<vmem>> -> memref<416xf32, #tpu.memory_space<vmem>>
    %dma_start3A_463 = tpu.memref_slice %arg2[%mul3A_451] : memref<212992xf32, #tpu.memory_space<hbm>> -> memref<416xf32, #tpu.memory_space<hbm>>
    tpu.enqueue_dma source(%dma_start3A_463 : memref<416xf32, #tpu.memory_space<hbm>>) target(%dma_start3A_462 : memref<416xf32, #tpu.memory_space<vmem>>) target_semaphore(%dma_start3A_459 : memref<!tpu.dma_semaphore, #tpu.memory_space<semaphore_mem>>)
    %add3A_464 = arith.constant 192 : i32
    %add3A_465 = arith.addi %mul3A_2, %add3A_464 : i32
    %mul3A_466 = arith.constant 13 : i32
    %mul3A_467 = arith.muli %add3A_465, %mul3A_466 : i32
    %dma_wait3A_468 = arith.constant 0 : i32
    %dma_wait3A_469 = arith.constant 0 : i32
    %dma_wait3A_470 = arith.constant 0 : i32
    %dma_wait3A_471 = tpu.memref_slice %arg7[%dma_wait3A_468, %dma_wait3A_470] : memref<3x432xf32, #tpu.memory_space<vmem>> -> memref<1x416xf32, #tpu.memory_space<vmem>>
    %dma_wait3A_472 = tpu.memref_squeeze %dma_wait3A_471 : memref<1x416xf32, #tpu.memory_space<vmem>> -> memref<416xf32, #tpu.memory_space<vmem>>
    %dma_wait3A_473 = tpu.memref_slice %arg2[%mul3A_467] : memref<212992xf32, #tpu.memory_space<hbm>> -> memref<416xf32, #tpu.memory_space<hbm>>
    %dma_wait3A_474 = tpu.memref_slice %arg11[%dma_wait3A_469] : memref<3x!tpu.dma_semaphore, #tpu.memory_space<semaphore_mem>> -> memref<1x!tpu.dma_semaphore, #tpu.memory_space<semaphore_mem>>
    %dma_wait3A_475 = tpu.memref_squeeze %dma_wait3A_474 : memref<1x!tpu.dma_semaphore, #tpu.memory_space<semaphore_mem>> -> memref<!tpu.dma_semaphore, #tpu.memory_space<semaphore_mem>>
    %dma_wait3A_476 = arith.constant 0 : i32
    %dma_wait3A_477 = tpu.memref_slice %arg7[%dma_wait3A_468, %dma_wait3A_476] : memref<3x432xf32, #tpu.memory_space<vmem>> -> memref<1x416xf32, #tpu.memory_space<vmem>>
    %dma_wait3A_478 = tpu.memref_squeeze %dma_wait3A_477 : memref<1x416xf32, #tpu.memory_space<vmem>> -> memref<416xf32, #tpu.memory_space<vmem>>
    %dma_wait3A_479 = tpu.memref_slice %arg2[%mul3A_467] : memref<212992xf32, #tpu.memory_space<hbm>> -> memref<416xf32, #tpu.memory_space<hbm>>
    tpu.wait_dma2 semaphore(%dma_wait3A_475 : memref<!tpu.dma_semaphore, #tpu.memory_space<semaphore_mem>>) src(%dma_wait3A_479 : memref<416xf32, #tpu.memory_space<hbm>>) dst(%dma_wait3A_478 : memref<416xf32, #tpu.memory_space<vmem>>)
    %scan3A_480 = arith.constant 0 : i32
    %scan3A_481 = arith.constant 0 : i32
    %scan3A_482 = arith.constant 26 : i32
    %scan3A_483 = arith.addi %scan3A_481, %scan3A_482 : i32
    %scan3A_484 = arith.constant 1 : i32
    %scan3A_485 = scf.for %scan3A_1360 = %scan3A_481 to %scan3A_483 step %scan3A_484 iter_args(%scan3A_1361 = %scan3A_480) -> (i32)  : i32 {
      %dma_start3A_1362 = arith.constant 0 : i32
      %dma_start3A_1363 = arith.constant 0 : i32
      %dma_start3A_1364 = arith.constant 0 : i32
      %dma_start3A_1365 = arith.constant 0 : i32
      %dma_start3A_1366 = tpu.memref_slice %arg8[%dma_start3A_1362, %scan3A_1360, %dma_start3A_1364, %dma_start3A_1365] : memref<2x26x32x32xf32, #tpu.memory_space<vmem>> -> memref<1x1x32x32xf32, #tpu.memory_space<vmem>>
      %dma_start3A_1367 = tpu.memref_squeeze %dma_start3A_1366 : memref<1x1x32x32xf32, #tpu.memory_space<vmem>> -> memref<32x32xf32, #tpu.memory_space<vmem>>
      %dma_start3A_1368 = arith.constant 192 : i32
      %dma_start3A_1369 = tpu.memref_slice %arg6[%scan3A_1360, %dma_start3A_1368] : memref<26x512xi32, #tpu.memory_space<vmem>> -> memref<1x32xi32, #tpu.memory_space<vmem>>
      %dma_start3A_1370 = tpu.memref_squeeze %dma_start3A_1369 : memref<1x32xi32, #tpu.memory_space<vmem>> -> memref<32xi32, #tpu.memory_space<vmem>>
      %dma_start3A_1371 = arith.constant 0 : i32
      %dma_start3A_1372 = arith.constant 0 : i32
      %dma_start3A_1373 = tpu.memref_slice %arg4[%scan3A_1360, %dma_start3A_1371, %dma_start3A_1372] : memref<26x100000x32xf32, #tpu.memory_space<hbm>> -> memref<1x100000x32xf32, #tpu.memory_space<hbm>>
      %dma_start3A_1374 = tpu.memref_squeeze %dma_start3A_1373 : memref<1x100000x32xf32, #tpu.memory_space<hbm>> -> memref<100000x32xf32, #tpu.memory_space<hbm>>
      %dma_start3A_1375 = arith.constant 0 : i32
      %dma_start3A_1376 = arith.constant 0 : i32
      %dma_start3A_1377 = tpu.memref_slice %dma_start3A_1374[%dma_start3A_1375, %dma_start3A_1376] : memref<100000x32xf32, #tpu.memory_space<hbm>> -> memref<100000x32xf32, #tpu.memory_space<hbm>>
      %dma_start3A_1378 = tpu.memref_slice %arg12[%dma_start3A_1363] : memref<2x!tpu.dma_semaphore, #tpu.memory_space<semaphore_mem>> -> memref<1x!tpu.dma_semaphore, #tpu.memory_space<semaphore_mem>>
      %dma_start3A_1379 = tpu.memref_squeeze %dma_start3A_1378 : memref<1x!tpu.dma_semaphore, #tpu.memory_space<semaphore_mem>> -> memref<!tpu.dma_semaphore, #tpu.memory_space<semaphore_mem>>
      tpu.enqueue_indirect_dma source(%dma_start3A_1377 : memref<100000x32xf32, #tpu.memory_space<hbm>>) target(%dma_start3A_1367 : memref<32x32xf32, #tpu.memory_space<vmem>>) offsets(%dma_start3A_1370 : memref<32xi32, #tpu.memory_space<vmem>>) semaphore(%dma_start3A_1379 : memref<!tpu.dma_semaphore, #tpu.memory_space<semaphore_mem>>)
      %scan3A_1380 = arith.constant 0 : i32
      scf.yield %scan3A_1380 : i32
    }
    %scan3A_486 = arith.constant 26 : i32
    %scan3A_487 = arith.constant 0 : i32
    %scan3A_488 = arith.constant 0 : i32
    %scan3A_489 = arith.constant 26 : i32
    %scan3A_490 = arith.addi %scan3A_488, %scan3A_489 : i32
    %scan3A_491 = arith.constant 1 : i32
    %scan3A_492 = scf.for %scan3A_1360 = %scan3A_488 to %scan3A_490 step %scan3A_491 iter_args(%scan3A_1361 = %scan3A_487) -> (i32)  : i32 {
      %dma_wait3A_1362 = arith.constant 1 : i32
      %dma_wait3A_1363 = arith.constant 1 : i32
      %dma_wait3A_1364 = arith.constant 0 : i32
      %dma_wait3A_1365 = arith.constant 0 : i32
      %dma_wait3A_1366 = tpu.memref_slice %arg8[%dma_wait3A_1362, %scan3A_1360, %dma_wait3A_1364, %dma_wait3A_1365] : memref<2x26x32x32xf32, #tpu.memory_space<vmem>> -> memref<1x1x32x32xf32, #tpu.memory_space<vmem>>
      %dma_wait3A_1367 = tpu.memref_squeeze %dma_wait3A_1366 : memref<1x1x32x32xf32, #tpu.memory_space<vmem>> -> memref<32x32xf32, #tpu.memory_space<vmem>>
      %dma_wait3A_1368 = arith.constant 160 : i32
      %dma_wait3A_1369 = tpu.memref_slice %arg6[%scan3A_1360, %dma_wait3A_1368] : memref<26x512xi32, #tpu.memory_space<vmem>> -> memref<1x32xi32, #tpu.memory_space<vmem>>
      %dma_wait3A_1370 = tpu.memref_squeeze %dma_wait3A_1369 : memref<1x32xi32, #tpu.memory_space<vmem>> -> memref<32xi32, #tpu.memory_space<vmem>>
      %dma_wait3A_1371 = arith.constant 0 : i32
      %dma_wait3A_1372 = arith.constant 0 : i32
      %dma_wait3A_1373 = tpu.memref_slice %arg4[%scan3A_1360, %dma_wait3A_1371, %dma_wait3A_1372] : memref<26x100000x32xf32, #tpu.memory_space<hbm>> -> memref<1x100000x32xf32, #tpu.memory_space<hbm>>
      %dma_wait3A_1374 = tpu.memref_squeeze %dma_wait3A_1373 : memref<1x100000x32xf32, #tpu.memory_space<hbm>> -> memref<100000x32xf32, #tpu.memory_space<hbm>>
      %dma_wait3A_1375 = arith.constant 0 : i32
      %dma_wait3A_1376 = arith.constant 0 : i32
      %dma_wait3A_1377 = tpu.memref_slice %dma_wait3A_1374[%dma_wait3A_1375, %dma_wait3A_1376] : memref<100000x32xf32, #tpu.memory_space<hbm>> -> memref<100000x32xf32, #tpu.memory_space<hbm>>
      %dma_wait3A_1378 = tpu.memref_slice %arg12[%dma_wait3A_1363] : memref<2x!tpu.dma_semaphore, #tpu.memory_space<semaphore_mem>> -> memref<1x!tpu.dma_semaphore, #tpu.memory_space<semaphore_mem>>
      %dma_wait3A_1379 = tpu.memref_squeeze %dma_wait3A_1378 : memref<1x!tpu.dma_semaphore, #tpu.memory_space<semaphore_mem>> -> memref<!tpu.dma_semaphore, #tpu.memory_space<semaphore_mem>>
      tpu.wait_indirect_dma semaphore(%dma_wait3A_1379 : memref<!tpu.dma_semaphore, #tpu.memory_space<semaphore_mem>>) src(%dma_wait3A_1377 : memref<100000x32xf32, #tpu.memory_space<hbm>>) dst(%dma_wait3A_1367 : memref<32x32xf32, #tpu.memory_space<vmem>>)
      %scan3A_1380 = arith.constant 0 : i32
      scf.yield %scan3A_1380 : i32
    }
    %scan3A_493 = arith.constant 26 : i32
    %add3A_494 = arith.constant 96 : i32
    %add3A_495 = arith.addi %mul3A_2, %add3A_494 : i32
    %mul3A_496 = arith.constant 845 : i32
    %mul3A_497 = arith.muli %add3A_495, %mul3A_496 : i32
    %dma_wait3A_498 = arith.constant 1 : i32
    %dma_wait3A_499 = arith.constant 1 : i32
    %dma_wait3A_500 = arith.constant 0 : i32
    %dma_wait3A_501 = tpu.memref_slice %arg9[%dma_wait3A_498, %dma_wait3A_500] : memref<2x27040xf32, #tpu.memory_space<vmem>> -> memref<1x27040xf32, #tpu.memory_space<vmem>>
    %dma_wait3A_502 = tpu.memref_squeeze %dma_wait3A_501 : memref<1x27040xf32, #tpu.memory_space<vmem>> -> memref<27040xf32, #tpu.memory_space<vmem>>
    %dma_wait3A_503 = tpu.memref_slice %arg5[%mul3A_497] : memref<13844480xf32, #tpu.memory_space<hbm>> -> memref<27040xf32, #tpu.memory_space<hbm>>
    %dma_wait3A_504 = tpu.memref_slice %arg13[%dma_wait3A_499] : memref<2x!tpu.dma_semaphore, #tpu.memory_space<semaphore_mem>> -> memref<1x!tpu.dma_semaphore, #tpu.memory_space<semaphore_mem>>
    %dma_wait3A_505 = tpu.memref_squeeze %dma_wait3A_504 : memref<1x!tpu.dma_semaphore, #tpu.memory_space<semaphore_mem>> -> memref<!tpu.dma_semaphore, #tpu.memory_space<semaphore_mem>>
    %dma_wait3A_506 = tpu.memref_slice %arg5[%mul3A_497] : memref<13844480xf32, #tpu.memory_space<hbm>> -> memref<27040xf32, #tpu.memory_space<hbm>>
    %dma_wait3A_507 = arith.constant 0 : i32
    %dma_wait3A_508 = tpu.memref_slice %arg9[%dma_wait3A_498, %dma_wait3A_507] : memref<2x27040xf32, #tpu.memory_space<vmem>> -> memref<1x27040xf32, #tpu.memory_space<vmem>>
    %dma_wait3A_509 = tpu.memref_squeeze %dma_wait3A_508 : memref<1x27040xf32, #tpu.memory_space<vmem>> -> memref<27040xf32, #tpu.memory_space<vmem>>
    tpu.wait_dma2 semaphore(%dma_wait3A_505 : memref<!tpu.dma_semaphore, #tpu.memory_space<semaphore_mem>>) src(%dma_wait3A_509 : memref<27040xf32, #tpu.memory_space<vmem>>) dst(%dma_wait3A_506 : memref<27040xf32, #tpu.memory_space<hbm>>)
    %scan3A_510 = arith.constant 0 : i32
    %scan3A_511 = arith.constant 0 : i32
    %scan3A_512 = arith.constant 32 : i32
    %scan3A_513 = arith.addi %scan3A_511, %scan3A_512 : i32
    %scan3A_514 = arith.constant 1 : i32
    %scan3A_515 = scf.for %scan3A_1360 = %scan3A_511 to %scan3A_513 step %scan3A_514 iter_args(%scan3A_1361 = %scan3A_510) -> (i32)  : i32 {
      %mul3A_1362 = arith.constant 13 : i32
      %mul3A_1363 = arith.muli %scan3A_1360, %mul3A_1362 : i32
      %get3A = arith.constant 2 : i32
      %get3A_1364 = arith.index_cast %get3A : i32 to index
      %get3A_1365 = arith.index_cast %mul3A_1363 : i32 to index
      %get3A_1366 = tpu.vector_load %arg7[%get3A_1364, %get3A_1365] {strides = array<i32>} : memref<3x432xf32, #tpu.memory_space<vmem>>, vector<1x16xf32>,
      %get3A_1367 = vector.shape_cast %get3A_1366 : vector<1x16xf32> to vector<16xf32>
      %mul3A_1368 = arith.constant 845 : i32
      %mul3A_1369 = arith.muli %scan3A_1360, %mul3A_1368 : i32
      %swap3A = arith.constant 1 : i32
      %swap3A_1370 = arith.index_cast %swap3A : i32 to index
      %swap3A_1371 = arith.index_cast %mul3A_1369 : i32 to index
      %swap3A_1372 = tpu.vector_load %arg9[%swap3A_1370, %swap3A_1371] {strides = array<i32>} : memref<2x27040xf32, #tpu.memory_space<vmem>>, vector<1x16xf32>,
      %swap3A_1373 = vector.shape_cast %swap3A_1372 : vector<1x16xf32> to vector<16xf32>
      %swap3A_1374 = vector.shape_cast %get3A_1367 : vector<16xf32> to vector<1x16xf32>
      tpu.vector_store %arg9[%swap3A_1370, %swap3A_1371], %swap3A_1374 {strides = array<i32>} : memref<2x27040xf32, #tpu.memory_space<vmem>>, vector<1x16xf32>,
      %scan3A_1375 = arith.constant 0 : i32
      %scan3A_1376 = arith.constant 0 : i32
      %scan3A_1377 = arith.constant 26 : i32
      %scan3A_1378 = arith.addi %scan3A_1376, %scan3A_1377 : i32
      %scan3A_1379 = arith.constant 1 : i32
      %scan3A_1380 = scf.for %scan3A_1382 = %scan3A_1376 to %scan3A_1378 step %scan3A_1379 iter_args(%scan3A_1383 = %scan3A_1375) -> (i32)  : i32 {
        %mul3A_1384 = arith.constant 845 : i32
        %mul3A_1385 = arith.muli %scan3A_1360, %mul3A_1384 : i32
        %add3A_1386 = arith.constant 13 : i32
        %add3A_1387 = arith.addi %mul3A_1385, %add3A_1386 : i32
        %mul3A_1388 = arith.constant 32 : i32
        %mul3A_1389 = arith.muli %scan3A_1382, %mul3A_1388 : i32
        %add3A_1390 = arith.addi %add3A_1387, %mul3A_1389 : i32
        %get3A_1391 = arith.constant 1 : i32
        %get3A_1392 = arith.index_cast %get3A_1391 : i32 to index
        %get3A_1393 = arith.index_cast %scan3A_1382 : i32 to index
        %get3A_1394 = arith.index_cast %scan3A_1360 : i32 to index
        %get3A_1395 = arith.constant 0 : index
        %get3A_1396 = tpu.vector_load %arg8[%get3A_1392, %get3A_1393, %get3A_1394, %get3A_1395] {strides = array<i32>} : memref<2x26x32x32xf32, #tpu.memory_space<vmem>>, vector<1x1x1x16xf32>,
        %get3A_1397 = vector.shape_cast %get3A_1396 : vector<1x1x1x16xf32> to vector<16xf32>
        %swap3A_1398 = arith.constant 1 : i32
        %swap3A_1399 = arith.index_cast %swap3A_1398 : i32 to index
        %swap3A_1400 = arith.index_cast %add3A_1390 : i32 to index
        %swap3A_1401 = tpu.vector_load %arg9[%swap3A_1399, %swap3A_1400] {strides = array<i32>} : memref<2x27040xf32, #tpu.memory_space<vmem>>, vector<1x16xf32>,
        %swap3A_1402 = vector.shape_cast %swap3A_1401 : vector<1x16xf32> to vector<16xf32>
        %swap3A_1403 = vector.shape_cast %get3A_1397 : vector<16xf32> to vector<1x16xf32>
        tpu.vector_store %arg9[%swap3A_1399, %swap3A_1400], %swap3A_1403 {strides = array<i32>} : memref<2x27040xf32, #tpu.memory_space<vmem>>, vector<1x16xf32>,
        %get3A_1404 = arith.constant 1 : i32
        %get3A_1405 = arith.index_cast %get3A_1404 : i32 to index
        %get3A_1406 = arith.index_cast %scan3A_1382 : i32 to index
        %get3A_1407 = arith.index_cast %scan3A_1360 : i32 to index
        %get3A_1408 = arith.constant 16 : index
        %get3A_1409 = tpu.vector_load %arg8[%get3A_1405, %get3A_1406, %get3A_1407, %get3A_1408] {strides = array<i32>} : memref<2x26x32x32xf32, #tpu.memory_space<vmem>>, vector<1x1x1x16xf32>,
        %get3A_1410 = vector.shape_cast %get3A_1409 : vector<1x1x1x16xf32> to vector<16xf32>
        %add3A_1411 = arith.constant 16 : i32
        %add3A_1412 = arith.addi %add3A_1390, %add3A_1411 : i32
        %swap3A_1413 = arith.constant 1 : i32
        %swap3A_1414 = arith.index_cast %swap3A_1413 : i32 to index
        %swap3A_1415 = arith.index_cast %add3A_1412 : i32 to index
        %swap3A_1416 = tpu.vector_load %arg9[%swap3A_1414, %swap3A_1415] {strides = array<i32>} : memref<2x27040xf32, #tpu.memory_space<vmem>>, vector<1x16xf32>,
        %swap3A_1417 = vector.shape_cast %swap3A_1416 : vector<1x16xf32> to vector<16xf32>
        %swap3A_1418 = vector.shape_cast %get3A_1410 : vector<16xf32> to vector<1x16xf32>
        tpu.vector_store %arg9[%swap3A_1414, %swap3A_1415], %swap3A_1418 {strides = array<i32>} : memref<2x27040xf32, #tpu.memory_space<vmem>>, vector<1x16xf32>,
        %scan3A_1419 = arith.constant 0 : i32
        scf.yield %scan3A_1419 : i32
      }
      %scan3A_1381 = arith.constant 26 : i32
      scf.yield %scan3A_1380 : i32
    }
    %scan3A_516 = arith.constant 32 : i32
    %add3A_517 = arith.constant 160 : i32
    %add3A_518 = arith.addi %mul3A_2, %add3A_517 : i32
    %mul3A_519 = arith.constant 845 : i32
    %mul3A_520 = arith.muli %add3A_518, %mul3A_519 : i32
    %dma_start3A_521 = arith.constant 1 : i32
    %dma_start3A_522 = arith.constant 1 : i32
    %dma_start3A_523 = arith.constant 0 : i32
    %dma_start3A_524 = tpu.memref_slice %arg9[%dma_start3A_521, %dma_start3A_523] : memref<2x27040xf32, #tpu.memory_space<vmem>> -> memref<1x27040xf32, #tpu.memory_space<vmem>>
    %dma_start3A_525 = tpu.memref_squeeze %dma_start3A_524 : memref<1x27040xf32, #tpu.memory_space<vmem>> -> memref<27040xf32, #tpu.memory_space<vmem>>
    %dma_start3A_526 = tpu.memref_slice %arg5[%mul3A_520] : memref<13844480xf32, #tpu.memory_space<hbm>> -> memref<27040xf32, #tpu.memory_space<hbm>>
    %dma_start3A_527 = tpu.memref_slice %arg13[%dma_start3A_522] : memref<2x!tpu.dma_semaphore, #tpu.memory_space<semaphore_mem>> -> memref<1x!tpu.dma_semaphore, #tpu.memory_space<semaphore_mem>>
    %dma_start3A_528 = tpu.memref_squeeze %dma_start3A_527 : memref<1x!tpu.dma_semaphore, #tpu.memory_space<semaphore_mem>> -> memref<!tpu.dma_semaphore, #tpu.memory_space<semaphore_mem>>
    %dma_start3A_529 = tpu.memref_slice %arg5[%mul3A_520] : memref<13844480xf32, #tpu.memory_space<hbm>> -> memref<27040xf32, #tpu.memory_space<hbm>>
    %dma_start3A_530 = arith.constant 0 : i32
    %dma_start3A_531 = tpu.memref_slice %arg9[%dma_start3A_521, %dma_start3A_530] : memref<2x27040xf32, #tpu.memory_space<vmem>> -> memref<1x27040xf32, #tpu.memory_space<vmem>>
    %dma_start3A_532 = tpu.memref_squeeze %dma_start3A_531 : memref<1x27040xf32, #tpu.memory_space<vmem>> -> memref<27040xf32, #tpu.memory_space<vmem>>
    tpu.enqueue_dma source(%dma_start3A_532 : memref<27040xf32, #tpu.memory_space<vmem>>) target(%dma_start3A_529 : memref<27040xf32, #tpu.memory_space<hbm>>) target_semaphore(%dma_start3A_528 : memref<!tpu.dma_semaphore, #tpu.memory_space<semaphore_mem>>)
    %add3A_533 = arith.constant 256 : i32
    %add3A_534 = arith.addi %mul3A_2, %add3A_533 : i32
    %mul3A_535 = arith.constant 13 : i32
    %mul3A_536 = arith.muli %add3A_534, %mul3A_535 : i32
    %dma_start3A_537 = arith.constant 2 : i32
    %dma_start3A_538 = arith.constant 2 : i32
    %dma_start3A_539 = arith.constant 0 : i32
    %dma_start3A_540 = tpu.memref_slice %arg7[%dma_start3A_537, %dma_start3A_539] : memref<3x432xf32, #tpu.memory_space<vmem>> -> memref<1x416xf32, #tpu.memory_space<vmem>>
    %dma_start3A_541 = tpu.memref_squeeze %dma_start3A_540 : memref<1x416xf32, #tpu.memory_space<vmem>> -> memref<416xf32, #tpu.memory_space<vmem>>
    %dma_start3A_542 = tpu.memref_slice %arg2[%mul3A_536] : memref<212992xf32, #tpu.memory_space<hbm>> -> memref<416xf32, #tpu.memory_space<hbm>>
    %dma_start3A_543 = tpu.memref_slice %arg11[%dma_start3A_538] : memref<3x!tpu.dma_semaphore, #tpu.memory_space<semaphore_mem>> -> memref<1x!tpu.dma_semaphore, #tpu.memory_space<semaphore_mem>>
    %dma_start3A_544 = tpu.memref_squeeze %dma_start3A_543 : memref<1x!tpu.dma_semaphore, #tpu.memory_space<semaphore_mem>> -> memref<!tpu.dma_semaphore, #tpu.memory_space<semaphore_mem>>
    %dma_start3A_545 = arith.constant 0 : i32
    %dma_start3A_546 = tpu.memref_slice %arg7[%dma_start3A_537, %dma_start3A_545] : memref<3x432xf32, #tpu.memory_space<vmem>> -> memref<1x416xf32, #tpu.memory_space<vmem>>
    %dma_start3A_547 = tpu.memref_squeeze %dma_start3A_546 : memref<1x416xf32, #tpu.memory_space<vmem>> -> memref<416xf32, #tpu.memory_space<vmem>>
    %dma_start3A_548 = tpu.memref_slice %arg2[%mul3A_536] : memref<212992xf32, #tpu.memory_space<hbm>> -> memref<416xf32, #tpu.memory_space<hbm>>
    tpu.enqueue_dma source(%dma_start3A_548 : memref<416xf32, #tpu.memory_space<hbm>>) target(%dma_start3A_547 : memref<416xf32, #tpu.memory_space<vmem>>) target_semaphore(%dma_start3A_544 : memref<!tpu.dma_semaphore, #tpu.memory_space<semaphore_mem>>)
    %add3A_549 = arith.constant 224 : i32
    %add3A_550 = arith.addi %mul3A_2, %add3A_549 : i32
    %mul3A_551 = arith.constant 13 : i32
    %mul3A_552 = arith.muli %add3A_550, %mul3A_551 : i32
    %dma_wait3A_553 = arith.constant 1 : i32
    %dma_wait3A_554 = arith.constant 1 : i32
    %dma_wait3A_555 = arith.constant 0 : i32
    %dma_wait3A_556 = tpu.memref_slice %arg7[%dma_wait3A_553, %dma_wait3A_555] : memref<3x432xf32, #tpu.memory_space<vmem>> -> memref<1x416xf32, #tpu.memory_space<vmem>>
    %dma_wait3A_557 = tpu.memref_squeeze %dma_wait3A_556 : memref<1x416xf32, #tpu.memory_space<vmem>> -> memref<416xf32, #tpu.memory_space<vmem>>
    %dma_wait3A_558 = tpu.memref_slice %arg2[%mul3A_552] : memref<212992xf32, #tpu.memory_space<hbm>> -> memref<416xf32, #tpu.memory_space<hbm>>
    %dma_wait3A_559 = tpu.memref_slice %arg11[%dma_wait3A_554] : memref<3x!tpu.dma_semaphore, #tpu.memory_space<semaphore_mem>> -> memref<1x!tpu.dma_semaphore, #tpu.memory_space<semaphore_mem>>
    %dma_wait3A_560 = tpu.memref_squeeze %dma_wait3A_559 : memref<1x!tpu.dma_semaphore, #tpu.memory_space<semaphore_mem>> -> memref<!tpu.dma_semaphore, #tpu.memory_space<semaphore_mem>>
    %dma_wait3A_561 = arith.constant 0 : i32
    %dma_wait3A_562 = tpu.memref_slice %arg7[%dma_wait3A_553, %dma_wait3A_561] : memref<3x432xf32, #tpu.memory_space<vmem>> -> memref<1x416xf32, #tpu.memory_space<vmem>>
    %dma_wait3A_563 = tpu.memref_squeeze %dma_wait3A_562 : memref<1x416xf32, #tpu.memory_space<vmem>> -> memref<416xf32, #tpu.memory_space<vmem>>
    %dma_wait3A_564 = tpu.memref_slice %arg2[%mul3A_552] : memref<212992xf32, #tpu.memory_space<hbm>> -> memref<416xf32, #tpu.memory_space<hbm>>
    tpu.wait_dma2 semaphore(%dma_wait3A_560 : memref<!tpu.dma_semaphore, #tpu.memory_space<semaphore_mem>>) src(%dma_wait3A_564 : memref<416xf32, #tpu.memory_space<hbm>>) dst(%dma_wait3A_563 : memref<416xf32, #tpu.memory_space<vmem>>)
    %scan3A_565 = arith.constant 0 : i32
    %scan3A_566 = arith.constant 0 : i32
    %scan3A_567 = arith.constant 26 : i32
    %scan3A_568 = arith.addi %scan3A_566, %scan3A_567 : i32
    %scan3A_569 = arith.constant 1 : i32
    %scan3A_570 = scf.for %scan3A_1360 = %scan3A_566 to %scan3A_568 step %scan3A_569 iter_args(%scan3A_1361 = %scan3A_565) -> (i32)  : i32 {
      %dma_start3A_1362 = arith.constant 1 : i32
      %dma_start3A_1363 = arith.constant 1 : i32
      %dma_start3A_1364 = arith.constant 0 : i32
      %dma_start3A_1365 = arith.constant 0 : i32
      %dma_start3A_1366 = tpu.memref_slice %arg8[%dma_start3A_1362, %scan3A_1360, %dma_start3A_1364, %dma_start3A_1365] : memref<2x26x32x32xf32, #tpu.memory_space<vmem>> -> memref<1x1x32x32xf32, #tpu.memory_space<vmem>>
      %dma_start3A_1367 = tpu.memref_squeeze %dma_start3A_1366 : memref<1x1x32x32xf32, #tpu.memory_space<vmem>> -> memref<32x32xf32, #tpu.memory_space<vmem>>
      %dma_start3A_1368 = arith.constant 224 : i32
      %dma_start3A_1369 = tpu.memref_slice %arg6[%scan3A_1360, %dma_start3A_1368] : memref<26x512xi32, #tpu.memory_space<vmem>> -> memref<1x32xi32, #tpu.memory_space<vmem>>
      %dma_start3A_1370 = tpu.memref_squeeze %dma_start3A_1369 : memref<1x32xi32, #tpu.memory_space<vmem>> -> memref<32xi32, #tpu.memory_space<vmem>>
      %dma_start3A_1371 = arith.constant 0 : i32
      %dma_start3A_1372 = arith.constant 0 : i32
      %dma_start3A_1373 = tpu.memref_slice %arg4[%scan3A_1360, %dma_start3A_1371, %dma_start3A_1372] : memref<26x100000x32xf32, #tpu.memory_space<hbm>> -> memref<1x100000x32xf32, #tpu.memory_space<hbm>>
      %dma_start3A_1374 = tpu.memref_squeeze %dma_start3A_1373 : memref<1x100000x32xf32, #tpu.memory_space<hbm>> -> memref<100000x32xf32, #tpu.memory_space<hbm>>
      %dma_start3A_1375 = arith.constant 0 : i32
      %dma_start3A_1376 = arith.constant 0 : i32
      %dma_start3A_1377 = tpu.memref_slice %dma_start3A_1374[%dma_start3A_1375, %dma_start3A_1376] : memref<100000x32xf32, #tpu.memory_space<hbm>> -> memref<100000x32xf32, #tpu.memory_space<hbm>>
      %dma_start3A_1378 = tpu.memref_slice %arg12[%dma_start3A_1363] : memref<2x!tpu.dma_semaphore, #tpu.memory_space<semaphore_mem>> -> memref<1x!tpu.dma_semaphore, #tpu.memory_space<semaphore_mem>>
      %dma_start3A_1379 = tpu.memref_squeeze %dma_start3A_1378 : memref<1x!tpu.dma_semaphore, #tpu.memory_space<semaphore_mem>> -> memref<!tpu.dma_semaphore, #tpu.memory_space<semaphore_mem>>
      tpu.enqueue_indirect_dma source(%dma_start3A_1377 : memref<100000x32xf32, #tpu.memory_space<hbm>>) target(%dma_start3A_1367 : memref<32x32xf32, #tpu.memory_space<vmem>>) offsets(%dma_start3A_1370 : memref<32xi32, #tpu.memory_space<vmem>>) semaphore(%dma_start3A_1379 : memref<!tpu.dma_semaphore, #tpu.memory_space<semaphore_mem>>)
      %scan3A_1380 = arith.constant 0 : i32
      scf.yield %scan3A_1380 : i32
    }
    %scan3A_571 = arith.constant 26 : i32
    %scan3A_572 = arith.constant 0 : i32
    %scan3A_573 = arith.constant 0 : i32
    %scan3A_574 = arith.constant 26 : i32
    %scan3A_575 = arith.addi %scan3A_573, %scan3A_574 : i32
    %scan3A_576 = arith.constant 1 : i32
    %scan3A_577 = scf.for %scan3A_1360 = %scan3A_573 to %scan3A_575 step %scan3A_576 iter_args(%scan3A_1361 = %scan3A_572) -> (i32)  : i32 {
      %dma_wait3A_1362 = arith.constant 0 : i32
      %dma_wait3A_1363 = arith.constant 0 : i32
      %dma_wait3A_1364 = arith.constant 0 : i32
      %dma_wait3A_1365 = arith.constant 0 : i32
      %dma_wait3A_1366 = tpu.memref_slice %arg8[%dma_wait3A_1362, %scan3A_1360, %dma_wait3A_1364, %dma_wait3A_1365] : memref<2x26x32x32xf32, #tpu.memory_space<vmem>> -> memref<1x1x32x32xf32, #tpu.memory_space<vmem>>
      %dma_wait3A_1367 = tpu.memref_squeeze %dma_wait3A_1366 : memref<1x1x32x32xf32, #tpu.memory_space<vmem>> -> memref<32x32xf32, #tpu.memory_space<vmem>>
      %dma_wait3A_1368 = arith.constant 192 : i32
      %dma_wait3A_1369 = tpu.memref_slice %arg6[%scan3A_1360, %dma_wait3A_1368] : memref<26x512xi32, #tpu.memory_space<vmem>> -> memref<1x32xi32, #tpu.memory_space<vmem>>
      %dma_wait3A_1370 = tpu.memref_squeeze %dma_wait3A_1369 : memref<1x32xi32, #tpu.memory_space<vmem>> -> memref<32xi32, #tpu.memory_space<vmem>>
      %dma_wait3A_1371 = arith.constant 0 : i32
      %dma_wait3A_1372 = arith.constant 0 : i32
      %dma_wait3A_1373 = tpu.memref_slice %arg4[%scan3A_1360, %dma_wait3A_1371, %dma_wait3A_1372] : memref<26x100000x32xf32, #tpu.memory_space<hbm>> -> memref<1x100000x32xf32, #tpu.memory_space<hbm>>
      %dma_wait3A_1374 = tpu.memref_squeeze %dma_wait3A_1373 : memref<1x100000x32xf32, #tpu.memory_space<hbm>> -> memref<100000x32xf32, #tpu.memory_space<hbm>>
      %dma_wait3A_1375 = arith.constant 0 : i32
      %dma_wait3A_1376 = arith.constant 0 : i32
      %dma_wait3A_1377 = tpu.memref_slice %dma_wait3A_1374[%dma_wait3A_1375, %dma_wait3A_1376] : memref<100000x32xf32, #tpu.memory_space<hbm>> -> memref<100000x32xf32, #tpu.memory_space<hbm>>
      %dma_wait3A_1378 = tpu.memref_slice %arg12[%dma_wait3A_1363] : memref<2x!tpu.dma_semaphore, #tpu.memory_space<semaphore_mem>> -> memref<1x!tpu.dma_semaphore, #tpu.memory_space<semaphore_mem>>
      %dma_wait3A_1379 = tpu.memref_squeeze %dma_wait3A_1378 : memref<1x!tpu.dma_semaphore, #tpu.memory_space<semaphore_mem>> -> memref<!tpu.dma_semaphore, #tpu.memory_space<semaphore_mem>>
      tpu.wait_indirect_dma semaphore(%dma_wait3A_1379 : memref<!tpu.dma_semaphore, #tpu.memory_space<semaphore_mem>>) src(%dma_wait3A_1377 : memref<100000x32xf32, #tpu.memory_space<hbm>>) dst(%dma_wait3A_1367 : memref<32x32xf32, #tpu.memory_space<vmem>>)
      %scan3A_1380 = arith.constant 0 : i32
      scf.yield %scan3A_1380 : i32
    }
    %scan3A_578 = arith.constant 26 : i32
    %add3A_579 = arith.constant 128 : i32
    %add3A_580 = arith.addi %mul3A_2, %add3A_579 : i32
    %mul3A_581 = arith.constant 845 : i32
    %mul3A_582 = arith.muli %add3A_580, %mul3A_581 : i32
    %dma_wait3A_583 = arith.constant 0 : i32
    %dma_wait3A_584 = arith.constant 0 : i32
    %dma_wait3A_585 = arith.constant 0 : i32
    %dma_wait3A_586 = tpu.memref_slice %arg9[%dma_wait3A_583, %dma_wait3A_585] : memref<2x27040xf32, #tpu.memory_space<vmem>> -> memref<1x27040xf32, #tpu.memory_space<vmem>>
    %dma_wait3A_587 = tpu.memref_squeeze %dma_wait3A_586 : memref<1x27040xf32, #tpu.memory_space<vmem>> -> memref<27040xf32, #tpu.memory_space<vmem>>
    %dma_wait3A_588 = tpu.memref_slice %arg5[%mul3A_582] : memref<13844480xf32, #tpu.memory_space<hbm>> -> memref<27040xf32, #tpu.memory_space<hbm>>
    %dma_wait3A_589 = tpu.memref_slice %arg13[%dma_wait3A_584] : memref<2x!tpu.dma_semaphore, #tpu.memory_space<semaphore_mem>> -> memref<1x!tpu.dma_semaphore, #tpu.memory_space<semaphore_mem>>
    %dma_wait3A_590 = tpu.memref_squeeze %dma_wait3A_589 : memref<1x!tpu.dma_semaphore, #tpu.memory_space<semaphore_mem>> -> memref<!tpu.dma_semaphore, #tpu.memory_space<semaphore_mem>>
    %dma_wait3A_591 = tpu.memref_slice %arg5[%mul3A_582] : memref<13844480xf32, #tpu.memory_space<hbm>> -> memref<27040xf32, #tpu.memory_space<hbm>>
    %dma_wait3A_592 = arith.constant 0 : i32
    %dma_wait3A_593 = tpu.memref_slice %arg9[%dma_wait3A_583, %dma_wait3A_592] : memref<2x27040xf32, #tpu.memory_space<vmem>> -> memref<1x27040xf32, #tpu.memory_space<vmem>>
    %dma_wait3A_594 = tpu.memref_squeeze %dma_wait3A_593 : memref<1x27040xf32, #tpu.memory_space<vmem>> -> memref<27040xf32, #tpu.memory_space<vmem>>
    tpu.wait_dma2 semaphore(%dma_wait3A_590 : memref<!tpu.dma_semaphore, #tpu.memory_space<semaphore_mem>>) src(%dma_wait3A_594 : memref<27040xf32, #tpu.memory_space<vmem>>) dst(%dma_wait3A_591 : memref<27040xf32, #tpu.memory_space<hbm>>)
    %scan3A_595 = arith.constant 0 : i32
    %scan3A_596 = arith.constant 0 : i32
    %scan3A_597 = arith.constant 32 : i32
    %scan3A_598 = arith.addi %scan3A_596, %scan3A_597 : i32
    %scan3A_599 = arith.constant 1 : i32
    %scan3A_600 = scf.for %scan3A_1360 = %scan3A_596 to %scan3A_598 step %scan3A_599 iter_args(%scan3A_1361 = %scan3A_595) -> (i32)  : i32 {
      %mul3A_1362 = arith.constant 13 : i32
      %mul3A_1363 = arith.muli %scan3A_1360, %mul3A_1362 : i32
      %get3A = arith.constant 0 : i32
      %get3A_1364 = arith.index_cast %get3A : i32 to index
      %get3A_1365 = arith.index_cast %mul3A_1363 : i32 to index
      %get3A_1366 = tpu.vector_load %arg7[%get3A_1364, %get3A_1365] {strides = array<i32>} : memref<3x432xf32, #tpu.memory_space<vmem>>, vector<1x16xf32>,
      %get3A_1367 = vector.shape_cast %get3A_1366 : vector<1x16xf32> to vector<16xf32>
      %mul3A_1368 = arith.constant 845 : i32
      %mul3A_1369 = arith.muli %scan3A_1360, %mul3A_1368 : i32
      %swap3A = arith.constant 0 : i32
      %swap3A_1370 = arith.index_cast %swap3A : i32 to index
      %swap3A_1371 = arith.index_cast %mul3A_1369 : i32 to index
      %swap3A_1372 = tpu.vector_load %arg9[%swap3A_1370, %swap3A_1371] {strides = array<i32>} : memref<2x27040xf32, #tpu.memory_space<vmem>>, vector<1x16xf32>,
      %swap3A_1373 = vector.shape_cast %swap3A_1372 : vector<1x16xf32> to vector<16xf32>
      %swap3A_1374 = vector.shape_cast %get3A_1367 : vector<16xf32> to vector<1x16xf32>
      tpu.vector_store %arg9[%swap3A_1370, %swap3A_1371], %swap3A_1374 {strides = array<i32>} : memref<2x27040xf32, #tpu.memory_space<vmem>>, vector<1x16xf32>,
      %scan3A_1375 = arith.constant 0 : i32
      %scan3A_1376 = arith.constant 0 : i32
      %scan3A_1377 = arith.constant 26 : i32
      %scan3A_1378 = arith.addi %scan3A_1376, %scan3A_1377 : i32
      %scan3A_1379 = arith.constant 1 : i32
      %scan3A_1380 = scf.for %scan3A_1382 = %scan3A_1376 to %scan3A_1378 step %scan3A_1379 iter_args(%scan3A_1383 = %scan3A_1375) -> (i32)  : i32 {
        %mul3A_1384 = arith.constant 845 : i32
        %mul3A_1385 = arith.muli %scan3A_1360, %mul3A_1384 : i32
        %add3A_1386 = arith.constant 13 : i32
        %add3A_1387 = arith.addi %mul3A_1385, %add3A_1386 : i32
        %mul3A_1388 = arith.constant 32 : i32
        %mul3A_1389 = arith.muli %scan3A_1382, %mul3A_1388 : i32
        %add3A_1390 = arith.addi %add3A_1387, %mul3A_1389 : i32
        %get3A_1391 = arith.constant 0 : i32
        %get3A_1392 = arith.index_cast %get3A_1391 : i32 to index
        %get3A_1393 = arith.index_cast %scan3A_1382 : i32 to index
        %get3A_1394 = arith.index_cast %scan3A_1360 : i32 to index
        %get3A_1395 = arith.constant 0 : index
        %get3A_1396 = tpu.vector_load %arg8[%get3A_1392, %get3A_1393, %get3A_1394, %get3A_1395] {strides = array<i32>} : memref<2x26x32x32xf32, #tpu.memory_space<vmem>>, vector<1x1x1x16xf32>,
        %get3A_1397 = vector.shape_cast %get3A_1396 : vector<1x1x1x16xf32> to vector<16xf32>
        %swap3A_1398 = arith.constant 0 : i32
        %swap3A_1399 = arith.index_cast %swap3A_1398 : i32 to index
        %swap3A_1400 = arith.index_cast %add3A_1390 : i32 to index
        %swap3A_1401 = tpu.vector_load %arg9[%swap3A_1399, %swap3A_1400] {strides = array<i32>} : memref<2x27040xf32, #tpu.memory_space<vmem>>, vector<1x16xf32>,
        %swap3A_1402 = vector.shape_cast %swap3A_1401 : vector<1x16xf32> to vector<16xf32>
        %swap3A_1403 = vector.shape_cast %get3A_1397 : vector<16xf32> to vector<1x16xf32>
        tpu.vector_store %arg9[%swap3A_1399, %swap3A_1400], %swap3A_1403 {strides = array<i32>} : memref<2x27040xf32, #tpu.memory_space<vmem>>, vector<1x16xf32>,
        %get3A_1404 = arith.constant 0 : i32
        %get3A_1405 = arith.index_cast %get3A_1404 : i32 to index
        %get3A_1406 = arith.index_cast %scan3A_1382 : i32 to index
        %get3A_1407 = arith.index_cast %scan3A_1360 : i32 to index
        %get3A_1408 = arith.constant 16 : index
        %get3A_1409 = tpu.vector_load %arg8[%get3A_1405, %get3A_1406, %get3A_1407, %get3A_1408] {strides = array<i32>} : memref<2x26x32x32xf32, #tpu.memory_space<vmem>>, vector<1x1x1x16xf32>,
        %get3A_1410 = vector.shape_cast %get3A_1409 : vector<1x1x1x16xf32> to vector<16xf32>
        %add3A_1411 = arith.constant 16 : i32
        %add3A_1412 = arith.addi %add3A_1390, %add3A_1411 : i32
        %swap3A_1413 = arith.constant 0 : i32
        %swap3A_1414 = arith.index_cast %swap3A_1413 : i32 to index
        %swap3A_1415 = arith.index_cast %add3A_1412 : i32 to index
        %swap3A_1416 = tpu.vector_load %arg9[%swap3A_1414, %swap3A_1415] {strides = array<i32>} : memref<2x27040xf32, #tpu.memory_space<vmem>>, vector<1x16xf32>,
        %swap3A_1417 = vector.shape_cast %swap3A_1416 : vector<1x16xf32> to vector<16xf32>
        %swap3A_1418 = vector.shape_cast %get3A_1410 : vector<16xf32> to vector<1x16xf32>
        tpu.vector_store %arg9[%swap3A_1414, %swap3A_1415], %swap3A_1418 {strides = array<i32>} : memref<2x27040xf32, #tpu.memory_space<vmem>>, vector<1x16xf32>,
        %scan3A_1419 = arith.constant 0 : i32
        scf.yield %scan3A_1419 : i32
      }
      %scan3A_1381 = arith.constant 26 : i32
      scf.yield %scan3A_1380 : i32
    }
    %scan3A_601 = arith.constant 32 : i32
    %add3A_602 = arith.constant 192 : i32
    %add3A_603 = arith.addi %mul3A_2, %add3A_602 : i32
    %mul3A_604 = arith.constant 845 : i32
    %mul3A_605 = arith.muli %add3A_603, %mul3A_604 : i32
    %dma_start3A_606 = arith.constant 0 : i32
    %dma_start3A_607 = arith.constant 0 : i32
    %dma_start3A_608 = arith.constant 0 : i32
    %dma_start3A_609 = tpu.memref_slice %arg9[%dma_start3A_606, %dma_start3A_608] : memref<2x27040xf32, #tpu.memory_space<vmem>> -> memref<1x27040xf32, #tpu.memory_space<vmem>>
    %dma_start3A_610 = tpu.memref_squeeze %dma_start3A_609 : memref<1x27040xf32, #tpu.memory_space<vmem>> -> memref<27040xf32, #tpu.memory_space<vmem>>
    %dma_start3A_611 = tpu.memref_slice %arg5[%mul3A_605] : memref<13844480xf32, #tpu.memory_space<hbm>> -> memref<27040xf32, #tpu.memory_space<hbm>>
    %dma_start3A_612 = tpu.memref_slice %arg13[%dma_start3A_607] : memref<2x!tpu.dma_semaphore, #tpu.memory_space<semaphore_mem>> -> memref<1x!tpu.dma_semaphore, #tpu.memory_space<semaphore_mem>>
    %dma_start3A_613 = tpu.memref_squeeze %dma_start3A_612 : memref<1x!tpu.dma_semaphore, #tpu.memory_space<semaphore_mem>> -> memref<!tpu.dma_semaphore, #tpu.memory_space<semaphore_mem>>
    %dma_start3A_614 = tpu.memref_slice %arg5[%mul3A_605] : memref<13844480xf32, #tpu.memory_space<hbm>> -> memref<27040xf32, #tpu.memory_space<hbm>>
    %dma_start3A_615 = arith.constant 0 : i32
    %dma_start3A_616 = tpu.memref_slice %arg9[%dma_start3A_606, %dma_start3A_615] : memref<2x27040xf32, #tpu.memory_space<vmem>> -> memref<1x27040xf32, #tpu.memory_space<vmem>>
    %dma_start3A_617 = tpu.memref_squeeze %dma_start3A_616 : memref<1x27040xf32, #tpu.memory_space<vmem>> -> memref<27040xf32, #tpu.memory_space<vmem>>
    tpu.enqueue_dma source(%dma_start3A_617 : memref<27040xf32, #tpu.memory_space<vmem>>) target(%dma_start3A_614 : memref<27040xf32, #tpu.memory_space<hbm>>) target_semaphore(%dma_start3A_613 : memref<!tpu.dma_semaphore, #tpu.memory_space<semaphore_mem>>)
    %add3A_618 = arith.constant 288 : i32
    %add3A_619 = arith.addi %mul3A_2, %add3A_618 : i32
    %mul3A_620 = arith.constant 13 : i32
    %mul3A_621 = arith.muli %add3A_619, %mul3A_620 : i32
    %dma_start3A_622 = arith.constant 0 : i32
    %dma_start3A_623 = arith.constant 0 : i32
    %dma_start3A_624 = arith.constant 0 : i32
    %dma_start3A_625 = tpu.memref_slice %arg7[%dma_start3A_622, %dma_start3A_624] : memref<3x432xf32, #tpu.memory_space<vmem>> -> memref<1x416xf32, #tpu.memory_space<vmem>>
    %dma_start3A_626 = tpu.memref_squeeze %dma_start3A_625 : memref<1x416xf32, #tpu.memory_space<vmem>> -> memref<416xf32, #tpu.memory_space<vmem>>
    %dma_start3A_627 = tpu.memref_slice %arg2[%mul3A_621] : memref<212992xf32, #tpu.memory_space<hbm>> -> memref<416xf32, #tpu.memory_space<hbm>>
    %dma_start3A_628 = tpu.memref_slice %arg11[%dma_start3A_623] : memref<3x!tpu.dma_semaphore, #tpu.memory_space<semaphore_mem>> -> memref<1x!tpu.dma_semaphore, #tpu.memory_space<semaphore_mem>>
    %dma_start3A_629 = tpu.memref_squeeze %dma_start3A_628 : memref<1x!tpu.dma_semaphore, #tpu.memory_space<semaphore_mem>> -> memref<!tpu.dma_semaphore, #tpu.memory_space<semaphore_mem>>
    %dma_start3A_630 = arith.constant 0 : i32
    %dma_start3A_631 = tpu.memref_slice %arg7[%dma_start3A_622, %dma_start3A_630] : memref<3x432xf32, #tpu.memory_space<vmem>> -> memref<1x416xf32, #tpu.memory_space<vmem>>
    %dma_start3A_632 = tpu.memref_squeeze %dma_start3A_631 : memref<1x416xf32, #tpu.memory_space<vmem>> -> memref<416xf32, #tpu.memory_space<vmem>>
    %dma_start3A_633 = tpu.memref_slice %arg2[%mul3A_621] : memref<212992xf32, #tpu.memory_space<hbm>> -> memref<416xf32, #tpu.memory_space<hbm>>
    tpu.enqueue_dma source(%dma_start3A_633 : memref<416xf32, #tpu.memory_space<hbm>>) target(%dma_start3A_632 : memref<416xf32, #tpu.memory_space<vmem>>) target_semaphore(%dma_start3A_629 : memref<!tpu.dma_semaphore, #tpu.memory_space<semaphore_mem>>)
    %add3A_634 = arith.constant 256 : i32
    %add3A_635 = arith.addi %mul3A_2, %add3A_634 : i32
    %mul3A_636 = arith.constant 13 : i32
    %mul3A_637 = arith.muli %add3A_635, %mul3A_636 : i32
    %dma_wait3A_638 = arith.constant 2 : i32
    %dma_wait3A_639 = arith.constant 2 : i32
    %dma_wait3A_640 = arith.constant 0 : i32
    %dma_wait3A_641 = tpu.memref_slice %arg7[%dma_wait3A_638, %dma_wait3A_640] : memref<3x432xf32, #tpu.memory_space<vmem>> -> memref<1x416xf32, #tpu.memory_space<vmem>>
    %dma_wait3A_642 = tpu.memref_squeeze %dma_wait3A_641 : memref<1x416xf32, #tpu.memory_space<vmem>> -> memref<416xf32, #tpu.memory_space<vmem>>
    %dma_wait3A_643 = tpu.memref_slice %arg2[%mul3A_637] : memref<212992xf32, #tpu.memory_space<hbm>> -> memref<416xf32, #tpu.memory_space<hbm>>
    %dma_wait3A_644 = tpu.memref_slice %arg11[%dma_wait3A_639] : memref<3x!tpu.dma_semaphore, #tpu.memory_space<semaphore_mem>> -> memref<1x!tpu.dma_semaphore, #tpu.memory_space<semaphore_mem>>
    %dma_wait3A_645 = tpu.memref_squeeze %dma_wait3A_644 : memref<1x!tpu.dma_semaphore, #tpu.memory_space<semaphore_mem>> -> memref<!tpu.dma_semaphore, #tpu.memory_space<semaphore_mem>>
    %dma_wait3A_646 = arith.constant 0 : i32
    %dma_wait3A_647 = tpu.memref_slice %arg7[%dma_wait3A_638, %dma_wait3A_646] : memref<3x432xf32, #tpu.memory_space<vmem>> -> memref<1x416xf32, #tpu.memory_space<vmem>>
    %dma_wait3A_648 = tpu.memref_squeeze %dma_wait3A_647 : memref<1x416xf32, #tpu.memory_space<vmem>> -> memref<416xf32, #tpu.memory_space<vmem>>
    %dma_wait3A_649 = tpu.memref_slice %arg2[%mul3A_637] : memref<212992xf32, #tpu.memory_space<hbm>> -> memref<416xf32, #tpu.memory_space<hbm>>
    tpu.wait_dma2 semaphore(%dma_wait3A_645 : memref<!tpu.dma_semaphore, #tpu.memory_space<semaphore_mem>>) src(%dma_wait3A_649 : memref<416xf32, #tpu.memory_space<hbm>>) dst(%dma_wait3A_648 : memref<416xf32, #tpu.memory_space<vmem>>)
    %scan3A_650 = arith.constant 0 : i32
    %scan3A_651 = arith.constant 0 : i32
    %scan3A_652 = arith.constant 26 : i32
    %scan3A_653 = arith.addi %scan3A_651, %scan3A_652 : i32
    %scan3A_654 = arith.constant 1 : i32
    %scan3A_655 = scf.for %scan3A_1360 = %scan3A_651 to %scan3A_653 step %scan3A_654 iter_args(%scan3A_1361 = %scan3A_650) -> (i32)  : i32 {
      %dma_start3A_1362 = arith.constant 0 : i32
      %dma_start3A_1363 = arith.constant 0 : i32
      %dma_start3A_1364 = arith.constant 0 : i32
      %dma_start3A_1365 = arith.constant 0 : i32
      %dma_start3A_1366 = tpu.memref_slice %arg8[%dma_start3A_1362, %scan3A_1360, %dma_start3A_1364, %dma_start3A_1365] : memref<2x26x32x32xf32, #tpu.memory_space<vmem>> -> memref<1x1x32x32xf32, #tpu.memory_space<vmem>>
      %dma_start3A_1367 = tpu.memref_squeeze %dma_start3A_1366 : memref<1x1x32x32xf32, #tpu.memory_space<vmem>> -> memref<32x32xf32, #tpu.memory_space<vmem>>
      %dma_start3A_1368 = arith.constant 256 : i32
      %dma_start3A_1369 = tpu.memref_slice %arg6[%scan3A_1360, %dma_start3A_1368] : memref<26x512xi32, #tpu.memory_space<vmem>> -> memref<1x32xi32, #tpu.memory_space<vmem>>
      %dma_start3A_1370 = tpu.memref_squeeze %dma_start3A_1369 : memref<1x32xi32, #tpu.memory_space<vmem>> -> memref<32xi32, #tpu.memory_space<vmem>>
      %dma_start3A_1371 = arith.constant 0 : i32
      %dma_start3A_1372 = arith.constant 0 : i32
      %dma_start3A_1373 = tpu.memref_slice %arg4[%scan3A_1360, %dma_start3A_1371, %dma_start3A_1372] : memref<26x100000x32xf32, #tpu.memory_space<hbm>> -> memref<1x100000x32xf32, #tpu.memory_space<hbm>>
      %dma_start3A_1374 = tpu.memref_squeeze %dma_start3A_1373 : memref<1x100000x32xf32, #tpu.memory_space<hbm>> -> memref<100000x32xf32, #tpu.memory_space<hbm>>
      %dma_start3A_1375 = arith.constant 0 : i32
      %dma_start3A_1376 = arith.constant 0 : i32
      %dma_start3A_1377 = tpu.memref_slice %dma_start3A_1374[%dma_start3A_1375, %dma_start3A_1376] : memref<100000x32xf32, #tpu.memory_space<hbm>> -> memref<100000x32xf32, #tpu.memory_space<hbm>>
      %dma_start3A_1378 = tpu.memref_slice %arg12[%dma_start3A_1363] : memref<2x!tpu.dma_semaphore, #tpu.memory_space<semaphore_mem>> -> memref<1x!tpu.dma_semaphore, #tpu.memory_space<semaphore_mem>>
      %dma_start3A_1379 = tpu.memref_squeeze %dma_start3A_1378 : memref<1x!tpu.dma_semaphore, #tpu.memory_space<semaphore_mem>> -> memref<!tpu.dma_semaphore, #tpu.memory_space<semaphore_mem>>
      tpu.enqueue_indirect_dma source(%dma_start3A_1377 : memref<100000x32xf32, #tpu.memory_space<hbm>>) target(%dma_start3A_1367 : memref<32x32xf32, #tpu.memory_space<vmem>>) offsets(%dma_start3A_1370 : memref<32xi32, #tpu.memory_space<vmem>>) semaphore(%dma_start3A_1379 : memref<!tpu.dma_semaphore, #tpu.memory_space<semaphore_mem>>)
      %scan3A_1380 = arith.constant 0 : i32
      scf.yield %scan3A_1380 : i32
    }
    %scan3A_656 = arith.constant 26 : i32
    %scan3A_657 = arith.constant 0 : i32
    %scan3A_658 = arith.constant 0 : i32
    %scan3A_659 = arith.constant 26 : i32
    %scan3A_660 = arith.addi %scan3A_658, %scan3A_659 : i32
    %scan3A_661 = arith.constant 1 : i32
    %scan3A_662 = scf.for %scan3A_1360 = %scan3A_658 to %scan3A_660 step %scan3A_661 iter_args(%scan3A_1361 = %scan3A_657) -> (i32)  : i32 {
      %dma_wait3A_1362 = arith.constant 1 : i32
      %dma_wait3A_1363 = arith.constant 1 : i32
      %dma_wait3A_1364 = arith.constant 0 : i32
      %dma_wait3A_1365 = arith.constant 0 : i32
      %dma_wait3A_1366 = tpu.memref_slice %arg8[%dma_wait3A_1362, %scan3A_1360, %dma_wait3A_1364, %dma_wait3A_1365] : memref<2x26x32x32xf32, #tpu.memory_space<vmem>> -> memref<1x1x32x32xf32, #tpu.memory_space<vmem>>
      %dma_wait3A_1367 = tpu.memref_squeeze %dma_wait3A_1366 : memref<1x1x32x32xf32, #tpu.memory_space<vmem>> -> memref<32x32xf32, #tpu.memory_space<vmem>>
      %dma_wait3A_1368 = arith.constant 224 : i32
      %dma_wait3A_1369 = tpu.memref_slice %arg6[%scan3A_1360, %dma_wait3A_1368] : memref<26x512xi32, #tpu.memory_space<vmem>> -> memref<1x32xi32, #tpu.memory_space<vmem>>
      %dma_wait3A_1370 = tpu.memref_squeeze %dma_wait3A_1369 : memref<1x32xi32, #tpu.memory_space<vmem>> -> memref<32xi32, #tpu.memory_space<vmem>>
      %dma_wait3A_1371 = arith.constant 0 : i32
      %dma_wait3A_1372 = arith.constant 0 : i32
      %dma_wait3A_1373 = tpu.memref_slice %arg4[%scan3A_1360, %dma_wait3A_1371, %dma_wait3A_1372] : memref<26x100000x32xf32, #tpu.memory_space<hbm>> -> memref<1x100000x32xf32, #tpu.memory_space<hbm>>
      %dma_wait3A_1374 = tpu.memref_squeeze %dma_wait3A_1373 : memref<1x100000x32xf32, #tpu.memory_space<hbm>> -> memref<100000x32xf32, #tpu.memory_space<hbm>>
      %dma_wait3A_1375 = arith.constant 0 : i32
      %dma_wait3A_1376 = arith.constant 0 : i32
      %dma_wait3A_1377 = tpu.memref_slice %dma_wait3A_1374[%dma_wait3A_1375, %dma_wait3A_1376] : memref<100000x32xf32, #tpu.memory_space<hbm>> -> memref<100000x32xf32, #tpu.memory_space<hbm>>
      %dma_wait3A_1378 = tpu.memref_slice %arg12[%dma_wait3A_1363] : memref<2x!tpu.dma_semaphore, #tpu.memory_space<semaphore_mem>> -> memref<1x!tpu.dma_semaphore, #tpu.memory_space<semaphore_mem>>
      %dma_wait3A_1379 = tpu.memref_squeeze %dma_wait3A_1378 : memref<1x!tpu.dma_semaphore, #tpu.memory_space<semaphore_mem>> -> memref<!tpu.dma_semaphore, #tpu.memory_space<semaphore_mem>>
      tpu.wait_indirect_dma semaphore(%dma_wait3A_1379 : memref<!tpu.dma_semaphore, #tpu.memory_space<semaphore_mem>>) src(%dma_wait3A_1377 : memref<100000x32xf32, #tpu.memory_space<hbm>>) dst(%dma_wait3A_1367 : memref<32x32xf32, #tpu.memory_space<vmem>>)
      %scan3A_1380 = arith.constant 0 : i32
      scf.yield %scan3A_1380 : i32
    }
    %scan3A_663 = arith.constant 26 : i32
    %add3A_664 = arith.constant 160 : i32
    %add3A_665 = arith.addi %mul3A_2, %add3A_664 : i32
    %mul3A_666 = arith.constant 845 : i32
    %mul3A_667 = arith.muli %add3A_665, %mul3A_666 : i32
    %dma_wait3A_668 = arith.constant 1 : i32
    %dma_wait3A_669 = arith.constant 1 : i32
    %dma_wait3A_670 = arith.constant 0 : i32
    %dma_wait3A_671 = tpu.memref_slice %arg9[%dma_wait3A_668, %dma_wait3A_670] : memref<2x27040xf32, #tpu.memory_space<vmem>> -> memref<1x27040xf32, #tpu.memory_space<vmem>>
    %dma_wait3A_672 = tpu.memref_squeeze %dma_wait3A_671 : memref<1x27040xf32, #tpu.memory_space<vmem>> -> memref<27040xf32, #tpu.memory_space<vmem>>
    %dma_wait3A_673 = tpu.memref_slice %arg5[%mul3A_667] : memref<13844480xf32, #tpu.memory_space<hbm>> -> memref<27040xf32, #tpu.memory_space<hbm>>
    %dma_wait3A_674 = tpu.memref_slice %arg13[%dma_wait3A_669] : memref<2x!tpu.dma_semaphore, #tpu.memory_space<semaphore_mem>> -> memref<1x!tpu.dma_semaphore, #tpu.memory_space<semaphore_mem>>
    %dma_wait3A_675 = tpu.memref_squeeze %dma_wait3A_674 : memref<1x!tpu.dma_semaphore, #tpu.memory_space<semaphore_mem>> -> memref<!tpu.dma_semaphore, #tpu.memory_space<semaphore_mem>>
    %dma_wait3A_676 = tpu.memref_slice %arg5[%mul3A_667] : memref<13844480xf32, #tpu.memory_space<hbm>> -> memref<27040xf32, #tpu.memory_space<hbm>>
    %dma_wait3A_677 = arith.constant 0 : i32
    %dma_wait3A_678 = tpu.memref_slice %arg9[%dma_wait3A_668, %dma_wait3A_677] : memref<2x27040xf32, #tpu.memory_space<vmem>> -> memref<1x27040xf32, #tpu.memory_space<vmem>>
    %dma_wait3A_679 = tpu.memref_squeeze %dma_wait3A_678 : memref<1x27040xf32, #tpu.memory_space<vmem>> -> memref<27040xf32, #tpu.memory_space<vmem>>
    tpu.wait_dma2 semaphore(%dma_wait3A_675 : memref<!tpu.dma_semaphore, #tpu.memory_space<semaphore_mem>>) src(%dma_wait3A_679 : memref<27040xf32, #tpu.memory_space<vmem>>) dst(%dma_wait3A_676 : memref<27040xf32, #tpu.memory_space<hbm>>)
    %scan3A_680 = arith.constant 0 : i32
    %scan3A_681 = arith.constant 0 : i32
    %scan3A_682 = arith.constant 32 : i32
    %scan3A_683 = arith.addi %scan3A_681, %scan3A_682 : i32
    %scan3A_684 = arith.constant 1 : i32
    %scan3A_685 = scf.for %scan3A_1360 = %scan3A_681 to %scan3A_683 step %scan3A_684 iter_args(%scan3A_1361 = %scan3A_680) -> (i32)  : i32 {
      %mul3A_1362 = arith.constant 13 : i32
      %mul3A_1363 = arith.muli %scan3A_1360, %mul3A_1362 : i32
      %get3A = arith.constant 1 : i32
      %get3A_1364 = arith.index_cast %get3A : i32 to index
      %get3A_1365 = arith.index_cast %mul3A_1363 : i32 to index
      %get3A_1366 = tpu.vector_load %arg7[%get3A_1364, %get3A_1365] {strides = array<i32>} : memref<3x432xf32, #tpu.memory_space<vmem>>, vector<1x16xf32>,
      %get3A_1367 = vector.shape_cast %get3A_1366 : vector<1x16xf32> to vector<16xf32>
      %mul3A_1368 = arith.constant 845 : i32
      %mul3A_1369 = arith.muli %scan3A_1360, %mul3A_1368 : i32
      %swap3A = arith.constant 1 : i32
      %swap3A_1370 = arith.index_cast %swap3A : i32 to index
      %swap3A_1371 = arith.index_cast %mul3A_1369 : i32 to index
      %swap3A_1372 = tpu.vector_load %arg9[%swap3A_1370, %swap3A_1371] {strides = array<i32>} : memref<2x27040xf32, #tpu.memory_space<vmem>>, vector<1x16xf32>,
      %swap3A_1373 = vector.shape_cast %swap3A_1372 : vector<1x16xf32> to vector<16xf32>
      %swap3A_1374 = vector.shape_cast %get3A_1367 : vector<16xf32> to vector<1x16xf32>
      tpu.vector_store %arg9[%swap3A_1370, %swap3A_1371], %swap3A_1374 {strides = array<i32>} : memref<2x27040xf32, #tpu.memory_space<vmem>>, vector<1x16xf32>,
      %scan3A_1375 = arith.constant 0 : i32
      %scan3A_1376 = arith.constant 0 : i32
      %scan3A_1377 = arith.constant 26 : i32
      %scan3A_1378 = arith.addi %scan3A_1376, %scan3A_1377 : i32
      %scan3A_1379 = arith.constant 1 : i32
      %scan3A_1380 = scf.for %scan3A_1382 = %scan3A_1376 to %scan3A_1378 step %scan3A_1379 iter_args(%scan3A_1383 = %scan3A_1375) -> (i32)  : i32 {
        %mul3A_1384 = arith.constant 845 : i32
        %mul3A_1385 = arith.muli %scan3A_1360, %mul3A_1384 : i32
        %add3A_1386 = arith.constant 13 : i32
        %add3A_1387 = arith.addi %mul3A_1385, %add3A_1386 : i32
        %mul3A_1388 = arith.constant 32 : i32
        %mul3A_1389 = arith.muli %scan3A_1382, %mul3A_1388 : i32
        %add3A_1390 = arith.addi %add3A_1387, %mul3A_1389 : i32
        %get3A_1391 = arith.constant 1 : i32
        %get3A_1392 = arith.index_cast %get3A_1391 : i32 to index
        %get3A_1393 = arith.index_cast %scan3A_1382 : i32 to index
        %get3A_1394 = arith.index_cast %scan3A_1360 : i32 to index
        %get3A_1395 = arith.constant 0 : index
        %get3A_1396 = tpu.vector_load %arg8[%get3A_1392, %get3A_1393, %get3A_1394, %get3A_1395] {strides = array<i32>} : memref<2x26x32x32xf32, #tpu.memory_space<vmem>>, vector<1x1x1x16xf32>,
        %get3A_1397 = vector.shape_cast %get3A_1396 : vector<1x1x1x16xf32> to vector<16xf32>
        %swap3A_1398 = arith.constant 1 : i32
        %swap3A_1399 = arith.index_cast %swap3A_1398 : i32 to index
        %swap3A_1400 = arith.index_cast %add3A_1390 : i32 to index
        %swap3A_1401 = tpu.vector_load %arg9[%swap3A_1399, %swap3A_1400] {strides = array<i32>} : memref<2x27040xf32, #tpu.memory_space<vmem>>, vector<1x16xf32>,
        %swap3A_1402 = vector.shape_cast %swap3A_1401 : vector<1x16xf32> to vector<16xf32>
        %swap3A_1403 = vector.shape_cast %get3A_1397 : vector<16xf32> to vector<1x16xf32>
        tpu.vector_store %arg9[%swap3A_1399, %swap3A_1400], %swap3A_1403 {strides = array<i32>} : memref<2x27040xf32, #tpu.memory_space<vmem>>, vector<1x16xf32>,
        %get3A_1404 = arith.constant 1 : i32
        %get3A_1405 = arith.index_cast %get3A_1404 : i32 to index
        %get3A_1406 = arith.index_cast %scan3A_1382 : i32 to index
        %get3A_1407 = arith.index_cast %scan3A_1360 : i32 to index
        %get3A_1408 = arith.constant 16 : index
        %get3A_1409 = tpu.vector_load %arg8[%get3A_1405, %get3A_1406, %get3A_1407, %get3A_1408] {strides = array<i32>} : memref<2x26x32x32xf32, #tpu.memory_space<vmem>>, vector<1x1x1x16xf32>,
        %get3A_1410 = vector.shape_cast %get3A_1409 : vector<1x1x1x16xf32> to vector<16xf32>
        %add3A_1411 = arith.constant 16 : i32
        %add3A_1412 = arith.addi %add3A_1390, %add3A_1411 : i32
        %swap3A_1413 = arith.constant 1 : i32
        %swap3A_1414 = arith.index_cast %swap3A_1413 : i32 to index
        %swap3A_1415 = arith.index_cast %add3A_1412 : i32 to index
        %swap3A_1416 = tpu.vector_load %arg9[%swap3A_1414, %swap3A_1415] {strides = array<i32>} : memref<2x27040xf32, #tpu.memory_space<vmem>>, vector<1x16xf32>,
        %swap3A_1417 = vector.shape_cast %swap3A_1416 : vector<1x16xf32> to vector<16xf32>
        %swap3A_1418 = vector.shape_cast %get3A_1410 : vector<16xf32> to vector<1x16xf32>
        tpu.vector_store %arg9[%swap3A_1414, %swap3A_1415], %swap3A_1418 {strides = array<i32>} : memref<2x27040xf32, #tpu.memory_space<vmem>>, vector<1x16xf32>,
        %scan3A_1419 = arith.constant 0 : i32
        scf.yield %scan3A_1419 : i32
      }
      %scan3A_1381 = arith.constant 26 : i32
      scf.yield %scan3A_1380 : i32
    }
    %scan3A_686 = arith.constant 32 : i32
    %add3A_687 = arith.constant 224 : i32
    %add3A_688 = arith.addi %mul3A_2, %add3A_687 : i32
    %mul3A_689 = arith.constant 845 : i32
    %mul3A_690 = arith.muli %add3A_688, %mul3A_689 : i32
    %dma_start3A_691 = arith.constant 1 : i32
    %dma_start3A_692 = arith.constant 1 : i32
    %dma_start3A_693 = arith.constant 0 : i32
    %dma_start3A_694 = tpu.memref_slice %arg9[%dma_start3A_691, %dma_start3A_693] : memref<2x27040xf32, #tpu.memory_space<vmem>> -> memref<1x27040xf32, #tpu.memory_space<vmem>>
    %dma_start3A_695 = tpu.memref_squeeze %dma_start3A_694 : memref<1x27040xf32, #tpu.memory_space<vmem>> -> memref<27040xf32, #tpu.memory_space<vmem>>
    %dma_start3A_696 = tpu.memref_slice %arg5[%mul3A_690] : memref<13844480xf32, #tpu.memory_space<hbm>> -> memref<27040xf32, #tpu.memory_space<hbm>>
    %dma_start3A_697 = tpu.memref_slice %arg13[%dma_start3A_692] : memref<2x!tpu.dma_semaphore, #tpu.memory_space<semaphore_mem>> -> memref<1x!tpu.dma_semaphore, #tpu.memory_space<semaphore_mem>>
    %dma_start3A_698 = tpu.memref_squeeze %dma_start3A_697 : memref<1x!tpu.dma_semaphore, #tpu.memory_space<semaphore_mem>> -> memref<!tpu.dma_semaphore, #tpu.memory_space<semaphore_mem>>
    %dma_start3A_699 = tpu.memref_slice %arg5[%mul3A_690] : memref<13844480xf32, #tpu.memory_space<hbm>> -> memref<27040xf32, #tpu.memory_space<hbm>>
    %dma_start3A_700 = arith.constant 0 : i32
    %dma_start3A_701 = tpu.memref_slice %arg9[%dma_start3A_691, %dma_start3A_700] : memref<2x27040xf32, #tpu.memory_space<vmem>> -> memref<1x27040xf32, #tpu.memory_space<vmem>>
    %dma_start3A_702 = tpu.memref_squeeze %dma_start3A_701 : memref<1x27040xf32, #tpu.memory_space<vmem>> -> memref<27040xf32, #tpu.memory_space<vmem>>
    tpu.enqueue_dma source(%dma_start3A_702 : memref<27040xf32, #tpu.memory_space<vmem>>) target(%dma_start3A_699 : memref<27040xf32, #tpu.memory_space<hbm>>) target_semaphore(%dma_start3A_698 : memref<!tpu.dma_semaphore, #tpu.memory_space<semaphore_mem>>)
    %add3A_703 = arith.constant 320 : i32
    %add3A_704 = arith.addi %mul3A_2, %add3A_703 : i32
    %mul3A_705 = arith.constant 13 : i32
    %mul3A_706 = arith.muli %add3A_704, %mul3A_705 : i32
    %dma_start3A_707 = arith.constant 1 : i32
    %dma_start3A_708 = arith.constant 1 : i32
    %dma_start3A_709 = arith.constant 0 : i32
    %dma_start3A_710 = tpu.memref_slice %arg7[%dma_start3A_707, %dma_start3A_709] : memref<3x432xf32, #tpu.memory_space<vmem>> -> memref<1x416xf32, #tpu.memory_space<vmem>>
    %dma_start3A_711 = tpu.memref_squeeze %dma_start3A_710 : memref<1x416xf32, #tpu.memory_space<vmem>> -> memref<416xf32, #tpu.memory_space<vmem>>
    %dma_start3A_712 = tpu.memref_slice %arg2[%mul3A_706] : memref<212992xf32, #tpu.memory_space<hbm>> -> memref<416xf32, #tpu.memory_space<hbm>>
    %dma_start3A_713 = tpu.memref_slice %arg11[%dma_start3A_708] : memref<3x!tpu.dma_semaphore, #tpu.memory_space<semaphore_mem>> -> memref<1x!tpu.dma_semaphore, #tpu.memory_space<semaphore_mem>>
    %dma_start3A_714 = tpu.memref_squeeze %dma_start3A_713 : memref<1x!tpu.dma_semaphore, #tpu.memory_space<semaphore_mem>> -> memref<!tpu.dma_semaphore, #tpu.memory_space<semaphore_mem>>
    %dma_start3A_715 = arith.constant 0 : i32
    %dma_start3A_716 = tpu.memref_slice %arg7[%dma_start3A_707, %dma_start3A_715] : memref<3x432xf32, #tpu.memory_space<vmem>> -> memref<1x416xf32, #tpu.memory_space<vmem>>
    %dma_start3A_717 = tpu.memref_squeeze %dma_start3A_716 : memref<1x416xf32, #tpu.memory_space<vmem>> -> memref<416xf32, #tpu.memory_space<vmem>>
    %dma_start3A_718 = tpu.memref_slice %arg2[%mul3A_706] : memref<212992xf32, #tpu.memory_space<hbm>> -> memref<416xf32, #tpu.memory_space<hbm>>
    tpu.enqueue_dma source(%dma_start3A_718 : memref<416xf32, #tpu.memory_space<hbm>>) target(%dma_start3A_717 : memref<416xf32, #tpu.memory_space<vmem>>) target_semaphore(%dma_start3A_714 : memref<!tpu.dma_semaphore, #tpu.memory_space<semaphore_mem>>)
    %add3A_719 = arith.constant 288 : i32
    %add3A_720 = arith.addi %mul3A_2, %add3A_719 : i32
    %mul3A_721 = arith.constant 13 : i32
    %mul3A_722 = arith.muli %add3A_720, %mul3A_721 : i32
    %dma_wait3A_723 = arith.constant 0 : i32
    %dma_wait3A_724 = arith.constant 0 : i32
    %dma_wait3A_725 = arith.constant 0 : i32
    %dma_wait3A_726 = tpu.memref_slice %arg7[%dma_wait3A_723, %dma_wait3A_725] : memref<3x432xf32, #tpu.memory_space<vmem>> -> memref<1x416xf32, #tpu.memory_space<vmem>>
    %dma_wait3A_727 = tpu.memref_squeeze %dma_wait3A_726 : memref<1x416xf32, #tpu.memory_space<vmem>> -> memref<416xf32, #tpu.memory_space<vmem>>
    %dma_wait3A_728 = tpu.memref_slice %arg2[%mul3A_722] : memref<212992xf32, #tpu.memory_space<hbm>> -> memref<416xf32, #tpu.memory_space<hbm>>
    %dma_wait3A_729 = tpu.memref_slice %arg11[%dma_wait3A_724] : memref<3x!tpu.dma_semaphore, #tpu.memory_space<semaphore_mem>> -> memref<1x!tpu.dma_semaphore, #tpu.memory_space<semaphore_mem>>
    %dma_wait3A_730 = tpu.memref_squeeze %dma_wait3A_729 : memref<1x!tpu.dma_semaphore, #tpu.memory_space<semaphore_mem>> -> memref<!tpu.dma_semaphore, #tpu.memory_space<semaphore_mem>>
    %dma_wait3A_731 = arith.constant 0 : i32
    %dma_wait3A_732 = tpu.memref_slice %arg7[%dma_wait3A_723, %dma_wait3A_731] : memref<3x432xf32, #tpu.memory_space<vmem>> -> memref<1x416xf32, #tpu.memory_space<vmem>>
    %dma_wait3A_733 = tpu.memref_squeeze %dma_wait3A_732 : memref<1x416xf32, #tpu.memory_space<vmem>> -> memref<416xf32, #tpu.memory_space<vmem>>
    %dma_wait3A_734 = tpu.memref_slice %arg2[%mul3A_722] : memref<212992xf32, #tpu.memory_space<hbm>> -> memref<416xf32, #tpu.memory_space<hbm>>
    tpu.wait_dma2 semaphore(%dma_wait3A_730 : memref<!tpu.dma_semaphore, #tpu.memory_space<semaphore_mem>>) src(%dma_wait3A_734 : memref<416xf32, #tpu.memory_space<hbm>>) dst(%dma_wait3A_733 : memref<416xf32, #tpu.memory_space<vmem>>)
    %scan3A_735 = arith.constant 0 : i32
    %scan3A_736 = arith.constant 0 : i32
    %scan3A_737 = arith.constant 26 : i32
    %scan3A_738 = arith.addi %scan3A_736, %scan3A_737 : i32
    %scan3A_739 = arith.constant 1 : i32
    %scan3A_740 = scf.for %scan3A_1360 = %scan3A_736 to %scan3A_738 step %scan3A_739 iter_args(%scan3A_1361 = %scan3A_735) -> (i32)  : i32 {
      %dma_start3A_1362 = arith.constant 1 : i32
      %dma_start3A_1363 = arith.constant 1 : i32
      %dma_start3A_1364 = arith.constant 0 : i32
      %dma_start3A_1365 = arith.constant 0 : i32
      %dma_start3A_1366 = tpu.memref_slice %arg8[%dma_start3A_1362, %scan3A_1360, %dma_start3A_1364, %dma_start3A_1365] : memref<2x26x32x32xf32, #tpu.memory_space<vmem>> -> memref<1x1x32x32xf32, #tpu.memory_space<vmem>>
      %dma_start3A_1367 = tpu.memref_squeeze %dma_start3A_1366 : memref<1x1x32x32xf32, #tpu.memory_space<vmem>> -> memref<32x32xf32, #tpu.memory_space<vmem>>
      %dma_start3A_1368 = arith.constant 288 : i32
      %dma_start3A_1369 = tpu.memref_slice %arg6[%scan3A_1360, %dma_start3A_1368] : memref<26x512xi32, #tpu.memory_space<vmem>> -> memref<1x32xi32, #tpu.memory_space<vmem>>
      %dma_start3A_1370 = tpu.memref_squeeze %dma_start3A_1369 : memref<1x32xi32, #tpu.memory_space<vmem>> -> memref<32xi32, #tpu.memory_space<vmem>>
      %dma_start3A_1371 = arith.constant 0 : i32
      %dma_start3A_1372 = arith.constant 0 : i32
      %dma_start3A_1373 = tpu.memref_slice %arg4[%scan3A_1360, %dma_start3A_1371, %dma_start3A_1372] : memref<26x100000x32xf32, #tpu.memory_space<hbm>> -> memref<1x100000x32xf32, #tpu.memory_space<hbm>>
      %dma_start3A_1374 = tpu.memref_squeeze %dma_start3A_1373 : memref<1x100000x32xf32, #tpu.memory_space<hbm>> -> memref<100000x32xf32, #tpu.memory_space<hbm>>
      %dma_start3A_1375 = arith.constant 0 : i32
      %dma_start3A_1376 = arith.constant 0 : i32
      %dma_start3A_1377 = tpu.memref_slice %dma_start3A_1374[%dma_start3A_1375, %dma_start3A_1376] : memref<100000x32xf32, #tpu.memory_space<hbm>> -> memref<100000x32xf32, #tpu.memory_space<hbm>>
      %dma_start3A_1378 = tpu.memref_slice %arg12[%dma_start3A_1363] : memref<2x!tpu.dma_semaphore, #tpu.memory_space<semaphore_mem>> -> memref<1x!tpu.dma_semaphore, #tpu.memory_space<semaphore_mem>>
      %dma_start3A_1379 = tpu.memref_squeeze %dma_start3A_1378 : memref<1x!tpu.dma_semaphore, #tpu.memory_space<semaphore_mem>> -> memref<!tpu.dma_semaphore, #tpu.memory_space<semaphore_mem>>
      tpu.enqueue_indirect_dma source(%dma_start3A_1377 : memref<100000x32xf32, #tpu.memory_space<hbm>>) target(%dma_start3A_1367 : memref<32x32xf32, #tpu.memory_space<vmem>>) offsets(%dma_start3A_1370 : memref<32xi32, #tpu.memory_space<vmem>>) semaphore(%dma_start3A_1379 : memref<!tpu.dma_semaphore, #tpu.memory_space<semaphore_mem>>)
      %scan3A_1380 = arith.constant 0 : i32
      scf.yield %scan3A_1380 : i32
    }
    %scan3A_741 = arith.constant 26 : i32
    %scan3A_742 = arith.constant 0 : i32
    %scan3A_743 = arith.constant 0 : i32
    %scan3A_744 = arith.constant 26 : i32
    %scan3A_745 = arith.addi %scan3A_743, %scan3A_744 : i32
    %scan3A_746 = arith.constant 1 : i32
    %scan3A_747 = scf.for %scan3A_1360 = %scan3A_743 to %scan3A_745 step %scan3A_746 iter_args(%scan3A_1361 = %scan3A_742) -> (i32)  : i32 {
      %dma_wait3A_1362 = arith.constant 0 : i32
      %dma_wait3A_1363 = arith.constant 0 : i32
      %dma_wait3A_1364 = arith.constant 0 : i32
      %dma_wait3A_1365 = arith.constant 0 : i32
      %dma_wait3A_1366 = tpu.memref_slice %arg8[%dma_wait3A_1362, %scan3A_1360, %dma_wait3A_1364, %dma_wait3A_1365] : memref<2x26x32x32xf32, #tpu.memory_space<vmem>> -> memref<1x1x32x32xf32, #tpu.memory_space<vmem>>
      %dma_wait3A_1367 = tpu.memref_squeeze %dma_wait3A_1366 : memref<1x1x32x32xf32, #tpu.memory_space<vmem>> -> memref<32x32xf32, #tpu.memory_space<vmem>>
      %dma_wait3A_1368 = arith.constant 256 : i32
      %dma_wait3A_1369 = tpu.memref_slice %arg6[%scan3A_1360, %dma_wait3A_1368] : memref<26x512xi32, #tpu.memory_space<vmem>> -> memref<1x32xi32, #tpu.memory_space<vmem>>
      %dma_wait3A_1370 = tpu.memref_squeeze %dma_wait3A_1369 : memref<1x32xi32, #tpu.memory_space<vmem>> -> memref<32xi32, #tpu.memory_space<vmem>>
      %dma_wait3A_1371 = arith.constant 0 : i32
      %dma_wait3A_1372 = arith.constant 0 : i32
      %dma_wait3A_1373 = tpu.memref_slice %arg4[%scan3A_1360, %dma_wait3A_1371, %dma_wait3A_1372] : memref<26x100000x32xf32, #tpu.memory_space<hbm>> -> memref<1x100000x32xf32, #tpu.memory_space<hbm>>
      %dma_wait3A_1374 = tpu.memref_squeeze %dma_wait3A_1373 : memref<1x100000x32xf32, #tpu.memory_space<hbm>> -> memref<100000x32xf32, #tpu.memory_space<hbm>>
      %dma_wait3A_1375 = arith.constant 0 : i32
      %dma_wait3A_1376 = arith.constant 0 : i32
      %dma_wait3A_1377 = tpu.memref_slice %dma_wait3A_1374[%dma_wait3A_1375, %dma_wait3A_1376] : memref<100000x32xf32, #tpu.memory_space<hbm>> -> memref<100000x32xf32, #tpu.memory_space<hbm>>
      %dma_wait3A_1378 = tpu.memref_slice %arg12[%dma_wait3A_1363] : memref<2x!tpu.dma_semaphore, #tpu.memory_space<semaphore_mem>> -> memref<1x!tpu.dma_semaphore, #tpu.memory_space<semaphore_mem>>
      %dma_wait3A_1379 = tpu.memref_squeeze %dma_wait3A_1378 : memref<1x!tpu.dma_semaphore, #tpu.memory_space<semaphore_mem>> -> memref<!tpu.dma_semaphore, #tpu.memory_space<semaphore_mem>>
      tpu.wait_indirect_dma semaphore(%dma_wait3A_1379 : memref<!tpu.dma_semaphore, #tpu.memory_space<semaphore_mem>>) src(%dma_wait3A_1377 : memref<100000x32xf32, #tpu.memory_space<hbm>>) dst(%dma_wait3A_1367 : memref<32x32xf32, #tpu.memory_space<vmem>>)
      %scan3A_1380 = arith.constant 0 : i32
      scf.yield %scan3A_1380 : i32
    }
    %scan3A_748 = arith.constant 26 : i32
    %add3A_749 = arith.constant 192 : i32
    %add3A_750 = arith.addi %mul3A_2, %add3A_749 : i32
    %mul3A_751 = arith.constant 845 : i32
    %mul3A_752 = arith.muli %add3A_750, %mul3A_751 : i32
    %dma_wait3A_753 = arith.constant 0 : i32
    %dma_wait3A_754 = arith.constant 0 : i32
    %dma_wait3A_755 = arith.constant 0 : i32
    %dma_wait3A_756 = tpu.memref_slice %arg9[%dma_wait3A_753, %dma_wait3A_755] : memref<2x27040xf32, #tpu.memory_space<vmem>> -> memref<1x27040xf32, #tpu.memory_space<vmem>>
    %dma_wait3A_757 = tpu.memref_squeeze %dma_wait3A_756 : memref<1x27040xf32, #tpu.memory_space<vmem>> -> memref<27040xf32, #tpu.memory_space<vmem>>
    %dma_wait3A_758 = tpu.memref_slice %arg5[%mul3A_752] : memref<13844480xf32, #tpu.memory_space<hbm>> -> memref<27040xf32, #tpu.memory_space<hbm>>
    %dma_wait3A_759 = tpu.memref_slice %arg13[%dma_wait3A_754] : memref<2x!tpu.dma_semaphore, #tpu.memory_space<semaphore_mem>> -> memref<1x!tpu.dma_semaphore, #tpu.memory_space<semaphore_mem>>
    %dma_wait3A_760 = tpu.memref_squeeze %dma_wait3A_759 : memref<1x!tpu.dma_semaphore, #tpu.memory_space<semaphore_mem>> -> memref<!tpu.dma_semaphore, #tpu.memory_space<semaphore_mem>>
    %dma_wait3A_761 = tpu.memref_slice %arg5[%mul3A_752] : memref<13844480xf32, #tpu.memory_space<hbm>> -> memref<27040xf32, #tpu.memory_space<hbm>>
    %dma_wait3A_762 = arith.constant 0 : i32
    %dma_wait3A_763 = tpu.memref_slice %arg9[%dma_wait3A_753, %dma_wait3A_762] : memref<2x27040xf32, #tpu.memory_space<vmem>> -> memref<1x27040xf32, #tpu.memory_space<vmem>>
    %dma_wait3A_764 = tpu.memref_squeeze %dma_wait3A_763 : memref<1x27040xf32, #tpu.memory_space<vmem>> -> memref<27040xf32, #tpu.memory_space<vmem>>
    tpu.wait_dma2 semaphore(%dma_wait3A_760 : memref<!tpu.dma_semaphore, #tpu.memory_space<semaphore_mem>>) src(%dma_wait3A_764 : memref<27040xf32, #tpu.memory_space<vmem>>) dst(%dma_wait3A_761 : memref<27040xf32, #tpu.memory_space<hbm>>)
    %scan3A_765 = arith.constant 0 : i32
    %scan3A_766 = arith.constant 0 : i32
    %scan3A_767 = arith.constant 32 : i32
    %scan3A_768 = arith.addi %scan3A_766, %scan3A_767 : i32
    %scan3A_769 = arith.constant 1 : i32
    %scan3A_770 = scf.for %scan3A_1360 = %scan3A_766 to %scan3A_768 step %scan3A_769 iter_args(%scan3A_1361 = %scan3A_765) -> (i32)  : i32 {
      %mul3A_1362 = arith.constant 13 : i32
      %mul3A_1363 = arith.muli %scan3A_1360, %mul3A_1362 : i32
      %get3A = arith.constant 2 : i32
      %get3A_1364 = arith.index_cast %get3A : i32 to index
      %get3A_1365 = arith.index_cast %mul3A_1363 : i32 to index
      %get3A_1366 = tpu.vector_load %arg7[%get3A_1364, %get3A_1365] {strides = array<i32>} : memref<3x432xf32, #tpu.memory_space<vmem>>, vector<1x16xf32>,
      %get3A_1367 = vector.shape_cast %get3A_1366 : vector<1x16xf32> to vector<16xf32>
      %mul3A_1368 = arith.constant 845 : i32
      %mul3A_1369 = arith.muli %scan3A_1360, %mul3A_1368 : i32
      %swap3A = arith.constant 0 : i32
      %swap3A_1370 = arith.index_cast %swap3A : i32 to index
      %swap3A_1371 = arith.index_cast %mul3A_1369 : i32 to index
      %swap3A_1372 = tpu.vector_load %arg9[%swap3A_1370, %swap3A_1371] {strides = array<i32>} : memref<2x27040xf32, #tpu.memory_space<vmem>>, vector<1x16xf32>,
      %swap3A_1373 = vector.shape_cast %swap3A_1372 : vector<1x16xf32> to vector<16xf32>
      %swap3A_1374 = vector.shape_cast %get3A_1367 : vector<16xf32> to vector<1x16xf32>
      tpu.vector_store %arg9[%swap3A_1370, %swap3A_1371], %swap3A_1374 {strides = array<i32>} : memref<2x27040xf32, #tpu.memory_space<vmem>>, vector<1x16xf32>,
      %scan3A_1375 = arith.constant 0 : i32
      %scan3A_1376 = arith.constant 0 : i32
      %scan3A_1377 = arith.constant 26 : i32
      %scan3A_1378 = arith.addi %scan3A_1376, %scan3A_1377 : i32
      %scan3A_1379 = arith.constant 1 : i32
      %scan3A_1380 = scf.for %scan3A_1382 = %scan3A_1376 to %scan3A_1378 step %scan3A_1379 iter_args(%scan3A_1383 = %scan3A_1375) -> (i32)  : i32 {
        %mul3A_1384 = arith.constant 845 : i32
        %mul3A_1385 = arith.muli %scan3A_1360, %mul3A_1384 : i32
        %add3A_1386 = arith.constant 13 : i32
        %add3A_1387 = arith.addi %mul3A_1385, %add3A_1386 : i32
        %mul3A_1388 = arith.constant 32 : i32
        %mul3A_1389 = arith.muli %scan3A_1382, %mul3A_1388 : i32
        %add3A_1390 = arith.addi %add3A_1387, %mul3A_1389 : i32
        %get3A_1391 = arith.constant 0 : i32
        %get3A_1392 = arith.index_cast %get3A_1391 : i32 to index
        %get3A_1393 = arith.index_cast %scan3A_1382 : i32 to index
        %get3A_1394 = arith.index_cast %scan3A_1360 : i32 to index
        %get3A_1395 = arith.constant 0 : index
        %get3A_1396 = tpu.vector_load %arg8[%get3A_1392, %get3A_1393, %get3A_1394, %get3A_1395] {strides = array<i32>} : memref<2x26x32x32xf32, #tpu.memory_space<vmem>>, vector<1x1x1x16xf32>,
        %get3A_1397 = vector.shape_cast %get3A_1396 : vector<1x1x1x16xf32> to vector<16xf32>
        %swap3A_1398 = arith.constant 0 : i32
        %swap3A_1399 = arith.index_cast %swap3A_1398 : i32 to index
        %swap3A_1400 = arith.index_cast %add3A_1390 : i32 to index
        %swap3A_1401 = tpu.vector_load %arg9[%swap3A_1399, %swap3A_1400] {strides = array<i32>} : memref<2x27040xf32, #tpu.memory_space<vmem>>, vector<1x16xf32>,
        %swap3A_1402 = vector.shape_cast %swap3A_1401 : vector<1x16xf32> to vector<16xf32>
        %swap3A_1403 = vector.shape_cast %get3A_1397 : vector<16xf32> to vector<1x16xf32>
        tpu.vector_store %arg9[%swap3A_1399, %swap3A_1400], %swap3A_1403 {strides = array<i32>} : memref<2x27040xf32, #tpu.memory_space<vmem>>, vector<1x16xf32>,
        %get3A_1404 = arith.constant 0 : i32
        %get3A_1405 = arith.index_cast %get3A_1404 : i32 to index
        %get3A_1406 = arith.index_cast %scan3A_1382 : i32 to index
        %get3A_1407 = arith.index_cast %scan3A_1360 : i32 to index
        %get3A_1408 = arith.constant 16 : index
        %get3A_1409 = tpu.vector_load %arg8[%get3A_1405, %get3A_1406, %get3A_1407, %get3A_1408] {strides = array<i32>} : memref<2x26x32x32xf32, #tpu.memory_space<vmem>>, vector<1x1x1x16xf32>,
        %get3A_1410 = vector.shape_cast %get3A_1409 : vector<1x1x1x16xf32> to vector<16xf32>
        %add3A_1411 = arith.constant 16 : i32
        %add3A_1412 = arith.addi %add3A_1390, %add3A_1411 : i32
        %swap3A_1413 = arith.constant 0 : i32
        %swap3A_1414 = arith.index_cast %swap3A_1413 : i32 to index
        %swap3A_1415 = arith.index_cast %add3A_1412 : i32 to index
        %swap3A_1416 = tpu.vector_load %arg9[%swap3A_1414, %swap3A_1415] {strides = array<i32>} : memref<2x27040xf32, #tpu.memory_space<vmem>>, vector<1x16xf32>,
        %swap3A_1417 = vector.shape_cast %swap3A_1416 : vector<1x16xf32> to vector<16xf32>
        %swap3A_1418 = vector.shape_cast %get3A_1410 : vector<16xf32> to vector<1x16xf32>
        tpu.vector_store %arg9[%swap3A_1414, %swap3A_1415], %swap3A_1418 {strides = array<i32>} : memref<2x27040xf32, #tpu.memory_space<vmem>>, vector<1x16xf32>,
        %scan3A_1419 = arith.constant 0 : i32
        scf.yield %scan3A_1419 : i32
      }
      %scan3A_1381 = arith.constant 26 : i32
      scf.yield %scan3A_1380 : i32
    }
    %scan3A_771 = arith.constant 32 : i32
    %add3A_772 = arith.constant 256 : i32
    %add3A_773 = arith.addi %mul3A_2, %add3A_772 : i32
    %mul3A_774 = arith.constant 845 : i32
    %mul3A_775 = arith.muli %add3A_773, %mul3A_774 : i32
    %dma_start3A_776 = arith.constant 0 : i32
    %dma_start3A_777 = arith.constant 0 : i32
    %dma_start3A_778 = arith.constant 0 : i32
    %dma_start3A_779 = tpu.memref_slice %arg9[%dma_start3A_776, %dma_start3A_778] : memref<2x27040xf32, #tpu.memory_space<vmem>> -> memref<1x27040xf32, #tpu.memory_space<vmem>>
    %dma_start3A_780 = tpu.memref_squeeze %dma_start3A_779 : memref<1x27040xf32, #tpu.memory_space<vmem>> -> memref<27040xf32, #tpu.memory_space<vmem>>
    %dma_start3A_781 = tpu.memref_slice %arg5[%mul3A_775] : memref<13844480xf32, #tpu.memory_space<hbm>> -> memref<27040xf32, #tpu.memory_space<hbm>>
    %dma_start3A_782 = tpu.memref_slice %arg13[%dma_start3A_777] : memref<2x!tpu.dma_semaphore, #tpu.memory_space<semaphore_mem>> -> memref<1x!tpu.dma_semaphore, #tpu.memory_space<semaphore_mem>>
    %dma_start3A_783 = tpu.memref_squeeze %dma_start3A_782 : memref<1x!tpu.dma_semaphore, #tpu.memory_space<semaphore_mem>> -> memref<!tpu.dma_semaphore, #tpu.memory_space<semaphore_mem>>
    %dma_start3A_784 = tpu.memref_slice %arg5[%mul3A_775] : memref<13844480xf32, #tpu.memory_space<hbm>> -> memref<27040xf32, #tpu.memory_space<hbm>>
    %dma_start3A_785 = arith.constant 0 : i32
    %dma_start3A_786 = tpu.memref_slice %arg9[%dma_start3A_776, %dma_start3A_785] : memref<2x27040xf32, #tpu.memory_space<vmem>> -> memref<1x27040xf32, #tpu.memory_space<vmem>>
    %dma_start3A_787 = tpu.memref_squeeze %dma_start3A_786 : memref<1x27040xf32, #tpu.memory_space<vmem>> -> memref<27040xf32, #tpu.memory_space<vmem>>
    tpu.enqueue_dma source(%dma_start3A_787 : memref<27040xf32, #tpu.memory_space<vmem>>) target(%dma_start3A_784 : memref<27040xf32, #tpu.memory_space<hbm>>) target_semaphore(%dma_start3A_783 : memref<!tpu.dma_semaphore, #tpu.memory_space<semaphore_mem>>)
    %add3A_788 = arith.constant 352 : i32
    %add3A_789 = arith.addi %mul3A_2, %add3A_788 : i32
    %mul3A_790 = arith.constant 13 : i32
    %mul3A_791 = arith.muli %add3A_789, %mul3A_790 : i32
    %dma_start3A_792 = arith.constant 2 : i32
    %dma_start3A_793 = arith.constant 2 : i32
    %dma_start3A_794 = arith.constant 0 : i32
    %dma_start3A_795 = tpu.memref_slice %arg7[%dma_start3A_792, %dma_start3A_794] : memref<3x432xf32, #tpu.memory_space<vmem>> -> memref<1x416xf32, #tpu.memory_space<vmem>>
    %dma_start3A_796 = tpu.memref_squeeze %dma_start3A_795 : memref<1x416xf32, #tpu.memory_space<vmem>> -> memref<416xf32, #tpu.memory_space<vmem>>
    %dma_start3A_797 = tpu.memref_slice %arg2[%mul3A_791] : memref<212992xf32, #tpu.memory_space<hbm>> -> memref<416xf32, #tpu.memory_space<hbm>>
    %dma_start3A_798 = tpu.memref_slice %arg11[%dma_start3A_793] : memref<3x!tpu.dma_semaphore, #tpu.memory_space<semaphore_mem>> -> memref<1x!tpu.dma_semaphore, #tpu.memory_space<semaphore_mem>>
    %dma_start3A_799 = tpu.memref_squeeze %dma_start3A_798 : memref<1x!tpu.dma_semaphore, #tpu.memory_space<semaphore_mem>> -> memref<!tpu.dma_semaphore, #tpu.memory_space<semaphore_mem>>
    %dma_start3A_800 = arith.constant 0 : i32
    %dma_start3A_801 = tpu.memref_slice %arg7[%dma_start3A_792, %dma_start3A_800] : memref<3x432xf32, #tpu.memory_space<vmem>> -> memref<1x416xf32, #tpu.memory_space<vmem>>
    %dma_start3A_802 = tpu.memref_squeeze %dma_start3A_801 : memref<1x416xf32, #tpu.memory_space<vmem>> -> memref<416xf32, #tpu.memory_space<vmem>>
    %dma_start3A_803 = tpu.memref_slice %arg2[%mul3A_791] : memref<212992xf32, #tpu.memory_space<hbm>> -> memref<416xf32, #tpu.memory_space<hbm>>
    tpu.enqueue_dma source(%dma_start3A_803 : memref<416xf32, #tpu.memory_space<hbm>>) target(%dma_start3A_802 : memref<416xf32, #tpu.memory_space<vmem>>) target_semaphore(%dma_start3A_799 : memref<!tpu.dma_semaphore, #tpu.memory_space<semaphore_mem>>)
    %add3A_804 = arith.constant 320 : i32
    %add3A_805 = arith.addi %mul3A_2, %add3A_804 : i32
    %mul3A_806 = arith.constant 13 : i32
    %mul3A_807 = arith.muli %add3A_805, %mul3A_806 : i32
    %dma_wait3A_808 = arith.constant 1 : i32
    %dma_wait3A_809 = arith.constant 1 : i32
    %dma_wait3A_810 = arith.constant 0 : i32
    %dma_wait3A_811 = tpu.memref_slice %arg7[%dma_wait3A_808, %dma_wait3A_810] : memref<3x432xf32, #tpu.memory_space<vmem>> -> memref<1x416xf32, #tpu.memory_space<vmem>>
    %dma_wait3A_812 = tpu.memref_squeeze %dma_wait3A_811 : memref<1x416xf32, #tpu.memory_space<vmem>> -> memref<416xf32, #tpu.memory_space<vmem>>
    %dma_wait3A_813 = tpu.memref_slice %arg2[%mul3A_807] : memref<212992xf32, #tpu.memory_space<hbm>> -> memref<416xf32, #tpu.memory_space<hbm>>
    %dma_wait3A_814 = tpu.memref_slice %arg11[%dma_wait3A_809] : memref<3x!tpu.dma_semaphore, #tpu.memory_space<semaphore_mem>> -> memref<1x!tpu.dma_semaphore, #tpu.memory_space<semaphore_mem>>
    %dma_wait3A_815 = tpu.memref_squeeze %dma_wait3A_814 : memref<1x!tpu.dma_semaphore, #tpu.memory_space<semaphore_mem>> -> memref<!tpu.dma_semaphore, #tpu.memory_space<semaphore_mem>>
    %dma_wait3A_816 = arith.constant 0 : i32
    %dma_wait3A_817 = tpu.memref_slice %arg7[%dma_wait3A_808, %dma_wait3A_816] : memref<3x432xf32, #tpu.memory_space<vmem>> -> memref<1x416xf32, #tpu.memory_space<vmem>>
    %dma_wait3A_818 = tpu.memref_squeeze %dma_wait3A_817 : memref<1x416xf32, #tpu.memory_space<vmem>> -> memref<416xf32, #tpu.memory_space<vmem>>
    %dma_wait3A_819 = tpu.memref_slice %arg2[%mul3A_807] : memref<212992xf32, #tpu.memory_space<hbm>> -> memref<416xf32, #tpu.memory_space<hbm>>
    tpu.wait_dma2 semaphore(%dma_wait3A_815 : memref<!tpu.dma_semaphore, #tpu.memory_space<semaphore_mem>>) src(%dma_wait3A_819 : memref<416xf32, #tpu.memory_space<hbm>>) dst(%dma_wait3A_818 : memref<416xf32, #tpu.memory_space<vmem>>)
    %scan3A_820 = arith.constant 0 : i32
    %scan3A_821 = arith.constant 0 : i32
    %scan3A_822 = arith.constant 26 : i32
    %scan3A_823 = arith.addi %scan3A_821, %scan3A_822 : i32
    %scan3A_824 = arith.constant 1 : i32
    %scan3A_825 = scf.for %scan3A_1360 = %scan3A_821 to %scan3A_823 step %scan3A_824 iter_args(%scan3A_1361 = %scan3A_820) -> (i32)  : i32 {
      %dma_start3A_1362 = arith.constant 0 : i32
      %dma_start3A_1363 = arith.constant 0 : i32
      %dma_start3A_1364 = arith.constant 0 : i32
      %dma_start3A_1365 = arith.constant 0 : i32
      %dma_start3A_1366 = tpu.memref_slice %arg8[%dma_start3A_1362, %scan3A_1360, %dma_start3A_1364, %dma_start3A_1365] : memref<2x26x32x32xf32, #tpu.memory_space<vmem>> -> memref<1x1x32x32xf32, #tpu.memory_space<vmem>>
      %dma_start3A_1367 = tpu.memref_squeeze %dma_start3A_1366 : memref<1x1x32x32xf32, #tpu.memory_space<vmem>> -> memref<32x32xf32, #tpu.memory_space<vmem>>
      %dma_start3A_1368 = arith.constant 320 : i32
      %dma_start3A_1369 = tpu.memref_slice %arg6[%scan3A_1360, %dma_start3A_1368] : memref<26x512xi32, #tpu.memory_space<vmem>> -> memref<1x32xi32, #tpu.memory_space<vmem>>
      %dma_start3A_1370 = tpu.memref_squeeze %dma_start3A_1369 : memref<1x32xi32, #tpu.memory_space<vmem>> -> memref<32xi32, #tpu.memory_space<vmem>>
      %dma_start3A_1371 = arith.constant 0 : i32
      %dma_start3A_1372 = arith.constant 0 : i32
      %dma_start3A_1373 = tpu.memref_slice %arg4[%scan3A_1360, %dma_start3A_1371, %dma_start3A_1372] : memref<26x100000x32xf32, #tpu.memory_space<hbm>> -> memref<1x100000x32xf32, #tpu.memory_space<hbm>>
      %dma_start3A_1374 = tpu.memref_squeeze %dma_start3A_1373 : memref<1x100000x32xf32, #tpu.memory_space<hbm>> -> memref<100000x32xf32, #tpu.memory_space<hbm>>
      %dma_start3A_1375 = arith.constant 0 : i32
      %dma_start3A_1376 = arith.constant 0 : i32
      %dma_start3A_1377 = tpu.memref_slice %dma_start3A_1374[%dma_start3A_1375, %dma_start3A_1376] : memref<100000x32xf32, #tpu.memory_space<hbm>> -> memref<100000x32xf32, #tpu.memory_space<hbm>>
      %dma_start3A_1378 = tpu.memref_slice %arg12[%dma_start3A_1363] : memref<2x!tpu.dma_semaphore, #tpu.memory_space<semaphore_mem>> -> memref<1x!tpu.dma_semaphore, #tpu.memory_space<semaphore_mem>>
      %dma_start3A_1379 = tpu.memref_squeeze %dma_start3A_1378 : memref<1x!tpu.dma_semaphore, #tpu.memory_space<semaphore_mem>> -> memref<!tpu.dma_semaphore, #tpu.memory_space<semaphore_mem>>
      tpu.enqueue_indirect_dma source(%dma_start3A_1377 : memref<100000x32xf32, #tpu.memory_space<hbm>>) target(%dma_start3A_1367 : memref<32x32xf32, #tpu.memory_space<vmem>>) offsets(%dma_start3A_1370 : memref<32xi32, #tpu.memory_space<vmem>>) semaphore(%dma_start3A_1379 : memref<!tpu.dma_semaphore, #tpu.memory_space<semaphore_mem>>)
      %scan3A_1380 = arith.constant 0 : i32
      scf.yield %scan3A_1380 : i32
    }
    %scan3A_826 = arith.constant 26 : i32
    %scan3A_827 = arith.constant 0 : i32
    %scan3A_828 = arith.constant 0 : i32
    %scan3A_829 = arith.constant 26 : i32
    %scan3A_830 = arith.addi %scan3A_828, %scan3A_829 : i32
    %scan3A_831 = arith.constant 1 : i32
    %scan3A_832 = scf.for %scan3A_1360 = %scan3A_828 to %scan3A_830 step %scan3A_831 iter_args(%scan3A_1361 = %scan3A_827) -> (i32)  : i32 {
      %dma_wait3A_1362 = arith.constant 1 : i32
      %dma_wait3A_1363 = arith.constant 1 : i32
      %dma_wait3A_1364 = arith.constant 0 : i32
      %dma_wait3A_1365 = arith.constant 0 : i32
      %dma_wait3A_1366 = tpu.memref_slice %arg8[%dma_wait3A_1362, %scan3A_1360, %dma_wait3A_1364, %dma_wait3A_1365] : memref<2x26x32x32xf32, #tpu.memory_space<vmem>> -> memref<1x1x32x32xf32, #tpu.memory_space<vmem>>
      %dma_wait3A_1367 = tpu.memref_squeeze %dma_wait3A_1366 : memref<1x1x32x32xf32, #tpu.memory_space<vmem>> -> memref<32x32xf32, #tpu.memory_space<vmem>>
      %dma_wait3A_1368 = arith.constant 288 : i32
      %dma_wait3A_1369 = tpu.memref_slice %arg6[%scan3A_1360, %dma_wait3A_1368] : memref<26x512xi32, #tpu.memory_space<vmem>> -> memref<1x32xi32, #tpu.memory_space<vmem>>
      %dma_wait3A_1370 = tpu.memref_squeeze %dma_wait3A_1369 : memref<1x32xi32, #tpu.memory_space<vmem>> -> memref<32xi32, #tpu.memory_space<vmem>>
      %dma_wait3A_1371 = arith.constant 0 : i32
      %dma_wait3A_1372 = arith.constant 0 : i32
      %dma_wait3A_1373 = tpu.memref_slice %arg4[%scan3A_1360, %dma_wait3A_1371, %dma_wait3A_1372] : memref<26x100000x32xf32, #tpu.memory_space<hbm>> -> memref<1x100000x32xf32, #tpu.memory_space<hbm>>
      %dma_wait3A_1374 = tpu.memref_squeeze %dma_wait3A_1373 : memref<1x100000x32xf32, #tpu.memory_space<hbm>> -> memref<100000x32xf32, #tpu.memory_space<hbm>>
      %dma_wait3A_1375 = arith.constant 0 : i32
      %dma_wait3A_1376 = arith.constant 0 : i32
      %dma_wait3A_1377 = tpu.memref_slice %dma_wait3A_1374[%dma_wait3A_1375, %dma_wait3A_1376] : memref<100000x32xf32, #tpu.memory_space<hbm>> -> memref<100000x32xf32, #tpu.memory_space<hbm>>
      %dma_wait3A_1378 = tpu.memref_slice %arg12[%dma_wait3A_1363] : memref<2x!tpu.dma_semaphore, #tpu.memory_space<semaphore_mem>> -> memref<1x!tpu.dma_semaphore, #tpu.memory_space<semaphore_mem>>
      %dma_wait3A_1379 = tpu.memref_squeeze %dma_wait3A_1378 : memref<1x!tpu.dma_semaphore, #tpu.memory_space<semaphore_mem>> -> memref<!tpu.dma_semaphore, #tpu.memory_space<semaphore_mem>>
      tpu.wait_indirect_dma semaphore(%dma_wait3A_1379 : memref<!tpu.dma_semaphore, #tpu.memory_space<semaphore_mem>>) src(%dma_wait3A_1377 : memref<100000x32xf32, #tpu.memory_space<hbm>>) dst(%dma_wait3A_1367 : memref<32x32xf32, #tpu.memory_space<vmem>>)
      %scan3A_1380 = arith.constant 0 : i32
      scf.yield %scan3A_1380 : i32
    }
    %scan3A_833 = arith.constant 26 : i32
    %add3A_834 = arith.constant 224 : i32
    %add3A_835 = arith.addi %mul3A_2, %add3A_834 : i32
    %mul3A_836 = arith.constant 845 : i32
    %mul3A_837 = arith.muli %add3A_835, %mul3A_836 : i32
    %dma_wait3A_838 = arith.constant 1 : i32
    %dma_wait3A_839 = arith.constant 1 : i32
    %dma_wait3A_840 = arith.constant 0 : i32
    %dma_wait3A_841 = tpu.memref_slice %arg9[%dma_wait3A_838, %dma_wait3A_840] : memref<2x27040xf32, #tpu.memory_space<vmem>> -> memref<1x27040xf32, #tpu.memory_space<vmem>>
    %dma_wait3A_842 = tpu.memref_squeeze %dma_wait3A_841 : memref<1x27040xf32, #tpu.memory_space<vmem>> -> memref<27040xf32, #tpu.memory_space<vmem>>
    %dma_wait3A_843 = tpu.memref_slice %arg5[%mul3A_837] : memref<13844480xf32, #tpu.memory_space<hbm>> -> memref<27040xf32, #tpu.memory_space<hbm>>
    %dma_wait3A_844 = tpu.memref_slice %arg13[%dma_wait3A_839] : memref<2x!tpu.dma_semaphore, #tpu.memory_space<semaphore_mem>> -> memref<1x!tpu.dma_semaphore, #tpu.memory_space<semaphore_mem>>
    %dma_wait3A_845 = tpu.memref_squeeze %dma_wait3A_844 : memref<1x!tpu.dma_semaphore, #tpu.memory_space<semaphore_mem>> -> memref<!tpu.dma_semaphore, #tpu.memory_space<semaphore_mem>>
    %dma_wait3A_846 = tpu.memref_slice %arg5[%mul3A_837] : memref<13844480xf32, #tpu.memory_space<hbm>> -> memref<27040xf32, #tpu.memory_space<hbm>>
    %dma_wait3A_847 = arith.constant 0 : i32
    %dma_wait3A_848 = tpu.memref_slice %arg9[%dma_wait3A_838, %dma_wait3A_847] : memref<2x27040xf32, #tpu.memory_space<vmem>> -> memref<1x27040xf32, #tpu.memory_space<vmem>>
    %dma_wait3A_849 = tpu.memref_squeeze %dma_wait3A_848 : memref<1x27040xf32, #tpu.memory_space<vmem>> -> memref<27040xf32, #tpu.memory_space<vmem>>
    tpu.wait_dma2 semaphore(%dma_wait3A_845 : memref<!tpu.dma_semaphore, #tpu.memory_space<semaphore_mem>>) src(%dma_wait3A_849 : memref<27040xf32, #tpu.memory_space<vmem>>) dst(%dma_wait3A_846 : memref<27040xf32, #tpu.memory_space<hbm>>)
    %scan3A_850 = arith.constant 0 : i32
    %scan3A_851 = arith.constant 0 : i32
    %scan3A_852 = arith.constant 32 : i32
    %scan3A_853 = arith.addi %scan3A_851, %scan3A_852 : i32
    %scan3A_854 = arith.constant 1 : i32
    %scan3A_855 = scf.for %scan3A_1360 = %scan3A_851 to %scan3A_853 step %scan3A_854 iter_args(%scan3A_1361 = %scan3A_850) -> (i32)  : i32 {
      %mul3A_1362 = arith.constant 13 : i32
      %mul3A_1363 = arith.muli %scan3A_1360, %mul3A_1362 : i32
      %get3A = arith.constant 0 : i32
      %get3A_1364 = arith.index_cast %get3A : i32 to index
      %get3A_1365 = arith.index_cast %mul3A_1363 : i32 to index
      %get3A_1366 = tpu.vector_load %arg7[%get3A_1364, %get3A_1365] {strides = array<i32>} : memref<3x432xf32, #tpu.memory_space<vmem>>, vector<1x16xf32>,
      %get3A_1367 = vector.shape_cast %get3A_1366 : vector<1x16xf32> to vector<16xf32>
      %mul3A_1368 = arith.constant 845 : i32
      %mul3A_1369 = arith.muli %scan3A_1360, %mul3A_1368 : i32
      %swap3A = arith.constant 1 : i32
      %swap3A_1370 = arith.index_cast %swap3A : i32 to index
      %swap3A_1371 = arith.index_cast %mul3A_1369 : i32 to index
      %swap3A_1372 = tpu.vector_load %arg9[%swap3A_1370, %swap3A_1371] {strides = array<i32>} : memref<2x27040xf32, #tpu.memory_space<vmem>>, vector<1x16xf32>,
      %swap3A_1373 = vector.shape_cast %swap3A_1372 : vector<1x16xf32> to vector<16xf32>
      %swap3A_1374 = vector.shape_cast %get3A_1367 : vector<16xf32> to vector<1x16xf32>
      tpu.vector_store %arg9[%swap3A_1370, %swap3A_1371], %swap3A_1374 {strides = array<i32>} : memref<2x27040xf32, #tpu.memory_space<vmem>>, vector<1x16xf32>,
      %scan3A_1375 = arith.constant 0 : i32
      %scan3A_1376 = arith.constant 0 : i32
      %scan3A_1377 = arith.constant 26 : i32
      %scan3A_1378 = arith.addi %scan3A_1376, %scan3A_1377 : i32
      %scan3A_1379 = arith.constant 1 : i32
      %scan3A_1380 = scf.for %scan3A_1382 = %scan3A_1376 to %scan3A_1378 step %scan3A_1379 iter_args(%scan3A_1383 = %scan3A_1375) -> (i32)  : i32 {
        %mul3A_1384 = arith.constant 845 : i32
        %mul3A_1385 = arith.muli %scan3A_1360, %mul3A_1384 : i32
        %add3A_1386 = arith.constant 13 : i32
        %add3A_1387 = arith.addi %mul3A_1385, %add3A_1386 : i32
        %mul3A_1388 = arith.constant 32 : i32
        %mul3A_1389 = arith.muli %scan3A_1382, %mul3A_1388 : i32
        %add3A_1390 = arith.addi %add3A_1387, %mul3A_1389 : i32
        %get3A_1391 = arith.constant 1 : i32
        %get3A_1392 = arith.index_cast %get3A_1391 : i32 to index
        %get3A_1393 = arith.index_cast %scan3A_1382 : i32 to index
        %get3A_1394 = arith.index_cast %scan3A_1360 : i32 to index
        %get3A_1395 = arith.constant 0 : index
        %get3A_1396 = tpu.vector_load %arg8[%get3A_1392, %get3A_1393, %get3A_1394, %get3A_1395] {strides = array<i32>} : memref<2x26x32x32xf32, #tpu.memory_space<vmem>>, vector<1x1x1x16xf32>,
        %get3A_1397 = vector.shape_cast %get3A_1396 : vector<1x1x1x16xf32> to vector<16xf32>
        %swap3A_1398 = arith.constant 1 : i32
        %swap3A_1399 = arith.index_cast %swap3A_1398 : i32 to index
        %swap3A_1400 = arith.index_cast %add3A_1390 : i32 to index
        %swap3A_1401 = tpu.vector_load %arg9[%swap3A_1399, %swap3A_1400] {strides = array<i32>} : memref<2x27040xf32, #tpu.memory_space<vmem>>, vector<1x16xf32>,
        %swap3A_1402 = vector.shape_cast %swap3A_1401 : vector<1x16xf32> to vector<16xf32>
        %swap3A_1403 = vector.shape_cast %get3A_1397 : vector<16xf32> to vector<1x16xf32>
        tpu.vector_store %arg9[%swap3A_1399, %swap3A_1400], %swap3A_1403 {strides = array<i32>} : memref<2x27040xf32, #tpu.memory_space<vmem>>, vector<1x16xf32>,
        %get3A_1404 = arith.constant 1 : i32
        %get3A_1405 = arith.index_cast %get3A_1404 : i32 to index
        %get3A_1406 = arith.index_cast %scan3A_1382 : i32 to index
        %get3A_1407 = arith.index_cast %scan3A_1360 : i32 to index
        %get3A_1408 = arith.constant 16 : index
        %get3A_1409 = tpu.vector_load %arg8[%get3A_1405, %get3A_1406, %get3A_1407, %get3A_1408] {strides = array<i32>} : memref<2x26x32x32xf32, #tpu.memory_space<vmem>>, vector<1x1x1x16xf32>,
        %get3A_1410 = vector.shape_cast %get3A_1409 : vector<1x1x1x16xf32> to vector<16xf32>
        %add3A_1411 = arith.constant 16 : i32
        %add3A_1412 = arith.addi %add3A_1390, %add3A_1411 : i32
        %swap3A_1413 = arith.constant 1 : i32
        %swap3A_1414 = arith.index_cast %swap3A_1413 : i32 to index
        %swap3A_1415 = arith.index_cast %add3A_1412 : i32 to index
        %swap3A_1416 = tpu.vector_load %arg9[%swap3A_1414, %swap3A_1415] {strides = array<i32>} : memref<2x27040xf32, #tpu.memory_space<vmem>>, vector<1x16xf32>,
        %swap3A_1417 = vector.shape_cast %swap3A_1416 : vector<1x16xf32> to vector<16xf32>
        %swap3A_1418 = vector.shape_cast %get3A_1410 : vector<16xf32> to vector<1x16xf32>
        tpu.vector_store %arg9[%swap3A_1414, %swap3A_1415], %swap3A_1418 {strides = array<i32>} : memref<2x27040xf32, #tpu.memory_space<vmem>>, vector<1x16xf32>,
        %scan3A_1419 = arith.constant 0 : i32
        scf.yield %scan3A_1419 : i32
      }
      %scan3A_1381 = arith.constant 26 : i32
      scf.yield %scan3A_1380 : i32
    }
    %scan3A_856 = arith.constant 32 : i32
    %add3A_857 = arith.constant 288 : i32
    %add3A_858 = arith.addi %mul3A_2, %add3A_857 : i32
    %mul3A_859 = arith.constant 845 : i32
    %mul3A_860 = arith.muli %add3A_858, %mul3A_859 : i32
    %dma_start3A_861 = arith.constant 1 : i32
    %dma_start3A_862 = arith.constant 1 : i32
    %dma_start3A_863 = arith.constant 0 : i32
    %dma_start3A_864 = tpu.memref_slice %arg9[%dma_start3A_861, %dma_start3A_863] : memref<2x27040xf32, #tpu.memory_space<vmem>> -> memref<1x27040xf32, #tpu.memory_space<vmem>>
    %dma_start3A_865 = tpu.memref_squeeze %dma_start3A_864 : memref<1x27040xf32, #tpu.memory_space<vmem>> -> memref<27040xf32, #tpu.memory_space<vmem>>
    %dma_start3A_866 = tpu.memref_slice %arg5[%mul3A_860] : memref<13844480xf32, #tpu.memory_space<hbm>> -> memref<27040xf32, #tpu.memory_space<hbm>>
    %dma_start3A_867 = tpu.memref_slice %arg13[%dma_start3A_862] : memref<2x!tpu.dma_semaphore, #tpu.memory_space<semaphore_mem>> -> memref<1x!tpu.dma_semaphore, #tpu.memory_space<semaphore_mem>>
    %dma_start3A_868 = tpu.memref_squeeze %dma_start3A_867 : memref<1x!tpu.dma_semaphore, #tpu.memory_space<semaphore_mem>> -> memref<!tpu.dma_semaphore, #tpu.memory_space<semaphore_mem>>
    %dma_start3A_869 = tpu.memref_slice %arg5[%mul3A_860] : memref<13844480xf32, #tpu.memory_space<hbm>> -> memref<27040xf32, #tpu.memory_space<hbm>>
    %dma_start3A_870 = arith.constant 0 : i32
    %dma_start3A_871 = tpu.memref_slice %arg9[%dma_start3A_861, %dma_start3A_870] : memref<2x27040xf32, #tpu.memory_space<vmem>> -> memref<1x27040xf32, #tpu.memory_space<vmem>>
    %dma_start3A_872 = tpu.memref_squeeze %dma_start3A_871 : memref<1x27040xf32, #tpu.memory_space<vmem>> -> memref<27040xf32, #tpu.memory_space<vmem>>
    tpu.enqueue_dma source(%dma_start3A_872 : memref<27040xf32, #tpu.memory_space<vmem>>) target(%dma_start3A_869 : memref<27040xf32, #tpu.memory_space<hbm>>) target_semaphore(%dma_start3A_868 : memref<!tpu.dma_semaphore, #tpu.memory_space<semaphore_mem>>)
    %add3A_873 = arith.constant 384 : i32
    %add3A_874 = arith.addi %mul3A_2, %add3A_873 : i32
    %mul3A_875 = arith.constant 13 : i32
    %mul3A_876 = arith.muli %add3A_874, %mul3A_875 : i32
    %dma_start3A_877 = arith.constant 0 : i32
    %dma_start3A_878 = arith.constant 0 : i32
    %dma_start3A_879 = arith.constant 0 : i32
    %dma_start3A_880 = tpu.memref_slice %arg7[%dma_start3A_877, %dma_start3A_879] : memref<3x432xf32, #tpu.memory_space<vmem>> -> memref<1x416xf32, #tpu.memory_space<vmem>>
    %dma_start3A_881 = tpu.memref_squeeze %dma_start3A_880 : memref<1x416xf32, #tpu.memory_space<vmem>> -> memref<416xf32, #tpu.memory_space<vmem>>
    %dma_start3A_882 = tpu.memref_slice %arg2[%mul3A_876] : memref<212992xf32, #tpu.memory_space<hbm>> -> memref<416xf32, #tpu.memory_space<hbm>>
    %dma_start3A_883 = tpu.memref_slice %arg11[%dma_start3A_878] : memref<3x!tpu.dma_semaphore, #tpu.memory_space<semaphore_mem>> -> memref<1x!tpu.dma_semaphore, #tpu.memory_space<semaphore_mem>>
    %dma_start3A_884 = tpu.memref_squeeze %dma_start3A_883 : memref<1x!tpu.dma_semaphore, #tpu.memory_space<semaphore_mem>> -> memref<!tpu.dma_semaphore, #tpu.memory_space<semaphore_mem>>
    %dma_start3A_885 = arith.constant 0 : i32
    %dma_start3A_886 = tpu.memref_slice %arg7[%dma_start3A_877, %dma_start3A_885] : memref<3x432xf32, #tpu.memory_space<vmem>> -> memref<1x416xf32, #tpu.memory_space<vmem>>
    %dma_start3A_887 = tpu.memref_squeeze %dma_start3A_886 : memref<1x416xf32, #tpu.memory_space<vmem>> -> memref<416xf32, #tpu.memory_space<vmem>>
    %dma_start3A_888 = tpu.memref_slice %arg2[%mul3A_876] : memref<212992xf32, #tpu.memory_space<hbm>> -> memref<416xf32, #tpu.memory_space<hbm>>
    tpu.enqueue_dma source(%dma_start3A_888 : memref<416xf32, #tpu.memory_space<hbm>>) target(%dma_start3A_887 : memref<416xf32, #tpu.memory_space<vmem>>) target_semaphore(%dma_start3A_884 : memref<!tpu.dma_semaphore, #tpu.memory_space<semaphore_mem>>)
    %add3A_889 = arith.constant 352 : i32
    %add3A_890 = arith.addi %mul3A_2, %add3A_889 : i32
    %mul3A_891 = arith.constant 13 : i32
    %mul3A_892 = arith.muli %add3A_890, %mul3A_891 : i32
    %dma_wait3A_893 = arith.constant 2 : i32
    %dma_wait3A_894 = arith.constant 2 : i32
    %dma_wait3A_895 = arith.constant 0 : i32
    %dma_wait3A_896 = tpu.memref_slice %arg7[%dma_wait3A_893, %dma_wait3A_895] : memref<3x432xf32, #tpu.memory_space<vmem>> -> memref<1x416xf32, #tpu.memory_space<vmem>>
    %dma_wait3A_897 = tpu.memref_squeeze %dma_wait3A_896 : memref<1x416xf32, #tpu.memory_space<vmem>> -> memref<416xf32, #tpu.memory_space<vmem>>
    %dma_wait3A_898 = tpu.memref_slice %arg2[%mul3A_892] : memref<212992xf32, #tpu.memory_space<hbm>> -> memref<416xf32, #tpu.memory_space<hbm>>
    %dma_wait3A_899 = tpu.memref_slice %arg11[%dma_wait3A_894] : memref<3x!tpu.dma_semaphore, #tpu.memory_space<semaphore_mem>> -> memref<1x!tpu.dma_semaphore, #tpu.memory_space<semaphore_mem>>
    %dma_wait3A_900 = tpu.memref_squeeze %dma_wait3A_899 : memref<1x!tpu.dma_semaphore, #tpu.memory_space<semaphore_mem>> -> memref<!tpu.dma_semaphore, #tpu.memory_space<semaphore_mem>>
    %dma_wait3A_901 = arith.constant 0 : i32
    %dma_wait3A_902 = tpu.memref_slice %arg7[%dma_wait3A_893, %dma_wait3A_901] : memref<3x432xf32, #tpu.memory_space<vmem>> -> memref<1x416xf32, #tpu.memory_space<vmem>>
    %dma_wait3A_903 = tpu.memref_squeeze %dma_wait3A_902 : memref<1x416xf32, #tpu.memory_space<vmem>> -> memref<416xf32, #tpu.memory_space<vmem>>
    %dma_wait3A_904 = tpu.memref_slice %arg2[%mul3A_892] : memref<212992xf32, #tpu.memory_space<hbm>> -> memref<416xf32, #tpu.memory_space<hbm>>
    tpu.wait_dma2 semaphore(%dma_wait3A_900 : memref<!tpu.dma_semaphore, #tpu.memory_space<semaphore_mem>>) src(%dma_wait3A_904 : memref<416xf32, #tpu.memory_space<hbm>>) dst(%dma_wait3A_903 : memref<416xf32, #tpu.memory_space<vmem>>)
    %scan3A_905 = arith.constant 0 : i32
    %scan3A_906 = arith.constant 0 : i32
    %scan3A_907 = arith.constant 26 : i32
    %scan3A_908 = arith.addi %scan3A_906, %scan3A_907 : i32
    %scan3A_909 = arith.constant 1 : i32
    %scan3A_910 = scf.for %scan3A_1360 = %scan3A_906 to %scan3A_908 step %scan3A_909 iter_args(%scan3A_1361 = %scan3A_905) -> (i32)  : i32 {
      %dma_start3A_1362 = arith.constant 1 : i32
      %dma_start3A_1363 = arith.constant 1 : i32
      %dma_start3A_1364 = arith.constant 0 : i32
      %dma_start3A_1365 = arith.constant 0 : i32
      %dma_start3A_1366 = tpu.memref_slice %arg8[%dma_start3A_1362, %scan3A_1360, %dma_start3A_1364, %dma_start3A_1365] : memref<2x26x32x32xf32, #tpu.memory_space<vmem>> -> memref<1x1x32x32xf32, #tpu.memory_space<vmem>>
      %dma_start3A_1367 = tpu.memref_squeeze %dma_start3A_1366 : memref<1x1x32x32xf32, #tpu.memory_space<vmem>> -> memref<32x32xf32, #tpu.memory_space<vmem>>
      %dma_start3A_1368 = arith.constant 352 : i32
      %dma_start3A_1369 = tpu.memref_slice %arg6[%scan3A_1360, %dma_start3A_1368] : memref<26x512xi32, #tpu.memory_space<vmem>> -> memref<1x32xi32, #tpu.memory_space<vmem>>
      %dma_start3A_1370 = tpu.memref_squeeze %dma_start3A_1369 : memref<1x32xi32, #tpu.memory_space<vmem>> -> memref<32xi32, #tpu.memory_space<vmem>>
      %dma_start3A_1371 = arith.constant 0 : i32
      %dma_start3A_1372 = arith.constant 0 : i32
      %dma_start3A_1373 = tpu.memref_slice %arg4[%scan3A_1360, %dma_start3A_1371, %dma_start3A_1372] : memref<26x100000x32xf32, #tpu.memory_space<hbm>> -> memref<1x100000x32xf32, #tpu.memory_space<hbm>>
      %dma_start3A_1374 = tpu.memref_squeeze %dma_start3A_1373 : memref<1x100000x32xf32, #tpu.memory_space<hbm>> -> memref<100000x32xf32, #tpu.memory_space<hbm>>
      %dma_start3A_1375 = arith.constant 0 : i32
      %dma_start3A_1376 = arith.constant 0 : i32
      %dma_start3A_1377 = tpu.memref_slice %dma_start3A_1374[%dma_start3A_1375, %dma_start3A_1376] : memref<100000x32xf32, #tpu.memory_space<hbm>> -> memref<100000x32xf32, #tpu.memory_space<hbm>>
      %dma_start3A_1378 = tpu.memref_slice %arg12[%dma_start3A_1363] : memref<2x!tpu.dma_semaphore, #tpu.memory_space<semaphore_mem>> -> memref<1x!tpu.dma_semaphore, #tpu.memory_space<semaphore_mem>>
      %dma_start3A_1379 = tpu.memref_squeeze %dma_start3A_1378 : memref<1x!tpu.dma_semaphore, #tpu.memory_space<semaphore_mem>> -> memref<!tpu.dma_semaphore, #tpu.memory_space<semaphore_mem>>
      tpu.enqueue_indirect_dma source(%dma_start3A_1377 : memref<100000x32xf32, #tpu.memory_space<hbm>>) target(%dma_start3A_1367 : memref<32x32xf32, #tpu.memory_space<vmem>>) offsets(%dma_start3A_1370 : memref<32xi32, #tpu.memory_space<vmem>>) semaphore(%dma_start3A_1379 : memref<!tpu.dma_semaphore, #tpu.memory_space<semaphore_mem>>)
      %scan3A_1380 = arith.constant 0 : i32
      scf.yield %scan3A_1380 : i32
    }
    %scan3A_911 = arith.constant 26 : i32
    %scan3A_912 = arith.constant 0 : i32
    %scan3A_913 = arith.constant 0 : i32
    %scan3A_914 = arith.constant 26 : i32
    %scan3A_915 = arith.addi %scan3A_913, %scan3A_914 : i32
    %scan3A_916 = arith.constant 1 : i32
    %scan3A_917 = scf.for %scan3A_1360 = %scan3A_913 to %scan3A_915 step %scan3A_916 iter_args(%scan3A_1361 = %scan3A_912) -> (i32)  : i32 {
      %dma_wait3A_1362 = arith.constant 0 : i32
      %dma_wait3A_1363 = arith.constant 0 : i32
      %dma_wait3A_1364 = arith.constant 0 : i32
      %dma_wait3A_1365 = arith.constant 0 : i32
      %dma_wait3A_1366 = tpu.memref_slice %arg8[%dma_wait3A_1362, %scan3A_1360, %dma_wait3A_1364, %dma_wait3A_1365] : memref<2x26x32x32xf32, #tpu.memory_space<vmem>> -> memref<1x1x32x32xf32, #tpu.memory_space<vmem>>
      %dma_wait3A_1367 = tpu.memref_squeeze %dma_wait3A_1366 : memref<1x1x32x32xf32, #tpu.memory_space<vmem>> -> memref<32x32xf32, #tpu.memory_space<vmem>>
      %dma_wait3A_1368 = arith.constant 320 : i32
      %dma_wait3A_1369 = tpu.memref_slice %arg6[%scan3A_1360, %dma_wait3A_1368] : memref<26x512xi32, #tpu.memory_space<vmem>> -> memref<1x32xi32, #tpu.memory_space<vmem>>
      %dma_wait3A_1370 = tpu.memref_squeeze %dma_wait3A_1369 : memref<1x32xi32, #tpu.memory_space<vmem>> -> memref<32xi32, #tpu.memory_space<vmem>>
      %dma_wait3A_1371 = arith.constant 0 : i32
      %dma_wait3A_1372 = arith.constant 0 : i32
      %dma_wait3A_1373 = tpu.memref_slice %arg4[%scan3A_1360, %dma_wait3A_1371, %dma_wait3A_1372] : memref<26x100000x32xf32, #tpu.memory_space<hbm>> -> memref<1x100000x32xf32, #tpu.memory_space<hbm>>
      %dma_wait3A_1374 = tpu.memref_squeeze %dma_wait3A_1373 : memref<1x100000x32xf32, #tpu.memory_space<hbm>> -> memref<100000x32xf32, #tpu.memory_space<hbm>>
      %dma_wait3A_1375 = arith.constant 0 : i32
      %dma_wait3A_1376 = arith.constant 0 : i32
      %dma_wait3A_1377 = tpu.memref_slice %dma_wait3A_1374[%dma_wait3A_1375, %dma_wait3A_1376] : memref<100000x32xf32, #tpu.memory_space<hbm>> -> memref<100000x32xf32, #tpu.memory_space<hbm>>
      %dma_wait3A_1378 = tpu.memref_slice %arg12[%dma_wait3A_1363] : memref<2x!tpu.dma_semaphore, #tpu.memory_space<semaphore_mem>> -> memref<1x!tpu.dma_semaphore, #tpu.memory_space<semaphore_mem>>
      %dma_wait3A_1379 = tpu.memref_squeeze %dma_wait3A_1378 : memref<1x!tpu.dma_semaphore, #tpu.memory_space<semaphore_mem>> -> memref<!tpu.dma_semaphore, #tpu.memory_space<semaphore_mem>>
      tpu.wait_indirect_dma semaphore(%dma_wait3A_1379 : memref<!tpu.dma_semaphore, #tpu.memory_space<semaphore_mem>>) src(%dma_wait3A_1377 : memref<100000x32xf32, #tpu.memory_space<hbm>>) dst(%dma_wait3A_1367 : memref<32x32xf32, #tpu.memory_space<vmem>>)
      %scan3A_1380 = arith.constant 0 : i32
      scf.yield %scan3A_1380 : i32
    }
    %scan3A_918 = arith.constant 26 : i32
    %add3A_919 = arith.constant 256 : i32
    %add3A_920 = arith.addi %mul3A_2, %add3A_919 : i32
    %mul3A_921 = arith.constant 845 : i32
    %mul3A_922 = arith.muli %add3A_920, %mul3A_921 : i32
    %dma_wait3A_923 = arith.constant 0 : i32
    %dma_wait3A_924 = arith.constant 0 : i32
    %dma_wait3A_925 = arith.constant 0 : i32
    %dma_wait3A_926 = tpu.memref_slice %arg9[%dma_wait3A_923, %dma_wait3A_925] : memref<2x27040xf32, #tpu.memory_space<vmem>> -> memref<1x27040xf32, #tpu.memory_space<vmem>>
    %dma_wait3A_927 = tpu.memref_squeeze %dma_wait3A_926 : memref<1x27040xf32, #tpu.memory_space<vmem>> -> memref<27040xf32, #tpu.memory_space<vmem>>
    %dma_wait3A_928 = tpu.memref_slice %arg5[%mul3A_922] : memref<13844480xf32, #tpu.memory_space<hbm>> -> memref<27040xf32, #tpu.memory_space<hbm>>
    %dma_wait3A_929 = tpu.memref_slice %arg13[%dma_wait3A_924] : memref<2x!tpu.dma_semaphore, #tpu.memory_space<semaphore_mem>> -> memref<1x!tpu.dma_semaphore, #tpu.memory_space<semaphore_mem>>
    %dma_wait3A_930 = tpu.memref_squeeze %dma_wait3A_929 : memref<1x!tpu.dma_semaphore, #tpu.memory_space<semaphore_mem>> -> memref<!tpu.dma_semaphore, #tpu.memory_space<semaphore_mem>>
    %dma_wait3A_931 = tpu.memref_slice %arg5[%mul3A_922] : memref<13844480xf32, #tpu.memory_space<hbm>> -> memref<27040xf32, #tpu.memory_space<hbm>>
    %dma_wait3A_932 = arith.constant 0 : i32
    %dma_wait3A_933 = tpu.memref_slice %arg9[%dma_wait3A_923, %dma_wait3A_932] : memref<2x27040xf32, #tpu.memory_space<vmem>> -> memref<1x27040xf32, #tpu.memory_space<vmem>>
    %dma_wait3A_934 = tpu.memref_squeeze %dma_wait3A_933 : memref<1x27040xf32, #tpu.memory_space<vmem>> -> memref<27040xf32, #tpu.memory_space<vmem>>
    tpu.wait_dma2 semaphore(%dma_wait3A_930 : memref<!tpu.dma_semaphore, #tpu.memory_space<semaphore_mem>>) src(%dma_wait3A_934 : memref<27040xf32, #tpu.memory_space<vmem>>) dst(%dma_wait3A_931 : memref<27040xf32, #tpu.memory_space<hbm>>)
    %scan3A_935 = arith.constant 0 : i32
    %scan3A_936 = arith.constant 0 : i32
    %scan3A_937 = arith.constant 32 : i32
    %scan3A_938 = arith.addi %scan3A_936, %scan3A_937 : i32
    %scan3A_939 = arith.constant 1 : i32
    %scan3A_940 = scf.for %scan3A_1360 = %scan3A_936 to %scan3A_938 step %scan3A_939 iter_args(%scan3A_1361 = %scan3A_935) -> (i32)  : i32 {
      %mul3A_1362 = arith.constant 13 : i32
      %mul3A_1363 = arith.muli %scan3A_1360, %mul3A_1362 : i32
      %get3A = arith.constant 1 : i32
      %get3A_1364 = arith.index_cast %get3A : i32 to index
      %get3A_1365 = arith.index_cast %mul3A_1363 : i32 to index
      %get3A_1366 = tpu.vector_load %arg7[%get3A_1364, %get3A_1365] {strides = array<i32>} : memref<3x432xf32, #tpu.memory_space<vmem>>, vector<1x16xf32>,
      %get3A_1367 = vector.shape_cast %get3A_1366 : vector<1x16xf32> to vector<16xf32>
      %mul3A_1368 = arith.constant 845 : i32
      %mul3A_1369 = arith.muli %scan3A_1360, %mul3A_1368 : i32
      %swap3A = arith.constant 0 : i32
      %swap3A_1370 = arith.index_cast %swap3A : i32 to index
      %swap3A_1371 = arith.index_cast %mul3A_1369 : i32 to index
      %swap3A_1372 = tpu.vector_load %arg9[%swap3A_1370, %swap3A_1371] {strides = array<i32>} : memref<2x27040xf32, #tpu.memory_space<vmem>>, vector<1x16xf32>,
      %swap3A_1373 = vector.shape_cast %swap3A_1372 : vector<1x16xf32> to vector<16xf32>
      %swap3A_1374 = vector.shape_cast %get3A_1367 : vector<16xf32> to vector<1x16xf32>
      tpu.vector_store %arg9[%swap3A_1370, %swap3A_1371], %swap3A_1374 {strides = array<i32>} : memref<2x27040xf32, #tpu.memory_space<vmem>>, vector<1x16xf32>,
      %scan3A_1375 = arith.constant 0 : i32
      %scan3A_1376 = arith.constant 0 : i32
      %scan3A_1377 = arith.constant 26 : i32
      %scan3A_1378 = arith.addi %scan3A_1376, %scan3A_1377 : i32
      %scan3A_1379 = arith.constant 1 : i32
      %scan3A_1380 = scf.for %scan3A_1382 = %scan3A_1376 to %scan3A_1378 step %scan3A_1379 iter_args(%scan3A_1383 = %scan3A_1375) -> (i32)  : i32 {
        %mul3A_1384 = arith.constant 845 : i32
        %mul3A_1385 = arith.muli %scan3A_1360, %mul3A_1384 : i32
        %add3A_1386 = arith.constant 13 : i32
        %add3A_1387 = arith.addi %mul3A_1385, %add3A_1386 : i32
        %mul3A_1388 = arith.constant 32 : i32
        %mul3A_1389 = arith.muli %scan3A_1382, %mul3A_1388 : i32
        %add3A_1390 = arith.addi %add3A_1387, %mul3A_1389 : i32
        %get3A_1391 = arith.constant 0 : i32
        %get3A_1392 = arith.index_cast %get3A_1391 : i32 to index
        %get3A_1393 = arith.index_cast %scan3A_1382 : i32 to index
        %get3A_1394 = arith.index_cast %scan3A_1360 : i32 to index
        %get3A_1395 = arith.constant 0 : index
        %get3A_1396 = tpu.vector_load %arg8[%get3A_1392, %get3A_1393, %get3A_1394, %get3A_1395] {strides = array<i32>} : memref<2x26x32x32xf32, #tpu.memory_space<vmem>>, vector<1x1x1x16xf32>,
        %get3A_1397 = vector.shape_cast %get3A_1396 : vector<1x1x1x16xf32> to vector<16xf32>
        %swap3A_1398 = arith.constant 0 : i32
        %swap3A_1399 = arith.index_cast %swap3A_1398 : i32 to index
        %swap3A_1400 = arith.index_cast %add3A_1390 : i32 to index
        %swap3A_1401 = tpu.vector_load %arg9[%swap3A_1399, %swap3A_1400] {strides = array<i32>} : memref<2x27040xf32, #tpu.memory_space<vmem>>, vector<1x16xf32>,
        %swap3A_1402 = vector.shape_cast %swap3A_1401 : vector<1x16xf32> to vector<16xf32>
        %swap3A_1403 = vector.shape_cast %get3A_1397 : vector<16xf32> to vector<1x16xf32>
        tpu.vector_store %arg9[%swap3A_1399, %swap3A_1400], %swap3A_1403 {strides = array<i32>} : memref<2x27040xf32, #tpu.memory_space<vmem>>, vector<1x16xf32>,
        %get3A_1404 = arith.constant 0 : i32
        %get3A_1405 = arith.index_cast %get3A_1404 : i32 to index
        %get3A_1406 = arith.index_cast %scan3A_1382 : i32 to index
        %get3A_1407 = arith.index_cast %scan3A_1360 : i32 to index
        %get3A_1408 = arith.constant 16 : index
        %get3A_1409 = tpu.vector_load %arg8[%get3A_1405, %get3A_1406, %get3A_1407, %get3A_1408] {strides = array<i32>} : memref<2x26x32x32xf32, #tpu.memory_space<vmem>>, vector<1x1x1x16xf32>,
        %get3A_1410 = vector.shape_cast %get3A_1409 : vector<1x1x1x16xf32> to vector<16xf32>
        %add3A_1411 = arith.constant 16 : i32
        %add3A_1412 = arith.addi %add3A_1390, %add3A_1411 : i32
        %swap3A_1413 = arith.constant 0 : i32
        %swap3A_1414 = arith.index_cast %swap3A_1413 : i32 to index
        %swap3A_1415 = arith.index_cast %add3A_1412 : i32 to index
        %swap3A_1416 = tpu.vector_load %arg9[%swap3A_1414, %swap3A_1415] {strides = array<i32>} : memref<2x27040xf32, #tpu.memory_space<vmem>>, vector<1x16xf32>,
        %swap3A_1417 = vector.shape_cast %swap3A_1416 : vector<1x16xf32> to vector<16xf32>
        %swap3A_1418 = vector.shape_cast %get3A_1410 : vector<16xf32> to vector<1x16xf32>
        tpu.vector_store %arg9[%swap3A_1414, %swap3A_1415], %swap3A_1418 {strides = array<i32>} : memref<2x27040xf32, #tpu.memory_space<vmem>>, vector<1x16xf32>,
        %scan3A_1419 = arith.constant 0 : i32
        scf.yield %scan3A_1419 : i32
      }
      %scan3A_1381 = arith.constant 26 : i32
      scf.yield %scan3A_1380 : i32
    }
    %scan3A_941 = arith.constant 32 : i32
    %add3A_942 = arith.constant 320 : i32
    %add3A_943 = arith.addi %mul3A_2, %add3A_942 : i32
    %mul3A_944 = arith.constant 845 : i32
    %mul3A_945 = arith.muli %add3A_943, %mul3A_944 : i32
    %dma_start3A_946 = arith.constant 0 : i32
    %dma_start3A_947 = arith.constant 0 : i32
    %dma_start3A_948 = arith.constant 0 : i32
    %dma_start3A_949 = tpu.memref_slice %arg9[%dma_start3A_946, %dma_start3A_948] : memref<2x27040xf32, #tpu.memory_space<vmem>> -> memref<1x27040xf32, #tpu.memory_space<vmem>>
    %dma_start3A_950 = tpu.memref_squeeze %dma_start3A_949 : memref<1x27040xf32, #tpu.memory_space<vmem>> -> memref<27040xf32, #tpu.memory_space<vmem>>
    %dma_start3A_951 = tpu.memref_slice %arg5[%mul3A_945] : memref<13844480xf32, #tpu.memory_space<hbm>> -> memref<27040xf32, #tpu.memory_space<hbm>>
    %dma_start3A_952 = tpu.memref_slice %arg13[%dma_start3A_947] : memref<2x!tpu.dma_semaphore, #tpu.memory_space<semaphore_mem>> -> memref<1x!tpu.dma_semaphore, #tpu.memory_space<semaphore_mem>>
    %dma_start3A_953 = tpu.memref_squeeze %dma_start3A_952 : memref<1x!tpu.dma_semaphore, #tpu.memory_space<semaphore_mem>> -> memref<!tpu.dma_semaphore, #tpu.memory_space<semaphore_mem>>
    %dma_start3A_954 = tpu.memref_slice %arg5[%mul3A_945] : memref<13844480xf32, #tpu.memory_space<hbm>> -> memref<27040xf32, #tpu.memory_space<hbm>>
    %dma_start3A_955 = arith.constant 0 : i32
    %dma_start3A_956 = tpu.memref_slice %arg9[%dma_start3A_946, %dma_start3A_955] : memref<2x27040xf32, #tpu.memory_space<vmem>> -> memref<1x27040xf32, #tpu.memory_space<vmem>>
    %dma_start3A_957 = tpu.memref_squeeze %dma_start3A_956 : memref<1x27040xf32, #tpu.memory_space<vmem>> -> memref<27040xf32, #tpu.memory_space<vmem>>
    tpu.enqueue_dma source(%dma_start3A_957 : memref<27040xf32, #tpu.memory_space<vmem>>) target(%dma_start3A_954 : memref<27040xf32, #tpu.memory_space<hbm>>) target_semaphore(%dma_start3A_953 : memref<!tpu.dma_semaphore, #tpu.memory_space<semaphore_mem>>)
    %add3A_958 = arith.constant 416 : i32
    %add3A_959 = arith.addi %mul3A_2, %add3A_958 : i32
    %mul3A_960 = arith.constant 13 : i32
    %mul3A_961 = arith.muli %add3A_959, %mul3A_960 : i32
    %dma_start3A_962 = arith.constant 1 : i32
    %dma_start3A_963 = arith.constant 1 : i32
    %dma_start3A_964 = arith.constant 0 : i32
    %dma_start3A_965 = tpu.memref_slice %arg7[%dma_start3A_962, %dma_start3A_964] : memref<3x432xf32, #tpu.memory_space<vmem>> -> memref<1x416xf32, #tpu.memory_space<vmem>>
    %dma_start3A_966 = tpu.memref_squeeze %dma_start3A_965 : memref<1x416xf32, #tpu.memory_space<vmem>> -> memref<416xf32, #tpu.memory_space<vmem>>
    %dma_start3A_967 = tpu.memref_slice %arg2[%mul3A_961] : memref<212992xf32, #tpu.memory_space<hbm>> -> memref<416xf32, #tpu.memory_space<hbm>>
    %dma_start3A_968 = tpu.memref_slice %arg11[%dma_start3A_963] : memref<3x!tpu.dma_semaphore, #tpu.memory_space<semaphore_mem>> -> memref<1x!tpu.dma_semaphore, #tpu.memory_space<semaphore_mem>>
    %dma_start3A_969 = tpu.memref_squeeze %dma_start3A_968 : memref<1x!tpu.dma_semaphore, #tpu.memory_space<semaphore_mem>> -> memref<!tpu.dma_semaphore, #tpu.memory_space<semaphore_mem>>
    %dma_start3A_970 = arith.constant 0 : i32
    %dma_start3A_971 = tpu.memref_slice %arg7[%dma_start3A_962, %dma_start3A_970] : memref<3x432xf32, #tpu.memory_space<vmem>> -> memref<1x416xf32, #tpu.memory_space<vmem>>
    %dma_start3A_972 = tpu.memref_squeeze %dma_start3A_971 : memref<1x416xf32, #tpu.memory_space<vmem>> -> memref<416xf32, #tpu.memory_space<vmem>>
    %dma_start3A_973 = tpu.memref_slice %arg2[%mul3A_961] : memref<212992xf32, #tpu.memory_space<hbm>> -> memref<416xf32, #tpu.memory_space<hbm>>
    tpu.enqueue_dma source(%dma_start3A_973 : memref<416xf32, #tpu.memory_space<hbm>>) target(%dma_start3A_972 : memref<416xf32, #tpu.memory_space<vmem>>) target_semaphore(%dma_start3A_969 : memref<!tpu.dma_semaphore, #tpu.memory_space<semaphore_mem>>)
    %add3A_974 = arith.constant 384 : i32
    %add3A_975 = arith.addi %mul3A_2, %add3A_974 : i32
    %mul3A_976 = arith.constant 13 : i32
    %mul3A_977 = arith.muli %add3A_975, %mul3A_976 : i32
    %dma_wait3A_978 = arith.constant 0 : i32
    %dma_wait3A_979 = arith.constant 0 : i32
    %dma_wait3A_980 = arith.constant 0 : i32
    %dma_wait3A_981 = tpu.memref_slice %arg7[%dma_wait3A_978, %dma_wait3A_980] : memref<3x432xf32, #tpu.memory_space<vmem>> -> memref<1x416xf32, #tpu.memory_space<vmem>>
    %dma_wait3A_982 = tpu.memref_squeeze %dma_wait3A_981 : memref<1x416xf32, #tpu.memory_space<vmem>> -> memref<416xf32, #tpu.memory_space<vmem>>
    %dma_wait3A_983 = tpu.memref_slice %arg2[%mul3A_977] : memref<212992xf32, #tpu.memory_space<hbm>> -> memref<416xf32, #tpu.memory_space<hbm>>
    %dma_wait3A_984 = tpu.memref_slice %arg11[%dma_wait3A_979] : memref<3x!tpu.dma_semaphore, #tpu.memory_space<semaphore_mem>> -> memref<1x!tpu.dma_semaphore, #tpu.memory_space<semaphore_mem>>
    %dma_wait3A_985 = tpu.memref_squeeze %dma_wait3A_984 : memref<1x!tpu.dma_semaphore, #tpu.memory_space<semaphore_mem>> -> memref<!tpu.dma_semaphore, #tpu.memory_space<semaphore_mem>>
    %dma_wait3A_986 = arith.constant 0 : i32
    %dma_wait3A_987 = tpu.memref_slice %arg7[%dma_wait3A_978, %dma_wait3A_986] : memref<3x432xf32, #tpu.memory_space<vmem>> -> memref<1x416xf32, #tpu.memory_space<vmem>>
    %dma_wait3A_988 = tpu.memref_squeeze %dma_wait3A_987 : memref<1x416xf32, #tpu.memory_space<vmem>> -> memref<416xf32, #tpu.memory_space<vmem>>
    %dma_wait3A_989 = tpu.memref_slice %arg2[%mul3A_977] : memref<212992xf32, #tpu.memory_space<hbm>> -> memref<416xf32, #tpu.memory_space<hbm>>
    tpu.wait_dma2 semaphore(%dma_wait3A_985 : memref<!tpu.dma_semaphore, #tpu.memory_space<semaphore_mem>>) src(%dma_wait3A_989 : memref<416xf32, #tpu.memory_space<hbm>>) dst(%dma_wait3A_988 : memref<416xf32, #tpu.memory_space<vmem>>)
    %scan3A_990 = arith.constant 0 : i32
    %scan3A_991 = arith.constant 0 : i32
    %scan3A_992 = arith.constant 26 : i32
    %scan3A_993 = arith.addi %scan3A_991, %scan3A_992 : i32
    %scan3A_994 = arith.constant 1 : i32
    %scan3A_995 = scf.for %scan3A_1360 = %scan3A_991 to %scan3A_993 step %scan3A_994 iter_args(%scan3A_1361 = %scan3A_990) -> (i32)  : i32 {
      %dma_start3A_1362 = arith.constant 0 : i32
      %dma_start3A_1363 = arith.constant 0 : i32
      %dma_start3A_1364 = arith.constant 0 : i32
      %dma_start3A_1365 = arith.constant 0 : i32
      %dma_start3A_1366 = tpu.memref_slice %arg8[%dma_start3A_1362, %scan3A_1360, %dma_start3A_1364, %dma_start3A_1365] : memref<2x26x32x32xf32, #tpu.memory_space<vmem>> -> memref<1x1x32x32xf32, #tpu.memory_space<vmem>>
      %dma_start3A_1367 = tpu.memref_squeeze %dma_start3A_1366 : memref<1x1x32x32xf32, #tpu.memory_space<vmem>> -> memref<32x32xf32, #tpu.memory_space<vmem>>
      %dma_start3A_1368 = arith.constant 384 : i32
      %dma_start3A_1369 = tpu.memref_slice %arg6[%scan3A_1360, %dma_start3A_1368] : memref<26x512xi32, #tpu.memory_space<vmem>> -> memref<1x32xi32, #tpu.memory_space<vmem>>
      %dma_start3A_1370 = tpu.memref_squeeze %dma_start3A_1369 : memref<1x32xi32, #tpu.memory_space<vmem>> -> memref<32xi32, #tpu.memory_space<vmem>>
      %dma_start3A_1371 = arith.constant 0 : i32
      %dma_start3A_1372 = arith.constant 0 : i32
      %dma_start3A_1373 = tpu.memref_slice %arg4[%scan3A_1360, %dma_start3A_1371, %dma_start3A_1372] : memref<26x100000x32xf32, #tpu.memory_space<hbm>> -> memref<1x100000x32xf32, #tpu.memory_space<hbm>>
      %dma_start3A_1374 = tpu.memref_squeeze %dma_start3A_1373 : memref<1x100000x32xf32, #tpu.memory_space<hbm>> -> memref<100000x32xf32, #tpu.memory_space<hbm>>
      %dma_start3A_1375 = arith.constant 0 : i32
      %dma_start3A_1376 = arith.constant 0 : i32
      %dma_start3A_1377 = tpu.memref_slice %dma_start3A_1374[%dma_start3A_1375, %dma_start3A_1376] : memref<100000x32xf32, #tpu.memory_space<hbm>> -> memref<100000x32xf32, #tpu.memory_space<hbm>>
      %dma_start3A_1378 = tpu.memref_slice %arg12[%dma_start3A_1363] : memref<2x!tpu.dma_semaphore, #tpu.memory_space<semaphore_mem>> -> memref<1x!tpu.dma_semaphore, #tpu.memory_space<semaphore_mem>>
      %dma_start3A_1379 = tpu.memref_squeeze %dma_start3A_1378 : memref<1x!tpu.dma_semaphore, #tpu.memory_space<semaphore_mem>> -> memref<!tpu.dma_semaphore, #tpu.memory_space<semaphore_mem>>
      tpu.enqueue_indirect_dma source(%dma_start3A_1377 : memref<100000x32xf32, #tpu.memory_space<hbm>>) target(%dma_start3A_1367 : memref<32x32xf32, #tpu.memory_space<vmem>>) offsets(%dma_start3A_1370 : memref<32xi32, #tpu.memory_space<vmem>>) semaphore(%dma_start3A_1379 : memref<!tpu.dma_semaphore, #tpu.memory_space<semaphore_mem>>)
      %scan3A_1380 = arith.constant 0 : i32
      scf.yield %scan3A_1380 : i32
    }
    %scan3A_996 = arith.constant 26 : i32
    %scan3A_997 = arith.constant 0 : i32
    %scan3A_998 = arith.constant 0 : i32
    %scan3A_999 = arith.constant 26 : i32
    %scan3A_1000 = arith.addi %scan3A_998, %scan3A_999 : i32
    %scan3A_1001 = arith.constant 1 : i32
    %scan3A_1002 = scf.for %scan3A_1360 = %scan3A_998 to %scan3A_1000 step %scan3A_1001 iter_args(%scan3A_1361 = %scan3A_997) -> (i32)  : i32 {
      %dma_wait3A_1362 = arith.constant 1 : i32
      %dma_wait3A_1363 = arith.constant 1 : i32
      %dma_wait3A_1364 = arith.constant 0 : i32
      %dma_wait3A_1365 = arith.constant 0 : i32
      %dma_wait3A_1366 = tpu.memref_slice %arg8[%dma_wait3A_1362, %scan3A_1360, %dma_wait3A_1364, %dma_wait3A_1365] : memref<2x26x32x32xf32, #tpu.memory_space<vmem>> -> memref<1x1x32x32xf32, #tpu.memory_space<vmem>>
      %dma_wait3A_1367 = tpu.memref_squeeze %dma_wait3A_1366 : memref<1x1x32x32xf32, #tpu.memory_space<vmem>> -> memref<32x32xf32, #tpu.memory_space<vmem>>
      %dma_wait3A_1368 = arith.constant 352 : i32
      %dma_wait3A_1369 = tpu.memref_slice %arg6[%scan3A_1360, %dma_wait3A_1368] : memref<26x512xi32, #tpu.memory_space<vmem>> -> memref<1x32xi32, #tpu.memory_space<vmem>>
      %dma_wait3A_1370 = tpu.memref_squeeze %dma_wait3A_1369 : memref<1x32xi32, #tpu.memory_space<vmem>> -> memref<32xi32, #tpu.memory_space<vmem>>
      %dma_wait3A_1371 = arith.constant 0 : i32
      %dma_wait3A_1372 = arith.constant 0 : i32
      %dma_wait3A_1373 = tpu.memref_slice %arg4[%scan3A_1360, %dma_wait3A_1371, %dma_wait3A_1372] : memref<26x100000x32xf32, #tpu.memory_space<hbm>> -> memref<1x100000x32xf32, #tpu.memory_space<hbm>>
      %dma_wait3A_1374 = tpu.memref_squeeze %dma_wait3A_1373 : memref<1x100000x32xf32, #tpu.memory_space<hbm>> -> memref<100000x32xf32, #tpu.memory_space<hbm>>
      %dma_wait3A_1375 = arith.constant 0 : i32
      %dma_wait3A_1376 = arith.constant 0 : i32
      %dma_wait3A_1377 = tpu.memref_slice %dma_wait3A_1374[%dma_wait3A_1375, %dma_wait3A_1376] : memref<100000x32xf32, #tpu.memory_space<hbm>> -> memref<100000x32xf32, #tpu.memory_space<hbm>>
      %dma_wait3A_1378 = tpu.memref_slice %arg12[%dma_wait3A_1363] : memref<2x!tpu.dma_semaphore, #tpu.memory_space<semaphore_mem>> -> memref<1x!tpu.dma_semaphore, #tpu.memory_space<semaphore_mem>>
      %dma_wait3A_1379 = tpu.memref_squeeze %dma_wait3A_1378 : memref<1x!tpu.dma_semaphore, #tpu.memory_space<semaphore_mem>> -> memref<!tpu.dma_semaphore, #tpu.memory_space<semaphore_mem>>
      tpu.wait_indirect_dma semaphore(%dma_wait3A_1379 : memref<!tpu.dma_semaphore, #tpu.memory_space<semaphore_mem>>) src(%dma_wait3A_1377 : memref<100000x32xf32, #tpu.memory_space<hbm>>) dst(%dma_wait3A_1367 : memref<32x32xf32, #tpu.memory_space<vmem>>)
      %scan3A_1380 = arith.constant 0 : i32
      scf.yield %scan3A_1380 : i32
    }
    %scan3A_1003 = arith.constant 26 : i32
    %add3A_1004 = arith.constant 288 : i32
    %add3A_1005 = arith.addi %mul3A_2, %add3A_1004 : i32
    %mul3A_1006 = arith.constant 845 : i32
    %mul3A_1007 = arith.muli %add3A_1005, %mul3A_1006 : i32
    %dma_wait3A_1008 = arith.constant 1 : i32
    %dma_wait3A_1009 = arith.constant 1 : i32
    %dma_wait3A_1010 = arith.constant 0 : i32
    %dma_wait3A_1011 = tpu.memref_slice %arg9[%dma_wait3A_1008, %dma_wait3A_1010] : memref<2x27040xf32, #tpu.memory_space<vmem>> -> memref<1x27040xf32, #tpu.memory_space<vmem>>
    %dma_wait3A_1012 = tpu.memref_squeeze %dma_wait3A_1011 : memref<1x27040xf32, #tpu.memory_space<vmem>> -> memref<27040xf32, #tpu.memory_space<vmem>>
    %dma_wait3A_1013 = tpu.memref_slice %arg5[%mul3A_1007] : memref<13844480xf32, #tpu.memory_space<hbm>> -> memref<27040xf32, #tpu.memory_space<hbm>>
    %dma_wait3A_1014 = tpu.memref_slice %arg13[%dma_wait3A_1009] : memref<2x!tpu.dma_semaphore, #tpu.memory_space<semaphore_mem>> -> memref<1x!tpu.dma_semaphore, #tpu.memory_space<semaphore_mem>>
    %dma_wait3A_1015 = tpu.memref_squeeze %dma_wait3A_1014 : memref<1x!tpu.dma_semaphore, #tpu.memory_space<semaphore_mem>> -> memref<!tpu.dma_semaphore, #tpu.memory_space<semaphore_mem>>
    %dma_wait3A_1016 = tpu.memref_slice %arg5[%mul3A_1007] : memref<13844480xf32, #tpu.memory_space<hbm>> -> memref<27040xf32, #tpu.memory_space<hbm>>
    %dma_wait3A_1017 = arith.constant 0 : i32
    %dma_wait3A_1018 = tpu.memref_slice %arg9[%dma_wait3A_1008, %dma_wait3A_1017] : memref<2x27040xf32, #tpu.memory_space<vmem>> -> memref<1x27040xf32, #tpu.memory_space<vmem>>
    %dma_wait3A_1019 = tpu.memref_squeeze %dma_wait3A_1018 : memref<1x27040xf32, #tpu.memory_space<vmem>> -> memref<27040xf32, #tpu.memory_space<vmem>>
    tpu.wait_dma2 semaphore(%dma_wait3A_1015 : memref<!tpu.dma_semaphore, #tpu.memory_space<semaphore_mem>>) src(%dma_wait3A_1019 : memref<27040xf32, #tpu.memory_space<vmem>>) dst(%dma_wait3A_1016 : memref<27040xf32, #tpu.memory_space<hbm>>)
    %scan3A_1020 = arith.constant 0 : i32
    %scan3A_1021 = arith.constant 0 : i32
    %scan3A_1022 = arith.constant 32 : i32
    %scan3A_1023 = arith.addi %scan3A_1021, %scan3A_1022 : i32
    %scan3A_1024 = arith.constant 1 : i32
    %scan3A_1025 = scf.for %scan3A_1360 = %scan3A_1021 to %scan3A_1023 step %scan3A_1024 iter_args(%scan3A_1361 = %scan3A_1020) -> (i32)  : i32 {
      %mul3A_1362 = arith.constant 13 : i32
      %mul3A_1363 = arith.muli %scan3A_1360, %mul3A_1362 : i32
      %get3A = arith.constant 2 : i32
      %get3A_1364 = arith.index_cast %get3A : i32 to index
      %get3A_1365 = arith.index_cast %mul3A_1363 : i32 to index
      %get3A_1366 = tpu.vector_load %arg7[%get3A_1364, %get3A_1365] {strides = array<i32>} : memref<3x432xf32, #tpu.memory_space<vmem>>, vector<1x16xf32>,
      %get3A_1367 = vector.shape_cast %get3A_1366 : vector<1x16xf32> to vector<16xf32>
      %mul3A_1368 = arith.constant 845 : i32
      %mul3A_1369 = arith.muli %scan3A_1360, %mul3A_1368 : i32
      %swap3A = arith.constant 1 : i32
      %swap3A_1370 = arith.index_cast %swap3A : i32 to index
      %swap3A_1371 = arith.index_cast %mul3A_1369 : i32 to index
      %swap3A_1372 = tpu.vector_load %arg9[%swap3A_1370, %swap3A_1371] {strides = array<i32>} : memref<2x27040xf32, #tpu.memory_space<vmem>>, vector<1x16xf32>,
      %swap3A_1373 = vector.shape_cast %swap3A_1372 : vector<1x16xf32> to vector<16xf32>
      %swap3A_1374 = vector.shape_cast %get3A_1367 : vector<16xf32> to vector<1x16xf32>
      tpu.vector_store %arg9[%swap3A_1370, %swap3A_1371], %swap3A_1374 {strides = array<i32>} : memref<2x27040xf32, #tpu.memory_space<vmem>>, vector<1x16xf32>,
      %scan3A_1375 = arith.constant 0 : i32
      %scan3A_1376 = arith.constant 0 : i32
      %scan3A_1377 = arith.constant 26 : i32
      %scan3A_1378 = arith.addi %scan3A_1376, %scan3A_1377 : i32
      %scan3A_1379 = arith.constant 1 : i32
      %scan3A_1380 = scf.for %scan3A_1382 = %scan3A_1376 to %scan3A_1378 step %scan3A_1379 iter_args(%scan3A_1383 = %scan3A_1375) -> (i32)  : i32 {
        %mul3A_1384 = arith.constant 845 : i32
        %mul3A_1385 = arith.muli %scan3A_1360, %mul3A_1384 : i32
        %add3A_1386 = arith.constant 13 : i32
        %add3A_1387 = arith.addi %mul3A_1385, %add3A_1386 : i32
        %mul3A_1388 = arith.constant 32 : i32
        %mul3A_1389 = arith.muli %scan3A_1382, %mul3A_1388 : i32
        %add3A_1390 = arith.addi %add3A_1387, %mul3A_1389 : i32
        %get3A_1391 = arith.constant 1 : i32
        %get3A_1392 = arith.index_cast %get3A_1391 : i32 to index
        %get3A_1393 = arith.index_cast %scan3A_1382 : i32 to index
        %get3A_1394 = arith.index_cast %scan3A_1360 : i32 to index
        %get3A_1395 = arith.constant 0 : index
        %get3A_1396 = tpu.vector_load %arg8[%get3A_1392, %get3A_1393, %get3A_1394, %get3A_1395] {strides = array<i32>} : memref<2x26x32x32xf32, #tpu.memory_space<vmem>>, vector<1x1x1x16xf32>,
        %get3A_1397 = vector.shape_cast %get3A_1396 : vector<1x1x1x16xf32> to vector<16xf32>
        %swap3A_1398 = arith.constant 1 : i32
        %swap3A_1399 = arith.index_cast %swap3A_1398 : i32 to index
        %swap3A_1400 = arith.index_cast %add3A_1390 : i32 to index
        %swap3A_1401 = tpu.vector_load %arg9[%swap3A_1399, %swap3A_1400] {strides = array<i32>} : memref<2x27040xf32, #tpu.memory_space<vmem>>, vector<1x16xf32>,
        %swap3A_1402 = vector.shape_cast %swap3A_1401 : vector<1x16xf32> to vector<16xf32>
        %swap3A_1403 = vector.shape_cast %get3A_1397 : vector<16xf32> to vector<1x16xf32>
        tpu.vector_store %arg9[%swap3A_1399, %swap3A_1400], %swap3A_1403 {strides = array<i32>} : memref<2x27040xf32, #tpu.memory_space<vmem>>, vector<1x16xf32>,
        %get3A_1404 = arith.constant 1 : i32
        %get3A_1405 = arith.index_cast %get3A_1404 : i32 to index
        %get3A_1406 = arith.index_cast %scan3A_1382 : i32 to index
        %get3A_1407 = arith.index_cast %scan3A_1360 : i32 to index
        %get3A_1408 = arith.constant 16 : index
        %get3A_1409 = tpu.vector_load %arg8[%get3A_1405, %get3A_1406, %get3A_1407, %get3A_1408] {strides = array<i32>} : memref<2x26x32x32xf32, #tpu.memory_space<vmem>>, vector<1x1x1x16xf32>,
        %get3A_1410 = vector.shape_cast %get3A_1409 : vector<1x1x1x16xf32> to vector<16xf32>
        %add3A_1411 = arith.constant 16 : i32
        %add3A_1412 = arith.addi %add3A_1390, %add3A_1411 : i32
        %swap3A_1413 = arith.constant 1 : i32
        %swap3A_1414 = arith.index_cast %swap3A_1413 : i32 to index
        %swap3A_1415 = arith.index_cast %add3A_1412 : i32 to index
        %swap3A_1416 = tpu.vector_load %arg9[%swap3A_1414, %swap3A_1415] {strides = array<i32>} : memref<2x27040xf32, #tpu.memory_space<vmem>>, vector<1x16xf32>,
        %swap3A_1417 = vector.shape_cast %swap3A_1416 : vector<1x16xf32> to vector<16xf32>
        %swap3A_1418 = vector.shape_cast %get3A_1410 : vector<16xf32> to vector<1x16xf32>
        tpu.vector_store %arg9[%swap3A_1414, %swap3A_1415], %swap3A_1418 {strides = array<i32>} : memref<2x27040xf32, #tpu.memory_space<vmem>>, vector<1x16xf32>,
        %scan3A_1419 = arith.constant 0 : i32
        scf.yield %scan3A_1419 : i32
      }
      %scan3A_1381 = arith.constant 26 : i32
      scf.yield %scan3A_1380 : i32
    }
    %scan3A_1026 = arith.constant 32 : i32
    %add3A_1027 = arith.constant 352 : i32
    %add3A_1028 = arith.addi %mul3A_2, %add3A_1027 : i32
    %mul3A_1029 = arith.constant 845 : i32
    %mul3A_1030 = arith.muli %add3A_1028, %mul3A_1029 : i32
    %dma_start3A_1031 = arith.constant 1 : i32
    %dma_start3A_1032 = arith.constant 1 : i32
    %dma_start3A_1033 = arith.constant 0 : i32
    %dma_start3A_1034 = tpu.memref_slice %arg9[%dma_start3A_1031, %dma_start3A_1033] : memref<2x27040xf32, #tpu.memory_space<vmem>> -> memref<1x27040xf32, #tpu.memory_space<vmem>>
    %dma_start3A_1035 = tpu.memref_squeeze %dma_start3A_1034 : memref<1x27040xf32, #tpu.memory_space<vmem>> -> memref<27040xf32, #tpu.memory_space<vmem>>
    %dma_start3A_1036 = tpu.memref_slice %arg5[%mul3A_1030] : memref<13844480xf32, #tpu.memory_space<hbm>> -> memref<27040xf32, #tpu.memory_space<hbm>>
    %dma_start3A_1037 = tpu.memref_slice %arg13[%dma_start3A_1032] : memref<2x!tpu.dma_semaphore, #tpu.memory_space<semaphore_mem>> -> memref<1x!tpu.dma_semaphore, #tpu.memory_space<semaphore_mem>>
    %dma_start3A_1038 = tpu.memref_squeeze %dma_start3A_1037 : memref<1x!tpu.dma_semaphore, #tpu.memory_space<semaphore_mem>> -> memref<!tpu.dma_semaphore, #tpu.memory_space<semaphore_mem>>
    %dma_start3A_1039 = tpu.memref_slice %arg5[%mul3A_1030] : memref<13844480xf32, #tpu.memory_space<hbm>> -> memref<27040xf32, #tpu.memory_space<hbm>>
    %dma_start3A_1040 = arith.constant 0 : i32
    %dma_start3A_1041 = tpu.memref_slice %arg9[%dma_start3A_1031, %dma_start3A_1040] : memref<2x27040xf32, #tpu.memory_space<vmem>> -> memref<1x27040xf32, #tpu.memory_space<vmem>>
    %dma_start3A_1042 = tpu.memref_squeeze %dma_start3A_1041 : memref<1x27040xf32, #tpu.memory_space<vmem>> -> memref<27040xf32, #tpu.memory_space<vmem>>
    tpu.enqueue_dma source(%dma_start3A_1042 : memref<27040xf32, #tpu.memory_space<vmem>>) target(%dma_start3A_1039 : memref<27040xf32, #tpu.memory_space<hbm>>) target_semaphore(%dma_start3A_1038 : memref<!tpu.dma_semaphore, #tpu.memory_space<semaphore_mem>>)
    %add3A_1043 = arith.constant 448 : i32
    %add3A_1044 = arith.addi %mul3A_2, %add3A_1043 : i32
    %mul3A_1045 = arith.constant 13 : i32
    %mul3A_1046 = arith.muli %add3A_1044, %mul3A_1045 : i32
    %dma_start3A_1047 = arith.constant 2 : i32
    %dma_start3A_1048 = arith.constant 2 : i32
    %dma_start3A_1049 = arith.constant 0 : i32
    %dma_start3A_1050 = tpu.memref_slice %arg7[%dma_start3A_1047, %dma_start3A_1049] : memref<3x432xf32, #tpu.memory_space<vmem>> -> memref<1x416xf32, #tpu.memory_space<vmem>>
    %dma_start3A_1051 = tpu.memref_squeeze %dma_start3A_1050 : memref<1x416xf32, #tpu.memory_space<vmem>> -> memref<416xf32, #tpu.memory_space<vmem>>
    %dma_start3A_1052 = tpu.memref_slice %arg2[%mul3A_1046] : memref<212992xf32, #tpu.memory_space<hbm>> -> memref<416xf32, #tpu.memory_space<hbm>>
    %dma_start3A_1053 = tpu.memref_slice %arg11[%dma_start3A_1048] : memref<3x!tpu.dma_semaphore, #tpu.memory_space<semaphore_mem>> -> memref<1x!tpu.dma_semaphore, #tpu.memory_space<semaphore_mem>>
    %dma_start3A_1054 = tpu.memref_squeeze %dma_start3A_1053 : memref<1x!tpu.dma_semaphore, #tpu.memory_space<semaphore_mem>> -> memref<!tpu.dma_semaphore, #tpu.memory_space<semaphore_mem>>
    %dma_start3A_1055 = arith.constant 0 : i32
    %dma_start3A_1056 = tpu.memref_slice %arg7[%dma_start3A_1047, %dma_start3A_1055] : memref<3x432xf32, #tpu.memory_space<vmem>> -> memref<1x416xf32, #tpu.memory_space<vmem>>
    %dma_start3A_1057 = tpu.memref_squeeze %dma_start3A_1056 : memref<1x416xf32, #tpu.memory_space<vmem>> -> memref<416xf32, #tpu.memory_space<vmem>>
    %dma_start3A_1058 = tpu.memref_slice %arg2[%mul3A_1046] : memref<212992xf32, #tpu.memory_space<hbm>> -> memref<416xf32, #tpu.memory_space<hbm>>
    tpu.enqueue_dma source(%dma_start3A_1058 : memref<416xf32, #tpu.memory_space<hbm>>) target(%dma_start3A_1057 : memref<416xf32, #tpu.memory_space<vmem>>) target_semaphore(%dma_start3A_1054 : memref<!tpu.dma_semaphore, #tpu.memory_space<semaphore_mem>>)
    %add3A_1059 = arith.constant 416 : i32
    %add3A_1060 = arith.addi %mul3A_2, %add3A_1059 : i32
    %mul3A_1061 = arith.constant 13 : i32
    %mul3A_1062 = arith.muli %add3A_1060, %mul3A_1061 : i32
    %dma_wait3A_1063 = arith.constant 1 : i32
    %dma_wait3A_1064 = arith.constant 1 : i32
    %dma_wait3A_1065 = arith.constant 0 : i32
    %dma_wait3A_1066 = tpu.memref_slice %arg7[%dma_wait3A_1063, %dma_wait3A_1065] : memref<3x432xf32, #tpu.memory_space<vmem>> -> memref<1x416xf32, #tpu.memory_space<vmem>>
    %dma_wait3A_1067 = tpu.memref_squeeze %dma_wait3A_1066 : memref<1x416xf32, #tpu.memory_space<vmem>> -> memref<416xf32, #tpu.memory_space<vmem>>
    %dma_wait3A_1068 = tpu.memref_slice %arg2[%mul3A_1062] : memref<212992xf32, #tpu.memory_space<hbm>> -> memref<416xf32, #tpu.memory_space<hbm>>
    %dma_wait3A_1069 = tpu.memref_slice %arg11[%dma_wait3A_1064] : memref<3x!tpu.dma_semaphore, #tpu.memory_space<semaphore_mem>> -> memref<1x!tpu.dma_semaphore, #tpu.memory_space<semaphore_mem>>
    %dma_wait3A_1070 = tpu.memref_squeeze %dma_wait3A_1069 : memref<1x!tpu.dma_semaphore, #tpu.memory_space<semaphore_mem>> -> memref<!tpu.dma_semaphore, #tpu.memory_space<semaphore_mem>>
    %dma_wait3A_1071 = arith.constant 0 : i32
    %dma_wait3A_1072 = tpu.memref_slice %arg7[%dma_wait3A_1063, %dma_wait3A_1071] : memref<3x432xf32, #tpu.memory_space<vmem>> -> memref<1x416xf32, #tpu.memory_space<vmem>>
    %dma_wait3A_1073 = tpu.memref_squeeze %dma_wait3A_1072 : memref<1x416xf32, #tpu.memory_space<vmem>> -> memref<416xf32, #tpu.memory_space<vmem>>
    %dma_wait3A_1074 = tpu.memref_slice %arg2[%mul3A_1062] : memref<212992xf32, #tpu.memory_space<hbm>> -> memref<416xf32, #tpu.memory_space<hbm>>
    tpu.wait_dma2 semaphore(%dma_wait3A_1070 : memref<!tpu.dma_semaphore, #tpu.memory_space<semaphore_mem>>) src(%dma_wait3A_1074 : memref<416xf32, #tpu.memory_space<hbm>>) dst(%dma_wait3A_1073 : memref<416xf32, #tpu.memory_space<vmem>>)
    %scan3A_1075 = arith.constant 0 : i32
    %scan3A_1076 = arith.constant 0 : i32
    %scan3A_1077 = arith.constant 26 : i32
    %scan3A_1078 = arith.addi %scan3A_1076, %scan3A_1077 : i32
    %scan3A_1079 = arith.constant 1 : i32
    %scan3A_1080 = scf.for %scan3A_1360 = %scan3A_1076 to %scan3A_1078 step %scan3A_1079 iter_args(%scan3A_1361 = %scan3A_1075) -> (i32)  : i32 {
      %dma_start3A_1362 = arith.constant 1 : i32
      %dma_start3A_1363 = arith.constant 1 : i32
      %dma_start3A_1364 = arith.constant 0 : i32
      %dma_start3A_1365 = arith.constant 0 : i32
      %dma_start3A_1366 = tpu.memref_slice %arg8[%dma_start3A_1362, %scan3A_1360, %dma_start3A_1364, %dma_start3A_1365] : memref<2x26x32x32xf32, #tpu.memory_space<vmem>> -> memref<1x1x32x32xf32, #tpu.memory_space<vmem>>
      %dma_start3A_1367 = tpu.memref_squeeze %dma_start3A_1366 : memref<1x1x32x32xf32, #tpu.memory_space<vmem>> -> memref<32x32xf32, #tpu.memory_space<vmem>>
      %dma_start3A_1368 = arith.constant 416 : i32
      %dma_start3A_1369 = tpu.memref_slice %arg6[%scan3A_1360, %dma_start3A_1368] : memref<26x512xi32, #tpu.memory_space<vmem>> -> memref<1x32xi32, #tpu.memory_space<vmem>>
      %dma_start3A_1370 = tpu.memref_squeeze %dma_start3A_1369 : memref<1x32xi32, #tpu.memory_space<vmem>> -> memref<32xi32, #tpu.memory_space<vmem>>
      %dma_start3A_1371 = arith.constant 0 : i32
      %dma_start3A_1372 = arith.constant 0 : i32
      %dma_start3A_1373 = tpu.memref_slice %arg4[%scan3A_1360, %dma_start3A_1371, %dma_start3A_1372] : memref<26x100000x32xf32, #tpu.memory_space<hbm>> -> memref<1x100000x32xf32, #tpu.memory_space<hbm>>
      %dma_start3A_1374 = tpu.memref_squeeze %dma_start3A_1373 : memref<1x100000x32xf32, #tpu.memory_space<hbm>> -> memref<100000x32xf32, #tpu.memory_space<hbm>>
      %dma_start3A_1375 = arith.constant 0 : i32
      %dma_start3A_1376 = arith.constant 0 : i32
      %dma_start3A_1377 = tpu.memref_slice %dma_start3A_1374[%dma_start3A_1375, %dma_start3A_1376] : memref<100000x32xf32, #tpu.memory_space<hbm>> -> memref<100000x32xf32, #tpu.memory_space<hbm>>
      %dma_start3A_1378 = tpu.memref_slice %arg12[%dma_start3A_1363] : memref<2x!tpu.dma_semaphore, #tpu.memory_space<semaphore_mem>> -> memref<1x!tpu.dma_semaphore, #tpu.memory_space<semaphore_mem>>
      %dma_start3A_1379 = tpu.memref_squeeze %dma_start3A_1378 : memref<1x!tpu.dma_semaphore, #tpu.memory_space<semaphore_mem>> -> memref<!tpu.dma_semaphore, #tpu.memory_space<semaphore_mem>>
      tpu.enqueue_indirect_dma source(%dma_start3A_1377 : memref<100000x32xf32, #tpu.memory_space<hbm>>) target(%dma_start3A_1367 : memref<32x32xf32, #tpu.memory_space<vmem>>) offsets(%dma_start3A_1370 : memref<32xi32, #tpu.memory_space<vmem>>) semaphore(%dma_start3A_1379 : memref<!tpu.dma_semaphore, #tpu.memory_space<semaphore_mem>>)
      %scan3A_1380 = arith.constant 0 : i32
      scf.yield %scan3A_1380 : i32
    }
    %scan3A_1081 = arith.constant 26 : i32
    %scan3A_1082 = arith.constant 0 : i32
    %scan3A_1083 = arith.constant 0 : i32
    %scan3A_1084 = arith.constant 26 : i32
    %scan3A_1085 = arith.addi %scan3A_1083, %scan3A_1084 : i32
    %scan3A_1086 = arith.constant 1 : i32
    %scan3A_1087 = scf.for %scan3A_1360 = %scan3A_1083 to %scan3A_1085 step %scan3A_1086 iter_args(%scan3A_1361 = %scan3A_1082) -> (i32)  : i32 {
      %dma_wait3A_1362 = arith.constant 0 : i32
      %dma_wait3A_1363 = arith.constant 0 : i32
      %dma_wait3A_1364 = arith.constant 0 : i32
      %dma_wait3A_1365 = arith.constant 0 : i32
      %dma_wait3A_1366 = tpu.memref_slice %arg8[%dma_wait3A_1362, %scan3A_1360, %dma_wait3A_1364, %dma_wait3A_1365] : memref<2x26x32x32xf32, #tpu.memory_space<vmem>> -> memref<1x1x32x32xf32, #tpu.memory_space<vmem>>
      %dma_wait3A_1367 = tpu.memref_squeeze %dma_wait3A_1366 : memref<1x1x32x32xf32, #tpu.memory_space<vmem>> -> memref<32x32xf32, #tpu.memory_space<vmem>>
      %dma_wait3A_1368 = arith.constant 384 : i32
      %dma_wait3A_1369 = tpu.memref_slice %arg6[%scan3A_1360, %dma_wait3A_1368] : memref<26x512xi32, #tpu.memory_space<vmem>> -> memref<1x32xi32, #tpu.memory_space<vmem>>
      %dma_wait3A_1370 = tpu.memref_squeeze %dma_wait3A_1369 : memref<1x32xi32, #tpu.memory_space<vmem>> -> memref<32xi32, #tpu.memory_space<vmem>>
      %dma_wait3A_1371 = arith.constant 0 : i32
      %dma_wait3A_1372 = arith.constant 0 : i32
      %dma_wait3A_1373 = tpu.memref_slice %arg4[%scan3A_1360, %dma_wait3A_1371, %dma_wait3A_1372] : memref<26x100000x32xf32, #tpu.memory_space<hbm>> -> memref<1x100000x32xf32, #tpu.memory_space<hbm>>
      %dma_wait3A_1374 = tpu.memref_squeeze %dma_wait3A_1373 : memref<1x100000x32xf32, #tpu.memory_space<hbm>> -> memref<100000x32xf32, #tpu.memory_space<hbm>>
      %dma_wait3A_1375 = arith.constant 0 : i32
      %dma_wait3A_1376 = arith.constant 0 : i32
      %dma_wait3A_1377 = tpu.memref_slice %dma_wait3A_1374[%dma_wait3A_1375, %dma_wait3A_1376] : memref<100000x32xf32, #tpu.memory_space<hbm>> -> memref<100000x32xf32, #tpu.memory_space<hbm>>
      %dma_wait3A_1378 = tpu.memref_slice %arg12[%dma_wait3A_1363] : memref<2x!tpu.dma_semaphore, #tpu.memory_space<semaphore_mem>> -> memref<1x!tpu.dma_semaphore, #tpu.memory_space<semaphore_mem>>
      %dma_wait3A_1379 = tpu.memref_squeeze %dma_wait3A_1378 : memref<1x!tpu.dma_semaphore, #tpu.memory_space<semaphore_mem>> -> memref<!tpu.dma_semaphore, #tpu.memory_space<semaphore_mem>>
      tpu.wait_indirect_dma semaphore(%dma_wait3A_1379 : memref<!tpu.dma_semaphore, #tpu.memory_space<semaphore_mem>>) src(%dma_wait3A_1377 : memref<100000x32xf32, #tpu.memory_space<hbm>>) dst(%dma_wait3A_1367 : memref<32x32xf32, #tpu.memory_space<vmem>>)
      %scan3A_1380 = arith.constant 0 : i32
      scf.yield %scan3A_1380 : i32
    }
    %scan3A_1088 = arith.constant 26 : i32
    %add3A_1089 = arith.constant 320 : i32
    %add3A_1090 = arith.addi %mul3A_2, %add3A_1089 : i32
    %mul3A_1091 = arith.constant 845 : i32
    %mul3A_1092 = arith.muli %add3A_1090, %mul3A_1091 : i32
    %dma_wait3A_1093 = arith.constant 0 : i32
    %dma_wait3A_1094 = arith.constant 0 : i32
    %dma_wait3A_1095 = arith.constant 0 : i32
    %dma_wait3A_1096 = tpu.memref_slice %arg9[%dma_wait3A_1093, %dma_wait3A_1095] : memref<2x27040xf32, #tpu.memory_space<vmem>> -> memref<1x27040xf32, #tpu.memory_space<vmem>>
    %dma_wait3A_1097 = tpu.memref_squeeze %dma_wait3A_1096 : memref<1x27040xf32, #tpu.memory_space<vmem>> -> memref<27040xf32, #tpu.memory_space<vmem>>
    %dma_wait3A_1098 = tpu.memref_slice %arg5[%mul3A_1092] : memref<13844480xf32, #tpu.memory_space<hbm>> -> memref<27040xf32, #tpu.memory_space<hbm>>
    %dma_wait3A_1099 = tpu.memref_slice %arg13[%dma_wait3A_1094] : memref<2x!tpu.dma_semaphore, #tpu.memory_space<semaphore_mem>> -> memref<1x!tpu.dma_semaphore, #tpu.memory_space<semaphore_mem>>
    %dma_wait3A_1100 = tpu.memref_squeeze %dma_wait3A_1099 : memref<1x!tpu.dma_semaphore, #tpu.memory_space<semaphore_mem>> -> memref<!tpu.dma_semaphore, #tpu.memory_space<semaphore_mem>>
    %dma_wait3A_1101 = tpu.memref_slice %arg5[%mul3A_1092] : memref<13844480xf32, #tpu.memory_space<hbm>> -> memref<27040xf32, #tpu.memory_space<hbm>>
    %dma_wait3A_1102 = arith.constant 0 : i32
    %dma_wait3A_1103 = tpu.memref_slice %arg9[%dma_wait3A_1093, %dma_wait3A_1102] : memref<2x27040xf32, #tpu.memory_space<vmem>> -> memref<1x27040xf32, #tpu.memory_space<vmem>>
    %dma_wait3A_1104 = tpu.memref_squeeze %dma_wait3A_1103 : memref<1x27040xf32, #tpu.memory_space<vmem>> -> memref<27040xf32, #tpu.memory_space<vmem>>
    tpu.wait_dma2 semaphore(%dma_wait3A_1100 : memref<!tpu.dma_semaphore, #tpu.memory_space<semaphore_mem>>) src(%dma_wait3A_1104 : memref<27040xf32, #tpu.memory_space<vmem>>) dst(%dma_wait3A_1101 : memref<27040xf32, #tpu.memory_space<hbm>>)
    %scan3A_1105 = arith.constant 0 : i32
    %scan3A_1106 = arith.constant 0 : i32
    %scan3A_1107 = arith.constant 32 : i32
    %scan3A_1108 = arith.addi %scan3A_1106, %scan3A_1107 : i32
    %scan3A_1109 = arith.constant 1 : i32
    %scan3A_1110 = scf.for %scan3A_1360 = %scan3A_1106 to %scan3A_1108 step %scan3A_1109 iter_args(%scan3A_1361 = %scan3A_1105) -> (i32)  : i32 {
      %mul3A_1362 = arith.constant 13 : i32
      %mul3A_1363 = arith.muli %scan3A_1360, %mul3A_1362 : i32
      %get3A = arith.constant 0 : i32
      %get3A_1364 = arith.index_cast %get3A : i32 to index
      %get3A_1365 = arith.index_cast %mul3A_1363 : i32 to index
      %get3A_1366 = tpu.vector_load %arg7[%get3A_1364, %get3A_1365] {strides = array<i32>} : memref<3x432xf32, #tpu.memory_space<vmem>>, vector<1x16xf32>,
      %get3A_1367 = vector.shape_cast %get3A_1366 : vector<1x16xf32> to vector<16xf32>
      %mul3A_1368 = arith.constant 845 : i32
      %mul3A_1369 = arith.muli %scan3A_1360, %mul3A_1368 : i32
      %swap3A = arith.constant 0 : i32
      %swap3A_1370 = arith.index_cast %swap3A : i32 to index
      %swap3A_1371 = arith.index_cast %mul3A_1369 : i32 to index
      %swap3A_1372 = tpu.vector_load %arg9[%swap3A_1370, %swap3A_1371] {strides = array<i32>} : memref<2x27040xf32, #tpu.memory_space<vmem>>, vector<1x16xf32>,
      %swap3A_1373 = vector.shape_cast %swap3A_1372 : vector<1x16xf32> to vector<16xf32>
      %swap3A_1374 = vector.shape_cast %get3A_1367 : vector<16xf32> to vector<1x16xf32>
      tpu.vector_store %arg9[%swap3A_1370, %swap3A_1371], %swap3A_1374 {strides = array<i32>} : memref<2x27040xf32, #tpu.memory_space<vmem>>, vector<1x16xf32>,
      %scan3A_1375 = arith.constant 0 : i32
      %scan3A_1376 = arith.constant 0 : i32
      %scan3A_1377 = arith.constant 26 : i32
      %scan3A_1378 = arith.addi %scan3A_1376, %scan3A_1377 : i32
      %scan3A_1379 = arith.constant 1 : i32
      %scan3A_1380 = scf.for %scan3A_1382 = %scan3A_1376 to %scan3A_1378 step %scan3A_1379 iter_args(%scan3A_1383 = %scan3A_1375) -> (i32)  : i32 {
        %mul3A_1384 = arith.constant 845 : i32
        %mul3A_1385 = arith.muli %scan3A_1360, %mul3A_1384 : i32
        %add3A_1386 = arith.constant 13 : i32
        %add3A_1387 = arith.addi %mul3A_1385, %add3A_1386 : i32
        %mul3A_1388 = arith.constant 32 : i32
        %mul3A_1389 = arith.muli %scan3A_1382, %mul3A_1388 : i32
        %add3A_1390 = arith.addi %add3A_1387, %mul3A_1389 : i32
        %get3A_1391 = arith.constant 0 : i32
        %get3A_1392 = arith.index_cast %get3A_1391 : i32 to index
        %get3A_1393 = arith.index_cast %scan3A_1382 : i32 to index
        %get3A_1394 = arith.index_cast %scan3A_1360 : i32 to index
        %get3A_1395 = arith.constant 0 : index
        %get3A_1396 = tpu.vector_load %arg8[%get3A_1392, %get3A_1393, %get3A_1394, %get3A_1395] {strides = array<i32>} : memref<2x26x32x32xf32, #tpu.memory_space<vmem>>, vector<1x1x1x16xf32>,
        %get3A_1397 = vector.shape_cast %get3A_1396 : vector<1x1x1x16xf32> to vector<16xf32>
        %swap3A_1398 = arith.constant 0 : i32
        %swap3A_1399 = arith.index_cast %swap3A_1398 : i32 to index
        %swap3A_1400 = arith.index_cast %add3A_1390 : i32 to index
        %swap3A_1401 = tpu.vector_load %arg9[%swap3A_1399, %swap3A_1400] {strides = array<i32>} : memref<2x27040xf32, #tpu.memory_space<vmem>>, vector<1x16xf32>,
        %swap3A_1402 = vector.shape_cast %swap3A_1401 : vector<1x16xf32> to vector<16xf32>
        %swap3A_1403 = vector.shape_cast %get3A_1397 : vector<16xf32> to vector<1x16xf32>
        tpu.vector_store %arg9[%swap3A_1399, %swap3A_1400], %swap3A_1403 {strides = array<i32>} : memref<2x27040xf32, #tpu.memory_space<vmem>>, vector<1x16xf32>,
        %get3A_1404 = arith.constant 0 : i32
        %get3A_1405 = arith.index_cast %get3A_1404 : i32 to index
        %get3A_1406 = arith.index_cast %scan3A_1382 : i32 to index
        %get3A_1407 = arith.index_cast %scan3A_1360 : i32 to index
        %get3A_1408 = arith.constant 16 : index
        %get3A_1409 = tpu.vector_load %arg8[%get3A_1405, %get3A_1406, %get3A_1407, %get3A_1408] {strides = array<i32>} : memref<2x26x32x32xf32, #tpu.memory_space<vmem>>, vector<1x1x1x16xf32>,
        %get3A_1410 = vector.shape_cast %get3A_1409 : vector<1x1x1x16xf32> to vector<16xf32>
        %add3A_1411 = arith.constant 16 : i32
        %add3A_1412 = arith.addi %add3A_1390, %add3A_1411 : i32
        %swap3A_1413 = arith.constant 0 : i32
        %swap3A_1414 = arith.index_cast %swap3A_1413 : i32 to index
        %swap3A_1415 = arith.index_cast %add3A_1412 : i32 to index
        %swap3A_1416 = tpu.vector_load %arg9[%swap3A_1414, %swap3A_1415] {strides = array<i32>} : memref<2x27040xf32, #tpu.memory_space<vmem>>, vector<1x16xf32>,
        %swap3A_1417 = vector.shape_cast %swap3A_1416 : vector<1x16xf32> to vector<16xf32>
        %swap3A_1418 = vector.shape_cast %get3A_1410 : vector<16xf32> to vector<1x16xf32>
        tpu.vector_store %arg9[%swap3A_1414, %swap3A_1415], %swap3A_1418 {strides = array<i32>} : memref<2x27040xf32, #tpu.memory_space<vmem>>, vector<1x16xf32>,
        %scan3A_1419 = arith.constant 0 : i32
        scf.yield %scan3A_1419 : i32
      }
      %scan3A_1381 = arith.constant 26 : i32
      scf.yield %scan3A_1380 : i32
    }
    %scan3A_1111 = arith.constant 32 : i32
    %add3A_1112 = arith.constant 384 : i32
    %add3A_1113 = arith.addi %mul3A_2, %add3A_1112 : i32
    %mul3A_1114 = arith.constant 845 : i32
    %mul3A_1115 = arith.muli %add3A_1113, %mul3A_1114 : i32
    %dma_start3A_1116 = arith.constant 0 : i32
    %dma_start3A_1117 = arith.constant 0 : i32
    %dma_start3A_1118 = arith.constant 0 : i32
    %dma_start3A_1119 = tpu.memref_slice %arg9[%dma_start3A_1116, %dma_start3A_1118] : memref<2x27040xf32, #tpu.memory_space<vmem>> -> memref<1x27040xf32, #tpu.memory_space<vmem>>
    %dma_start3A_1120 = tpu.memref_squeeze %dma_start3A_1119 : memref<1x27040xf32, #tpu.memory_space<vmem>> -> memref<27040xf32, #tpu.memory_space<vmem>>
    %dma_start3A_1121 = tpu.memref_slice %arg5[%mul3A_1115] : memref<13844480xf32, #tpu.memory_space<hbm>> -> memref<27040xf32, #tpu.memory_space<hbm>>
    %dma_start3A_1122 = tpu.memref_slice %arg13[%dma_start3A_1117] : memref<2x!tpu.dma_semaphore, #tpu.memory_space<semaphore_mem>> -> memref<1x!tpu.dma_semaphore, #tpu.memory_space<semaphore_mem>>
    %dma_start3A_1123 = tpu.memref_squeeze %dma_start3A_1122 : memref<1x!tpu.dma_semaphore, #tpu.memory_space<semaphore_mem>> -> memref<!tpu.dma_semaphore, #tpu.memory_space<semaphore_mem>>
    %dma_start3A_1124 = tpu.memref_slice %arg5[%mul3A_1115] : memref<13844480xf32, #tpu.memory_space<hbm>> -> memref<27040xf32, #tpu.memory_space<hbm>>
    %dma_start3A_1125 = arith.constant 0 : i32
    %dma_start3A_1126 = tpu.memref_slice %arg9[%dma_start3A_1116, %dma_start3A_1125] : memref<2x27040xf32, #tpu.memory_space<vmem>> -> memref<1x27040xf32, #tpu.memory_space<vmem>>
    %dma_start3A_1127 = tpu.memref_squeeze %dma_start3A_1126 : memref<1x27040xf32, #tpu.memory_space<vmem>> -> memref<27040xf32, #tpu.memory_space<vmem>>
    tpu.enqueue_dma source(%dma_start3A_1127 : memref<27040xf32, #tpu.memory_space<vmem>>) target(%dma_start3A_1124 : memref<27040xf32, #tpu.memory_space<hbm>>) target_semaphore(%dma_start3A_1123 : memref<!tpu.dma_semaphore, #tpu.memory_space<semaphore_mem>>)
    %add3A_1128 = arith.constant 480 : i32
    %add3A_1129 = arith.addi %mul3A_2, %add3A_1128 : i32
    %mul3A_1130 = arith.constant 13 : i32
    %mul3A_1131 = arith.muli %add3A_1129, %mul3A_1130 : i32
    %dma_start3A_1132 = arith.constant 0 : i32
    %dma_start3A_1133 = arith.constant 0 : i32
    %dma_start3A_1134 = arith.constant 0 : i32
    %dma_start3A_1135 = tpu.memref_slice %arg7[%dma_start3A_1132, %dma_start3A_1134] : memref<3x432xf32, #tpu.memory_space<vmem>> -> memref<1x416xf32, #tpu.memory_space<vmem>>
    %dma_start3A_1136 = tpu.memref_squeeze %dma_start3A_1135 : memref<1x416xf32, #tpu.memory_space<vmem>> -> memref<416xf32, #tpu.memory_space<vmem>>
    %dma_start3A_1137 = tpu.memref_slice %arg2[%mul3A_1131] : memref<212992xf32, #tpu.memory_space<hbm>> -> memref<416xf32, #tpu.memory_space<hbm>>
    %dma_start3A_1138 = tpu.memref_slice %arg11[%dma_start3A_1133] : memref<3x!tpu.dma_semaphore, #tpu.memory_space<semaphore_mem>> -> memref<1x!tpu.dma_semaphore, #tpu.memory_space<semaphore_mem>>
    %dma_start3A_1139 = tpu.memref_squeeze %dma_start3A_1138 : memref<1x!tpu.dma_semaphore, #tpu.memory_space<semaphore_mem>> -> memref<!tpu.dma_semaphore, #tpu.memory_space<semaphore_mem>>
    %dma_start3A_1140 = arith.constant 0 : i32
    %dma_start3A_1141 = tpu.memref_slice %arg7[%dma_start3A_1132, %dma_start3A_1140] : memref<3x432xf32, #tpu.memory_space<vmem>> -> memref<1x416xf32, #tpu.memory_space<vmem>>
    %dma_start3A_1142 = tpu.memref_squeeze %dma_start3A_1141 : memref<1x416xf32, #tpu.memory_space<vmem>> -> memref<416xf32, #tpu.memory_space<vmem>>
    %dma_start3A_1143 = tpu.memref_slice %arg2[%mul3A_1131] : memref<212992xf32, #tpu.memory_space<hbm>> -> memref<416xf32, #tpu.memory_space<hbm>>
    tpu.enqueue_dma source(%dma_start3A_1143 : memref<416xf32, #tpu.memory_space<hbm>>) target(%dma_start3A_1142 : memref<416xf32, #tpu.memory_space<vmem>>) target_semaphore(%dma_start3A_1139 : memref<!tpu.dma_semaphore, #tpu.memory_space<semaphore_mem>>)
    %add3A_1144 = arith.constant 448 : i32
    %add3A_1145 = arith.addi %mul3A_2, %add3A_1144 : i32
    %mul3A_1146 = arith.constant 13 : i32
    %mul3A_1147 = arith.muli %add3A_1145, %mul3A_1146 : i32
    %dma_wait3A_1148 = arith.constant 2 : i32
    %dma_wait3A_1149 = arith.constant 2 : i32
    %dma_wait3A_1150 = arith.constant 0 : i32
    %dma_wait3A_1151 = tpu.memref_slice %arg7[%dma_wait3A_1148, %dma_wait3A_1150] : memref<3x432xf32, #tpu.memory_space<vmem>> -> memref<1x416xf32, #tpu.memory_space<vmem>>
    %dma_wait3A_1152 = tpu.memref_squeeze %dma_wait3A_1151 : memref<1x416xf32, #tpu.memory_space<vmem>> -> memref<416xf32, #tpu.memory_space<vmem>>
    %dma_wait3A_1153 = tpu.memref_slice %arg2[%mul3A_1147] : memref<212992xf32, #tpu.memory_space<hbm>> -> memref<416xf32, #tpu.memory_space<hbm>>
    %dma_wait3A_1154 = tpu.memref_slice %arg11[%dma_wait3A_1149] : memref<3x!tpu.dma_semaphore, #tpu.memory_space<semaphore_mem>> -> memref<1x!tpu.dma_semaphore, #tpu.memory_space<semaphore_mem>>
    %dma_wait3A_1155 = tpu.memref_squeeze %dma_wait3A_1154 : memref<1x!tpu.dma_semaphore, #tpu.memory_space<semaphore_mem>> -> memref<!tpu.dma_semaphore, #tpu.memory_space<semaphore_mem>>
    %dma_wait3A_1156 = arith.constant 0 : i32
    %dma_wait3A_1157 = tpu.memref_slice %arg7[%dma_wait3A_1148, %dma_wait3A_1156] : memref<3x432xf32, #tpu.memory_space<vmem>> -> memref<1x416xf32, #tpu.memory_space<vmem>>
    %dma_wait3A_1158 = tpu.memref_squeeze %dma_wait3A_1157 : memref<1x416xf32, #tpu.memory_space<vmem>> -> memref<416xf32, #tpu.memory_space<vmem>>
    %dma_wait3A_1159 = tpu.memref_slice %arg2[%mul3A_1147] : memref<212992xf32, #tpu.memory_space<hbm>> -> memref<416xf32, #tpu.memory_space<hbm>>
    tpu.wait_dma2 semaphore(%dma_wait3A_1155 : memref<!tpu.dma_semaphore, #tpu.memory_space<semaphore_mem>>) src(%dma_wait3A_1159 : memref<416xf32, #tpu.memory_space<hbm>>) dst(%dma_wait3A_1158 : memref<416xf32, #tpu.memory_space<vmem>>)
    %scan3A_1160 = arith.constant 0 : i32
    %scan3A_1161 = arith.constant 0 : i32
    %scan3A_1162 = arith.constant 26 : i32
    %scan3A_1163 = arith.addi %scan3A_1161, %scan3A_1162 : i32
    %scan3A_1164 = arith.constant 1 : i32
    %scan3A_1165 = scf.for %scan3A_1360 = %scan3A_1161 to %scan3A_1163 step %scan3A_1164 iter_args(%scan3A_1361 = %scan3A_1160) -> (i32)  : i32 {
      %dma_start3A_1362 = arith.constant 0 : i32
      %dma_start3A_1363 = arith.constant 0 : i32
      %dma_start3A_1364 = arith.constant 0 : i32
      %dma_start3A_1365 = arith.constant 0 : i32
      %dma_start3A_1366 = tpu.memref_slice %arg8[%dma_start3A_1362, %scan3A_1360, %dma_start3A_1364, %dma_start3A_1365] : memref<2x26x32x32xf32, #tpu.memory_space<vmem>> -> memref<1x1x32x32xf32, #tpu.memory_space<vmem>>
      %dma_start3A_1367 = tpu.memref_squeeze %dma_start3A_1366 : memref<1x1x32x32xf32, #tpu.memory_space<vmem>> -> memref<32x32xf32, #tpu.memory_space<vmem>>
      %dma_start3A_1368 = arith.constant 448 : i32
      %dma_start3A_1369 = tpu.memref_slice %arg6[%scan3A_1360, %dma_start3A_1368] : memref<26x512xi32, #tpu.memory_space<vmem>> -> memref<1x32xi32, #tpu.memory_space<vmem>>
      %dma_start3A_1370 = tpu.memref_squeeze %dma_start3A_1369 : memref<1x32xi32, #tpu.memory_space<vmem>> -> memref<32xi32, #tpu.memory_space<vmem>>
      %dma_start3A_1371 = arith.constant 0 : i32
      %dma_start3A_1372 = arith.constant 0 : i32
      %dma_start3A_1373 = tpu.memref_slice %arg4[%scan3A_1360, %dma_start3A_1371, %dma_start3A_1372] : memref<26x100000x32xf32, #tpu.memory_space<hbm>> -> memref<1x100000x32xf32, #tpu.memory_space<hbm>>
      %dma_start3A_1374 = tpu.memref_squeeze %dma_start3A_1373 : memref<1x100000x32xf32, #tpu.memory_space<hbm>> -> memref<100000x32xf32, #tpu.memory_space<hbm>>
      %dma_start3A_1375 = arith.constant 0 : i32
      %dma_start3A_1376 = arith.constant 0 : i32
      %dma_start3A_1377 = tpu.memref_slice %dma_start3A_1374[%dma_start3A_1375, %dma_start3A_1376] : memref<100000x32xf32, #tpu.memory_space<hbm>> -> memref<100000x32xf32, #tpu.memory_space<hbm>>
      %dma_start3A_1378 = tpu.memref_slice %arg12[%dma_start3A_1363] : memref<2x!tpu.dma_semaphore, #tpu.memory_space<semaphore_mem>> -> memref<1x!tpu.dma_semaphore, #tpu.memory_space<semaphore_mem>>
      %dma_start3A_1379 = tpu.memref_squeeze %dma_start3A_1378 : memref<1x!tpu.dma_semaphore, #tpu.memory_space<semaphore_mem>> -> memref<!tpu.dma_semaphore, #tpu.memory_space<semaphore_mem>>
      tpu.enqueue_indirect_dma source(%dma_start3A_1377 : memref<100000x32xf32, #tpu.memory_space<hbm>>) target(%dma_start3A_1367 : memref<32x32xf32, #tpu.memory_space<vmem>>) offsets(%dma_start3A_1370 : memref<32xi32, #tpu.memory_space<vmem>>) semaphore(%dma_start3A_1379 : memref<!tpu.dma_semaphore, #tpu.memory_space<semaphore_mem>>)
      %scan3A_1380 = arith.constant 0 : i32
      scf.yield %scan3A_1380 : i32
    }
    %scan3A_1166 = arith.constant 26 : i32
    %scan3A_1167 = arith.constant 0 : i32
    %scan3A_1168 = arith.constant 0 : i32
    %scan3A_1169 = arith.constant 26 : i32
    %scan3A_1170 = arith.addi %scan3A_1168, %scan3A_1169 : i32
    %scan3A_1171 = arith.constant 1 : i32
    %scan3A_1172 = scf.for %scan3A_1360 = %scan3A_1168 to %scan3A_1170 step %scan3A_1171 iter_args(%scan3A_1361 = %scan3A_1167) -> (i32)  : i32 {
      %dma_wait3A_1362 = arith.constant 1 : i32
      %dma_wait3A_1363 = arith.constant 1 : i32
      %dma_wait3A_1364 = arith.constant 0 : i32
      %dma_wait3A_1365 = arith.constant 0 : i32
      %dma_wait3A_1366 = tpu.memref_slice %arg8[%dma_wait3A_1362, %scan3A_1360, %dma_wait3A_1364, %dma_wait3A_1365] : memref<2x26x32x32xf32, #tpu.memory_space<vmem>> -> memref<1x1x32x32xf32, #tpu.memory_space<vmem>>
      %dma_wait3A_1367 = tpu.memref_squeeze %dma_wait3A_1366 : memref<1x1x32x32xf32, #tpu.memory_space<vmem>> -> memref<32x32xf32, #tpu.memory_space<vmem>>
      %dma_wait3A_1368 = arith.constant 416 : i32
      %dma_wait3A_1369 = tpu.memref_slice %arg6[%scan3A_1360, %dma_wait3A_1368] : memref<26x512xi32, #tpu.memory_space<vmem>> -> memref<1x32xi32, #tpu.memory_space<vmem>>
      %dma_wait3A_1370 = tpu.memref_squeeze %dma_wait3A_1369 : memref<1x32xi32, #tpu.memory_space<vmem>> -> memref<32xi32, #tpu.memory_space<vmem>>
      %dma_wait3A_1371 = arith.constant 0 : i32
      %dma_wait3A_1372 = arith.constant 0 : i32
      %dma_wait3A_1373 = tpu.memref_slice %arg4[%scan3A_1360, %dma_wait3A_1371, %dma_wait3A_1372] : memref<26x100000x32xf32, #tpu.memory_space<hbm>> -> memref<1x100000x32xf32, #tpu.memory_space<hbm>>
      %dma_wait3A_1374 = tpu.memref_squeeze %dma_wait3A_1373 : memref<1x100000x32xf32, #tpu.memory_space<hbm>> -> memref<100000x32xf32, #tpu.memory_space<hbm>>
      %dma_wait3A_1375 = arith.constant 0 : i32
      %dma_wait3A_1376 = arith.constant 0 : i32
      %dma_wait3A_1377 = tpu.memref_slice %dma_wait3A_1374[%dma_wait3A_1375, %dma_wait3A_1376] : memref<100000x32xf32, #tpu.memory_space<hbm>> -> memref<100000x32xf32, #tpu.memory_space<hbm>>
      %dma_wait3A_1378 = tpu.memref_slice %arg12[%dma_wait3A_1363] : memref<2x!tpu.dma_semaphore, #tpu.memory_space<semaphore_mem>> -> memref<1x!tpu.dma_semaphore, #tpu.memory_space<semaphore_mem>>
      %dma_wait3A_1379 = tpu.memref_squeeze %dma_wait3A_1378 : memref<1x!tpu.dma_semaphore, #tpu.memory_space<semaphore_mem>> -> memref<!tpu.dma_semaphore, #tpu.memory_space<semaphore_mem>>
      tpu.wait_indirect_dma semaphore(%dma_wait3A_1379 : memref<!tpu.dma_semaphore, #tpu.memory_space<semaphore_mem>>) src(%dma_wait3A_1377 : memref<100000x32xf32, #tpu.memory_space<hbm>>) dst(%dma_wait3A_1367 : memref<32x32xf32, #tpu.memory_space<vmem>>)
      %scan3A_1380 = arith.constant 0 : i32
      scf.yield %scan3A_1380 : i32
    }
    %scan3A_1173 = arith.constant 26 : i32
    %add3A_1174 = arith.constant 352 : i32
    %add3A_1175 = arith.addi %mul3A_2, %add3A_1174 : i32
    %mul3A_1176 = arith.constant 845 : i32
    %mul3A_1177 = arith.muli %add3A_1175, %mul3A_1176 : i32
    %dma_wait3A_1178 = arith.constant 1 : i32
    %dma_wait3A_1179 = arith.constant 1 : i32
    %dma_wait3A_1180 = arith.constant 0 : i32
    %dma_wait3A_1181 = tpu.memref_slice %arg9[%dma_wait3A_1178, %dma_wait3A_1180] : memref<2x27040xf32, #tpu.memory_space<vmem>> -> memref<1x27040xf32, #tpu.memory_space<vmem>>
    %dma_wait3A_1182 = tpu.memref_squeeze %dma_wait3A_1181 : memref<1x27040xf32, #tpu.memory_space<vmem>> -> memref<27040xf32, #tpu.memory_space<vmem>>
    %dma_wait3A_1183 = tpu.memref_slice %arg5[%mul3A_1177] : memref<13844480xf32, #tpu.memory_space<hbm>> -> memref<27040xf32, #tpu.memory_space<hbm>>
    %dma_wait3A_1184 = tpu.memref_slice %arg13[%dma_wait3A_1179] : memref<2x!tpu.dma_semaphore, #tpu.memory_space<semaphore_mem>> -> memref<1x!tpu.dma_semaphore, #tpu.memory_space<semaphore_mem>>
    %dma_wait3A_1185 = tpu.memref_squeeze %dma_wait3A_1184 : memref<1x!tpu.dma_semaphore, #tpu.memory_space<semaphore_mem>> -> memref<!tpu.dma_semaphore, #tpu.memory_space<semaphore_mem>>
    %dma_wait3A_1186 = tpu.memref_slice %arg5[%mul3A_1177] : memref<13844480xf32, #tpu.memory_space<hbm>> -> memref<27040xf32, #tpu.memory_space<hbm>>
    %dma_wait3A_1187 = arith.constant 0 : i32
    %dma_wait3A_1188 = tpu.memref_slice %arg9[%dma_wait3A_1178, %dma_wait3A_1187] : memref<2x27040xf32, #tpu.memory_space<vmem>> -> memref<1x27040xf32, #tpu.memory_space<vmem>>
    %dma_wait3A_1189 = tpu.memref_squeeze %dma_wait3A_1188 : memref<1x27040xf32, #tpu.memory_space<vmem>> -> memref<27040xf32, #tpu.memory_space<vmem>>
    tpu.wait_dma2 semaphore(%dma_wait3A_1185 : memref<!tpu.dma_semaphore, #tpu.memory_space<semaphore_mem>>) src(%dma_wait3A_1189 : memref<27040xf32, #tpu.memory_space<vmem>>) dst(%dma_wait3A_1186 : memref<27040xf32, #tpu.memory_space<hbm>>)
    %scan3A_1190 = arith.constant 0 : i32
    %scan3A_1191 = arith.constant 0 : i32
    %scan3A_1192 = arith.constant 32 : i32
    %scan3A_1193 = arith.addi %scan3A_1191, %scan3A_1192 : i32
    %scan3A_1194 = arith.constant 1 : i32
    %scan3A_1195 = scf.for %scan3A_1360 = %scan3A_1191 to %scan3A_1193 step %scan3A_1194 iter_args(%scan3A_1361 = %scan3A_1190) -> (i32)  : i32 {
      %mul3A_1362 = arith.constant 13 : i32
      %mul3A_1363 = arith.muli %scan3A_1360, %mul3A_1362 : i32
      %get3A = arith.constant 1 : i32
      %get3A_1364 = arith.index_cast %get3A : i32 to index
      %get3A_1365 = arith.index_cast %mul3A_1363 : i32 to index
      %get3A_1366 = tpu.vector_load %arg7[%get3A_1364, %get3A_1365] {strides = array<i32>} : memref<3x432xf32, #tpu.memory_space<vmem>>, vector<1x16xf32>,
      %get3A_1367 = vector.shape_cast %get3A_1366 : vector<1x16xf32> to vector<16xf32>
      %mul3A_1368 = arith.constant 845 : i32
      %mul3A_1369 = arith.muli %scan3A_1360, %mul3A_1368 : i32
      %swap3A = arith.constant 1 : i32
      %swap3A_1370 = arith.index_cast %swap3A : i32 to index
      %swap3A_1371 = arith.index_cast %mul3A_1369 : i32 to index
      %swap3A_1372 = tpu.vector_load %arg9[%swap3A_1370, %swap3A_1371] {strides = array<i32>} : memref<2x27040xf32, #tpu.memory_space<vmem>>, vector<1x16xf32>,
      %swap3A_1373 = vector.shape_cast %swap3A_1372 : vector<1x16xf32> to vector<16xf32>
      %swap3A_1374 = vector.shape_cast %get3A_1367 : vector<16xf32> to vector<1x16xf32>
      tpu.vector_store %arg9[%swap3A_1370, %swap3A_1371], %swap3A_1374 {strides = array<i32>} : memref<2x27040xf32, #tpu.memory_space<vmem>>, vector<1x16xf32>,
      %scan3A_1375 = arith.constant 0 : i32
      %scan3A_1376 = arith.constant 0 : i32
      %scan3A_1377 = arith.constant 26 : i32
      %scan3A_1378 = arith.addi %scan3A_1376, %scan3A_1377 : i32
      %scan3A_1379 = arith.constant 1 : i32
      %scan3A_1380 = scf.for %scan3A_1382 = %scan3A_1376 to %scan3A_1378 step %scan3A_1379 iter_args(%scan3A_1383 = %scan3A_1375) -> (i32)  : i32 {
        %mul3A_1384 = arith.constant 845 : i32
        %mul3A_1385 = arith.muli %scan3A_1360, %mul3A_1384 : i32
        %add3A_1386 = arith.constant 13 : i32
        %add3A_1387 = arith.addi %mul3A_1385, %add3A_1386 : i32
        %mul3A_1388 = arith.constant 32 : i32
        %mul3A_1389 = arith.muli %scan3A_1382, %mul3A_1388 : i32
        %add3A_1390 = arith.addi %add3A_1387, %mul3A_1389 : i32
        %get3A_1391 = arith.constant 1 : i32
        %get3A_1392 = arith.index_cast %get3A_1391 : i32 to index
        %get3A_1393 = arith.index_cast %scan3A_1382 : i32 to index
        %get3A_1394 = arith.index_cast %scan3A_1360 : i32 to index
        %get3A_1395 = arith.constant 0 : index
        %get3A_1396 = tpu.vector_load %arg8[%get3A_1392, %get3A_1393, %get3A_1394, %get3A_1395] {strides = array<i32>} : memref<2x26x32x32xf32, #tpu.memory_space<vmem>>, vector<1x1x1x16xf32>,
        %get3A_1397 = vector.shape_cast %get3A_1396 : vector<1x1x1x16xf32> to vector<16xf32>
        %swap3A_1398 = arith.constant 1 : i32
        %swap3A_1399 = arith.index_cast %swap3A_1398 : i32 to index
        %swap3A_1400 = arith.index_cast %add3A_1390 : i32 to index
        %swap3A_1401 = tpu.vector_load %arg9[%swap3A_1399, %swap3A_1400] {strides = array<i32>} : memref<2x27040xf32, #tpu.memory_space<vmem>>, vector<1x16xf32>,
        %swap3A_1402 = vector.shape_cast %swap3A_1401 : vector<1x16xf32> to vector<16xf32>
        %swap3A_1403 = vector.shape_cast %get3A_1397 : vector<16xf32> to vector<1x16xf32>
        tpu.vector_store %arg9[%swap3A_1399, %swap3A_1400], %swap3A_1403 {strides = array<i32>} : memref<2x27040xf32, #tpu.memory_space<vmem>>, vector<1x16xf32>,
        %get3A_1404 = arith.constant 1 : i32
        %get3A_1405 = arith.index_cast %get3A_1404 : i32 to index
        %get3A_1406 = arith.index_cast %scan3A_1382 : i32 to index
        %get3A_1407 = arith.index_cast %scan3A_1360 : i32 to index
        %get3A_1408 = arith.constant 16 : index
        %get3A_1409 = tpu.vector_load %arg8[%get3A_1405, %get3A_1406, %get3A_1407, %get3A_1408] {strides = array<i32>} : memref<2x26x32x32xf32, #tpu.memory_space<vmem>>, vector<1x1x1x16xf32>,
        %get3A_1410 = vector.shape_cast %get3A_1409 : vector<1x1x1x16xf32> to vector<16xf32>
        %add3A_1411 = arith.constant 16 : i32
        %add3A_1412 = arith.addi %add3A_1390, %add3A_1411 : i32
        %swap3A_1413 = arith.constant 1 : i32
        %swap3A_1414 = arith.index_cast %swap3A_1413 : i32 to index
        %swap3A_1415 = arith.index_cast %add3A_1412 : i32 to index
        %swap3A_1416 = tpu.vector_load %arg9[%swap3A_1414, %swap3A_1415] {strides = array<i32>} : memref<2x27040xf32, #tpu.memory_space<vmem>>, vector<1x16xf32>,
        %swap3A_1417 = vector.shape_cast %swap3A_1416 : vector<1x16xf32> to vector<16xf32>
        %swap3A_1418 = vector.shape_cast %get3A_1410 : vector<16xf32> to vector<1x16xf32>
        tpu.vector_store %arg9[%swap3A_1414, %swap3A_1415], %swap3A_1418 {strides = array<i32>} : memref<2x27040xf32, #tpu.memory_space<vmem>>, vector<1x16xf32>,
        %scan3A_1419 = arith.constant 0 : i32
        scf.yield %scan3A_1419 : i32
      }
      %scan3A_1381 = arith.constant 26 : i32
      scf.yield %scan3A_1380 : i32
    }
    %scan3A_1196 = arith.constant 32 : i32
    %add3A_1197 = arith.constant 416 : i32
    %add3A_1198 = arith.addi %mul3A_2, %add3A_1197 : i32
    %mul3A_1199 = arith.constant 845 : i32
    %mul3A_1200 = arith.muli %add3A_1198, %mul3A_1199 : i32
    %dma_start3A_1201 = arith.constant 1 : i32
    %dma_start3A_1202 = arith.constant 1 : i32
    %dma_start3A_1203 = arith.constant 0 : i32
    %dma_start3A_1204 = tpu.memref_slice %arg9[%dma_start3A_1201, %dma_start3A_1203] : memref<2x27040xf32, #tpu.memory_space<vmem>> -> memref<1x27040xf32, #tpu.memory_space<vmem>>
    %dma_start3A_1205 = tpu.memref_squeeze %dma_start3A_1204 : memref<1x27040xf32, #tpu.memory_space<vmem>> -> memref<27040xf32, #tpu.memory_space<vmem>>
    %dma_start3A_1206 = tpu.memref_slice %arg5[%mul3A_1200] : memref<13844480xf32, #tpu.memory_space<hbm>> -> memref<27040xf32, #tpu.memory_space<hbm>>
    %dma_start3A_1207 = tpu.memref_slice %arg13[%dma_start3A_1202] : memref<2x!tpu.dma_semaphore, #tpu.memory_space<semaphore_mem>> -> memref<1x!tpu.dma_semaphore, #tpu.memory_space<semaphore_mem>>
    %dma_start3A_1208 = tpu.memref_squeeze %dma_start3A_1207 : memref<1x!tpu.dma_semaphore, #tpu.memory_space<semaphore_mem>> -> memref<!tpu.dma_semaphore, #tpu.memory_space<semaphore_mem>>
    %dma_start3A_1209 = tpu.memref_slice %arg5[%mul3A_1200] : memref<13844480xf32, #tpu.memory_space<hbm>> -> memref<27040xf32, #tpu.memory_space<hbm>>
    %dma_start3A_1210 = arith.constant 0 : i32
    %dma_start3A_1211 = tpu.memref_slice %arg9[%dma_start3A_1201, %dma_start3A_1210] : memref<2x27040xf32, #tpu.memory_space<vmem>> -> memref<1x27040xf32, #tpu.memory_space<vmem>>
    %dma_start3A_1212 = tpu.memref_squeeze %dma_start3A_1211 : memref<1x27040xf32, #tpu.memory_space<vmem>> -> memref<27040xf32, #tpu.memory_space<vmem>>
    tpu.enqueue_dma source(%dma_start3A_1212 : memref<27040xf32, #tpu.memory_space<vmem>>) target(%dma_start3A_1209 : memref<27040xf32, #tpu.memory_space<hbm>>) target_semaphore(%dma_start3A_1208 : memref<!tpu.dma_semaphore, #tpu.memory_space<semaphore_mem>>)
    %add3A_1213 = arith.constant 480 : i32
    %add3A_1214 = arith.addi %mul3A_2, %add3A_1213 : i32
    %mul3A_1215 = arith.constant 13 : i32
    %mul3A_1216 = arith.muli %add3A_1214, %mul3A_1215 : i32
    %dma_wait3A_1217 = arith.constant 0 : i32
    %dma_wait3A_1218 = arith.constant 0 : i32
    %dma_wait3A_1219 = arith.constant 0 : i32
    %dma_wait3A_1220 = tpu.memref_slice %arg7[%dma_wait3A_1217, %dma_wait3A_1219] : memref<3x432xf32, #tpu.memory_space<vmem>> -> memref<1x416xf32, #tpu.memory_space<vmem>>
    %dma_wait3A_1221 = tpu.memref_squeeze %dma_wait3A_1220 : memref<1x416xf32, #tpu.memory_space<vmem>> -> memref<416xf32, #tpu.memory_space<vmem>>
    %dma_wait3A_1222 = tpu.memref_slice %arg2[%mul3A_1216] : memref<212992xf32, #tpu.memory_space<hbm>> -> memref<416xf32, #tpu.memory_space<hbm>>
    %dma_wait3A_1223 = tpu.memref_slice %arg11[%dma_wait3A_1218] : memref<3x!tpu.dma_semaphore, #tpu.memory_space<semaphore_mem>> -> memref<1x!tpu.dma_semaphore, #tpu.memory_space<semaphore_mem>>
    %dma_wait3A_1224 = tpu.memref_squeeze %dma_wait3A_1223 : memref<1x!tpu.dma_semaphore, #tpu.memory_space<semaphore_mem>> -> memref<!tpu.dma_semaphore, #tpu.memory_space<semaphore_mem>>
    %dma_wait3A_1225 = arith.constant 0 : i32
    %dma_wait3A_1226 = tpu.memref_slice %arg7[%dma_wait3A_1217, %dma_wait3A_1225] : memref<3x432xf32, #tpu.memory_space<vmem>> -> memref<1x416xf32, #tpu.memory_space<vmem>>
    %dma_wait3A_1227 = tpu.memref_squeeze %dma_wait3A_1226 : memref<1x416xf32, #tpu.memory_space<vmem>> -> memref<416xf32, #tpu.memory_space<vmem>>
    %dma_wait3A_1228 = tpu.memref_slice %arg2[%mul3A_1216] : memref<212992xf32, #tpu.memory_space<hbm>> -> memref<416xf32, #tpu.memory_space<hbm>>
    tpu.wait_dma2 semaphore(%dma_wait3A_1224 : memref<!tpu.dma_semaphore, #tpu.memory_space<semaphore_mem>>) src(%dma_wait3A_1228 : memref<416xf32, #tpu.memory_space<hbm>>) dst(%dma_wait3A_1227 : memref<416xf32, #tpu.memory_space<vmem>>)
    %scan3A_1229 = arith.constant 0 : i32
    %scan3A_1230 = arith.constant 0 : i32
    %scan3A_1231 = arith.constant 26 : i32
    %scan3A_1232 = arith.addi %scan3A_1230, %scan3A_1231 : i32
    %scan3A_1233 = arith.constant 1 : i32
    %scan3A_1234 = scf.for %scan3A_1360 = %scan3A_1230 to %scan3A_1232 step %scan3A_1233 iter_args(%scan3A_1361 = %scan3A_1229) -> (i32)  : i32 {
      %dma_start3A_1362 = arith.constant 1 : i32
      %dma_start3A_1363 = arith.constant 1 : i32
      %dma_start3A_1364 = arith.constant 0 : i32
      %dma_start3A_1365 = arith.constant 0 : i32
      %dma_start3A_1366 = tpu.memref_slice %arg8[%dma_start3A_1362, %scan3A_1360, %dma_start3A_1364, %dma_start3A_1365] : memref<2x26x32x32xf32, #tpu.memory_space<vmem>> -> memref<1x1x32x32xf32, #tpu.memory_space<vmem>>
      %dma_start3A_1367 = tpu.memref_squeeze %dma_start3A_1366 : memref<1x1x32x32xf32, #tpu.memory_space<vmem>> -> memref<32x32xf32, #tpu.memory_space<vmem>>
      %dma_start3A_1368 = arith.constant 480 : i32
      %dma_start3A_1369 = tpu.memref_slice %arg6[%scan3A_1360, %dma_start3A_1368] : memref<26x512xi32, #tpu.memory_space<vmem>> -> memref<1x32xi32, #tpu.memory_space<vmem>>
      %dma_start3A_1370 = tpu.memref_squeeze %dma_start3A_1369 : memref<1x32xi32, #tpu.memory_space<vmem>> -> memref<32xi32, #tpu.memory_space<vmem>>
      %dma_start3A_1371 = arith.constant 0 : i32
      %dma_start3A_1372 = arith.constant 0 : i32
      %dma_start3A_1373 = tpu.memref_slice %arg4[%scan3A_1360, %dma_start3A_1371, %dma_start3A_1372] : memref<26x100000x32xf32, #tpu.memory_space<hbm>> -> memref<1x100000x32xf32, #tpu.memory_space<hbm>>
      %dma_start3A_1374 = tpu.memref_squeeze %dma_start3A_1373 : memref<1x100000x32xf32, #tpu.memory_space<hbm>> -> memref<100000x32xf32, #tpu.memory_space<hbm>>
      %dma_start3A_1375 = arith.constant 0 : i32
      %dma_start3A_1376 = arith.constant 0 : i32
      %dma_start3A_1377 = tpu.memref_slice %dma_start3A_1374[%dma_start3A_1375, %dma_start3A_1376] : memref<100000x32xf32, #tpu.memory_space<hbm>> -> memref<100000x32xf32, #tpu.memory_space<hbm>>
      %dma_start3A_1378 = tpu.memref_slice %arg12[%dma_start3A_1363] : memref<2x!tpu.dma_semaphore, #tpu.memory_space<semaphore_mem>> -> memref<1x!tpu.dma_semaphore, #tpu.memory_space<semaphore_mem>>
      %dma_start3A_1379 = tpu.memref_squeeze %dma_start3A_1378 : memref<1x!tpu.dma_semaphore, #tpu.memory_space<semaphore_mem>> -> memref<!tpu.dma_semaphore, #tpu.memory_space<semaphore_mem>>
      tpu.enqueue_indirect_dma source(%dma_start3A_1377 : memref<100000x32xf32, #tpu.memory_space<hbm>>) target(%dma_start3A_1367 : memref<32x32xf32, #tpu.memory_space<vmem>>) offsets(%dma_start3A_1370 : memref<32xi32, #tpu.memory_space<vmem>>) semaphore(%dma_start3A_1379 : memref<!tpu.dma_semaphore, #tpu.memory_space<semaphore_mem>>)
      %scan3A_1380 = arith.constant 0 : i32
      scf.yield %scan3A_1380 : i32
    }
    %scan3A_1235 = arith.constant 26 : i32
    %scan3A_1236 = arith.constant 0 : i32
    %scan3A_1237 = arith.constant 0 : i32
    %scan3A_1238 = arith.constant 26 : i32
    %scan3A_1239 = arith.addi %scan3A_1237, %scan3A_1238 : i32
    %scan3A_1240 = arith.constant 1 : i32
    %scan3A_1241 = scf.for %scan3A_1360 = %scan3A_1237 to %scan3A_1239 step %scan3A_1240 iter_args(%scan3A_1361 = %scan3A_1236) -> (i32)  : i32 {
      %dma_wait3A_1362 = arith.constant 0 : i32
      %dma_wait3A_1363 = arith.constant 0 : i32
      %dma_wait3A_1364 = arith.constant 0 : i32
      %dma_wait3A_1365 = arith.constant 0 : i32
      %dma_wait3A_1366 = tpu.memref_slice %arg8[%dma_wait3A_1362, %scan3A_1360, %dma_wait3A_1364, %dma_wait3A_1365] : memref<2x26x32x32xf32, #tpu.memory_space<vmem>> -> memref<1x1x32x32xf32, #tpu.memory_space<vmem>>
      %dma_wait3A_1367 = tpu.memref_squeeze %dma_wait3A_1366 : memref<1x1x32x32xf32, #tpu.memory_space<vmem>> -> memref<32x32xf32, #tpu.memory_space<vmem>>
      %dma_wait3A_1368 = arith.constant 448 : i32
      %dma_wait3A_1369 = tpu.memref_slice %arg6[%scan3A_1360, %dma_wait3A_1368] : memref<26x512xi32, #tpu.memory_space<vmem>> -> memref<1x32xi32, #tpu.memory_space<vmem>>
      %dma_wait3A_1370 = tpu.memref_squeeze %dma_wait3A_1369 : memref<1x32xi32, #tpu.memory_space<vmem>> -> memref<32xi32, #tpu.memory_space<vmem>>
      %dma_wait3A_1371 = arith.constant 0 : i32
      %dma_wait3A_1372 = arith.constant 0 : i32
      %dma_wait3A_1373 = tpu.memref_slice %arg4[%scan3A_1360, %dma_wait3A_1371, %dma_wait3A_1372] : memref<26x100000x32xf32, #tpu.memory_space<hbm>> -> memref<1x100000x32xf32, #tpu.memory_space<hbm>>
      %dma_wait3A_1374 = tpu.memref_squeeze %dma_wait3A_1373 : memref<1x100000x32xf32, #tpu.memory_space<hbm>> -> memref<100000x32xf32, #tpu.memory_space<hbm>>
      %dma_wait3A_1375 = arith.constant 0 : i32
      %dma_wait3A_1376 = arith.constant 0 : i32
      %dma_wait3A_1377 = tpu.memref_slice %dma_wait3A_1374[%dma_wait3A_1375, %dma_wait3A_1376] : memref<100000x32xf32, #tpu.memory_space<hbm>> -> memref<100000x32xf32, #tpu.memory_space<hbm>>
      %dma_wait3A_1378 = tpu.memref_slice %arg12[%dma_wait3A_1363] : memref<2x!tpu.dma_semaphore, #tpu.memory_space<semaphore_mem>> -> memref<1x!tpu.dma_semaphore, #tpu.memory_space<semaphore_mem>>
      %dma_wait3A_1379 = tpu.memref_squeeze %dma_wait3A_1378 : memref<1x!tpu.dma_semaphore, #tpu.memory_space<semaphore_mem>> -> memref<!tpu.dma_semaphore, #tpu.memory_space<semaphore_mem>>
      tpu.wait_indirect_dma semaphore(%dma_wait3A_1379 : memref<!tpu.dma_semaphore, #tpu.memory_space<semaphore_mem>>) src(%dma_wait3A_1377 : memref<100000x32xf32, #tpu.memory_space<hbm>>) dst(%dma_wait3A_1367 : memref<32x32xf32, #tpu.memory_space<vmem>>)
      %scan3A_1380 = arith.constant 0 : i32
      scf.yield %scan3A_1380 : i32
    }
    %scan3A_1242 = arith.constant 26 : i32
    %add3A_1243 = arith.constant 384 : i32
    %add3A_1244 = arith.addi %mul3A_2, %add3A_1243 : i32
    %mul3A_1245 = arith.constant 845 : i32
    %mul3A_1246 = arith.muli %add3A_1244, %mul3A_1245 : i32
    %dma_wait3A_1247 = arith.constant 0 : i32
    %dma_wait3A_1248 = arith.constant 0 : i32
    %dma_wait3A_1249 = arith.constant 0 : i32
    %dma_wait3A_1250 = tpu.memref_slice %arg9[%dma_wait3A_1247, %dma_wait3A_1249] : memref<2x27040xf32, #tpu.memory_space<vmem>> -> memref<1x27040xf32, #tpu.memory_space<vmem>>
    %dma_wait3A_1251 = tpu.memref_squeeze %dma_wait3A_1250 : memref<1x27040xf32, #tpu.memory_space<vmem>> -> memref<27040xf32, #tpu.memory_space<vmem>>
    %dma_wait3A_1252 = tpu.memref_slice %arg5[%mul3A_1246] : memref<13844480xf32, #tpu.memory_space<hbm>> -> memref<27040xf32, #tpu.memory_space<hbm>>
    %dma_wait3A_1253 = tpu.memref_slice %arg13[%dma_wait3A_1248] : memref<2x!tpu.dma_semaphore, #tpu.memory_space<semaphore_mem>> -> memref<1x!tpu.dma_semaphore, #tpu.memory_space<semaphore_mem>>
    %dma_wait3A_1254 = tpu.memref_squeeze %dma_wait3A_1253 : memref<1x!tpu.dma_semaphore, #tpu.memory_space<semaphore_mem>> -> memref<!tpu.dma_semaphore, #tpu.memory_space<semaphore_mem>>
    %dma_wait3A_1255 = tpu.memref_slice %arg5[%mul3A_1246] : memref<13844480xf32, #tpu.memory_space<hbm>> -> memref<27040xf32, #tpu.memory_space<hbm>>
    %dma_wait3A_1256 = arith.constant 0 : i32
    %dma_wait3A_1257 = tpu.memref_slice %arg9[%dma_wait3A_1247, %dma_wait3A_1256] : memref<2x27040xf32, #tpu.memory_space<vmem>> -> memref<1x27040xf32, #tpu.memory_space<vmem>>
    %dma_wait3A_1258 = tpu.memref_squeeze %dma_wait3A_1257 : memref<1x27040xf32, #tpu.memory_space<vmem>> -> memref<27040xf32, #tpu.memory_space<vmem>>
    tpu.wait_dma2 semaphore(%dma_wait3A_1254 : memref<!tpu.dma_semaphore, #tpu.memory_space<semaphore_mem>>) src(%dma_wait3A_1258 : memref<27040xf32, #tpu.memory_space<vmem>>) dst(%dma_wait3A_1255 : memref<27040xf32, #tpu.memory_space<hbm>>)
    %scan3A_1259 = arith.constant 0 : i32
    %scan3A_1260 = arith.constant 0 : i32
    %scan3A_1261 = arith.constant 32 : i32
    %scan3A_1262 = arith.addi %scan3A_1260, %scan3A_1261 : i32
    %scan3A_1263 = arith.constant 1 : i32
    %scan3A_1264 = scf.for %scan3A_1360 = %scan3A_1260 to %scan3A_1262 step %scan3A_1263 iter_args(%scan3A_1361 = %scan3A_1259) -> (i32)  : i32 {
      %mul3A_1362 = arith.constant 13 : i32
      %mul3A_1363 = arith.muli %scan3A_1360, %mul3A_1362 : i32
      %get3A = arith.constant 2 : i32
      %get3A_1364 = arith.index_cast %get3A : i32 to index
      %get3A_1365 = arith.index_cast %mul3A_1363 : i32 to index
      %get3A_1366 = tpu.vector_load %arg7[%get3A_1364, %get3A_1365] {strides = array<i32>} : memref<3x432xf32, #tpu.memory_space<vmem>>, vector<1x16xf32>,
      %get3A_1367 = vector.shape_cast %get3A_1366 : vector<1x16xf32> to vector<16xf32>
      %mul3A_1368 = arith.constant 845 : i32
      %mul3A_1369 = arith.muli %scan3A_1360, %mul3A_1368 : i32
      %swap3A = arith.constant 0 : i32
      %swap3A_1370 = arith.index_cast %swap3A : i32 to index
      %swap3A_1371 = arith.index_cast %mul3A_1369 : i32 to index
      %swap3A_1372 = tpu.vector_load %arg9[%swap3A_1370, %swap3A_1371] {strides = array<i32>} : memref<2x27040xf32, #tpu.memory_space<vmem>>, vector<1x16xf32>,
      %swap3A_1373 = vector.shape_cast %swap3A_1372 : vector<1x16xf32> to vector<16xf32>
      %swap3A_1374 = vector.shape_cast %get3A_1367 : vector<16xf32> to vector<1x16xf32>
      tpu.vector_store %arg9[%swap3A_1370, %swap3A_1371], %swap3A_1374 {strides = array<i32>} : memref<2x27040xf32, #tpu.memory_space<vmem>>, vector<1x16xf32>,
      %scan3A_1375 = arith.constant 0 : i32
      %scan3A_1376 = arith.constant 0 : i32
      %scan3A_1377 = arith.constant 26 : i32
      %scan3A_1378 = arith.addi %scan3A_1376, %scan3A_1377 : i32
      %scan3A_1379 = arith.constant 1 : i32
      %scan3A_1380 = scf.for %scan3A_1382 = %scan3A_1376 to %scan3A_1378 step %scan3A_1379 iter_args(%scan3A_1383 = %scan3A_1375) -> (i32)  : i32 {
        %mul3A_1384 = arith.constant 845 : i32
        %mul3A_1385 = arith.muli %scan3A_1360, %mul3A_1384 : i32
        %add3A_1386 = arith.constant 13 : i32
        %add3A_1387 = arith.addi %mul3A_1385, %add3A_1386 : i32
        %mul3A_1388 = arith.constant 32 : i32
        %mul3A_1389 = arith.muli %scan3A_1382, %mul3A_1388 : i32
        %add3A_1390 = arith.addi %add3A_1387, %mul3A_1389 : i32
        %get3A_1391 = arith.constant 0 : i32
        %get3A_1392 = arith.index_cast %get3A_1391 : i32 to index
        %get3A_1393 = arith.index_cast %scan3A_1382 : i32 to index
        %get3A_1394 = arith.index_cast %scan3A_1360 : i32 to index
        %get3A_1395 = arith.constant 0 : index
        %get3A_1396 = tpu.vector_load %arg8[%get3A_1392, %get3A_1393, %get3A_1394, %get3A_1395] {strides = array<i32>} : memref<2x26x32x32xf32, #tpu.memory_space<vmem>>, vector<1x1x1x16xf32>,
        %get3A_1397 = vector.shape_cast %get3A_1396 : vector<1x1x1x16xf32> to vector<16xf32>
        %swap3A_1398 = arith.constant 0 : i32
        %swap3A_1399 = arith.index_cast %swap3A_1398 : i32 to index
        %swap3A_1400 = arith.index_cast %add3A_1390 : i32 to index
        %swap3A_1401 = tpu.vector_load %arg9[%swap3A_1399, %swap3A_1400] {strides = array<i32>} : memref<2x27040xf32, #tpu.memory_space<vmem>>, vector<1x16xf32>,
        %swap3A_1402 = vector.shape_cast %swap3A_1401 : vector<1x16xf32> to vector<16xf32>
        %swap3A_1403 = vector.shape_cast %get3A_1397 : vector<16xf32> to vector<1x16xf32>
        tpu.vector_store %arg9[%swap3A_1399, %swap3A_1400], %swap3A_1403 {strides = array<i32>} : memref<2x27040xf32, #tpu.memory_space<vmem>>, vector<1x16xf32>,
        %get3A_1404 = arith.constant 0 : i32
        %get3A_1405 = arith.index_cast %get3A_1404 : i32 to index
        %get3A_1406 = arith.index_cast %scan3A_1382 : i32 to index
        %get3A_1407 = arith.index_cast %scan3A_1360 : i32 to index
        %get3A_1408 = arith.constant 16 : index
        %get3A_1409 = tpu.vector_load %arg8[%get3A_1405, %get3A_1406, %get3A_1407, %get3A_1408] {strides = array<i32>} : memref<2x26x32x32xf32, #tpu.memory_space<vmem>>, vector<1x1x1x16xf32>,
        %get3A_1410 = vector.shape_cast %get3A_1409 : vector<1x1x1x16xf32> to vector<16xf32>
        %add3A_1411 = arith.constant 16 : i32
        %add3A_1412 = arith.addi %add3A_1390, %add3A_1411 : i32
        %swap3A_1413 = arith.constant 0 : i32
        %swap3A_1414 = arith.index_cast %swap3A_1413 : i32 to index
        %swap3A_1415 = arith.index_cast %add3A_1412 : i32 to index
        %swap3A_1416 = tpu.vector_load %arg9[%swap3A_1414, %swap3A_1415] {strides = array<i32>} : memref<2x27040xf32, #tpu.memory_space<vmem>>, vector<1x16xf32>,
        %swap3A_1417 = vector.shape_cast %swap3A_1416 : vector<1x16xf32> to vector<16xf32>
        %swap3A_1418 = vector.shape_cast %get3A_1410 : vector<16xf32> to vector<1x16xf32>
        tpu.vector_store %arg9[%swap3A_1414, %swap3A_1415], %swap3A_1418 {strides = array<i32>} : memref<2x27040xf32, #tpu.memory_space<vmem>>, vector<1x16xf32>,
        %scan3A_1419 = arith.constant 0 : i32
        scf.yield %scan3A_1419 : i32
      }
      %scan3A_1381 = arith.constant 26 : i32
      scf.yield %scan3A_1380 : i32
    }
    %scan3A_1265 = arith.constant 32 : i32
    %add3A_1266 = arith.constant 448 : i32
    %add3A_1267 = arith.addi %mul3A_2, %add3A_1266 : i32
    %mul3A_1268 = arith.constant 845 : i32
    %mul3A_1269 = arith.muli %add3A_1267, %mul3A_1268 : i32
    %dma_start3A_1270 = arith.constant 0 : i32
    %dma_start3A_1271 = arith.constant 0 : i32
    %dma_start3A_1272 = arith.constant 0 : i32
    %dma_start3A_1273 = tpu.memref_slice %arg9[%dma_start3A_1270, %dma_start3A_1272] : memref<2x27040xf32, #tpu.memory_space<vmem>> -> memref<1x27040xf32, #tpu.memory_space<vmem>>
    %dma_start3A_1274 = tpu.memref_squeeze %dma_start3A_1273 : memref<1x27040xf32, #tpu.memory_space<vmem>> -> memref<27040xf32, #tpu.memory_space<vmem>>
    %dma_start3A_1275 = tpu.memref_slice %arg5[%mul3A_1269] : memref<13844480xf32, #tpu.memory_space<hbm>> -> memref<27040xf32, #tpu.memory_space<hbm>>
    %dma_start3A_1276 = tpu.memref_slice %arg13[%dma_start3A_1271] : memref<2x!tpu.dma_semaphore, #tpu.memory_space<semaphore_mem>> -> memref<1x!tpu.dma_semaphore, #tpu.memory_space<semaphore_mem>>
    %dma_start3A_1277 = tpu.memref_squeeze %dma_start3A_1276 : memref<1x!tpu.dma_semaphore, #tpu.memory_space<semaphore_mem>> -> memref<!tpu.dma_semaphore, #tpu.memory_space<semaphore_mem>>
    %dma_start3A_1278 = tpu.memref_slice %arg5[%mul3A_1269] : memref<13844480xf32, #tpu.memory_space<hbm>> -> memref<27040xf32, #tpu.memory_space<hbm>>
    %dma_start3A_1279 = arith.constant 0 : i32
    %dma_start3A_1280 = tpu.memref_slice %arg9[%dma_start3A_1270, %dma_start3A_1279] : memref<2x27040xf32, #tpu.memory_space<vmem>> -> memref<1x27040xf32, #tpu.memory_space<vmem>>
    %dma_start3A_1281 = tpu.memref_squeeze %dma_start3A_1280 : memref<1x27040xf32, #tpu.memory_space<vmem>> -> memref<27040xf32, #tpu.memory_space<vmem>>
    tpu.enqueue_dma source(%dma_start3A_1281 : memref<27040xf32, #tpu.memory_space<vmem>>) target(%dma_start3A_1278 : memref<27040xf32, #tpu.memory_space<hbm>>) target_semaphore(%dma_start3A_1277 : memref<!tpu.dma_semaphore, #tpu.memory_space<semaphore_mem>>)
    %scan3A_1282 = arith.constant 0 : i32
    %scan3A_1283 = arith.constant 0 : i32
    %scan3A_1284 = arith.constant 26 : i32
    %scan3A_1285 = arith.addi %scan3A_1283, %scan3A_1284 : i32
    %scan3A_1286 = arith.constant 1 : i32
    %scan3A_1287 = scf.for %scan3A_1360 = %scan3A_1283 to %scan3A_1285 step %scan3A_1286 iter_args(%scan3A_1361 = %scan3A_1282) -> (i32)  : i32 {
      %dma_wait3A_1362 = arith.constant 1 : i32
      %dma_wait3A_1363 = arith.constant 1 : i32
      %dma_wait3A_1364 = arith.constant 0 : i32
      %dma_wait3A_1365 = arith.constant 0 : i32
      %dma_wait3A_1366 = tpu.memref_slice %arg8[%dma_wait3A_1362, %scan3A_1360, %dma_wait3A_1364, %dma_wait3A_1365] : memref<2x26x32x32xf32, #tpu.memory_space<vmem>> -> memref<1x1x32x32xf32, #tpu.memory_space<vmem>>
      %dma_wait3A_1367 = tpu.memref_squeeze %dma_wait3A_1366 : memref<1x1x32x32xf32, #tpu.memory_space<vmem>> -> memref<32x32xf32, #tpu.memory_space<vmem>>
      %dma_wait3A_1368 = arith.constant 480 : i32
      %dma_wait3A_1369 = tpu.memref_slice %arg6[%scan3A_1360, %dma_wait3A_1368] : memref<26x512xi32, #tpu.memory_space<vmem>> -> memref<1x32xi32, #tpu.memory_space<vmem>>
      %dma_wait3A_1370 = tpu.memref_squeeze %dma_wait3A_1369 : memref<1x32xi32, #tpu.memory_space<vmem>> -> memref<32xi32, #tpu.memory_space<vmem>>
      %dma_wait3A_1371 = arith.constant 0 : i32
      %dma_wait3A_1372 = arith.constant 0 : i32
      %dma_wait3A_1373 = tpu.memref_slice %arg4[%scan3A_1360, %dma_wait3A_1371, %dma_wait3A_1372] : memref<26x100000x32xf32, #tpu.memory_space<hbm>> -> memref<1x100000x32xf32, #tpu.memory_space<hbm>>
      %dma_wait3A_1374 = tpu.memref_squeeze %dma_wait3A_1373 : memref<1x100000x32xf32, #tpu.memory_space<hbm>> -> memref<100000x32xf32, #tpu.memory_space<hbm>>
      %dma_wait3A_1375 = arith.constant 0 : i32
      %dma_wait3A_1376 = arith.constant 0 : i32
      %dma_wait3A_1377 = tpu.memref_slice %dma_wait3A_1374[%dma_wait3A_1375, %dma_wait3A_1376] : memref<100000x32xf32, #tpu.memory_space<hbm>> -> memref<100000x32xf32, #tpu.memory_space<hbm>>
      %dma_wait3A_1378 = tpu.memref_slice %arg12[%dma_wait3A_1363] : memref<2x!tpu.dma_semaphore, #tpu.memory_space<semaphore_mem>> -> memref<1x!tpu.dma_semaphore, #tpu.memory_space<semaphore_mem>>
      %dma_wait3A_1379 = tpu.memref_squeeze %dma_wait3A_1378 : memref<1x!tpu.dma_semaphore, #tpu.memory_space<semaphore_mem>> -> memref<!tpu.dma_semaphore, #tpu.memory_space<semaphore_mem>>
      tpu.wait_indirect_dma semaphore(%dma_wait3A_1379 : memref<!tpu.dma_semaphore, #tpu.memory_space<semaphore_mem>>) src(%dma_wait3A_1377 : memref<100000x32xf32, #tpu.memory_space<hbm>>) dst(%dma_wait3A_1367 : memref<32x32xf32, #tpu.memory_space<vmem>>)
      %scan3A_1380 = arith.constant 0 : i32
      scf.yield %scan3A_1380 : i32
    }
    %scan3A_1288 = arith.constant 26 : i32
    %add3A_1289 = arith.constant 416 : i32
    %add3A_1290 = arith.addi %mul3A_2, %add3A_1289 : i32
    %mul3A_1291 = arith.constant 845 : i32
    %mul3A_1292 = arith.muli %add3A_1290, %mul3A_1291 : i32
    %dma_wait3A_1293 = arith.constant 1 : i32
    %dma_wait3A_1294 = arith.constant 1 : i32
    %dma_wait3A_1295 = arith.constant 0 : i32
    %dma_wait3A_1296 = tpu.memref_slice %arg9[%dma_wait3A_1293, %dma_wait3A_1295] : memref<2x27040xf32, #tpu.memory_space<vmem>> -> memref<1x27040xf32, #tpu.memory_space<vmem>>
    %dma_wait3A_1297 = tpu.memref_squeeze %dma_wait3A_1296 : memref<1x27040xf32, #tpu.memory_space<vmem>> -> memref<27040xf32, #tpu.memory_space<vmem>>
    %dma_wait3A_1298 = tpu.memref_slice %arg5[%mul3A_1292] : memref<13844480xf32, #tpu.memory_space<hbm>> -> memref<27040xf32, #tpu.memory_space<hbm>>
    %dma_wait3A_1299 = tpu.memref_slice %arg13[%dma_wait3A_1294] : memref<2x!tpu.dma_semaphore, #tpu.memory_space<semaphore_mem>> -> memref<1x!tpu.dma_semaphore, #tpu.memory_space<semaphore_mem>>
    %dma_wait3A_1300 = tpu.memref_squeeze %dma_wait3A_1299 : memref<1x!tpu.dma_semaphore, #tpu.memory_space<semaphore_mem>> -> memref<!tpu.dma_semaphore, #tpu.memory_space<semaphore_mem>>
    %dma_wait3A_1301 = tpu.memref_slice %arg5[%mul3A_1292] : memref<13844480xf32, #tpu.memory_space<hbm>> -> memref<27040xf32, #tpu.memory_space<hbm>>
    %dma_wait3A_1302 = arith.constant 0 : i32
    %dma_wait3A_1303 = tpu.memref_slice %arg9[%dma_wait3A_1293, %dma_wait3A_1302] : memref<2x27040xf32, #tpu.memory_space<vmem>> -> memref<1x27040xf32, #tpu.memory_space<vmem>>
    %dma_wait3A_1304 = tpu.memref_squeeze %dma_wait3A_1303 : memref<1x27040xf32, #tpu.memory_space<vmem>> -> memref<27040xf32, #tpu.memory_space<vmem>>
    tpu.wait_dma2 semaphore(%dma_wait3A_1300 : memref<!tpu.dma_semaphore, #tpu.memory_space<semaphore_mem>>) src(%dma_wait3A_1304 : memref<27040xf32, #tpu.memory_space<vmem>>) dst(%dma_wait3A_1301 : memref<27040xf32, #tpu.memory_space<hbm>>)
    %scan3A_1305 = arith.constant 0 : i32
    %scan3A_1306 = arith.constant 0 : i32
    %scan3A_1307 = arith.constant 32 : i32
    %scan3A_1308 = arith.addi %scan3A_1306, %scan3A_1307 : i32
    %scan3A_1309 = arith.constant 1 : i32
    %scan3A_1310 = scf.for %scan3A_1360 = %scan3A_1306 to %scan3A_1308 step %scan3A_1309 iter_args(%scan3A_1361 = %scan3A_1305) -> (i32)  : i32 {
      %mul3A_1362 = arith.constant 13 : i32
      %mul3A_1363 = arith.muli %scan3A_1360, %mul3A_1362 : i32
      %get3A = arith.constant 0 : i32
      %get3A_1364 = arith.index_cast %get3A : i32 to index
      %get3A_1365 = arith.index_cast %mul3A_1363 : i32 to index
      %get3A_1366 = tpu.vector_load %arg7[%get3A_1364, %get3A_1365] {strides = array<i32>} : memref<3x432xf32, #tpu.memory_space<vmem>>, vector<1x16xf32>,
      %get3A_1367 = vector.shape_cast %get3A_1366 : vector<1x16xf32> to vector<16xf32>
      %mul3A_1368 = arith.constant 845 : i32
      %mul3A_1369 = arith.muli %scan3A_1360, %mul3A_1368 : i32
      %swap3A = arith.constant 1 : i32
      %swap3A_1370 = arith.index_cast %swap3A : i32 to index
      %swap3A_1371 = arith.index_cast %mul3A_1369 : i32 to index
      %swap3A_1372 = tpu.vector_load %arg9[%swap3A_1370, %swap3A_1371] {strides = array<i32>} : memref<2x27040xf32, #tpu.memory_space<vmem>>, vector<1x16xf32>,
      %swap3A_1373 = vector.shape_cast %swap3A_1372 : vector<1x16xf32> to vector<16xf32>
      %swap3A_1374 = vector.shape_cast %get3A_1367 : vector<16xf32> to vector<1x16xf32>
      tpu.vector_store %arg9[%swap3A_1370, %swap3A_1371], %swap3A_1374 {strides = array<i32>} : memref<2x27040xf32, #tpu.memory_space<vmem>>, vector<1x16xf32>,
      %scan3A_1375 = arith.constant 0 : i32
      %scan3A_1376 = arith.constant 0 : i32
      %scan3A_1377 = arith.constant 26 : i32
      %scan3A_1378 = arith.addi %scan3A_1376, %scan3A_1377 : i32
      %scan3A_1379 = arith.constant 1 : i32
      %scan3A_1380 = scf.for %scan3A_1382 = %scan3A_1376 to %scan3A_1378 step %scan3A_1379 iter_args(%scan3A_1383 = %scan3A_1375) -> (i32)  : i32 {
        %mul3A_1384 = arith.constant 845 : i32
        %mul3A_1385 = arith.muli %scan3A_1360, %mul3A_1384 : i32
        %add3A_1386 = arith.constant 13 : i32
        %add3A_1387 = arith.addi %mul3A_1385, %add3A_1386 : i32
        %mul3A_1388 = arith.constant 32 : i32
        %mul3A_1389 = arith.muli %scan3A_1382, %mul3A_1388 : i32
        %add3A_1390 = arith.addi %add3A_1387, %mul3A_1389 : i32
        %get3A_1391 = arith.constant 1 : i32
        %get3A_1392 = arith.index_cast %get3A_1391 : i32 to index
        %get3A_1393 = arith.index_cast %scan3A_1382 : i32 to index
        %get3A_1394 = arith.index_cast %scan3A_1360 : i32 to index
        %get3A_1395 = arith.constant 0 : index
        %get3A_1396 = tpu.vector_load %arg8[%get3A_1392, %get3A_1393, %get3A_1394, %get3A_1395] {strides = array<i32>} : memref<2x26x32x32xf32, #tpu.memory_space<vmem>>, vector<1x1x1x16xf32>,
        %get3A_1397 = vector.shape_cast %get3A_1396 : vector<1x1x1x16xf32> to vector<16xf32>
        %swap3A_1398 = arith.constant 1 : i32
        %swap3A_1399 = arith.index_cast %swap3A_1398 : i32 to index
        %swap3A_1400 = arith.index_cast %add3A_1390 : i32 to index
        %swap3A_1401 = tpu.vector_load %arg9[%swap3A_1399, %swap3A_1400] {strides = array<i32>} : memref<2x27040xf32, #tpu.memory_space<vmem>>, vector<1x16xf32>,
        %swap3A_1402 = vector.shape_cast %swap3A_1401 : vector<1x16xf32> to vector<16xf32>
        %swap3A_1403 = vector.shape_cast %get3A_1397 : vector<16xf32> to vector<1x16xf32>
        tpu.vector_store %arg9[%swap3A_1399, %swap3A_1400], %swap3A_1403 {strides = array<i32>} : memref<2x27040xf32, #tpu.memory_space<vmem>>, vector<1x16xf32>,
        %get3A_1404 = arith.constant 1 : i32
        %get3A_1405 = arith.index_cast %get3A_1404 : i32 to index
        %get3A_1406 = arith.index_cast %scan3A_1382 : i32 to index
        %get3A_1407 = arith.index_cast %scan3A_1360 : i32 to index
        %get3A_1408 = arith.constant 16 : index
        %get3A_1409 = tpu.vector_load %arg8[%get3A_1405, %get3A_1406, %get3A_1407, %get3A_1408] {strides = array<i32>} : memref<2x26x32x32xf32, #tpu.memory_space<vmem>>, vector<1x1x1x16xf32>,
        %get3A_1410 = vector.shape_cast %get3A_1409 : vector<1x1x1x16xf32> to vector<16xf32>
        %add3A_1411 = arith.constant 16 : i32
        %add3A_1412 = arith.addi %add3A_1390, %add3A_1411 : i32
        %swap3A_1413 = arith.constant 1 : i32
        %swap3A_1414 = arith.index_cast %swap3A_1413 : i32 to index
        %swap3A_1415 = arith.index_cast %add3A_1412 : i32 to index
        %swap3A_1416 = tpu.vector_load %arg9[%swap3A_1414, %swap3A_1415] {strides = array<i32>} : memref<2x27040xf32, #tpu.memory_space<vmem>>, vector<1x16xf32>,
        %swap3A_1417 = vector.shape_cast %swap3A_1416 : vector<1x16xf32> to vector<16xf32>
        %swap3A_1418 = vector.shape_cast %get3A_1410 : vector<16xf32> to vector<1x16xf32>
        tpu.vector_store %arg9[%swap3A_1414, %swap3A_1415], %swap3A_1418 {strides = array<i32>} : memref<2x27040xf32, #tpu.memory_space<vmem>>, vector<1x16xf32>,
        %scan3A_1419 = arith.constant 0 : i32
        scf.yield %scan3A_1419 : i32
      }
      %scan3A_1381 = arith.constant 26 : i32
      scf.yield %scan3A_1380 : i32
    }
    %scan3A_1311 = arith.constant 32 : i32
    %add3A_1312 = arith.constant 480 : i32
    %add3A_1313 = arith.addi %mul3A_2, %add3A_1312 : i32
    %mul3A_1314 = arith.constant 845 : i32
    %mul3A_1315 = arith.muli %add3A_1313, %mul3A_1314 : i32
    %dma_start3A_1316 = arith.constant 1 : i32
    %dma_start3A_1317 = arith.constant 1 : i32
    %dma_start3A_1318 = arith.constant 0 : i32
    %dma_start3A_1319 = tpu.memref_slice %arg9[%dma_start3A_1316, %dma_start3A_1318] : memref<2x27040xf32, #tpu.memory_space<vmem>> -> memref<1x27040xf32, #tpu.memory_space<vmem>>
    %dma_start3A_1320 = tpu.memref_squeeze %dma_start3A_1319 : memref<1x27040xf32, #tpu.memory_space<vmem>> -> memref<27040xf32, #tpu.memory_space<vmem>>
    %dma_start3A_1321 = tpu.memref_slice %arg5[%mul3A_1315] : memref<13844480xf32, #tpu.memory_space<hbm>> -> memref<27040xf32, #tpu.memory_space<hbm>>
    %dma_start3A_1322 = tpu.memref_slice %arg13[%dma_start3A_1317] : memref<2x!tpu.dma_semaphore, #tpu.memory_space<semaphore_mem>> -> memref<1x!tpu.dma_semaphore, #tpu.memory_space<semaphore_mem>>
    %dma_start3A_1323 = tpu.memref_squeeze %dma_start3A_1322 : memref<1x!tpu.dma_semaphore, #tpu.memory_space<semaphore_mem>> -> memref<!tpu.dma_semaphore, #tpu.memory_space<semaphore_mem>>
    %dma_start3A_1324 = tpu.memref_slice %arg5[%mul3A_1315] : memref<13844480xf32, #tpu.memory_space<hbm>> -> memref<27040xf32, #tpu.memory_space<hbm>>
    %dma_start3A_1325 = arith.constant 0 : i32
    %dma_start3A_1326 = tpu.memref_slice %arg9[%dma_start3A_1316, %dma_start3A_1325] : memref<2x27040xf32, #tpu.memory_space<vmem>> -> memref<1x27040xf32, #tpu.memory_space<vmem>>
    %dma_start3A_1327 = tpu.memref_squeeze %dma_start3A_1326 : memref<1x27040xf32, #tpu.memory_space<vmem>> -> memref<27040xf32, #tpu.memory_space<vmem>>
    tpu.enqueue_dma source(%dma_start3A_1327 : memref<27040xf32, #tpu.memory_space<vmem>>) target(%dma_start3A_1324 : memref<27040xf32, #tpu.memory_space<hbm>>) target_semaphore(%dma_start3A_1323 : memref<!tpu.dma_semaphore, #tpu.memory_space<semaphore_mem>>)
    %add3A_1328 = arith.constant 448 : i32
    %add3A_1329 = arith.addi %mul3A_2, %add3A_1328 : i32
    %mul3A_1330 = arith.constant 845 : i32
    %mul3A_1331 = arith.muli %add3A_1329, %mul3A_1330 : i32
    %dma_wait3A_1332 = arith.constant 0 : i32
    %dma_wait3A_1333 = arith.constant 0 : i32
    %dma_wait3A_1334 = arith.constant 0 : i32
    %dma_wait3A_1335 = tpu.memref_slice %arg9[%dma_wait3A_1332, %dma_wait3A_1334] : memref<2x27040xf32, #tpu.memory_space<vmem>> -> memref<1x27040xf32, #tpu.memory_space<vmem>>
    %dma_wait3A_1336 = tpu.memref_squeeze %dma_wait3A_1335 : memref<1x27040xf32, #tpu.memory_space<vmem>> -> memref<27040xf32, #tpu.memory_space<vmem>>
    %dma_wait3A_1337 = tpu.memref_slice %arg5[%mul3A_1331] : memref<13844480xf32, #tpu.memory_space<hbm>> -> memref<27040xf32, #tpu.memory_space<hbm>>
    %dma_wait3A_1338 = tpu.memref_slice %arg13[%dma_wait3A_1333] : memref<2x!tpu.dma_semaphore, #tpu.memory_space<semaphore_mem>> -> memref<1x!tpu.dma_semaphore, #tpu.memory_space<semaphore_mem>>
    %dma_wait3A_1339 = tpu.memref_squeeze %dma_wait3A_1338 : memref<1x!tpu.dma_semaphore, #tpu.memory_space<semaphore_mem>> -> memref<!tpu.dma_semaphore, #tpu.memory_space<semaphore_mem>>
    %dma_wait3A_1340 = tpu.memref_slice %arg5[%mul3A_1331] : memref<13844480xf32, #tpu.memory_space<hbm>> -> memref<27040xf32, #tpu.memory_space<hbm>>
    %dma_wait3A_1341 = arith.constant 0 : i32
    %dma_wait3A_1342 = tpu.memref_slice %arg9[%dma_wait3A_1332, %dma_wait3A_1341] : memref<2x27040xf32, #tpu.memory_space<vmem>> -> memref<1x27040xf32, #tpu.memory_space<vmem>>
    %dma_wait3A_1343 = tpu.memref_squeeze %dma_wait3A_1342 : memref<1x27040xf32, #tpu.memory_space<vmem>> -> memref<27040xf32, #tpu.memory_space<vmem>>
    tpu.wait_dma2 semaphore(%dma_wait3A_1339 : memref<!tpu.dma_semaphore, #tpu.memory_space<semaphore_mem>>) src(%dma_wait3A_1343 : memref<27040xf32, #tpu.memory_space<vmem>>) dst(%dma_wait3A_1340 : memref<27040xf32, #tpu.memory_space<hbm>>)
    %add3A_1344 = arith.constant 480 : i32
    %add3A_1345 = arith.addi %mul3A_2, %add3A_1344 : i32
    %mul3A_1346 = arith.constant 845 : i32
    %mul3A_1347 = arith.muli %add3A_1345, %mul3A_1346 : i32
    %dma_wait3A_1348 = arith.constant 1 : i32
    %dma_wait3A_1349 = arith.constant 1 : i32
    %dma_wait3A_1350 = arith.constant 0 : i32
    %dma_wait3A_1351 = tpu.memref_slice %arg9[%dma_wait3A_1348, %dma_wait3A_1350] : memref<2x27040xf32, #tpu.memory_space<vmem>> -> memref<1x27040xf32, #tpu.memory_space<vmem>>
    %dma_wait3A_1352 = tpu.memref_squeeze %dma_wait3A_1351 : memref<1x27040xf32, #tpu.memory_space<vmem>> -> memref<27040xf32, #tpu.memory_space<vmem>>
    %dma_wait3A_1353 = tpu.memref_slice %arg5[%mul3A_1347] : memref<13844480xf32, #tpu.memory_space<hbm>> -> memref<27040xf32, #tpu.memory_space<hbm>>
    %dma_wait3A_1354 = tpu.memref_slice %arg13[%dma_wait3A_1349] : memref<2x!tpu.dma_semaphore, #tpu.memory_space<semaphore_mem>> -> memref<1x!tpu.dma_semaphore, #tpu.memory_space<semaphore_mem>>
    %dma_wait3A_1355 = tpu.memref_squeeze %dma_wait3A_1354 : memref<1x!tpu.dma_semaphore, #tpu.memory_space<semaphore_mem>> -> memref<!tpu.dma_semaphore, #tpu.memory_space<semaphore_mem>>
    %dma_wait3A_1356 = tpu.memref_slice %arg5[%mul3A_1347] : memref<13844480xf32, #tpu.memory_space<hbm>> -> memref<27040xf32, #tpu.memory_space<hbm>>
    %dma_wait3A_1357 = arith.constant 0 : i32
    %dma_wait3A_1358 = tpu.memref_slice %arg9[%dma_wait3A_1348, %dma_wait3A_1357] : memref<2x27040xf32, #tpu.memory_space<vmem>> -> memref<1x27040xf32, #tpu.memory_space<vmem>>
    %dma_wait3A_1359 = tpu.memref_squeeze %dma_wait3A_1358 : memref<1x27040xf32, #tpu.memory_space<vmem>> -> memref<27040xf32, #tpu.memory_space<vmem>>
    tpu.wait_dma2 semaphore(%dma_wait3A_1355 : memref<!tpu.dma_semaphore, #tpu.memory_space<semaphore_mem>>) src(%dma_wait3A_1359 : memref<27040xf32, #tpu.memory_space<vmem>>) dst(%dma_wait3A_1356 : memref<27040xf32, #tpu.memory_space<hbm>>)
    return
  }
}

</mosaic_0001>

<sc_bundles>
// kernel: kernel.3.cloned.1.call-start
scs
__scs_entry_jumppad:
0x0: {  	(pc) =	sbr.rel $0x88, $3  }
0x1: {  	(tag) =	ssettag $0x0;
	lr =	simm.s32 $0x1  }
0x2: {  	[smem:$0x3F9E] =	sst lr;
	_ =	strace $0xD0000000  }
0x3: {  	_ = 	snop  }
0x4: {  	_ = 	snop  }
0x5: {  	_ = 	snop  }
0x6: {  	_ = 	snop  }
0x7: {  	_ = 	snop  }
__scs_overlays_trampoline_lowered:
0x8: {  	[smem:$0x3FAD] =	sst s0  }
0x9: {  	[smem:$0x3FAE] =	sst s1  }
0xa: {  	[smem:$0x3FAF] =	sst s2  }
0xb: {  	[smem:$0x3FB0] =	sst s3  }
0xc: {  	[smem:$0x3FB1] =	sst s4  }
0xd: {  	[smem:$0x3FB2] =	sst s5  }
0xe: {  	[smem:$0x3FB3] =	sst s6  }
0xf: {  	[smem:$0x3FB4] =	sst s7  }
0x10: {  	[smem:$0x3FB5] =	sst s8  }
0x11: {  	[smem:$0x3FB6] =	sst s9;
	s0 =	simm.s32 @!p0 $0x0  }
0x12: {  	s1 =	sld [smem:$0x3F9C];
	s0 =	simm.s32 @p0 $0x1  }
0x13: {  	[smem:$0x3FB7] =	sst s0;
	s0 =	simm.s32 @!p1 $0x0  }
0x14: {  	s2 =	sld [smem:$0x3F9B];
	s0 =	simm.s32 @p1 $0x1  }
0x15: {  	[smem:$0x3FB8] =	sst s0;
	s0 =	simm.s32 @!p2 $0x0  }
0x16: {  	s3 =	sld [smem:$0x3FDB];
	s0 =	simm.s32 @p2 $0x1  }
0x17: {  	s4 =	simm.s32 $0x1BF5;
	[smem:$0x3FBA] =	sst s0  }
0x18: {  	s0 =	sld [smem:$0x3F9D];
	_ =	swait.ge [sflag:s4], $0x0  }
0x19: {  	s7 =	sld [smem:$0x3F9E]  }
0x1a: {  	s8 =	sadd.s32 $0xFFFFE003, lr  }
0x1b: {  	s9 =	sadd.s32 $0xFFFFFEF7, lr;
	s5 =	simm.s32 $0xFFFFFFFF;
	p2 =	slt.u32 s8, $0xFFFFF086  }
0x1c: {  	p1 =	slt.u32 s9, $0xF7A;
	s5 =	simm.s32 @!p2 $0x0  }
0x1d: {  	s5 =	simm.s32 @p1 $0x1;
	p0 =	seq.s32 s7, s2  }
0x1e: {  	s7 =	smul.u32 @!p0 $0xF7A, s2;
	p2 =	seq.s32 @!p0 s5, $0x0  }
0x1f: {  	s9 =	smul.u32 $0xF7A, s1;
	s8 =	simm.s32 @!p0 $0x1BF5;
	p2 =	por !p2, p0  }
0x20: {  	[sflag:s8] =	ssyncset.s32 @!p0 $0xFFFFF086;
	s6 =	sadd.s32 @!p0 s3, s7;
	s7 =	simm.s32 @!p0 $0x108  }
0x21: {  	s3 =	sadd.s32 s3, s9;
	s6 =	sadd.s32 @!p0 $0x88, s6;
	s7 =	simm.s32 @p2 $0x1082  }
0x22: {  	[simem:s7], [sflag:s8] =	dma.local @!p0 [hbm:s6], $0xF7A  }
0x23: {  	s9 =	sor.u32 $0xD0000000, s2;
	s6 =	simm.s32 $0x108;
	_ =	swait.ge @!p0 [sflag:s8], $0x0  }
0x24: {  	s3 =	sadd.s32 $0x88, s3;
	s6 =	simm.s32 @!p1 $0x1082;
	[sflag:s4] =	ssyncset.s32 $0xFFFFF086  }
0x25: {  	[simem:s6], [sflag:s4] =	dma.local [hbm:s3], $0xF7A  }
0x26: {  	[smem:$0x3F9E] =	sst s1;
	(tag) =	ssettag s2;
	_ =	strace s9  }
0x27: {  	s1 =	sld [smem:$0x3FAE]  }
0x28: {  	s2 =	sld [smem:$0x3FAF]  }
0x29: {  	s4 =	sld [smem:$0x3FB1]  }
0x2a: {  	p0 =	seq.s32 s5, $0x0;
	s5 =	sld [smem:$0x3FB2]  }
0x2b: {  	s6 =	sld [smem:$0x3FB3]  }
0x2c: {  	s7 =	sld [smem:$0x3FB4]  }
0x2d: {  	s3 =	simm.s32 $0x108;
	s8 =	sld [smem:$0x3FB5]  }
0x2e: {  	s3 =	simm.s32 @!p0 $0x1082;
	s9 =	sld [smem:$0x3FB6]  }
0x2f: {  	lr =	sadd.s32 s0, s3;
	s0 =	sld [smem:$0x3FAD]  }
0x30: {  	s3 =	sld [smem:$0x3FB0]  }
0x31: {  	[smem:$0x3FB9] =	sst s10  }
0x32: {  	s10 =	sld [smem:$0x3FB7];
	_ =	sdelay $0x3  }
0x33: {  	p0 =	seq.s32 s10, $0x1;
	s10 =	sld [smem:$0x3FB9];
	_ =	sdelay $0x3  }
0x34: {  	[smem:$0x3FB9] =	sst s10  }
0x35: {  	s10 =	sld [smem:$0x3FB8];
	_ =	sdelay $0x3  }
0x36: {  	p1 =	seq.s32 s10, $0x1;
	s10 =	sld [smem:$0x3FB9];
	_ =	sdelay $0x3  }
0x37: {  	[smem:$0x3FB9] =	sst s10  }
0x38: {  	s10 =	sld [smem:$0x3FBA]  }
0x39: {  	_ = 	snop;
	(pc) =	sbr.ind lr, $3  }
0x3a: {  	_ = 	snop  }
0x3b: {  	_ = 	snop  }
0x3c: {  	p2 =	seq.s32 s10, $0x1;
	s10 =	sld [smem:$0x3FB9]  }
0x3d: {  	_ =	shalt  }
0x3e: {  	_ =	shalt  }
0x3f: {  	_ =	shalt  }
0x40: {  	_ =	shalt  }
0x41: {  	_ =	shalt  }
0x42: {  	_ =	shalt  }
0x43: {  	_ =	shalt  }
0x44: {  	_ =	shalt  }
0x45: {  	_ =	shalt  }
0x46: {  	_ =	shalt  }
0x47: {  	_ =	shalt  }
0x48: {  	_ =	shalt  }
0x49: {  	_ =	shalt  }
0x4a: {  	_ =	shalt  }
0x4b: {  	_ =	shalt  }
0x4c: {  	_ =	shalt  }
0x4d: {  	_ =	shalt  }
0x4e: {  	_ =	shalt  }
0x4f: {  	_ =	shalt  }
0x50: {  	_ =	shalt  }
0x51: {  	_ =	shalt  }
0x52: {  	_ =	shalt  }
0x53: {  	_ =	shalt  }
0x54: {  	_ =	shalt  }
0x55: {  	_ =	shalt  }
0x56: {  	_ =	shalt  }
0x57: {  	_ =	shalt  }
0x58: {  	_ =	shalt  }
0x59: {  	_ =	shalt  }
0x5a: {  	_ =	shalt  }
0x5b: {  	_ =	shalt  }
0x5c: {  	_ =	shalt  }
0x5d: {  	_ =	shalt  }
0x5e: {  	_ =	shalt  }
0x5f: {  	_ =	shalt  }
0x60: {  	_ =	shalt  }
0x61: {  	_ =	shalt  }
0x62: {  	_ =	shalt  }
0x63: {  	_ =	shalt  }
0x64: {  	_ =	shalt  }
0x65: {  	_ =	shalt  }
0x66: {  	_ =	shalt  }
0x67: {  	_ =	shalt  }
0x68: {  	_ =	shalt  }
0x69: {  	_ =	shalt  }
0x6a: {  	_ =	shalt  }
0x6b: {  	_ =	shalt  }
0x6c: {  	_ =	shalt  }
0x6d: {  	_ =	shalt  }
0x6e: {  	_ =	shalt  }
0x6f: {  	_ =	shalt  }
0x70: {  	_ =	shalt  }
0x71: {  	_ =	shalt  }
0x72: {  	_ =	shalt  }
0x73: {  	_ =	shalt  }
0x74: {  	_ =	shalt  }
0x75: {  	_ =	shalt  }
0x76: {  	_ =	shalt  }
0x77: {  	_ =	shalt  }
0x78: {  	_ =	shalt  }
0x79: {  	_ =	shalt  }
0x7a: {  	_ =	shalt  }
0x7b: {  	_ =	shalt  }
0x7c: {  	_ =	shalt  }
0x7d: {  	_ =	shalt  }
0x7e: {  	_ =	shalt  }
0x7f: {  	_ =	shalt  }
0x80: {  	_ =	shalt  }
0x81: {  	_ =	shalt  }
0x82: {  	_ =	shalt  }
0x83: {  	_ =	shalt  }
0x84: {  	_ =	shalt  }
0x85: {  	_ =	shalt  }
0x86: {  	_ =	shalt  }
0x87: {  	_ =	shalt  }
.Lfunc_end0:
.L_simem_size_0:
called_computation.1_lowered:
.L_overlay_start_0:
0x88: {  	s2 =	sld [smem:$0x3FD9]  }
0x89: {  	s3 =	sld [smem:$0x3FFE];
	_ =	sdelay $0x1  }
0x8a: {  	s1 =	srdreg.scid  }
0x8b: {  	s0 =	sand.u32 $0x1, s1  }
0x8c: {  	s17 =	sshll.u32 s0, $0xA;
	s2 =	sadd.s32 s3, s2  }
0x8d: {  	s2 =	sadd.s32 s2, s17  }
0x8e: {  	[smem:$0x3FC5] =	sst s2  }
0x8f: {  	_ = 	snop  }
0x90: {  	s2 =	sld [smem:$0x3FD0];
	(tm) =	ssettm $0x1  }
0x91: {  	s18 =	sld [smem:$0x3FFB];
	_ =	sdelay $0x3  }
0x92: {  	_ =	strace s18  }
0x93: {  	s3 =	sld [smem:$0x3FFC];
	_ =	sdelay $0x3  }
0x94: {  	_ =	strace s3  }
0x95: {  	s3 =	sld [smem:$0x3FFD];
	_ =	sdelay $0x3  }
0x96: {  	_ =	strace s3  }
0x97: {  	_ =	strace $0x8FFFFFFF  }
0x98: {  	s19 =	sld [smem:$0x3FDB];
	_ =	sdelay $0x1  }
0x99: {  	s4 =	simm.s32 $_scs_section_size  }
0x9a: {  	s5 =	simm.s32 $_size__tile_overlayer_lowered;
	s6 =	simm.s32 $_tile_overlayer_lowered  }
0x9b: {  	s22 =	simm.s32 $0x1BFF;
	s21 =	sshll.u32 s6, $0x1;
	s3 =	sadd.s32 s4, s19  }
0x9c: {  	s7 =	simm.s32 $0x0;
	s20 =	sshll.u32 s5, $0x1;
	s5 =	sadd.s32 s21, s3  }
0x9d: {  	[timem:s7], [sflag:s22] =	dma.local [hbm:s5], s20  }
0x9e: {  	_ =	swait.ge [sflag:s22], s20  }
0x9f: {  	s4 =	ssub.s32 $0x0, s20;
	[sflag:s22] =	ssyncset.done $0x0  }
0xa0: {  	[sflag:s22] =	ssyncadd.s32 s4;
	_ =	sdelay $0x1  }
0xa1: {  	s23 =	simm.s32 $0x1B8B  }
0xa2: {  	_ =	swait.ge [sflag:s23], $0x1  }
0xa3: {  	[sflag:s23] =	ssyncset.done $0x0  }
0xa4: {  	s25 =	simm.s32 $0x1B8E;
	s24 =	sld [smem:$0x3FFE];
	[sflag:s23] =	ssyncadd.s32 $0xFFFFFFFF  }
0xa5: {  	s26 =	simm.s32 $execute0_lowered;
	[smem:$0x3FD2] =	sst s25  }
0xa6: {  	s5 =	sshll.u32 s26, $0x1;
	_ =	strace $0x80000046;
	[dreg:$0x1] =	wrdreg $0xFFFFFFFF  }
0xa7: {  	s28 =	simm.s32 $_size_execute0_lowered;
	s3 =	sadd.s32 s3, s5;
	[dreg:$0x0] =	wrdreg $0x0  }
0xa8: {  	s5 =	sshll.u32 s28, $0x1;
	[dreg:$0x2] =	wrdreg s3  }
0xa9: {  	[dreg:$0x3] =	wrdreg s5  }
0xaa: {  	[dreg:$0x4] =	wrdreg $0xC0  }
0xab: {  	_ =	task [dreg:s7], $0x5FFFF  }
0xac: {  	[dreg:$0x1] =	wrdreg $0xFFFFFFFF  }
0xad: {  	[dreg:$0x0] =	wrdreg $0x60  }
0xae: {  	[dreg:$0x2] =	wrdreg s24  }
0xaf: {  	[dreg:$0x3] =	wrdreg s2  }
0xb0: {  	[dreg:$0x4] =	wrdreg $0x9  }
0xb1: {  	_ =	task.clear_ibuf [dreg:s7], $0x5FFFF;
	_ =	strace $0x90000046  }
0xb2: {  	s29 =	simm.s32 $0x9;
	_ =	strace $0x80000048  }
0xb3: {  	_ =	swait.ge [sflag:s29], $0x1  }
0xb4: {  	[sflag:s29] =	ssyncadd.s32 $0xFFFFFFFF  }
0xb5: {  	_ =	strace $0x90000048  }
0xb6: {  	_ =	sfence  }
0xb7: {  	s30 =	sld [smem:$0x0];
	_ =	sdelay $0x2  }
0xb8: {  	s31 =	sshll.u32 s1, $0xD;
	s1 =	sshrl.u32 s1, $0x2  }
0xb9: {  	s3 =	sand.u32 $0x4000, s31;
	s1 =	sadd.s32 s1, s30  }
0xba: {  	s0 =	sor.u32 s3, s0;
	s1 =	sshll.u32 s1, $0x11  }
0xbb: {  	s0 =	sor.u32 s1, s0  }
0xbc: {  	s0 =	sadd.s32 $0x8F2B, s0  }
0xbd: {  	[sflag:s0] =	ssyncadd.remote.s32 $0x1  }
0xbe: {  	_ =	sfence.sel $0xFFFF  }
0xbf: {  	[dreg:$0x0] =	wrdreg $0xFFFFFFFF;
	(pc) =	sbr.abs _section_cstart, $3  }
0xc0: {  	[dreg:$0x1] =	wrdreg $0xFFFFFFFF  }
0xc1: {  	_ =	task.clear_ibuf [dreg:s7], $0x2FFFF;
	_ =	strace $0x9FFFFFFF  }
0xc2: {  	(tm) =	ssettm $0x7FFFFFFF  }
0xc3: {  	_ =	shalt  }
tec
execute0_lowered:
.L_overlay_start_1:
0x0: {  	(tag) =	ssettag $0x1  }
0x1: {  	s0 =	srdreg.scid;
	s1 =	stileid.u32  }
0x2: {  	s0 =	sand.u32 $0x1, s0;
	s1 =	sshll.u32 s1, $0x1  }
0x3: {  	s5 =	sor.u32 s0, s1  }
0x4: {  	s4 =	rddreg [dreg:$0x0];
	s1 =	simm.s32 $0x0;
	s2 =	sshll.u32 s5, $0x9  }
0x5: {  	s3 =	ssub.s32 $0x2, s0;
	s14 =	smul.u32 $0x340, s5;
	s7 =	sor.u32 $0x20, s2  }
0x6: {  	s0 =	sadd.s32 $0xC00, s4;
	s9 =	sor.u32 $0x40, s2;
	s8 =	smul.u32 $0xD, s7  }
0x7: {  	s6 =	sshrl.u32 s3, $0x1;
	s11 =	sor.u32 $0x60, s2;
	s10 =	smul.u32 $0xD, s9  }
0x8: {  	[smem:$0x7FF] =	sst s1;
	s6 =	ssub.s32 s3, s6;
	s16 =	smul.u32 $0xD, s11  }
0x9: {  	s13 =	sor.u32 $0xC0, s2;
	s3 =	sadd.s32 s0, s14;
	s7 =	smul.u32 $0x34D, s7  }
0xa: {  	s19 =	smul.u32 $0xD, s13;
	[dreg:$0x3] =	wrdreg s3  }
0xb: {  	s8 =	sshrl.u32 s8, $0x3;
	s17 =	sshrl.u32 s10, $0x3;
	s10 =	sor.u32 $0x80, s2  }
0xc: {  	s3 =	sshrl.u32 s16, $0x3;
	s16 =	sor.u32 $0x100, s2;
	s18 =	smul.u32 $0xD, s10  }
0xd: {  	s14 =	sor.u32 $0xE0, s2;
	s15 =	sadd.s32 s0, s8;
	s20 =	smul.u32 $0xD, s16  }
0xe: {  	s8 =	sadd.s32 s0, s17;
	s3 =	sadd.s32 s0, s3;
	s10 =	smul.u32 $0x34D, s10  }
0xf: {  	s17 =	sor.u32 $0x120, s2;
	[dreg:$0x6] =	wrdreg s3;
	s3 =	smul.u32 $0x34D, s9  }
0x10: {  	[dreg:$0x4] =	wrdreg s15;
	s9 =	sor.u32 $0xA0, s2;
	s15 =	smul.u32 $0xD, s14  }
0x11: {  	[dreg:$0x5] =	wrdreg s8;
	s8 =	sshrl.u32 s18, $0x3;
	s12 =	smul.u32 $0xD, s9  }
0x12: {  	s18 =	smul.u32 $0xD, s17;
	s8 =	sadd.s32 s0, s8;
	s15 =	sshrl.u32 s15, $0x3  }
0x13: {  	[dreg:$0x7] =	wrdreg s8;
	s12 =	sshrl.u32 s12, $0x3;
	s8 =	sshrl.u32 s19, $0x3  }
0x14: {  	s22 =	sshrl.u32 s18, $0x3;
	s19 =	sor.u32 $0x180, s2;
	s12 =	sadd.s32 s0, s12  }
0x15: {  	s8 =	sadd.s32 s0, s8;
	s24 =	sadd.s32 s0, s22;
	s28 =	smul.u32 $0xD, s19  }
0x16: {  	s22 =	sor.u32 $0x1C0, s2;
	s19 =	smul.u32 $0x34D, s19;
	[dreg:$0x8] =	wrdreg s12  }
0x17: {  	s21 =	sadd.s32 s0, s15;
	[dreg:$0x9] =	wrdreg s8;
	s29 =	smul.u32 $0xD, s22  }
0x18: {  	s8 =	sor.u32 $0x140, s2;
	[dreg:$0xc] =	wrdreg s24;
	s24 =	smul.u32 $0x34D, s11  }
0x19: {  	s12 =	sshrl.u32 s20, $0x3;
	s20 =	sor.u32 $0x1A0, s2;
	s23 =	smul.u32 $0xD, s8  }
0x1a: {  	[dreg:$0xa] =	wrdreg s21;
	s21 =	smul.u32 $0xD, s20  }
0x1b: {  	s7 =	sshrl.u32 s7, $0x3;
	s12 =	sadd.s32 s0, s12;
	s8 =	smul.u32 $0x34D, s8  }
0x1c: {  	[dreg:$0xb] =	wrdreg s12;
	s12 =	sor.u32 $0x160, s2;
	s2 =	sor.u32 $0x1E0, s2  }
0x1d: {  	s3 =	sshrl.u32 s3, $0x3;
	s25 =	sshrl.u32 s23, $0x3;
	s23 =	smul.u32 $0xD, s2  }
0x1e: {  	s11 =	rddreg [dreg:$0x1];
	s26 =	smul.u32 $0xD, s12;
	s21 =	sshrl.u32 s21, $0x3  }
0x1f: {  	s30 =	sadd.s32 s0, s21;
	s21 =	sshrl.u32 s23, $0x3;
	s23 =	smul.u32 $0xD340, s5  }
0x20: {  	s15 =	sadd.s32 s0, s25;
	s18 =	sshrl.u32 s26, $0x3;
	s26 =	smul.u32 $0x34D, s9  }
0x21: {  	[dreg:$0xd] =	wrdreg s15;
	s15 =	sshrl.u32 s28, $0x3;
	s28 =	smul.u32 $0x34D, s13  }
0x22: {  	s7 =	sadd.s32 s11, s7;
	[dreg:$0x10] =	wrdreg s30;
	s30 =	smul.u32 $0x34D, s14  }
0x23: {  	s3 =	sadd.s32 s11, s3;
	[dreg:$0x14] =	wrdreg s7;
	s14 =	smul.u32 $0x34D, s17  }
0x24: {  	s6 =	smax.u32 s6, $0x1;
	[dreg:$0x15] =	wrdreg s3;
	s17 =	smul.u32 $0x34D, s12  }
0x25: {  	s5 =	sshll.u32 s5, $0x6;
	s9 =	simm.s32 $0x35B0;
	s18 =	sadd.s32 s0, s18  }
0x26: {  	s12 =	simm.s32 $0x3760;
	s15 =	sadd.s32 s0, s15;
	[dreg:$0xe] =	wrdreg s18  }
0x27: {  	s5 =	sadd.s32 s5, s4;
	s4 =	sadd.s32 $0x27AD000, s4;
	[dreg:$0xf] =	wrdreg s15  }
0x28: {  	s18 =	sshrl.u32 s29, $0x3;
	s29 =	sshrl.u32 s10, $0x3;
	s10 =	smul.u32 $0x34D, s16  }
0x29: {  	s25 =	sadd.s32 s11, s23;
	s7 =	sshrl.u32 s26, $0x3;
	s23 =	smul.u32 $0x34D, s20  }
0x2a: {  	s13 =	sshrl.u32 s28, $0x3;
	s26 =	sshrl.u32 s19, $0x3;
	s28 =	smul.u32 $0x34D, s2  }
0x2b: {  	s5 =	sadd.s32 $0x7400, s5;
	s19 =	simm.s32 $0x7;
	s20 =	simm.s32 $0x0  }
0x2c: {  	s15 =	sadd.s32 s0, s18;
	s0 =	sadd.s32 s0, s21;
	[dreg:$0x13] =	wrdreg s25  }
0x2d: {  	s18 =	sshrl.u32 s14, $0x3;
	s21 =	sshrl.u32 s8, $0x3;
	s25 =	smul.u32 $0x34D, s22  }
0x2e: {  	s31 =	sadd.s32 s11, s26;
	s8 =	simm.s32 $0x3400;
	[dreg:$0x11] =	wrdreg s15  }
0x2f: {  	s14 =	simm.s32 $0x4;
	[dreg:$0x12] =	wrdreg s0;
	s0 =	sshrl.u32 s24, $0x3  }
0x30: {  	s15 =	sshrl.u32 s30, $0x3;
	s16 =	sshrl.u32 s10, $0x3;
	s24 =	sshrl.u32 s17, $0x3  }
0x31: {  	s3 =	sshrl.u32 s28, $0x3;
	s10 =	simm.s32 $0x1;
	s0 =	sadd.s32 s11, s0  }
0x32: {  	s17 =	simm.s32 $0x172B0;
	[dreg:$0x16] =	wrdreg s0;
	s0 =	sadd.s32 s11, s29  }
0x33: {  	s30 =	sshrl.u32 s25, $0x3;
	[dreg:$0x17] =	wrdreg s0;
	s0 =	sadd.s32 s11, s7  }
0x34: {  	s3 =	sadd.s32 s11, s3;
	[dreg:$0x18] =	wrdreg s0;
	s0 =	sadd.s32 s11, s13  }
0x35: {  	s29 =	sshrl.u32 s23, $0x3;
	[dreg:$0x19] =	wrdreg s0;
	s0 =	sadd.s32 s11, s15  }
0x36: {  	s2 =	sadd.s32 s11, s30;
	[dreg:$0x1a] =	wrdreg s0;
	s0 =	sadd.s32 s11, s16  }
0x37: {  	s7 =	simm.s32 $0x8;
	[dreg:$0x1b] =	wrdreg s0;
	s0 =	sadd.s32 s11, s18  }
0x38: {  	s13 =	simm.s32 $0x2;
	[dreg:$0x1c] =	wrdreg s0;
	s0 =	sadd.s32 s11, s21  }
0x39: {  	s15 =	simm.s32 $0x10910;
	[dreg:$0x1d] =	wrdreg s0;
	s0 =	sadd.s32 s11, s24  }
0x3a: {  	s16 =	simm.s32 $0x3;
	s18 =	simm.s32 $0x6;
	[dreg:$0x1e] =	wrdreg s0  }
0x3b: {  	s0 =	sadd.s32 s11, s29;
	s11 =	simm.s32 $0x20;
	_ =	strace $0x80000047  }
.LBB2_1:
0x3c: {  	s21 =	simm.s32 $0x200;
	s22 =	simm.s32 $0x4000  }
0x3d: {  	[tilespmem:s1], [sflag:$0x8] =	stream.strided.gather [hbm4b:s5+s21], $0x3400, s22, s21, $0x38;
	[tilespmem:$0x1DC50] =	vst v63  }
0x3e: {  	_ =	swait.ge [sflag:s7], $0x3400  }
0x3f: {  	[sflag:s7] =	ssyncset.done $0x0  }
0x40: {  	s29 =	rddreg [dreg:$0x3];
	[sflag:s7] =	ssyncadd.s32 $0xFFFFCC00  }
0x41: {  	[tilespmem:s8], [sflag:$0x1] =	stream.linear.gather [hbm4b:s29+s1], $0x1A0, $0x38;
	[tilespmem:$0x1DC50] =	vst v63  }
0x42: {  	s30 =	rddreg [dreg:$0x4]  }
0x43: {  	[tilespmem:s9], [sflag:$0x2] =	stream.linear.gather [hbm4b:s30+s1], $0x1A0, $0x38;
	[tilespmem:$0x1DC50] =	vst v63  }
0x44: {  	s26 =	simm.s32 $0x0;
	s23 =	simm.s32 $0x3D10;
	_ =	swait.ge [sflag:s10], $0x1A0  }
0x45: {  	s24 =	sadd.s32 $0x61A80, s4;
	s25 =	smov.u32 s4;
	[sflag:s10] =	ssyncset.done $0x0  }
0x46: {  	s21 =	simm.s32 $0x3910;
	s22 =	simm.s32 $0x800;
	[sflag:s10] =	ssyncadd.s32 $0xFFFFFE60  }
.LBB2_2:
0x47: {  	[tilespmem:s21], [sflag:$0x4] =	stream.indirect.gather [hbm4b:s25+s11], $0x20, s26, s11, $0xb8;
	[tilespmem:$0x1DC50] =	vst v63  }
0x48: {  	s26 =	smov.u32 s22  }
0x49: {  	s21 =	smov.u32 s23;
	s25 =	smov.u32 s24;
	p0 =	sne.s32 s22, $0xC800  }
.Ltmp0:
0x4a: {  	s22 =	sadd.s32 $0x800, s22;
	(pc) =	sbr.rel @p0 .LBB2_2-.Ltmp0, $2  }
0x4b: {  	_ =	sdelay $0x2  }
0x4c: {  	s23 =	sadd.s32 $0x400, s23;
	s24 =	sadd.s32 $0x61A80, s24;
	s26 =	sshra.s32 s26, $0x2  }
0x4d: {  	[tilespmem:s21], [sflag:$0x4] =	stream.indirect.gather [hbm4b:s25+s11], $0x20, s26, s11, $0xb8;
	[tilespmem:$0x1DC50] =	vst v63  }
0x4e: {  	s30 =	rddreg [dreg:$0x5]  }
0x4f: {  	[tilespmem:s12], [sflag:$0x3] =	stream.linear.gather [hbm4b:s30+s1], $0x1A0, $0x38;
	[tilespmem:$0x1DC50] =	vst v63  }
0x50: {  	s21 =	simm.s32 $0xA110;
	s22 =	simm.s32 $0x880;
	_ =	swait.ge [sflag:s13], $0x1A0  }
0x51: {  	s26 =	simm.s32 $0x20;
	s23 =	simm.s32 $0xA510;
	[sflag:s13] =	ssyncset.done $0x0  }
0x52: {  	s24 =	sadd.s32 $0x61A80, s4;
	s25 =	smov.u32 s4;
	[sflag:s13] =	ssyncadd.s32 $0xFFFFFE60  }
.LBB2_4:
0x53: {  	[tilespmem:s21], [sflag:$0x5] =	stream.indirect.gather [hbm4b:s25+s11], $0x20, s26, s11, $0xb8;
	[tilespmem:$0x1DC50] =	vst v63  }
0x54: {  	s26 =	smov.u32 s22  }
0x55: {  	s21 =	smov.u32 s23;
	s25 =	smov.u32 s24;
	p0 =	sne.s32 s22, $0xC880  }
.Ltmp1:
0x56: {  	s22 =	sadd.s32 $0x800, s22;
	(pc) =	sbr.rel @p0 .LBB2_4-.Ltmp1, $2  }
0x57: {  	_ =	sdelay $0x2  }
0x58: {  	s23 =	sadd.s32 $0x400, s23;
	s24 =	sadd.s32 $0x61A80, s24;
	s26 =	sshra.s32 s26, $0x2  }
0x59: {  	[tilespmem:s21], [sflag:$0x5] =	stream.indirect.gather [hbm4b:s25+s11], $0x20, s26, s11, $0xb8;
	[tilespmem:$0x1DC50] =	vst v63  }
0x5a: {  	_ =	swait.ge [sflag:s14], $0x400  }
0x5b: {  	[sflag:s14] =	ssyncset.done $0x0  }
0x5c: {  	[sflag:s14] =	ssyncadd.s32 $0xFFFFFC00  }
0x5d: {  	_ =	swait.ge [sflag:s14], $0x400  }
0x5e: {  	[sflag:s14] =	ssyncset.done $0x0  }
0x5f: {  	[sflag:s14] =	ssyncadd.s32 $0xFFFFFC00  }
0x60: {  	_ =	swait.ge [sflag:s14], $0x400  }
0x61: {  	[sflag:s14] =	ssyncset.done $0x0  }
0x62: {  	[sflag:s14] =	ssyncadd.s32 $0xFFFFFC00  }
0x63: {  	_ =	swait.ge [sflag:s14], $0x400  }
0x64: {  	[sflag:s14] =	ssyncset.done $0x0  }
0x65: {  	[sflag:s14] =	ssyncadd.s32 $0xFFFFFC00  }
0x66: {  	_ =	swait.ge [sflag:s14], $0x400  }
0x67: {  	[sflag:s14] =	ssyncset.done $0x0  }
0x68: {  	[sflag:s14] =	ssyncadd.s32 $0xFFFFFC00  }
0x69: {  	_ =	swait.ge [sflag:s14], $0x400  }
0x6a: {  	[sflag:s14] =	ssyncset.done $0x0  }
0x6b: {  	[sflag:s14] =	ssyncadd.s32 $0xFFFFFC00  }
0x6c: {  	_ =	swait.ge [sflag:s14], $0x400  }
0x6d: {  	[sflag:s14] =	ssyncset.done $0x0  }
0x6e: {  	[sflag:s14] =	ssyncadd.s32 $0xFFFFFC00  }
0x6f: {  	_ =	swait.ge [sflag:s14], $0x400  }
0x70: {  	[sflag:s14] =	ssyncset.done $0x0  }
0x71: {  	[sflag:s14] =	ssyncadd.s32 $0xFFFFFC00  }
0x72: {  	_ =	swait.ge [sflag:s14], $0x400  }
0x73: {  	[sflag:s14] =	ssyncset.done $0x0  }
0x74: {  	[sflag:s14] =	ssyncadd.s32 $0xFFFFFC00  }
0x75: {  	_ =	swait.ge [sflag:s14], $0x400  }
0x76: {  	[sflag:s14] =	ssyncset.done $0x0  }
0x77: {  	[sflag:s14] =	ssyncadd.s32 $0xFFFFFC00  }
0x78: {  	_ =	swait.ge [sflag:s14], $0x400  }
0x79: {  	[sflag:s14] =	ssyncset.done $0x0  }
0x7a: {  	[sflag:s14] =	ssyncadd.s32 $0xFFFFFC00  }
0x7b: {  	_ =	swait.ge [sflag:s14], $0x400  }
0x7c: {  	[sflag:s14] =	ssyncset.done $0x0  }
0x7d: {  	[sflag:s14] =	ssyncadd.s32 $0xFFFFFC00  }
0x7e: {  	_ =	swait.ge [sflag:s14], $0x400  }
0x7f: {  	[sflag:s14] =	ssyncset.done $0x0  }
0x80: {  	[sflag:s14] =	ssyncadd.s32 $0xFFFFFC00  }
0x81: {  	_ =	swait.ge [sflag:s14], $0x400  }
0x82: {  	[sflag:s14] =	ssyncset.done $0x0  }
0x83: {  	[sflag:s14] =	ssyncadd.s32 $0xFFFFFC00  }
0x84: {  	_ =	swait.ge [sflag:s14], $0x400  }
0x85: {  	[sflag:s14] =	ssyncset.done $0x0  }
0x86: {  	[sflag:s14] =	ssyncadd.s32 $0xFFFFFC00  }
0x87: {  	_ =	swait.ge [sflag:s14], $0x400  }
0x88: {  	[sflag:s14] =	ssyncset.done $0x0  }
0x89: {  	[sflag:s14] =	ssyncadd.s32 $0xFFFFFC00  }
0x8a: {  	_ =	swait.ge [sflag:s14], $0x400  }
0x8b: {  	[sflag:s14] =	ssyncset.done $0x0  }
0x8c: {  	[sflag:s14] =	ssyncadd.s32 $0xFFFFFC00  }
0x8d: {  	_ =	swait.ge [sflag:s14], $0x400  }
0x8e: {  	[sflag:s14] =	ssyncset.done $0x0  }
0x8f: {  	[sflag:s14] =	ssyncadd.s32 $0xFFFFFC00  }
0x90: {  	_ =	swait.ge [sflag:s14], $0x400  }
0x91: {  	[sflag:s14] =	ssyncset.done $0x0  }
0x92: {  	[sflag:s14] =	ssyncadd.s32 $0xFFFFFC00  }
0x93: {  	_ =	swait.ge [sflag:s14], $0x400  }
0x94: {  	[sflag:s14] =	ssyncset.done $0x0  }
0x95: {  	[sflag:s14] =	ssyncadd.s32 $0xFFFFFC00  }
0x96: {  	_ =	swait.ge [sflag:s14], $0x400  }
0x97: {  	[sflag:s14] =	ssyncset.done $0x0  }
0x98: {  	[sflag:s14] =	ssyncadd.s32 $0xFFFFFC00  }
0x99: {  	_ =	swait.ge [sflag:s14], $0x400  }
0x9a: {  	[sflag:s14] =	ssyncset.done $0x0  }
0x9b: {  	[sflag:s14] =	ssyncadd.s32 $0xFFFFFC00  }
0x9c: {  	_ =	swait.ge [sflag:s14], $0x400  }
0x9d: {  	[sflag:s14] =	ssyncset.done $0x0  }
0x9e: {  	[sflag:s14] =	ssyncadd.s32 $0xFFFFFC00  }
0x9f: {  	_ =	swait.ge [sflag:s14], $0x400  }
0xa0: {  	[sflag:s14] =	ssyncset.done $0x0  }
0xa1: {  	[sflag:s14] =	ssyncadd.s32 $0xFFFFFC00  }
0xa2: {  	_ =	swait.ge [sflag:s14], $0x400  }
0xa3: {  	[sflag:s14] =	ssyncset.done $0x0  }
0xa4: {  	[sflag:s14] =	ssyncadd.s32 $0xFFFFFC00  }
0xa5: {  	s21 =	simm.s32 $0x0;
	_ =	swait.ge [sflag:s14], $0x400  }
0xa6: {  	s22 =	simm.s32 $0xD;
	s23 =	simm.s32 $0x5;
	[sflag:s14] =	ssyncset.done $0x0  }
0xa7: {  	s24 =	simm.s32 $0x1091D;
	s26 =	simm.s32 $0x3920;
	[sflag:s14] =	ssyncadd.s32 $0xFFFFFC00  }
.LBB2_6:
0xa8: {  	s25 =	smul.u32 $0x34, s21;
	_ =	sdelay $0x1  }
0xa9: {  	s25 =	sshra.s32 s25, $0x2  }
0xaa: {  	v0 =	vld [tilespmem:s25+$0x3400];
	_ =	sdelay $0x2  }
0xab: {  	s30 =	sand.u32 $0x7, s23;
	s28 =	sand.u32 $0x3FFFFFF8, s22;
	s29 =	smul.u32 $0x34D, s21  }
0xac: {  	s25 =	sor.u32 s30, s28  }
0xad: {  	s25 =	sadd.s32 $0x10920, s25;
	[tilespmem:s29+$0x10910] =	vst v0  }
0xae: {  	v1 =	vmov s24;
	s28 =	simm.s32 $0x80;
	v0 =	vmov s25;
	s29 =	simm.s32 $0x0;
	s25 =	smov.u32 s26;
	v2 =	vld [tilespmem:s26+$0xFFFFFFF0]  }
.LBB2_7:
0xaf: {  	p0 =	sne.s32 s28, $0xC80;
	_ =	sdelay $0x2  }
0xb0: {  	s30 =	sshra.s32 s29, $0x2;
	s29 =	smov.u32 s28  }
0xb1: {  	[tilespmem:v1+s30+$0x0 ss:$0x1] =	vst.idx.msk $0xffff, v2  }
0xb2: {  	v2 =	vld [tilespmem:s25+$0x0];
	_ =	sdelay $0x1  }
.Ltmp2:
0xb3: {  	(pc) =	sbr.rel @p0 .LBB2_7-.Ltmp2, $3  }
0xb4: {  	_ =	sdelay $0x1  }
0xb5: {  	s25 =	sadd.s32 $0x400, s25;
	[tilespmem:v0+s30+$0x0 ss:$0x1] =	vst.idx.msk $0xffff, v2  }
0xb6: {  	s28 =	sadd.s32 $0x80, s28;
	v2 =	vld [tilespmem:s25+$0xFFFFFFF0]  }
0xb7: {  	_ =	sdelay $0x2  }
0xb8: {  	s28 =	sshra.s32 s29, $0x2  }
0xb9: {  	s21 =	sadd.s32 $0x1, s21;
	[tilespmem:v1+s28+$0x0 ss:$0x1] =	vst.idx.msk $0xffff, v2  }
0xba: {  	p0 =	sne.s32 s21, $0x20;
	v1 =	vld [tilespmem:s25+$0x0]  }
.Ltmp3:
0xbb: {  	_ = 	snop;
	(pc) =	sbr.rel @p0 .LBB2_6-.Ltmp3, $3  }
0xbc: {  	_ =	sdelay $0x1  }
0xbd: {  	s22 =	sadd.s32 $0x34D, s22  }
0xbe: {  	s23 =	sadd.s32 $0x5, s23;
	s24 =	sadd.s32 $0x34D, s24;
	s26 =	sadd.s32 $0x20, s26;
	[tilespmem:v0+s28+$0x0 ss:$0x1] =	vst.idx.msk $0xffff, v1  }
0xbf: {  	s21 =	rddreg [dreg:$0x13]  }
0xc0: {  	[hbm4b:s21+s1] =	stream.linear.scatter [tilespmem:s15], [sflag:$0x6], $0x69A0, $0x38;
	[tilespmem:$0x1DC50] =	vst v63  }
0xc1: {  	s30 =	rddreg [dreg:$0x6]  }
0xc2: {  	[tilespmem:s8], [sflag:$0x1] =	stream.linear.gather [hbm4b:s30+s1], $0x1A0, $0x38;
	[tilespmem:$0x1DC50] =	vst v63  }
0xc3: {  	s22 =	simm.s32 $0x900;
	s26 =	simm.s32 $0x40;
	_ =	swait.ge [sflag:s16], $0x1A0  }
0xc4: {  	s23 =	simm.s32 $0x3D10;
	s24 =	sadd.s32 $0x61A80, s4;
	[sflag:s16] =	ssyncset.done $0x0  }
0xc5: {  	s25 =	smov.u32 s4;
	s21 =	simm.s32 $0x3910;
	[sflag:s16] =	ssyncadd.s32 $0xFFFFFE60  }
.LBB2_10:
0xc6: {  	[tilespmem:s21], [sflag:$0x4] =	stream.indirect.gather [hbm4b:s25+s11], $0x20, s26, s11, $0xb8;
	[tilespmem:$0x1DC50] =	vst v63  }
0xc7: {  	s26 =	smov.u32 s22  }
0xc8: {  	s21 =	smov.u32 s23;
	s25 =	smov.u32 s24;
	p0 =	sne.s32 s22, $0xC900  }
.Ltmp4:
0xc9: {  	s22 =	sadd.s32 $0x800, s22;
	(pc) =	sbr.rel @p0 .LBB2_10-.Ltmp4, $2  }
0xca: {  	_ =	sdelay $0x2  }
0xcb: {  	s23 =	sadd.s32 $0x400, s23;
	s24 =	sadd.s32 $0x61A80, s24;
	s26 =	sshra.s32 s26, $0x2  }
0xcc: {  	[tilespmem:s21], [sflag:$0x4] =	stream.indirect.gather [hbm4b:s25+s11], $0x20, s26, s11, $0xb8;
	[tilespmem:$0x1DC50] =	vst v63  }
0xcd: {  	s21 =	simm.s32 $0x5  }
0xce: {  	_ =	swait.ge [sflag:s21], $0x400  }
0xcf: {  	[sflag:s21] =	ssyncset.done $0x0  }
0xd0: {  	[sflag:s21] =	ssyncadd.s32 $0xFFFFFC00  }
0xd1: {  	_ =	swait.ge [sflag:s21], $0x400  }
0xd2: {  	[sflag:s21] =	ssyncset.done $0x0  }
0xd3: {  	[sflag:s21] =	ssyncadd.s32 $0xFFFFFC00  }
0xd4: {  	_ =	swait.ge [sflag:s21], $0x400  }
0xd5: {  	[sflag:s21] =	ssyncset.done $0x0  }
0xd6: {  	[sflag:s21] =	ssyncadd.s32 $0xFFFFFC00  }
0xd7: {  	_ =	swait.ge [sflag:s21], $0x400  }
0xd8: {  	[sflag:s21] =	ssyncset.done $0x0  }
0xd9: {  	[sflag:s21] =	ssyncadd.s32 $0xFFFFFC00  }
0xda: {  	_ =	swait.ge [sflag:s21], $0x400  }
0xdb: {  	[sflag:s21] =	ssyncset.done $0x0  }
0xdc: {  	[sflag:s21] =	ssyncadd.s32 $0xFFFFFC00  }
0xdd: {  	_ =	swait.ge [sflag:s21], $0x400  }
0xde: {  	[sflag:s21] =	ssyncset.done $0x0  }
0xdf: {  	[sflag:s21] =	ssyncadd.s32 $0xFFFFFC00  }
0xe0: {  	_ =	swait.ge [sflag:s21], $0x400  }
0xe1: {  	[sflag:s21] =	ssyncset.done $0x0  }
0xe2: {  	[sflag:s21] =	ssyncadd.s32 $0xFFFFFC00  }
0xe3: {  	_ =	swait.ge [sflag:s21], $0x400  }
0xe4: {  	[sflag:s21] =	ssyncset.done $0x0  }
0xe5: {  	[sflag:s21] =	ssyncadd.s32 $0xFFFFFC00  }
0xe6: {  	_ =	swait.ge [sflag:s21], $0x400  }
0xe7: {  	[sflag:s21] =	ssyncset.done $0x0  }
0xe8: {  	[sflag:s21] =	ssyncadd.s32 $0xFFFFFC00  }
0xe9: {  	_ =	swait.ge [sflag:s21], $0x400  }
0xea: {  	[sflag:s21] =	ssyncset.done $0x0  }
0xeb: {  	[sflag:s21] =	ssyncadd.s32 $0xFFFFFC00  }
0xec: {  	_ =	swait.ge [sflag:s21], $0x400  }
0xed: {  	[sflag:s21] =	ssyncset.done $0x0  }
0xee: {  	[sflag:s21] =	ssyncadd.s32 $0xFFFFFC00  }
0xef: {  	_ =	swait.ge [sflag:s21], $0x400  }
0xf0: {  	[sflag:s21] =	ssyncset.done $0x0  }
0xf1: {  	[sflag:s21] =	ssyncadd.s32 $0xFFFFFC00  }
0xf2: {  	_ =	swait.ge [sflag:s21], $0x400  }
0xf3: {  	[sflag:s21] =	ssyncset.done $0x0  }
0xf4: {  	[sflag:s21] =	ssyncadd.s32 $0xFFFFFC00  }
0xf5: {  	_ =	swait.ge [sflag:s21], $0x400  }
0xf6: {  	[sflag:s21] =	ssyncset.done $0x0  }
0xf7: {  	[sflag:s21] =	ssyncadd.s32 $0xFFFFFC00  }
0xf8: {  	_ =	swait.ge [sflag:s21], $0x400  }
0xf9: {  	[sflag:s21] =	ssyncset.done $0x0  }
0xfa: {  	[sflag:s21] =	ssyncadd.s32 $0xFFFFFC00  }
0xfb: {  	_ =	swait.ge [sflag:s21], $0x400  }
0xfc: {  	[sflag:s21] =	ssyncset.done $0x0  }
0xfd: {  	[sflag:s21] =	ssyncadd.s32 $0xFFFFFC00  }
0xfe: {  	_ =	swait.ge [sflag:s21], $0x400  }
0xff: {  	[sflag:s21] =	ssyncset.done $0x0  }
0x100: {  	[sflag:s21] =	ssyncadd.s32 $0xFFFFFC00  }
0x101: {  	_ =	swait.ge [sflag:s21], $0x400  }
0x102: {  	[sflag:s21] =	ssyncset.done $0x0  }
0x103: {  	[sflag:s21] =	ssyncadd.s32 $0xFFFFFC00  }
0x104: {  	_ =	swait.ge [sflag:s21], $0x400  }
0x105: {  	[sflag:s21] =	ssyncset.done $0x0  }
0x106: {  	[sflag:s21] =	ssyncadd.s32 $0xFFFFFC00  }
0x107: {  	_ =	swait.ge [sflag:s21], $0x400  }
0x108: {  	[sflag:s21] =	ssyncset.done $0x0  }
0x109: {  	[sflag:s21] =	ssyncadd.s32 $0xFFFFFC00  }
0x10a: {  	_ =	swait.ge [sflag:s21], $0x400  }
0x10b: {  	[sflag:s21] =	ssyncset.done $0x0  }
0x10c: {  	[sflag:s21] =	ssyncadd.s32 $0xFFFFFC00  }
0x10d: {  	_ =	swait.ge [sflag:s21], $0x400  }
0x10e: {  	[sflag:s21] =	ssyncset.done $0x0  }
0x10f: {  	[sflag:s21] =	ssyncadd.s32 $0xFFFFFC00  }
0x110: {  	_ =	swait.ge [sflag:s21], $0x400  }
0x111: {  	[sflag:s21] =	ssyncset.done $0x0  }
0x112: {  	[sflag:s21] =	ssyncadd.s32 $0xFFFFFC00  }
0x113: {  	_ =	swait.ge [sflag:s21], $0x400  }
0x114: {  	[sflag:s21] =	ssyncset.done $0x0  }
0x115: {  	[sflag:s21] =	ssyncadd.s32 $0xFFFFFC00  }
0x116: {  	_ =	swait.ge [sflag:s21], $0x400  }
0x117: {  	[sflag:s21] =	ssyncset.done $0x0  }
0x118: {  	[sflag:s21] =	ssyncadd.s32 $0xFFFFFC00  }
0x119: {  	_ =	swait.ge [sflag:s21], $0x400  }
0x11a: {  	s22 =	simm.s32 $0x0;
	[sflag:s21] =	ssyncset.done $0x0  }
0x11b: {  	s23 =	simm.s32 $0xD;
	s24 =	simm.s32 $0xA120;
	[sflag:s21] =	ssyncadd.s32 $0xFFFFFC00  }
.LBB2_12:
0x11c: {  	s25 =	smul.u32 $0xD, s22;
	_ =	sdelay $0x1  }
0x11d: {  	s25 =	sand.u32 $0x1FF, s25  }
0x11e: {  	v0 =	vld [tilespmem:s25+$0x35B0];
	_ =	sdelay $0x1  }
0x11f: {  	s30 =	smul.u32 $0x34D, s22  }
0x120: {  	s26 =	sand.u32 $0x7, s21;
	s28 =	sand.u32 $0x3FFFFFF8, s23  }
0x121: {  	s26 =	sor.u32 s26, s28;
	s25 =	sand.u32 $0x7FFF, s30  }
0x122: {  	s26 =	sadd.s32 $0x10910, s26;
	[tilespmem:s25+$0x172B0] =	vst v0  }
0x123: {  	s28 =	simm.s32 $0x0;
	v0 =	vmov s26;
	s26 =	simm.s32 $0x80;
	s25 =	smov.u32 s24;
	v1 =	vld [tilespmem:s24+$0xFFFFFFF0]  }
.LBB2_13:
0x124: {  	p0 =	sne.s32 s26, $0xC80;
	_ =	sdelay $0x2  }
0x125: {  	s29 =	sshra.s32 s28, $0x2;
	s28 =	smov.u32 s26  }
0x126: {  	[tilespmem:v0+s29+$0x69A0 ss:$0x1] =	vst.idx.msk $0xffff, v1  }
0x127: {  	v1 =	vld [tilespmem:s25+$0x0];
	_ =	sdelay $0x1  }
.Ltmp5:
0x128: {  	(pc) =	sbr.rel @p0 .LBB2_13-.Ltmp5, $3  }
0x129: {  	_ =	sdelay $0x1  }
0x12a: {  	s25 =	sadd.s32 $0x400, s25;
	[tilespmem:v0+s29+$0x69B0 ss:$0x1] =	vst.idx.msk $0xffff, v1  }
0x12b: {  	s26 =	sadd.s32 $0x80, s26;
	v1 =	vld [tilespmem:s25+$0xFFFFFFF0]  }
0x12c: {  	_ =	sdelay $0x2  }
0x12d: {  	s26 =	sshra.s32 s28, $0x2  }
0x12e: {  	s22 =	sadd.s32 $0x1, s22;
	[tilespmem:v0+s26+$0x69A0 ss:$0x1] =	vst.idx.msk $0xffff, v1  }
0x12f: {  	p0 =	sne.s32 s22, $0x20;
	v1 =	vld [tilespmem:s25+$0x0]  }
.Ltmp6:
0x130: {  	_ = 	snop;
	(pc) =	sbr.rel @p0 .LBB2_12-.Ltmp6, $2  }
0x131: {  	_ =	sdelay $0x2  }
0x132: {  	s23 =	sadd.s32 $0x34D, s23;
	s21 =	sadd.s32 $0x5, s21;
	s24 =	sadd.s32 $0x20, s24;
	[tilespmem:v0+s26+$0x69B0 ss:$0x1] =	vst.idx.msk $0xffff, v1  }
0x133: {  	s21 =	rddreg [dreg:$0x14]  }
0x134: {  	[hbm4b:s21+s1] =	stream.linear.scatter [tilespmem:s17], [sflag:$0x7], $0x69A0, $0x38;
	[tilespmem:$0x1DC50] =	vst v63  }
0x135: {  	s30 =	rddreg [dreg:$0x7]  }
0x136: {  	[tilespmem:s9], [sflag:$0x2] =	stream.linear.gather [hbm4b:s30+s1], $0x1A0, $0x38;
	[tilespmem:$0x1DC50] =	vst v63  }
0x137: {  	s22 =	simm.s32 $0x980;
	s26 =	simm.s32 $0x60;
	_ =	swait.ge [sflag:s10], $0x1A0  }
0x138: {  	s23 =	simm.s32 $0xA510;
	s24 =	sadd.s32 $0x61A80, s4;
	[sflag:s10] =	ssyncset.done $0x0  }
0x139: {  	s25 =	smov.u32 s4;
	s21 =	simm.s32 $0xA110;
	[sflag:s10] =	ssyncadd.s32 $0xFFFFFE60  }
.LBB2_16:
0x13a: {  	[tilespmem:s21], [sflag:$0x5] =	stream.indirect.gather [hbm4b:s25+s11], $0x20, s26, s11, $0xb8;
	[tilespmem:$0x1DC50] =	vst v63  }
0x13b: {  	s26 =	smov.u32 s22  }
0x13c: {  	s21 =	smov.u32 s23;
	s25 =	smov.u32 s24;
	p0 =	sne.s32 s22, $0xC980  }
.Ltmp7:
0x13d: {  	s22 =	sadd.s32 $0x800, s22;
	(pc) =	sbr.rel @p0 .LBB2_16-.Ltmp7, $2  }
0x13e: {  	_ =	sdelay $0x2  }
0x13f: {  	s23 =	sadd.s32 $0x400, s23;
	s24 =	sadd.s32 $0x61A80, s24;
	s26 =	sshra.s32 s26, $0x2  }
0x140: {  	[tilespmem:s21], [sflag:$0x5] =	stream.indirect.gather [hbm4b:s25+s11], $0x20, s26, s11, $0xb8;
	[tilespmem:$0x1DC50] =	vst v63  }
0x141: {  	_ =	swait.ge [sflag:s14], $0x400  }
0x142: {  	[sflag:s14] =	ssyncset.done $0x0  }
0x143: {  	[sflag:s14] =	ssyncadd.s32 $0xFFFFFC00  }
0x144: {  	_ =	swait.ge [sflag:s14], $0x400  }
0x145: {  	[sflag:s14] =	ssyncset.done $0x0  }
0x146: {  	[sflag:s14] =	ssyncadd.s32 $0xFFFFFC00  }
0x147: {  	_ =	swait.ge [sflag:s14], $0x400  }
0x148: {  	[sflag:s14] =	ssyncset.done $0x0  }
0x149: {  	[sflag:s14] =	ssyncadd.s32 $0xFFFFFC00  }
0x14a: {  	_ =	swait.ge [sflag:s14], $0x400  }
0x14b: {  	[sflag:s14] =	ssyncset.done $0x0  }
0x14c: {  	[sflag:s14] =	ssyncadd.s32 $0xFFFFFC00  }
0x14d: {  	_ =	swait.ge [sflag:s14], $0x400  }
0x14e: {  	[sflag:s14] =	ssyncset.done $0x0  }
0x14f: {  	[sflag:s14] =	ssyncadd.s32 $0xFFFFFC00  }
0x150: {  	_ =	swait.ge [sflag:s14], $0x400  }
0x151: {  	[sflag:s14] =	ssyncset.done $0x0  }
0x152: {  	[sflag:s14] =	ssyncadd.s32 $0xFFFFFC00  }
0x153: {  	_ =	swait.ge [sflag:s14], $0x400  }
0x154: {  	[sflag:s14] =	ssyncset.done $0x0  }
0x155: {  	[sflag:s14] =	ssyncadd.s32 $0xFFFFFC00  }
0x156: {  	_ =	swait.ge [sflag:s14], $0x400  }
0x157: {  	[sflag:s14] =	ssyncset.done $0x0  }
0x158: {  	[sflag:s14] =	ssyncadd.s32 $0xFFFFFC00  }
0x159: {  	_ =	swait.ge [sflag:s14], $0x400  }
0x15a: {  	[sflag:s14] =	ssyncset.done $0x0  }
0x15b: {  	[sflag:s14] =	ssyncadd.s32 $0xFFFFFC00  }
0x15c: {  	_ =	swait.ge [sflag:s14], $0x400  }
0x15d: {  	[sflag:s14] =	ssyncset.done $0x0  }
0x15e: {  	[sflag:s14] =	ssyncadd.s32 $0xFFFFFC00  }
0x15f: {  	_ =	swait.ge [sflag:s14], $0x400  }
0x160: {  	[sflag:s14] =	ssyncset.done $0x0  }
0x161: {  	[sflag:s14] =	ssyncadd.s32 $0xFFFFFC00  }
0x162: {  	_ =	swait.ge [sflag:s14], $0x400  }
0x163: {  	[sflag:s14] =	ssyncset.done $0x0  }
0x164: {  	[sflag:s14] =	ssyncadd.s32 $0xFFFFFC00  }
0x165: {  	_ =	swait.ge [sflag:s14], $0x400  }
0x166: {  	[sflag:s14] =	ssyncset.done $0x0  }
0x167: {  	[sflag:s14] =	ssyncadd.s32 $0xFFFFFC00  }
0x168: {  	_ =	swait.ge [sflag:s14], $0x400  }
0x169: {  	[sflag:s14] =	ssyncset.done $0x0  }
0x16a: {  	[sflag:s14] =	ssyncadd.s32 $0xFFFFFC00  }
0x16b: {  	_ =	swait.ge [sflag:s14], $0x400  }
0x16c: {  	[sflag:s14] =	ssyncset.done $0x0  }
0x16d: {  	[sflag:s14] =	ssyncadd.s32 $0xFFFFFC00  }
0x16e: {  	_ =	swait.ge [sflag:s14], $0x400  }
0x16f: {  	[sflag:s14] =	ssyncset.done $0x0  }
0x170: {  	[sflag:s14] =	ssyncadd.s32 $0xFFFFFC00  }
0x171: {  	_ =	swait.ge [sflag:s14], $0x400  }
0x172: {  	[sflag:s14] =	ssyncset.done $0x0  }
0x173: {  	[sflag:s14] =	ssyncadd.s32 $0xFFFFFC00  }
0x174: {  	_ =	swait.ge [sflag:s14], $0x400  }
0x175: {  	[sflag:s14] =	ssyncset.done $0x0  }
0x176: {  	[sflag:s14] =	ssyncadd.s32 $0xFFFFFC00  }
0x177: {  	_ =	swait.ge [sflag:s14], $0x400  }
0x178: {  	[sflag:s14] =	ssyncset.done $0x0  }
0x179: {  	[sflag:s14] =	ssyncadd.s32 $0xFFFFFC00  }
0x17a: {  	_ =	swait.ge [sflag:s14], $0x400  }
0x17b: {  	[sflag:s14] =	ssyncset.done $0x0  }
0x17c: {  	[sflag:s14] =	ssyncadd.s32 $0xFFFFFC00  }
0x17d: {  	_ =	swait.ge [sflag:s14], $0x400  }
0x17e: {  	[sflag:s14] =	ssyncset.done $0x0  }
0x17f: {  	[sflag:s14] =	ssyncadd.s32 $0xFFFFFC00  }
0x180: {  	_ =	swait.ge [sflag:s14], $0x400  }
0x181: {  	[sflag:s14] =	ssyncset.done $0x0  }
0x182: {  	[sflag:s14] =	ssyncadd.s32 $0xFFFFFC00  }
0x183: {  	_ =	swait.ge [sflag:s14], $0x400  }
0x184: {  	[sflag:s14] =	ssyncset.done $0x0  }
0x185: {  	[sflag:s14] =	ssyncadd.s32 $0xFFFFFC00  }
0x186: {  	_ =	swait.ge [sflag:s14], $0x400  }
0x187: {  	[sflag:s14] =	ssyncset.done $0x0  }
0x188: {  	[sflag:s14] =	ssyncadd.s32 $0xFFFFFC00  }
0x189: {  	_ =	swait.ge [sflag:s14], $0x400  }
0x18a: {  	[sflag:s14] =	ssyncset.done $0x0  }
0x18b: {  	[sflag:s14] =	ssyncadd.s32 $0xFFFFFC00  }
0x18c: {  	_ =	swait.ge [sflag:s14], $0x400  }
0x18d: {  	[sflag:s14] =	ssyncset.done $0x0  }
0x18e: {  	[sflag:s14] =	ssyncadd.s32 $0xFFFFFC00  }
0x18f: {  	s21 =	simm.s32 $0x0;
	_ =	swait.ge [sflag:s18], $0x69A0  }
0x190: {  	s22 =	simm.s32 $0xD;
	s23 =	simm.s32 $0x5;
	[sflag:s18] =	ssyncset.done $0x0  }
0x191: {  	s24 =	simm.s32 $0x1091D;
	s25 =	simm.s32 $0x3920;
	[sflag:s18] =	ssyncadd.s32 $0xFFFF9660  }
.LBB2_18:
0x192: {  	s26 =	smul.u32 $0xD, s21;
	_ =	sdelay $0x1  }
0x193: {  	s26 =	sand.u32 $0x1FF, s26  }
0x194: {  	v0 =	vld [tilespmem:s26+$0x3760];
	_ =	sdelay $0x2  }
0x195: {  	s30 =	sand.u32 $0x7, s23;
	s28 =	sand.u32 $0x3FFFFFF8, s22;
	s29 =	smul.u32 $0x34D, s21  }
0x196: {  	s26 =	sor.u32 s30, s28  }
0x197: {  	s26 =	sadd.s32 $0x10920, s26;
	[tilespmem:s29+$0x10910] =	vst v0  }
0x198: {  	v1 =	vmov s24;
	s28 =	simm.s32 $0x80;
	v0 =	vmov s26;
	s29 =	simm.s32 $0x0;
	s26 =	smov.u32 s25;
	v2 =	vld [tilespmem:s25+$0xFFFFFFF0]  }
.LBB2_19:
0x199: {  	p0 =	sne.s32 s28, $0xC80;
	_ =	sdelay $0x2  }
0x19a: {  	s30 =	sshra.s32 s29, $0x2;
	s29 =	smov.u32 s28  }
0x19b: {  	[tilespmem:v1+s30+$0x0 ss:$0x1] =	vst.idx.msk $0xffff, v2  }
0x19c: {  	v2 =	vld [tilespmem:s26+$0x0];
	_ =	sdelay $0x1  }
.Ltmp8:
0x19d: {  	(pc) =	sbr.rel @p0 .LBB2_19-.Ltmp8, $3  }
0x19e: {  	_ =	sdelay $0x1  }
0x19f: {  	s26 =	sadd.s32 $0x400, s26;
	[tilespmem:v0+s30+$0x0 ss:$0x1] =	vst.idx.msk $0xffff, v2  }
0x1a0: {  	s28 =	sadd.s32 $0x80, s28;
	v2 =	vld [tilespmem:s26+$0xFFFFFFF0]  }
0x1a1: {  	_ =	sdelay $0x2  }
0x1a2: {  	s28 =	sshra.s32 s29, $0x2  }
0x1a3: {  	s21 =	sadd.s32 $0x1, s21;
	[tilespmem:v1+s28+$0x0 ss:$0x1] =	vst.idx.msk $0xffff, v2  }
0x1a4: {  	p0 =	sne.s32 s21, $0x20;
	v1 =	vld [tilespmem:s26+$0x0]  }
.Ltmp9:
0x1a5: {  	_ = 	snop;
	(pc) =	sbr.rel @p0 .LBB2_18-.Ltmp9, $3  }
0x1a6: {  	_ =	sdelay $0x1  }
0x1a7: {  	s22 =	sadd.s32 $0x34D, s22  }
0x1a8: {  	s23 =	sadd.s32 $0x5, s23;
	s24 =	sadd.s32 $0x34D, s24;
	s25 =	sadd.s32 $0x20, s25;
	[tilespmem:v0+s28+$0x0 ss:$0x1] =	vst.idx.msk $0xffff, v1  }
0x1a9: {  	s21 =	rddreg [dreg:$0x15]  }
0x1aa: {  	[hbm4b:s21+s1] =	stream.linear.scatter [tilespmem:s15], [sflag:$0x6], $0x69A0, $0x38;
	[tilespmem:$0x1DC50] =	vst v63  }
0x1ab: {  	s30 =	rddreg [dreg:$0x8]  }
0x1ac: {  	[tilespmem:s12], [sflag:$0x3] =	stream.linear.gather [hbm4b:s30+s1], $0x1A0, $0x38;
	[tilespmem:$0x1DC50] =	vst v63  }
0x1ad: {  	s22 =	simm.s32 $0xA00;
	s26 =	simm.s32 $0x80;
	_ =	swait.ge [sflag:s13], $0x1A0  }
0x1ae: {  	s23 =	simm.s32 $0x3D10;
	s24 =	sadd.s32 $0x61A80, s4;
	[sflag:s13] =	ssyncset.done $0x0  }
0x1af: {  	s25 =	smov.u32 s4;
	s21 =	simm.s32 $0x3910;
	[sflag:s13] =	ssyncadd.s32 $0xFFFFFE60  }
.LBB2_22:
0x1b0: {  	[tilespmem:s21], [sflag:$0x4] =	stream.indirect.gather [hbm4b:s25+s11], $0x20, s26, s11, $0xb8;
	[tilespmem:$0x1DC50] =	vst v63  }
0x1b1: {  	s26 =	smov.u32 s22  }
0x1b2: {  	s21 =	smov.u32 s23;
	s25 =	smov.u32 s24;
	p0 =	sne.s32 s22, $0xCA00  }
.Ltmp10:
0x1b3: {  	s22 =	sadd.s32 $0x800, s22;
	(pc) =	sbr.rel @p0 .LBB2_22-.Ltmp10, $2  }
0x1b4: {  	_ =	sdelay $0x2  }
0x1b5: {  	s23 =	sadd.s32 $0x400, s23;
	s24 =	sadd.s32 $0x61A80, s24;
	s26 =	sshra.s32 s26, $0x2  }
0x1b6: {  	[tilespmem:s21], [sflag:$0x4] =	stream.indirect.gather [hbm4b:s25+s11], $0x20, s26, s11, $0xb8;
	[tilespmem:$0x1DC50] =	vst v63  }
0x1b7: {  	s21 =	simm.s32 $0x5  }
0x1b8: {  	_ =	swait.ge [sflag:s21], $0x400  }
0x1b9: {  	[sflag:s21] =	ssyncset.done $0x0  }
0x1ba: {  	[sflag:s21] =	ssyncadd.s32 $0xFFFFFC00  }
0x1bb: {  	_ =	swait.ge [sflag:s21], $0x400  }
0x1bc: {  	[sflag:s21] =	ssyncset.done $0x0  }
0x1bd: {  	[sflag:s21] =	ssyncadd.s32 $0xFFFFFC00  }
0x1be: {  	_ =	swait.ge [sflag:s21], $0x400  }
0x1bf: {  	[sflag:s21] =	ssyncset.done $0x0  }
0x1c0: {  	[sflag:s21] =	ssyncadd.s32 $0xFFFFFC00  }
0x1c1: {  	_ =	swait.ge [sflag:s21], $0x400  }
0x1c2: {  	[sflag:s21] =	ssyncset.done $0x0  }
0x1c3: {  	[sflag:s21] =	ssyncadd.s32 $0xFFFFFC00  }
0x1c4: {  	_ =	swait.ge [sflag:s21], $0x400  }
0x1c5: {  	[sflag:s21] =	ssyncset.done $0x0  }
0x1c6: {  	[sflag:s21] =	ssyncadd.s32 $0xFFFFFC00  }
0x1c7: {  	_ =	swait.ge [sflag:s21], $0x400  }
0x1c8: {  	[sflag:s21] =	ssyncset.done $0x0  }
0x1c9: {  	[sflag:s21] =	ssyncadd.s32 $0xFFFFFC00  }
0x1ca: {  	_ =	swait.ge [sflag:s21], $0x400  }
0x1cb: {  	[sflag:s21] =	ssyncset.done $0x0  }
0x1cc: {  	[sflag:s21] =	ssyncadd.s32 $0xFFFFFC00  }
0x1cd: {  	_ =	swait.ge [sflag:s21], $0x400  }
0x1ce: {  	[sflag:s21] =	ssyncset.done $0x0  }
0x1cf: {  	[sflag:s21] =	ssyncadd.s32 $0xFFFFFC00  }
0x1d0: {  	_ =	swait.ge [sflag:s21], $0x400  }
0x1d1: {  	[sflag:s21] =	ssyncset.done $0x0  }
0x1d2: {  	[sflag:s21] =	ssyncadd.s32 $0xFFFFFC00  }
0x1d3: {  	_ =	swait.ge [sflag:s21], $0x400  }
0x1d4: {  	[sflag:s21] =	ssyncset.done $0x0  }
0x1d5: {  	[sflag:s21] =	ssyncadd.s32 $0xFFFFFC00  }
0x1d6: {  	_ =	swait.ge [sflag:s21], $0x400  }
0x1d7: {  	[sflag:s21] =	ssyncset.done $0x0  }
0x1d8: {  	[sflag:s21] =	ssyncadd.s32 $0xFFFFFC00  }
0x1d9: {  	_ =	swait.ge [sflag:s21], $0x400  }
0x1da: {  	[sflag:s21] =	ssyncset.done $0x0  }
0x1db: {  	[sflag:s21] =	ssyncadd.s32 $0xFFFFFC00  }
0x1dc: {  	_ =	swait.ge [sflag:s21], $0x400  }
0x1dd: {  	[sflag:s21] =	ssyncset.done $0x0  }
0x1de: {  	[sflag:s21] =	ssyncadd.s32 $0xFFFFFC00  }
0x1df: {  	_ =	swait.ge [sflag:s21], $0x400  }
0x1e0: {  	[sflag:s21] =	ssyncset.done $0x0  }
0x1e1: {  	[sflag:s21] =	ssyncadd.s32 $0xFFFFFC00  }
0x1e2: {  	_ =	swait.ge [sflag:s21], $0x400  }
0x1e3: {  	[sflag:s21] =	ssyncset.done $0x0  }
0x1e4: {  	[sflag:s21] =	ssyncadd.s32 $0xFFFFFC00  }
0x1e5: {  	_ =	swait.ge [sflag:s21], $0x400  }
0x1e6: {  	[sflag:s21] =	ssyncset.done $0x0  }
0x1e7: {  	[sflag:s21] =	ssyncadd.s32 $0xFFFFFC00  }
0x1e8: {  	_ =	swait.ge [sflag:s21], $0x400  }
0x1e9: {  	[sflag:s21] =	ssyncset.done $0x0  }
0x1ea: {  	[sflag:s21] =	ssyncadd.s32 $0xFFFFFC00  }
0x1eb: {  	_ =	swait.ge [sflag:s21], $0x400  }
0x1ec: {  	[sflag:s21] =	ssyncset.done $0x0  }
0x1ed: {  	[sflag:s21] =	ssyncadd.s32 $0xFFFFFC00  }
0x1ee: {  	_ =	swait.ge [sflag:s21], $0x400  }
0x1ef: {  	[sflag:s21] =	ssyncset.done $0x0  }
0x1f0: {  	[sflag:s21] =	ssyncadd.s32 $0xFFFFFC00  }
0x1f1: {  	_ =	swait.ge [sflag:s21], $0x400  }
0x1f2: {  	[sflag:s21] =	ssyncset.done $0x0  }
0x1f3: {  	[sflag:s21] =	ssyncadd.s32 $0xFFFFFC00  }
0x1f4: {  	_ =	swait.ge [sflag:s21], $0x400  }
0x1f5: {  	[sflag:s21] =	ssyncset.done $0x0  }
0x1f6: {  	[sflag:s21] =	ssyncadd.s32 $0xFFFFFC00  }
0x1f7: {  	_ =	swait.ge [sflag:s21], $0x400  }
0x1f8: {  	[sflag:s21] =	ssyncset.done $0x0  }
0x1f9: {  	[sflag:s21] =	ssyncadd.s32 $0xFFFFFC00  }
0x1fa: {  	_ =	swait.ge [sflag:s21], $0x400  }
0x1fb: {  	[sflag:s21] =	ssyncset.done $0x0  }
0x1fc: {  	[sflag:s21] =	ssyncadd.s32 $0xFFFFFC00  }
0x1fd: {  	_ =	swait.ge [sflag:s21], $0x400  }
0x1fe: {  	[sflag:s21] =	ssyncset.done $0x0  }
0x1ff: {  	[sflag:s21] =	ssyncadd.s32 $0xFFFFFC00  }
0x200: {  	_ =	swait.ge [sflag:s21], $0x400  }
0x201: {  	[sflag:s21] =	ssyncset.done $0x0  }
0x202: {  	[sflag:s21] =	ssyncadd.s32 $0xFFFFFC00  }
0x203: {  	_ =	swait.ge [sflag:s21], $0x400  }
0x204: {  	[sflag:s21] =	ssyncset.done $0x0  }
0x205: {  	[sflag:s21] =	ssyncadd.s32 $0xFFFFFC00  }
0x206: {  	_ =	swait.ge [sflag:s19], $0x69A0  }
0x207: {  	s22 =	simm.s32 $0x0;
	[sflag:s19] =	ssyncset.done $0x0  }
0x208: {  	s23 =	simm.s32 $0xD;
	s24 =	simm.s32 $0xA120;
	[sflag:s19] =	ssyncadd.s32 $0xFFFF9660  }
.LBB2_24:
0x209: {  	s25 =	smul.u32 $0x34, s22;
	_ =	sdelay $0x1  }
0x20a: {  	s25 =	sshra.s32 s25, $0x2  }
0x20b: {  	v0 =	vld [tilespmem:s25+$0x3400];
	_ =	sdelay $0x1  }
0x20c: {  	s30 =	smul.u32 $0x34D, s22  }
0x20d: {  	s26 =	sand.u32 $0x7, s21;
	s28 =	sand.u32 $0x3FFFFFF8, s23  }
0x20e: {  	s26 =	sor.u32 s26, s28;
	s25 =	sand.u32 $0x7FFF, s30  }
0x20f: {  	s26 =	sadd.s32 $0x10910, s26;
	[tilespmem:s25+$0x172B0] =	vst v0  }
0x210: {  	s28 =	simm.s32 $0x0;
	v0 =	vmov s26;
	s26 =	simm.s32 $0x80;
	s25 =	smov.u32 s24;
	v1 =	vld [tilespmem:s24+$0xFFFFFFF0]  }
.LBB2_25:
0x211: {  	p0 =	sne.s32 s26, $0xC80;
	_ =	sdelay $0x2  }
0x212: {  	s29 =	sshra.s32 s28, $0x2;
	s28 =	smov.u32 s26  }
0x213: {  	[tilespmem:v0+s29+$0x69A0 ss:$0x1] =	vst.idx.msk $0xffff, v1  }
0x214: {  	v1 =	vld [tilespmem:s25+$0x0];
	_ =	sdelay $0x1  }
.Ltmp11:
0x215: {  	(pc) =	sbr.rel @p0 .LBB2_25-.Ltmp11, $3  }
0x216: {  	_ =	sdelay $0x1  }
0x217: {  	s25 =	sadd.s32 $0x400, s25;
	[tilespmem:v0+s29+$0x69B0 ss:$0x1] =	vst.idx.msk $0xffff, v1  }
0x218: {  	s26 =	sadd.s32 $0x80, s26;
	v1 =	vld [tilespmem:s25+$0xFFFFFFF0]  }
0x219: {  	_ =	sdelay $0x2  }
0x21a: {  	s26 =	sshra.s32 s28, $0x2  }
0x21b: {  	s22 =	sadd.s32 $0x1, s22;
	[tilespmem:v0+s26+$0x69A0 ss:$0x1] =	vst.idx.msk $0xffff, v1  }
0x21c: {  	p0 =	sne.s32 s22, $0x20;
	v1 =	vld [tilespmem:s25+$0x0]  }
.Ltmp12:
0x21d: {  	_ = 	snop;
	(pc) =	sbr.rel @p0 .LBB2_24-.Ltmp12, $2  }
0x21e: {  	_ =	sdelay $0x2  }
0x21f: {  	s23 =	sadd.s32 $0x34D, s23;
	s21 =	sadd.s32 $0x5, s21;
	s24 =	sadd.s32 $0x20, s24;
	[tilespmem:v0+s26+$0x69B0 ss:$0x1] =	vst.idx.msk $0xffff, v1  }
0x220: {  	s21 =	rddreg [dreg:$0x16]  }
0x221: {  	[hbm4b:s21+s1] =	stream.linear.scatter [tilespmem:s17], [sflag:$0x7], $0x69A0, $0x38;
	[tilespmem:$0x1DC50] =	vst v63  }
0x222: {  	s30 =	rddreg [dreg:$0x9]  }
0x223: {  	[tilespmem:s8], [sflag:$0x1] =	stream.linear.gather [hbm4b:s30+s1], $0x1A0, $0x38;
	[tilespmem:$0x1DC50] =	vst v63  }
0x224: {  	s22 =	simm.s32 $0xA80;
	s26 =	simm.s32 $0xA0;
	_ =	swait.ge [sflag:s16], $0x1A0  }
0x225: {  	s23 =	simm.s32 $0xA510;
	s24 =	sadd.s32 $0x61A80, s4;
	[sflag:s16] =	ssyncset.done $0x0  }
0x226: {  	s25 =	smov.u32 s4;
	s21 =	simm.s32 $0xA110;
	[sflag:s16] =	ssyncadd.s32 $0xFFFFFE60  }
.LBB2_28:
0x227: {  	[tilespmem:s21], [sflag:$0x5] =	stream.indirect.gather [hbm4b:s25+s11], $0x20, s26, s11, $0xb8;
	[tilespmem:$0x1DC50] =	vst v63  }
0x228: {  	s26 =	smov.u32 s22  }
0x229: {  	s21 =	smov.u32 s23;
	s25 =	smov.u32 s24;
	p0 =	sne.s32 s22, $0xCA80  }
.Ltmp13:
0x22a: {  	s22 =	sadd.s32 $0x800, s22;
	(pc) =	sbr.rel @p0 .LBB2_28-.Ltmp13, $2  }
0x22b: {  	_ =	sdelay $0x2  }
0x22c: {  	s23 =	sadd.s32 $0x400, s23;
	s24 =	sadd.s32 $0x61A80, s24;
	s26 =	sshra.s32 s26, $0x2  }
0x22d: {  	[tilespmem:s21], [sflag:$0x5] =	stream.indirect.gather [hbm4b:s25+s11], $0x20, s26, s11, $0xb8;
	[tilespmem:$0x1DC50] =	vst v63  }
0x22e: {  	_ =	swait.ge [sflag:s14], $0x400  }
0x22f: {  	[sflag:s14] =	ssyncset.done $0x0  }
0x230: {  	[sflag:s14] =	ssyncadd.s32 $0xFFFFFC00  }
0x231: {  	_ =	swait.ge [sflag:s14], $0x400  }
0x232: {  	[sflag:s14] =	ssyncset.done $0x0  }
0x233: {  	[sflag:s14] =	ssyncadd.s32 $0xFFFFFC00  }
0x234: {  	_ =	swait.ge [sflag:s14], $0x400  }
0x235: {  	[sflag:s14] =	ssyncset.done $0x0  }
0x236: {  	[sflag:s14] =	ssyncadd.s32 $0xFFFFFC00  }
0x237: {  	_ =	swait.ge [sflag:s14], $0x400  }
0x238: {  	[sflag:s14] =	ssyncset.done $0x0  }
0x239: {  	[sflag:s14] =	ssyncadd.s32 $0xFFFFFC00  }
0x23a: {  	_ =	swait.ge [sflag:s14], $0x400  }
0x23b: {  	[sflag:s14] =	ssyncset.done $0x0  }
0x23c: {  	[sflag:s14] =	ssyncadd.s32 $0xFFFFFC00  }
0x23d: {  	_ =	swait.ge [sflag:s14], $0x400  }
0x23e: {  	[sflag:s14] =	ssyncset.done $0x0  }
0x23f: {  	[sflag:s14] =	ssyncadd.s32 $0xFFFFFC00  }
0x240: {  	_ =	swait.ge [sflag:s14], $0x400  }
0x241: {  	[sflag:s14] =	ssyncset.done $0x0  }
0x242: {  	[sflag:s14] =	ssyncadd.s32 $0xFFFFFC00  }
0x243: {  	_ =	swait.ge [sflag:s14], $0x400  }
0x244: {  	[sflag:s14] =	ssyncset.done $0x0  }
0x245: {  	[sflag:s14] =	ssyncadd.s32 $0xFFFFFC00  }
0x246: {  	_ =	swait.ge [sflag:s14], $0x400  }
0x247: {  	[sflag:s14] =	ssyncset.done $0x0  }
0x248: {  	[sflag:s14] =	ssyncadd.s32 $0xFFFFFC00  }
0x249: {  	_ =	swait.ge [sflag:s14], $0x400  }
0x24a: {  	[sflag:s14] =	ssyncset.done $0x0  }
0x24b: {  	[sflag:s14] =	ssyncadd.s32 $0xFFFFFC00  }
0x24c: {  	_ =	swait.ge [sflag:s14], $0x400  }
0x24d: {  	[sflag:s14] =	ssyncset.done $0x0  }
0x24e: {  	[sflag:s14] =	ssyncadd.s32 $0xFFFFFC00  }
0x24f: {  	_ =	swait.ge [sflag:s14], $0x400  }
0x250: {  	[sflag:s14] =	ssyncset.done $0x0  }
0x251: {  	[sflag:s14] =	ssyncadd.s32 $0xFFFFFC00  }
0x252: {  	_ =	swait.ge [sflag:s14], $0x400  }
0x253: {  	[sflag:s14] =	ssyncset.done $0x0  }
0x254: {  	[sflag:s14] =	ssyncadd.s32 $0xFFFFFC00  }
0x255: {  	_ =	swait.ge [sflag:s14], $0x400  }
0x256: {  	[sflag:s14] =	ssyncset.done $0x0  }
0x257: {  	[sflag:s14] =	ssyncadd.s32 $0xFFFFFC00  }
0x258: {  	_ =	swait.ge [sflag:s14], $0x400  }
0x259: {  	[sflag:s14] =	ssyncset.done $0x0  }
0x25a: {  	[sflag:s14] =	ssyncadd.s32 $0xFFFFFC00  }
0x25b: {  	_ =	swait.ge [sflag:s14], $0x400  }
0x25c: {  	[sflag:s14] =	ssyncset.done $0x0  }
0x25d: {  	[sflag:s14] =	ssyncadd.s32 $0xFFFFFC00  }
0x25e: {  	_ =	swait.ge [sflag:s14], $0x400  }
0x25f: {  	[sflag:s14] =	ssyncset.done $0x0  }
0x260: {  	[sflag:s14] =	ssyncadd.s32 $0xFFFFFC00  }
0x261: {  	_ =	swait.ge [sflag:s14], $0x400  }
0x262: {  	[sflag:s14] =	ssyncset.done $0x0  }
0x263: {  	[sflag:s14] =	ssyncadd.s32 $0xFFFFFC00  }
0x264: {  	_ =	swait.ge [sflag:s14], $0x400  }
0x265: {  	[sflag:s14] =	ssyncset.done $0x0  }
0x266: {  	[sflag:s14] =	ssyncadd.s32 $0xFFFFFC00  }
0x267: {  	_ =	swait.ge [sflag:s14], $0x400  }
0x268: {  	[sflag:s14] =	ssyncset.done $0x0  }
0x269: {  	[sflag:s14] =	ssyncadd.s32 $0xFFFFFC00  }
0x26a: {  	_ =	swait.ge [sflag:s14], $0x400  }
0x26b: {  	[sflag:s14] =	ssyncset.done $0x0  }
0x26c: {  	[sflag:s14] =	ssyncadd.s32 $0xFFFFFC00  }
0x26d: {  	_ =	swait.ge [sflag:s14], $0x400  }
0x26e: {  	[sflag:s14] =	ssyncset.done $0x0  }
0x26f: {  	[sflag:s14] =	ssyncadd.s32 $0xFFFFFC00  }
0x270: {  	_ =	swait.ge [sflag:s14], $0x400  }
0x271: {  	[sflag:s14] =	ssyncset.done $0x0  }
0x272: {  	[sflag:s14] =	ssyncadd.s32 $0xFFFFFC00  }
0x273: {  	_ =	swait.ge [sflag:s14], $0x400  }
0x274: {  	[sflag:s14] =	ssyncset.done $0x0  }
0x275: {  	[sflag:s14] =	ssyncadd.s32 $0xFFFFFC00  }
0x276: {  	_ =	swait.ge [sflag:s14], $0x400  }
0x277: {  	[sflag:s14] =	ssyncset.done $0x0  }
0x278: {  	[sflag:s14] =	ssyncadd.s32 $0xFFFFFC00  }
0x279: {  	_ =	swait.ge [sflag:s14], $0x400  }
0x27a: {  	[sflag:s14] =	ssyncset.done $0x0  }
0x27b: {  	[sflag:s14] =	ssyncadd.s32 $0xFFFFFC00  }
0x27c: {  	s21 =	simm.s32 $0x0;
	_ =	swait.ge [sflag:s18], $0x69A0  }
0x27d: {  	s22 =	simm.s32 $0xD;
	s23 =	simm.s32 $0x5;
	[sflag:s18] =	ssyncset.done $0x0  }
0x27e: {  	s24 =	simm.s32 $0x1091D;
	s25 =	simm.s32 $0x3920;
	[sflag:s18] =	ssyncadd.s32 $0xFFFF9660  }
.LBB2_30:
0x27f: {  	s26 =	smul.u32 $0xD, s21;
	_ =	sdelay $0x1  }
0x280: {  	s26 =	sand.u32 $0x1FF, s26  }
0x281: {  	v0 =	vld [tilespmem:s26+$0x35B0];
	_ =	sdelay $0x2  }
0x282: {  	s30 =	sand.u32 $0x7, s23;
	s28 =	sand.u32 $0x3FFFFFF8, s22;
	s29 =	smul.u32 $0x34D, s21  }
0x283: {  	s26 =	sor.u32 s30, s28  }
0x284: {  	s26 =	sadd.s32 $0x10920, s26;
	[tilespmem:s29+$0x10910] =	vst v0  }
0x285: {  	v1 =	vmov s24;
	s28 =	simm.s32 $0x80;
	v0 =	vmov s26;
	s29 =	simm.s32 $0x0;
	s26 =	smov.u32 s25;
	v2 =	vld [tilespmem:s25+$0xFFFFFFF0]  }
.LBB2_31:
0x286: {  	p0 =	sne.s32 s28, $0xC80;
	_ =	sdelay $0x2  }
0x287: {  	s30 =	sshra.s32 s29, $0x2;
	s29 =	smov.u32 s28  }
0x288: {  	[tilespmem:v1+s30+$0x0 ss:$0x1] =	vst.idx.msk $0xffff, v2  }
0x289: {  	v2 =	vld [tilespmem:s26+$0x0];
	_ =	sdelay $0x1  }
.Ltmp14:
0x28a: {  	(pc) =	sbr.rel @p0 .LBB2_31-.Ltmp14, $3  }
0x28b: {  	_ =	sdelay $0x1  }
0x28c: {  	s26 =	sadd.s32 $0x400, s26;
	[tilespmem:v0+s30+$0x0 ss:$0x1] =	vst.idx.msk $0xffff, v2  }
0x28d: {  	s28 =	sadd.s32 $0x80, s28;
	v2 =	vld [tilespmem:s26+$0xFFFFFFF0]  }
0x28e: {  	_ =	sdelay $0x2  }
0x28f: {  	s28 =	sshra.s32 s29, $0x2  }
0x290: {  	s21 =	sadd.s32 $0x1, s21;
	[tilespmem:v1+s28+$0x0 ss:$0x1] =	vst.idx.msk $0xffff, v2  }
0x291: {  	p0 =	sne.s32 s21, $0x20;
	v1 =	vld [tilespmem:s26+$0x0]  }
.Ltmp15:
0x292: {  	_ = 	snop;
	(pc) =	sbr.rel @p0 .LBB2_30-.Ltmp15, $3  }
0x293: {  	_ =	sdelay $0x1  }
0x294: {  	s22 =	sadd.s32 $0x34D, s22  }
0x295: {  	s23 =	sadd.s32 $0x5, s23;
	s24 =	sadd.s32 $0x34D, s24;
	s25 =	sadd.s32 $0x20, s25;
	[tilespmem:v0+s28+$0x0 ss:$0x1] =	vst.idx.msk $0xffff, v1  }
0x296: {  	s21 =	rddreg [dreg:$0x17]  }
0x297: {  	[hbm4b:s21+s1] =	stream.linear.scatter [tilespmem:s15], [sflag:$0x6], $0x69A0, $0x38;
	[tilespmem:$0x1DC50] =	vst v63  }
0x298: {  	s30 =	rddreg [dreg:$0xa]  }
0x299: {  	[tilespmem:s9], [sflag:$0x2] =	stream.linear.gather [hbm4b:s30+s1], $0x1A0, $0x38;
	[tilespmem:$0x1DC50] =	vst v63  }
0x29a: {  	s22 =	simm.s32 $0xB00;
	s26 =	simm.s32 $0xC0;
	_ =	swait.ge [sflag:s10], $0x1A0  }
0x29b: {  	s23 =	simm.s32 $0x3D10;
	s24 =	sadd.s32 $0x61A80, s4;
	[sflag:s10] =	ssyncset.done $0x0  }
0x29c: {  	s25 =	smov.u32 s4;
	s21 =	simm.s32 $0x3910;
	[sflag:s10] =	ssyncadd.s32 $0xFFFFFE60  }
.LBB2_34:
0x29d: {  	[tilespmem:s21], [sflag:$0x4] =	stream.indirect.gather [hbm4b:s25+s11], $0x20, s26, s11, $0xb8;
	[tilespmem:$0x1DC50] =	vst v63  }
0x29e: {  	s26 =	smov.u32 s22  }
0x29f: {  	s21 =	smov.u32 s23;
	s25 =	smov.u32 s24;
	p0 =	sne.s32 s22, $0xCB00  }
.Ltmp16:
0x2a0: {  	s22 =	sadd.s32 $0x800, s22;
	(pc) =	sbr.rel @p0 .LBB2_34-.Ltmp16, $2  }
0x2a1: {  	_ =	sdelay $0x2  }
0x2a2: {  	s23 =	sadd.s32 $0x400, s23;
	s24 =	sadd.s32 $0x61A80, s24;
	s26 =	sshra.s32 s26, $0x2  }
0x2a3: {  	[tilespmem:s21], [sflag:$0x4] =	stream.indirect.gather [hbm4b:s25+s11], $0x20, s26, s11, $0xb8;
	[tilespmem:$0x1DC50] =	vst v63  }
0x2a4: {  	s21 =	simm.s32 $0x5  }
0x2a5: {  	_ =	swait.ge [sflag:s21], $0x400  }
0x2a6: {  	[sflag:s21] =	ssyncset.done $0x0  }
0x2a7: {  	[sflag:s21] =	ssyncadd.s32 $0xFFFFFC00  }
0x2a8: {  	_ =	swait.ge [sflag:s21], $0x400  }
0x2a9: {  	[sflag:s21] =	ssyncset.done $0x0  }
0x2aa: {  	[sflag:s21] =	ssyncadd.s32 $0xFFFFFC00  }
0x2ab: {  	_ =	swait.ge [sflag:s21], $0x400  }
0x2ac: {  	[sflag:s21] =	ssyncset.done $0x0  }
0x2ad: {  	[sflag:s21] =	ssyncadd.s32 $0xFFFFFC00  }
0x2ae: {  	_ =	swait.ge [sflag:s21], $0x400  }
0x2af: {  	[sflag:s21] =	ssyncset.done $0x0  }
0x2b0: {  	[sflag:s21] =	ssyncadd.s32 $0xFFFFFC00  }
0x2b1: {  	_ =	swait.ge [sflag:s21], $0x400  }
0x2b2: {  	[sflag:s21] =	ssyncset.done $0x0  }
0x2b3: {  	[sflag:s21] =	ssyncadd.s32 $0xFFFFFC00  }
0x2b4: {  	_ =	swait.ge [sflag:s21], $0x400  }
0x2b5: {  	[sflag:s21] =	ssyncset.done $0x0  }
0x2b6: {  	[sflag:s21] =	ssyncadd.s32 $0xFFFFFC00  }
0x2b7: {  	_ =	swait.ge [sflag:s21], $0x400  }
0x2b8: {  	[sflag:s21] =	ssyncset.done $0x0  }
0x2b9: {  	[sflag:s21] =	ssyncadd.s32 $0xFFFFFC00  }
0x2ba: {  	_ =	swait.ge [sflag:s21], $0x400  }
0x2bb: {  	[sflag:s21] =	ssyncset.done $0x0  }
0x2bc: {  	[sflag:s21] =	ssyncadd.s32 $0xFFFFFC00  }
0x2bd: {  	_ =	swait.ge [sflag:s21], $0x400  }
0x2be: {  	[sflag:s21] =	ssyncset.done $0x0  }
0x2bf: {  	[sflag:s21] =	ssyncadd.s32 $0xFFFFFC00  }
0x2c0: {  	_ =	swait.ge [sflag:s21], $0x400  }
0x2c1: {  	[sflag:s21] =	ssyncset.done $0x0  }
0x2c2: {  	[sflag:s21] =	ssyncadd.s32 $0xFFFFFC00  }
0x2c3: {  	_ =	swait.ge [sflag:s21], $0x400  }
0x2c4: {  	[sflag:s21] =	ssyncset.done $0x0  }
0x2c5: {  	[sflag:s21] =	ssyncadd.s32 $0xFFFFFC00  }
0x2c6: {  	_ =	swait.ge [sflag:s21], $0x400  }
0x2c7: {  	[sflag:s21] =	ssyncset.done $0x0  }
0x2c8: {  	[sflag:s21] =	ssyncadd.s32 $0xFFFFFC00  }
0x2c9: {  	_ =	swait.ge [sflag:s21], $0x400  }
0x2ca: {  	[sflag:s21] =	ssyncset.done $0x0  }
0x2cb: {  	[sflag:s21] =	ssyncadd.s32 $0xFFFFFC00  }
0x2cc: {  	_ =	swait.ge [sflag:s21], $0x400  }
0x2cd: {  	[sflag:s21] =	ssyncset.done $0x0  }
0x2ce: {  	[sflag:s21] =	ssyncadd.s32 $0xFFFFFC00  }
0x2cf: {  	_ =	swait.ge [sflag:s21], $0x400  }
0x2d0: {  	[sflag:s21] =	ssyncset.done $0x0  }
0x2d1: {  	[sflag:s21] =	ssyncadd.s32 $0xFFFFFC00  }
0x2d2: {  	_ =	swait.ge [sflag:s21], $0x400  }
0x2d3: {  	[sflag:s21] =	ssyncset.done $0x0  }
0x2d4: {  	[sflag:s21] =	ssyncadd.s32 $0xFFFFFC00  }
0x2d5: {  	_ =	swait.ge [sflag:s21], $0x400  }
0x2d6: {  	[sflag:s21] =	ssyncset.done $0x0  }
0x2d7: {  	[sflag:s21] =	ssyncadd.s32 $0xFFFFFC00  }
0x2d8: {  	_ =	swait.ge [sflag:s21], $0x400  }
0x2d9: {  	[sflag:s21] =	ssyncset.done $0x0  }
0x2da: {  	[sflag:s21] =	ssyncadd.s32 $0xFFFFFC00  }
0x2db: {  	_ =	swait.ge [sflag:s21], $0x400  }
0x2dc: {  	[sflag:s21] =	ssyncset.done $0x0  }
0x2dd: {  	[sflag:s21] =	ssyncadd.s32 $0xFFFFFC00  }
0x2de: {  	_ =	swait.ge [sflag:s21], $0x400  }
0x2df: {  	[sflag:s21] =	ssyncset.done $0x0  }
0x2e0: {  	[sflag:s21] =	ssyncadd.s32 $0xFFFFFC00  }
0x2e1: {  	_ =	swait.ge [sflag:s21], $0x400  }
0x2e2: {  	[sflag:s21] =	ssyncset.done $0x0  }
0x2e3: {  	[sflag:s21] =	ssyncadd.s32 $0xFFFFFC00  }
0x2e4: {  	_ =	swait.ge [sflag:s21], $0x400  }
0x2e5: {  	[sflag:s21] =	ssyncset.done $0x0  }
0x2e6: {  	[sflag:s21] =	ssyncadd.s32 $0xFFFFFC00  }
0x2e7: {  	_ =	swait.ge [sflag:s21], $0x400  }
0x2e8: {  	[sflag:s21] =	ssyncset.done $0x0  }
0x2e9: {  	[sflag:s21] =	ssyncadd.s32 $0xFFFFFC00  }
0x2ea: {  	_ =	swait.ge [sflag:s21], $0x400  }
0x2eb: {  	[sflag:s21] =	ssyncset.done $0x0  }
0x2ec: {  	[sflag:s21] =	ssyncadd.s32 $0xFFFFFC00  }
0x2ed: {  	_ =	swait.ge [sflag:s21], $0x400  }
0x2ee: {  	[sflag:s21] =	ssyncset.done $0x0  }
0x2ef: {  	[sflag:s21] =	ssyncadd.s32 $0xFFFFFC00  }
0x2f0: {  	_ =	swait.ge [sflag:s21], $0x400  }
0x2f1: {  	[sflag:s21] =	ssyncset.done $0x0  }
0x2f2: {  	[sflag:s21] =	ssyncadd.s32 $0xFFFFFC00  }
0x2f3: {  	_ =	swait.ge [sflag:s19], $0x69A0  }
0x2f4: {  	s22 =	simm.s32 $0x0;
	[sflag:s19] =	ssyncset.done $0x0  }
0x2f5: {  	s23 =	simm.s32 $0xD;
	s24 =	simm.s32 $0xA120;
	[sflag:s19] =	ssyncadd.s32 $0xFFFF9660  }
.LBB2_36:
0x2f6: {  	s25 =	smul.u32 $0xD, s22;
	_ =	sdelay $0x1  }
0x2f7: {  	s25 =	sand.u32 $0x1FF, s25  }
0x2f8: {  	v0 =	vld [tilespmem:s25+$0x3760];
	_ =	sdelay $0x1  }
0x2f9: {  	s30 =	smul.u32 $0x34D, s22  }
0x2fa: {  	s26 =	sand.u32 $0x7, s21;
	s28 =	sand.u32 $0x3FFFFFF8, s23  }
0x2fb: {  	s26 =	sor.u32 s26, s28;
	s25 =	sand.u32 $0x7FFF, s30  }
0x2fc: {  	s26 =	sadd.s32 $0x10910, s26;
	[tilespmem:s25+$0x172B0] =	vst v0  }
0x2fd: {  	s28 =	simm.s32 $0x0;
	v0 =	vmov s26;
	s26 =	simm.s32 $0x80;
	s25 =	smov.u32 s24;
	v1 =	vld [tilespmem:s24+$0xFFFFFFF0]  }
.LBB2_37:
0x2fe: {  	p0 =	sne.s32 s26, $0xC80;
	_ =	sdelay $0x2  }
0x2ff: {  	s29 =	sshra.s32 s28, $0x2;
	s28 =	smov.u32 s26  }
0x300: {  	[tilespmem:v0+s29+$0x69A0 ss:$0x1] =	vst.idx.msk $0xffff, v1  }
0x301: {  	v1 =	vld [tilespmem:s25+$0x0];
	_ =	sdelay $0x1  }
.Ltmp17:
0x302: {  	(pc) =	sbr.rel @p0 .LBB2_37-.Ltmp17, $3  }
0x303: {  	_ =	sdelay $0x1  }
0x304: {  	s25 =	sadd.s32 $0x400, s25;
	[tilespmem:v0+s29+$0x69B0 ss:$0x1] =	vst.idx.msk $0xffff, v1  }
0x305: {  	s26 =	sadd.s32 $0x80, s26;
	v1 =	vld [tilespmem:s25+$0xFFFFFFF0]  }
0x306: {  	_ =	sdelay $0x2  }
0x307: {  	s26 =	sshra.s32 s28, $0x2  }
0x308: {  	s22 =	sadd.s32 $0x1, s22;
	[tilespmem:v0+s26+$0x69A0 ss:$0x1] =	vst.idx.msk $0xffff, v1  }
0x309: {  	p0 =	sne.s32 s22, $0x20;
	v1 =	vld [tilespmem:s25+$0x0]  }
.Ltmp18:
0x30a: {  	_ = 	snop;
	(pc) =	sbr.rel @p0 .LBB2_36-.Ltmp18, $2  }
0x30b: {  	_ =	sdelay $0x2  }
0x30c: {  	s23 =	sadd.s32 $0x34D, s23;
	s21 =	sadd.s32 $0x5, s21;
	s24 =	sadd.s32 $0x20, s24;
	[tilespmem:v0+s26+$0x69B0 ss:$0x1] =	vst.idx.msk $0xffff, v1  }
0x30d: {  	s21 =	rddreg [dreg:$0x18]  }
0x30e: {  	[hbm4b:s21+s1] =	stream.linear.scatter [tilespmem:s17], [sflag:$0x7], $0x69A0, $0x38;
	[tilespmem:$0x1DC50] =	vst v63  }
0x30f: {  	s30 =	rddreg [dreg:$0xb]  }
0x310: {  	[tilespmem:s12], [sflag:$0x3] =	stream.linear.gather [hbm4b:s30+s1], $0x1A0, $0x38;
	[tilespmem:$0x1DC50] =	vst v63  }
0x311: {  	s22 =	simm.s32 $0xB80;
	s26 =	simm.s32 $0xE0;
	_ =	swait.ge [sflag:s13], $0x1A0  }
0x312: {  	s23 =	simm.s32 $0xA510;
	s24 =	sadd.s32 $0x61A80, s4;
	[sflag:s13] =	ssyncset.done $0x0  }
0x313: {  	s25 =	smov.u32 s4;
	s21 =	simm.s32 $0xA110;
	[sflag:s13] =	ssyncadd.s32 $0xFFFFFE60  }
.LBB2_40:
0x314: {  	[tilespmem:s21], [sflag:$0x5] =	stream.indirect.gather [hbm4b:s25+s11], $0x20, s26, s11, $0xb8;
	[tilespmem:$0x1DC50] =	vst v63  }
0x315: {  	s26 =	smov.u32 s22  }
0x316: {  	s21 =	smov.u32 s23;
	s25 =	smov.u32 s24;
	p0 =	sne.s32 s22, $0xCB80  }
.Ltmp19:
0x317: {  	s22 =	sadd.s32 $0x800, s22;
	(pc) =	sbr.rel @p0 .LBB2_40-.Ltmp19, $2  }
0x318: {  	_ =	sdelay $0x2  }
0x319: {  	s23 =	sadd.s32 $0x400, s23;
	s24 =	sadd.s32 $0x61A80, s24;
	s26 =	sshra.s32 s26, $0x2  }
0x31a: {  	[tilespmem:s21], [sflag:$0x5] =	stream.indirect.gather [hbm4b:s25+s11], $0x20, s26, s11, $0xb8;
	[tilespmem:$0x1DC50] =	vst v63  }
0x31b: {  	_ =	swait.ge [sflag:s14], $0x400  }
0x31c: {  	[sflag:s14] =	ssyncset.done $0x0  }
0x31d: {  	[sflag:s14] =	ssyncadd.s32 $0xFFFFFC00  }
0x31e: {  	_ =	swait.ge [sflag:s14], $0x400  }
0x31f: {  	[sflag:s14] =	ssyncset.done $0x0  }
0x320: {  	[sflag:s14] =	ssyncadd.s32 $0xFFFFFC00  }
0x321: {  	_ =	swait.ge [sflag:s14], $0x400  }
0x322: {  	[sflag:s14] =	ssyncset.done $0x0  }
0x323: {  	[sflag:s14] =	ssyncadd.s32 $0xFFFFFC00  }
0x324: {  	_ =	swait.ge [sflag:s14], $0x400  }
0x325: {  	[sflag:s14] =	ssyncset.done $0x0  }
0x326: {  	[sflag:s14] =	ssyncadd.s32 $0xFFFFFC00  }
0x327: {  	_ =	swait.ge [sflag:s14], $0x400  }
0x328: {  	[sflag:s14] =	ssyncset.done $0x0  }
0x329: {  	[sflag:s14] =	ssyncadd.s32 $0xFFFFFC00  }
0x32a: {  	_ =	swait.ge [sflag:s14], $0x400  }
0x32b: {  	[sflag:s14] =	ssyncset.done $0x0  }
0x32c: {  	[sflag:s14] =	ssyncadd.s32 $0xFFFFFC00  }
0x32d: {  	_ =	swait.ge [sflag:s14], $0x400  }
0x32e: {  	[sflag:s14] =	ssyncset.done $0x0  }
0x32f: {  	[sflag:s14] =	ssyncadd.s32 $0xFFFFFC00  }
0x330: {  	_ =	swait.ge [sflag:s14], $0x400  }
0x331: {  	[sflag:s14] =	ssyncset.done $0x0  }
0x332: {  	[sflag:s14] =	ssyncadd.s32 $0xFFFFFC00  }
0x333: {  	_ =	swait.ge [sflag:s14], $0x400  }
0x334: {  	[sflag:s14] =	ssyncset.done $0x0  }
0x335: {  	[sflag:s14] =	ssyncadd.s32 $0xFFFFFC00  }
0x336: {  	_ =	swait.ge [sflag:s14], $0x400  }
0x337: {  	[sflag:s14] =	ssyncset.done $0x0  }
0x338: {  	[sflag:s14] =	ssyncadd.s32 $0xFFFFFC00  }
0x339: {  	_ =	swait.ge [sflag:s14], $0x400  }
0x33a: {  	[sflag:s14] =	ssyncset.done $0x0  }
0x33b: {  	[sflag:s14] =	ssyncadd.s32 $0xFFFFFC00  }
0x33c: {  	_ =	swait.ge [sflag:s14], $0x400  }
0x33d: {  	[sflag:s14] =	ssyncset.done $0x0  }
0x33e: {  	[sflag:s14] =	ssyncadd.s32 $0xFFFFFC00  }
0x33f: {  	_ =	swait.ge [sflag:s14], $0x400  }
0x340: {  	[sflag:s14] =	ssyncset.done $0x0  }
0x341: {  	[sflag:s14] =	ssyncadd.s32 $0xFFFFFC00  }
0x342: {  	_ =	swait.ge [sflag:s14], $0x400  }
0x343: {  	[sflag:s14] =	ssyncset.done $0x0  }
0x344: {  	[sflag:s14] =	ssyncadd.s32 $0xFFFFFC00  }
0x345: {  	_ =	swait.ge [sflag:s14], $0x400  }
0x346: {  	[sflag:s14] =	ssyncset.done $0x0  }
0x347: {  	[sflag:s14] =	ssyncadd.s32 $0xFFFFFC00  }
0x348: {  	_ =	swait.ge [sflag:s14], $0x400  }
0x349: {  	[sflag:s14] =	ssyncset.done $0x0  }
0x34a: {  	[sflag:s14] =	ssyncadd.s32 $0xFFFFFC00  }
0x34b: {  	_ =	swait.ge [sflag:s14], $0x400  }
0x34c: {  	[sflag:s14] =	ssyncset.done $0x0  }
0x34d: {  	[sflag:s14] =	ssyncadd.s32 $0xFFFFFC00  }
0x34e: {  	_ =	swait.ge [sflag:s14], $0x400  }
0x34f: {  	[sflag:s14] =	ssyncset.done $0x0  }
0x350: {  	[sflag:s14] =	ssyncadd.s32 $0xFFFFFC00  }
0x351: {  	_ =	swait.ge [sflag:s14], $0x400  }
0x352: {  	[sflag:s14] =	ssyncset.done $0x0  }
0x353: {  	[sflag:s14] =	ssyncadd.s32 $0xFFFFFC00  }
0x354: {  	_ =	swait.ge [sflag:s14], $0x400  }
0x355: {  	[sflag:s14] =	ssyncset.done $0x0  }
0x356: {  	[sflag:s14] =	ssyncadd.s32 $0xFFFFFC00  }
0x357: {  	_ =	swait.ge [sflag:s14], $0x400  }
0x358: {  	[sflag:s14] =	ssyncset.done $0x0  }
0x359: {  	[sflag:s14] =	ssyncadd.s32 $0xFFFFFC00  }
0x35a: {  	_ =	swait.ge [sflag:s14], $0x400  }
0x35b: {  	[sflag:s14] =	ssyncset.done $0x0  }
0x35c: {  	[sflag:s14] =	ssyncadd.s32 $0xFFFFFC00  }
0x35d: {  	_ =	swait.ge [sflag:s14], $0x400  }
0x35e: {  	[sflag:s14] =	ssyncset.done $0x0  }
0x35f: {  	[sflag:s14] =	ssyncadd.s32 $0xFFFFFC00  }
0x360: {  	_ =	swait.ge [sflag:s14], $0x400  }
0x361: {  	[sflag:s14] =	ssyncset.done $0x0  }
0x362: {  	[sflag:s14] =	ssyncadd.s32 $0xFFFFFC00  }
0x363: {  	_ =	swait.ge [sflag:s14], $0x400  }
0x364: {  	[sflag:s14] =	ssyncset.done $0x0  }
0x365: {  	[sflag:s14] =	ssyncadd.s32 $0xFFFFFC00  }
0x366: {  	_ =	swait.ge [sflag:s14], $0x400  }
0x367: {  	[sflag:s14] =	ssyncset.done $0x0  }
0x368: {  	[sflag:s14] =	ssyncadd.s32 $0xFFFFFC00  }
0x369: {  	s21 =	simm.s32 $0x0;
	_ =	swait.ge [sflag:s18], $0x69A0  }
0x36a: {  	s22 =	simm.s32 $0xD;
	s23 =	simm.s32 $0x5;
	[sflag:s18] =	ssyncset.done $0x0  }
0x36b: {  	s24 =	simm.s32 $0x1091D;
	s25 =	simm.s32 $0x3920;
	[sflag:s18] =	ssyncadd.s32 $0xFFFF9660  }
.LBB2_42:
0x36c: {  	s26 =	smul.u32 $0x34, s21;
	_ =	sdelay $0x1  }
0x36d: {  	s26 =	sshra.s32 s26, $0x2  }
0x36e: {  	v0 =	vld [tilespmem:s26+$0x3400];
	_ =	sdelay $0x2  }
0x36f: {  	s30 =	sand.u32 $0x7, s23;
	s28 =	sand.u32 $0x3FFFFFF8, s22;
	s29 =	smul.u32 $0x34D, s21  }
0x370: {  	s26 =	sor.u32 s30, s28  }
0x371: {  	s26 =	sadd.s32 $0x10920, s26;
	[tilespmem:s29+$0x10910] =	vst v0  }
0x372: {  	v1 =	vmov s24;
	s28 =	simm.s32 $0x80;
	v0 =	vmov s26;
	s29 =	simm.s32 $0x0;
	s26 =	smov.u32 s25;
	v2 =	vld [tilespmem:s25+$0xFFFFFFF0]  }
.LBB2_43:
0x373: {  	p0 =	sne.s32 s28, $0xC80;
	_ =	sdelay $0x2  }
0x374: {  	s30 =	sshra.s32 s29, $0x2;
	s29 =	smov.u32 s28  }
0x375: {  	[tilespmem:v1+s30+$0x0 ss:$0x1] =	vst.idx.msk $0xffff, v2  }
0x376: {  	v2 =	vld [tilespmem:s26+$0x0];
	_ =	sdelay $0x1  }
.Ltmp20:
0x377: {  	(pc) =	sbr.rel @p0 .LBB2_43-.Ltmp20, $3  }
0x378: {  	_ =	sdelay $0x1  }
0x379: {  	s26 =	sadd.s32 $0x400, s26;
	[tilespmem:v0+s30+$0x0 ss:$0x1] =	vst.idx.msk $0xffff, v2  }
0x37a: {  	s28 =	sadd.s32 $0x80, s28;
	v2 =	vld [tilespmem:s26+$0xFFFFFFF0]  }
0x37b: {  	_ =	sdelay $0x2  }
0x37c: {  	s28 =	sshra.s32 s29, $0x2  }
0x37d: {  	s21 =	sadd.s32 $0x1, s21;
	[tilespmem:v1+s28+$0x0 ss:$0x1] =	vst.idx.msk $0xffff, v2  }
0x37e: {  	p0 =	sne.s32 s21, $0x20;
	v1 =	vld [tilespmem:s26+$0x0]  }
.Ltmp21:
0x37f: {  	_ = 	snop;
	(pc) =	sbr.rel @p0 .LBB2_42-.Ltmp21, $3  }
0x380: {  	_ =	sdelay $0x1  }
0x381: {  	s22 =	sadd.s32 $0x34D, s22  }
0x382: {  	s23 =	sadd.s32 $0x5, s23;
	s24 =	sadd.s32 $0x34D, s24;
	s25 =	sadd.s32 $0x20, s25;
	[tilespmem:v0+s28+$0x0 ss:$0x1] =	vst.idx.msk $0xffff, v1  }
0x383: {  	s21 =	rddreg [dreg:$0x19]  }
0x384: {  	[hbm4b:s21+s1] =	stream.linear.scatter [tilespmem:s15], [sflag:$0x6], $0x69A0, $0x38;
	[tilespmem:$0x1DC50] =	vst v63  }
0x385: {  	s30 =	rddreg [dreg:$0xc]  }
0x386: {  	[tilespmem:s8], [sflag:$0x1] =	stream.linear.gather [hbm4b:s30+s1], $0x1A0, $0x38;
	[tilespmem:$0x1DC50] =	vst v63  }
0x387: {  	s22 =	simm.s32 $0xC00;
	s26 =	simm.s32 $0x100;
	_ =	swait.ge [sflag:s16], $0x1A0  }
0x388: {  	s23 =	simm.s32 $0x3D10;
	s24 =	sadd.s32 $0x61A80, s4;
	[sflag:s16] =	ssyncset.done $0x0  }
0x389: {  	s25 =	smov.u32 s4;
	s21 =	simm.s32 $0x3910;
	[sflag:s16] =	ssyncadd.s32 $0xFFFFFE60  }
.LBB2_46:
0x38a: {  	[tilespmem:s21], [sflag:$0x4] =	stream.indirect.gather [hbm4b:s25+s11], $0x20, s26, s11, $0xb8;
	[tilespmem:$0x1DC50] =	vst v63  }
0x38b: {  	s26 =	smov.u32 s22  }
0x38c: {  	s21 =	smov.u32 s23;
	s25 =	smov.u32 s24;
	p0 =	sne.s32 s22, $0xCC00  }
.Ltmp22:
0x38d: {  	s22 =	sadd.s32 $0x800, s22;
	(pc) =	sbr.rel @p0 .LBB2_46-.Ltmp22, $2  }
0x38e: {  	_ =	sdelay $0x2  }
0x38f: {  	s23 =	sadd.s32 $0x400, s23;
	s24 =	sadd.s32 $0x61A80, s24;
	s26 =	sshra.s32 s26, $0x2  }
0x390: {  	[tilespmem:s21], [sflag:$0x4] =	stream.indirect.gather [hbm4b:s25+s11], $0x20, s26, s11, $0xb8;
	[tilespmem:$0x1DC50] =	vst v63  }
0x391: {  	s21 =	simm.s32 $0x5  }
0x392: {  	_ =	swait.ge [sflag:s21], $0x400  }
0x393: {  	[sflag:s21] =	ssyncset.done $0x0  }
0x394: {  	[sflag:s21] =	ssyncadd.s32 $0xFFFFFC00  }
0x395: {  	_ =	swait.ge [sflag:s21], $0x400  }
0x396: {  	[sflag:s21] =	ssyncset.done $0x0  }
0x397: {  	[sflag:s21] =	ssyncadd.s32 $0xFFFFFC00  }
0x398: {  	_ =	swait.ge [sflag:s21], $0x400  }
0x399: {  	[sflag:s21] =	ssyncset.done $0x0  }
0x39a: {  	[sflag:s21] =	ssyncadd.s32 $0xFFFFFC00  }
0x39b: {  	_ =	swait.ge [sflag:s21], $0x400  }
0x39c: {  	[sflag:s21] =	ssyncset.done $0x0  }
0x39d: {  	[sflag:s21] =	ssyncadd.s32 $0xFFFFFC00  }
0x39e: {  	_ =	swait.ge [sflag:s21], $0x400  }
0x39f: {  	[sflag:s21] =	ssyncset.done $0x0  }
0x3a0: {  	[sflag:s21] =	ssyncadd.s32 $0xFFFFFC00  }
0x3a1: {  	_ =	swait.ge [sflag:s21], $0x400  }
0x3a2: {  	[sflag:s21] =	ssyncset.done $0x0  }
0x3a3: {  	[sflag:s21] =	ssyncadd.s32 $0xFFFFFC00  }
0x3a4: {  	_ =	swait.ge [sflag:s21], $0x400  }
0x3a5: {  	[sflag:s21] =	ssyncset.done $0x0  }
0x3a6: {  	[sflag:s21] =	ssyncadd.s32 $0xFFFFFC00  }
0x3a7: {  	_ =	swait.ge [sflag:s21], $0x400  }
0x3a8: {  	[sflag:s21] =	ssyncset.done $0x0  }
0x3a9: {  	[sflag:s21] =	ssyncadd.s32 $0xFFFFFC00  }
0x3aa: {  	_ =	swait.ge [sflag:s21], $0x400  }
0x3ab: {  	[sflag:s21] =	ssyncset.done $0x0  }
0x3ac: {  	[sflag:s21] =	ssyncadd.s32 $0xFFFFFC00  }
0x3ad: {  	_ =	swait.ge [sflag:s21], $0x400  }
0x3ae: {  	[sflag:s21] =	ssyncset.done $0x0  }
0x3af: {  	[sflag:s21] =	ssyncadd.s32 $0xFFFFFC00  }
0x3b0: {  	_ =	swait.ge [sflag:s21], $0x400  }
0x3b1: {  	[sflag:s21] =	ssyncset.done $0x0  }
0x3b2: {  	[sflag:s21] =	ssyncadd.s32 $0xFFFFFC00  }
0x3b3: {  	_ =	swait.ge [sflag:s21], $0x400  }
0x3b4: {  	[sflag:s21] =	ssyncset.done $0x0  }
0x3b5: {  	[sflag:s21] =	ssyncadd.s32 $0xFFFFFC00  }
0x3b6: {  	_ =	swait.ge [sflag:s21], $0x400  }
0x3b7: {  	[sflag:s21] =	ssyncset.done $0x0  }
0x3b8: {  	[sflag:s21] =	ssyncadd.s32 $0xFFFFFC00  }
0x3b9: {  	_ =	swait.ge [sflag:s21], $0x400  }
0x3ba: {  	[sflag:s21] =	ssyncset.done $0x0  }
0x3bb: {  	[sflag:s21] =	ssyncadd.s32 $0xFFFFFC00  }
0x3bc: {  	_ =	swait.ge [sflag:s21], $0x400  }
0x3bd: {  	[sflag:s21] =	ssyncset.done $0x0  }
0x3be: {  	[sflag:s21] =	ssyncadd.s32 $0xFFFFFC00  }
0x3bf: {  	_ =	swait.ge [sflag:s21], $0x400  }
0x3c0: {  	[sflag:s21] =	ssyncset.done $0x0  }
0x3c1: {  	[sflag:s21] =	ssyncadd.s32 $0xFFFFFC00  }
0x3c2: {  	_ =	swait.ge [sflag:s21], $0x400  }
0x3c3: {  	[sflag:s21] =	ssyncset.done $0x0  }
0x3c4: {  	[sflag:s21] =	ssyncadd.s32 $0xFFFFFC00  }
0x3c5: {  	_ =	swait.ge [sflag:s21], $0x400  }
0x3c6: {  	[sflag:s21] =	ssyncset.done $0x0  }
0x3c7: {  	[sflag:s21] =	ssyncadd.s32 $0xFFFFFC00  }
0x3c8: {  	_ =	swait.ge [sflag:s21], $0x400  }
0x3c9: {  	[sflag:s21] =	ssyncset.done $0x0  }
0x3ca: {  	[sflag:s21] =	ssyncadd.s32 $0xFFFFFC00  }
0x3cb: {  	_ =	swait.ge [sflag:s21], $0x400  }
0x3cc: {  	[sflag:s21] =	ssyncset.done $0x0  }
0x3cd: {  	[sflag:s21] =	ssyncadd.s32 $0xFFFFFC00  }
0x3ce: {  	_ =	swait.ge [sflag:s21], $0x400  }
0x3cf: {  	[sflag:s21] =	ssyncset.done $0x0  }
0x3d0: {  	[sflag:s21] =	ssyncadd.s32 $0xFFFFFC00  }
0x3d1: {  	_ =	swait.ge [sflag:s21], $0x400  }
0x3d2: {  	[sflag:s21] =	ssyncset.done $0x0  }
0x3d3: {  	[sflag:s21] =	ssyncadd.s32 $0xFFFFFC00  }
0x3d4: {  	_ =	swait.ge [sflag:s21], $0x400  }
0x3d5: {  	[sflag:s21] =	ssyncset.done $0x0  }
0x3d6: {  	[sflag:s21] =	ssyncadd.s32 $0xFFFFFC00  }
0x3d7: {  	_ =	swait.ge [sflag:s21], $0x400  }
0x3d8: {  	[sflag:s21] =	ssyncset.done $0x0  }
0x3d9: {  	[sflag:s21] =	ssyncadd.s32 $0xFFFFFC00  }
0x3da: {  	_ =	swait.ge [sflag:s21], $0x400  }
0x3db: {  	[sflag:s21] =	ssyncset.done $0x0  }
0x3dc: {  	[sflag:s21] =	ssyncadd.s32 $0xFFFFFC00  }
0x3dd: {  	_ =	swait.ge [sflag:s21], $0x400  }
0x3de: {  	[sflag:s21] =	ssyncset.done $0x0  }
0x3df: {  	[sflag:s21] =	ssyncadd.s32 $0xFFFFFC00  }
0x3e0: {  	_ =	swait.ge [sflag:s19], $0x69A0  }
0x3e1: {  	s22 =	simm.s32 $0x0;
	[sflag:s19] =	ssyncset.done $0x0  }
0x3e2: {  	s23 =	simm.s32 $0xD;
	s24 =	simm.s32 $0xA120;
	[sflag:s19] =	ssyncadd.s32 $0xFFFF9660  }
.LBB2_48:
0x3e3: {  	s25 =	smul.u32 $0xD, s22;
	_ =	sdelay $0x1  }
0x3e4: {  	s25 =	sand.u32 $0x1FF, s25  }
0x3e5: {  	v0 =	vld [tilespmem:s25+$0x35B0];
	_ =	sdelay $0x1  }
0x3e6: {  	s30 =	smul.u32 $0x34D, s22  }
0x3e7: {  	s26 =	sand.u32 $0x7, s21;
	s28 =	sand.u32 $0x3FFFFFF8, s23  }
0x3e8: {  	s26 =	sor.u32 s26, s28;
	s25 =	sand.u32 $0x7FFF, s30  }
0x3e9: {  	s26 =	sadd.s32 $0x10910, s26;
	[tilespmem:s25+$0x172B0] =	vst v0  }
0x3ea: {  	s28 =	simm.s32 $0x0;
	v0 =	vmov s26;
	s26 =	simm.s32 $0x80;
	s25 =	smov.u32 s24;
	v1 =	vld [tilespmem:s24+$0xFFFFFFF0]  }
.LBB2_49:
0x3eb: {  	p0 =	sne.s32 s26, $0xC80;
	_ =	sdelay $0x2  }
0x3ec: {  	s29 =	sshra.s32 s28, $0x2;
	s28 =	smov.u32 s26  }
0x3ed: {  	[tilespmem:v0+s29+$0x69A0 ss:$0x1] =	vst.idx.msk $0xffff, v1  }
0x3ee: {  	v1 =	vld [tilespmem:s25+$0x0];
	_ =	sdelay $0x1  }
.Ltmp23:
0x3ef: {  	(pc) =	sbr.rel @p0 .LBB2_49-.Ltmp23, $3  }
0x3f0: {  	_ =	sdelay $0x1  }
0x3f1: {  	s25 =	sadd.s32 $0x400, s25;
	[tilespmem:v0+s29+$0x69B0 ss:$0x1] =	vst.idx.msk $0xffff, v1  }
0x3f2: {  	s26 =	sadd.s32 $0x80, s26;
	v1 =	vld [tilespmem:s25+$0xFFFFFFF0]  }
0x3f3: {  	_ =	sdelay $0x2  }
0x3f4: {  	s26 =	sshra.s32 s28, $0x2  }
0x3f5: {  	s22 =	sadd.s32 $0x1, s22;
	[tilespmem:v0+s26+$0x69A0 ss:$0x1] =	vst.idx.msk $0xffff, v1  }
0x3f6: {  	p0 =	sne.s32 s22, $0x20;
	v1 =	vld [tilespmem:s25+$0x0]  }
.Ltmp24:
0x3f7: {  	_ = 	snop;
	(pc) =	sbr.rel @p0 .LBB2_48-.Ltmp24, $2  }
0x3f8: {  	_ =	sdelay $0x2  }
0x3f9: {  	s23 =	sadd.s32 $0x34D, s23;
	s21 =	sadd.s32 $0x5, s21;
	s24 =	sadd.s32 $0x20, s24;
	[tilespmem:v0+s26+$0x69B0 ss:$0x1] =	vst.idx.msk $0xffff, v1  }
0x3fa: {  	s21 =	rddreg [dreg:$0x1a]  }
0x3fb: {  	[hbm4b:s21+s1] =	stream.linear.scatter [tilespmem:s17], [sflag:$0x7], $0x69A0, $0x38;
	[tilespmem:$0x1DC50] =	vst v63  }
0x3fc: {  	s30 =	rddreg [dreg:$0xd]  }
0x3fd: {  	[tilespmem:s9], [sflag:$0x2] =	stream.linear.gather [hbm4b:s30+s1], $0x1A0, $0x38;
	[tilespmem:$0x1DC50] =	vst v63  }
0x3fe: {  	s22 =	simm.s32 $0xC80;
	s26 =	simm.s32 $0x120;
	_ =	swait.ge [sflag:s10], $0x1A0  }
0x3ff: {  	s23 =	simm.s32 $0xA510;
	s24 =	sadd.s32 $0x61A80, s4;
	[sflag:s10] =	ssyncset.done $0x0  }
0x400: {  	s25 =	smov.u32 s4;
	s21 =	simm.s32 $0xA110;
	[sflag:s10] =	ssyncadd.s32 $0xFFFFFE60  }
.LBB2_52:
0x401: {  	[tilespmem:s21], [sflag:$0x5] =	stream.indirect.gather [hbm4b:s25+s11], $0x20, s26, s11, $0xb8;
	[tilespmem:$0x1DC50] =	vst v63  }
0x402: {  	s26 =	smov.u32 s22  }
0x403: {  	s21 =	smov.u32 s23;
	s25 =	smov.u32 s24;
	p0 =	sne.s32 s22, $0xCC80  }
.Ltmp25:
0x404: {  	s22 =	sadd.s32 $0x800, s22;
	(pc) =	sbr.rel @p0 .LBB2_52-.Ltmp25, $2  }
0x405: {  	_ =	sdelay $0x2  }
0x406: {  	s23 =	sadd.s32 $0x400, s23;
	s24 =	sadd.s32 $0x61A80, s24;
	s26 =	sshra.s32 s26, $0x2  }
0x407: {  	[tilespmem:s21], [sflag:$0x5] =	stream.indirect.gather [hbm4b:s25+s11], $0x20, s26, s11, $0xb8;
	[tilespmem:$0x1DC50] =	vst v63  }
0x408: {  	_ =	swait.ge [sflag:s14], $0x400  }
0x409: {  	[sflag:s14] =	ssyncset.done $0x0  }
0x40a: {  	[sflag:s14] =	ssyncadd.s32 $0xFFFFFC00  }
0x40b: {  	_ =	swait.ge [sflag:s14], $0x400  }
0x40c: {  	[sflag:s14] =	ssyncset.done $0x0  }
0x40d: {  	[sflag:s14] =	ssyncadd.s32 $0xFFFFFC00  }
0x40e: {  	_ =	swait.ge [sflag:s14], $0x400  }
0x40f: {  	[sflag:s14] =	ssyncset.done $0x0  }
0x410: {  	[sflag:s14] =	ssyncadd.s32 $0xFFFFFC00  }
0x411: {  	_ =	swait.ge [sflag:s14], $0x400  }
0x412: {  	[sflag:s14] =	ssyncset.done $0x0  }
0x413: {  	[sflag:s14] =	ssyncadd.s32 $0xFFFFFC00  }
0x414: {  	_ =	swait.ge [sflag:s14], $0x400  }
0x415: {  	[sflag:s14] =	ssyncset.done $0x0  }
0x416: {  	[sflag:s14] =	ssyncadd.s32 $0xFFFFFC00  }
0x417: {  	_ =	swait.ge [sflag:s14], $0x400  }
0x418: {  	[sflag:s14] =	ssyncset.done $0x0  }
0x419: {  	[sflag:s14] =	ssyncadd.s32 $0xFFFFFC00  }
0x41a: {  	_ =	swait.ge [sflag:s14], $0x400  }
0x41b: {  	[sflag:s14] =	ssyncset.done $0x0  }
0x41c: {  	[sflag:s14] =	ssyncadd.s32 $0xFFFFFC00  }
0x41d: {  	_ =	swait.ge [sflag:s14], $0x400  }
0x41e: {  	[sflag:s14] =	ssyncset.done $0x0  }
0x41f: {  	[sflag:s14] =	ssyncadd.s32 $0xFFFFFC00  }
0x420: {  	_ =	swait.ge [sflag:s14], $0x400  }
0x421: {  	[sflag:s14] =	ssyncset.done $0x0  }
0x422: {  	[sflag:s14] =	ssyncadd.s32 $0xFFFFFC00  }
0x423: {  	_ =	swait.ge [sflag:s14], $0x400  }
0x424: {  	[sflag:s14] =	ssyncset.done $0x0  }
0x425: {  	[sflag:s14] =	ssyncadd.s32 $0xFFFFFC00  }
0x426: {  	_ =	swait.ge [sflag:s14], $0x400  }
0x427: {  	[sflag:s14] =	ssyncset.done $0x0  }
0x428: {  	[sflag:s14] =	ssyncadd.s32 $0xFFFFFC00  }
0x429: {  	_ =	swait.ge [sflag:s14], $0x400  }
0x42a: {  	[sflag:s14] =	ssyncset.done $0x0  }
0x42b: {  	[sflag:s14] =	ssyncadd.s32 $0xFFFFFC00  }
0x42c: {  	_ =	swait.ge [sflag:s14], $0x400  }
0x42d: {  	[sflag:s14] =	ssyncset.done $0x0  }
0x42e: {  	[sflag:s14] =	ssyncadd.s32 $0xFFFFFC00  }
0x42f: {  	_ =	swait.ge [sflag:s14], $0x400  }
0x430: {  	[sflag:s14] =	ssyncset.done $0x0  }
0x431: {  	[sflag:s14] =	ssyncadd.s32 $0xFFFFFC00  }
0x432: {  	_ =	swait.ge [sflag:s14], $0x400  }
0x433: {  	[sflag:s14] =	ssyncset.done $0x0  }
0x434: {  	[sflag:s14] =	ssyncadd.s32 $0xFFFFFC00  }
0x435: {  	_ =	swait.ge [sflag:s14], $0x400  }
0x436: {  	[sflag:s14] =	ssyncset.done $0x0  }
0x437: {  	[sflag:s14] =	ssyncadd.s32 $0xFFFFFC00  }
0x438: {  	_ =	swait.ge [sflag:s14], $0x400  }
0x439: {  	[sflag:s14] =	ssyncset.done $0x0  }
0x43a: {  	[sflag:s14] =	ssyncadd.s32 $0xFFFFFC00  }
0x43b: {  	_ =	swait.ge [sflag:s14], $0x400  }
0x43c: {  	[sflag:s14] =	ssyncset.done $0x0  }
0x43d: {  	[sflag:s14] =	ssyncadd.s32 $0xFFFFFC00  }
0x43e: {  	_ =	swait.ge [sflag:s14], $0x400  }
0x43f: {  	[sflag:s14] =	ssyncset.done $0x0  }
0x440: {  	[sflag:s14] =	ssyncadd.s32 $0xFFFFFC00  }
0x441: {  	_ =	swait.ge [sflag:s14], $0x400  }
0x442: {  	[sflag:s14] =	ssyncset.done $0x0  }
0x443: {  	[sflag:s14] =	ssyncadd.s32 $0xFFFFFC00  }
0x444: {  	_ =	swait.ge [sflag:s14], $0x400  }
0x445: {  	[sflag:s14] =	ssyncset.done $0x0  }
0x446: {  	[sflag:s14] =	ssyncadd.s32 $0xFFFFFC00  }
0x447: {  	_ =	swait.ge [sflag:s14], $0x400  }
0x448: {  	[sflag:s14] =	ssyncset.done $0x0  }
0x449: {  	[sflag:s14] =	ssyncadd.s32 $0xFFFFFC00  }
0x44a: {  	_ =	swait.ge [sflag:s14], $0x400  }
0x44b: {  	[sflag:s14] =	ssyncset.done $0x0  }
0x44c: {  	[sflag:s14] =	ssyncadd.s32 $0xFFFFFC00  }
0x44d: {  	_ =	swait.ge [sflag:s14], $0x400  }
0x44e: {  	[sflag:s14] =	ssyncset.done $0x0  }
0x44f: {  	[sflag:s14] =	ssyncadd.s32 $0xFFFFFC00  }
0x450: {  	_ =	swait.ge [sflag:s14], $0x400  }
0x451: {  	[sflag:s14] =	ssyncset.done $0x0  }
0x452: {  	[sflag:s14] =	ssyncadd.s32 $0xFFFFFC00  }
0x453: {  	_ =	swait.ge [sflag:s14], $0x400  }
0x454: {  	[sflag:s14] =	ssyncset.done $0x0  }
0x455: {  	[sflag:s14] =	ssyncadd.s32 $0xFFFFFC00  }
0x456: {  	s21 =	simm.s32 $0x0;
	_ =	swait.ge [sflag:s18], $0x69A0  }
0x457: {  	s22 =	simm.s32 $0xD;
	s23 =	simm.s32 $0x5;
	[sflag:s18] =	ssyncset.done $0x0  }
0x458: {  	s24 =	simm.s32 $0x1091D;
	s25 =	simm.s32 $0x3920;
	[sflag:s18] =	ssyncadd.s32 $0xFFFF9660  }
.LBB2_54:
0x459: {  	s26 =	smul.u32 $0xD, s21;
	_ =	sdelay $0x1  }
0x45a: {  	s26 =	sand.u32 $0x1FF, s26  }
0x45b: {  	v0 =	vld [tilespmem:s26+$0x3760];
	_ =	sdelay $0x2  }
0x45c: {  	s30 =	sand.u32 $0x7, s23;
	s28 =	sand.u32 $0x3FFFFFF8, s22;
	s29 =	smul.u32 $0x34D, s21  }
0x45d: {  	s26 =	sor.u32 s30, s28  }
0x45e: {  	s26 =	sadd.s32 $0x10920, s26;
	[tilespmem:s29+$0x10910] =	vst v0  }
0x45f: {  	v1 =	vmov s24;
	s28 =	simm.s32 $0x80;
	v0 =	vmov s26;
	s29 =	simm.s32 $0x0;
	s26 =	smov.u32 s25;
	v2 =	vld [tilespmem:s25+$0xFFFFFFF0]  }
.LBB2_55:
0x460: {  	p0 =	sne.s32 s28, $0xC80;
	_ =	sdelay $0x2  }
0x461: {  	s30 =	sshra.s32 s29, $0x2;
	s29 =	smov.u32 s28  }
0x462: {  	[tilespmem:v1+s30+$0x0 ss:$0x1] =	vst.idx.msk $0xffff, v2  }
0x463: {  	v2 =	vld [tilespmem:s26+$0x0];
	_ =	sdelay $0x1  }
.Ltmp26:
0x464: {  	(pc) =	sbr.rel @p0 .LBB2_55-.Ltmp26, $3  }
0x465: {  	_ =	sdelay $0x1  }
0x466: {  	s26 =	sadd.s32 $0x400, s26;
	[tilespmem:v0+s30+$0x0 ss:$0x1] =	vst.idx.msk $0xffff, v2  }
0x467: {  	s28 =	sadd.s32 $0x80, s28;
	v2 =	vld [tilespmem:s26+$0xFFFFFFF0]  }
0x468: {  	_ =	sdelay $0x2  }
0x469: {  	s28 =	sshra.s32 s29, $0x2  }
0x46a: {  	s21 =	sadd.s32 $0x1, s21;
	[tilespmem:v1+s28+$0x0 ss:$0x1] =	vst.idx.msk $0xffff, v2  }
0x46b: {  	p0 =	sne.s32 s21, $0x20;
	v1 =	vld [tilespmem:s26+$0x0]  }
.Ltmp27:
0x46c: {  	_ = 	snop;
	(pc) =	sbr.rel @p0 .LBB2_54-.Ltmp27, $3  }
0x46d: {  	_ =	sdelay $0x1  }
0x46e: {  	s22 =	sadd.s32 $0x34D, s22  }
0x46f: {  	s23 =	sadd.s32 $0x5, s23;
	s24 =	sadd.s32 $0x34D, s24;
	s25 =	sadd.s32 $0x20, s25;
	[tilespmem:v0+s28+$0x0 ss:$0x1] =	vst.idx.msk $0xffff, v1  }
0x470: {  	s21 =	rddreg [dreg:$0x1b]  }
0x471: {  	[hbm4b:s21+s1] =	stream.linear.scatter [tilespmem:s15], [sflag:$0x6], $0x69A0, $0x38;
	[tilespmem:$0x1DC50] =	vst v63  }
0x472: {  	s30 =	rddreg [dreg:$0xe]  }
0x473: {  	[tilespmem:s12], [sflag:$0x3] =	stream.linear.gather [hbm4b:s30+s1], $0x1A0, $0x38;
	[tilespmem:$0x1DC50] =	vst v63  }
0x474: {  	s22 =	simm.s32 $0xD00;
	s26 =	simm.s32 $0x140;
	_ =	swait.ge [sflag:s13], $0x1A0  }
0x475: {  	s23 =	simm.s32 $0x3D10;
	s24 =	sadd.s32 $0x61A80, s4;
	[sflag:s13] =	ssyncset.done $0x0  }
0x476: {  	s25 =	smov.u32 s4;
	s21 =	simm.s32 $0x3910;
	[sflag:s13] =	ssyncadd.s32 $0xFFFFFE60  }
.LBB2_58:
0x477: {  	[tilespmem:s21], [sflag:$0x4] =	stream.indirect.gather [hbm4b:s25+s11], $0x20, s26, s11, $0xb8;
	[tilespmem:$0x1DC50] =	vst v63  }
0x478: {  	s26 =	smov.u32 s22  }
0x479: {  	s21 =	smov.u32 s23;
	s25 =	smov.u32 s24;
	p0 =	sne.s32 s22, $0xCD00  }
.Ltmp28:
0x47a: {  	s22 =	sadd.s32 $0x800, s22;
	(pc) =	sbr.rel @p0 .LBB2_58-.Ltmp28, $2  }
0x47b: {  	_ =	sdelay $0x2  }
0x47c: {  	s23 =	sadd.s32 $0x400, s23;
	s24 =	sadd.s32 $0x61A80, s24;
	s26 =	sshra.s32 s26, $0x2  }
0x47d: {  	[tilespmem:s21], [sflag:$0x4] =	stream.indirect.gather [hbm4b:s25+s11], $0x20, s26, s11, $0xb8;
	[tilespmem:$0x1DC50] =	vst v63  }
0x47e: {  	s21 =	simm.s32 $0x5  }
0x47f: {  	_ =	swait.ge [sflag:s21], $0x400  }
0x480: {  	[sflag:s21] =	ssyncset.done $0x0  }
0x481: {  	[sflag:s21] =	ssyncadd.s32 $0xFFFFFC00  }
0x482: {  	_ =	swait.ge [sflag:s21], $0x400  }
0x483: {  	[sflag:s21] =	ssyncset.done $0x0  }
0x484: {  	[sflag:s21] =	ssyncadd.s32 $0xFFFFFC00  }
0x485: {  	_ =	swait.ge [sflag:s21], $0x400  }
0x486: {  	[sflag:s21] =	ssyncset.done $0x0  }
0x487: {  	[sflag:s21] =	ssyncadd.s32 $0xFFFFFC00  }
0x488: {  	_ =	swait.ge [sflag:s21], $0x400  }
0x489: {  	[sflag:s21] =	ssyncset.done $0x0  }
0x48a: {  	[sflag:s21] =	ssyncadd.s32 $0xFFFFFC00  }
0x48b: {  	_ =	swait.ge [sflag:s21], $0x400  }
0x48c: {  	[sflag:s21] =	ssyncset.done $0x0  }
0x48d: {  	[sflag:s21] =	ssyncadd.s32 $0xFFFFFC00  }
0x48e: {  	_ =	swait.ge [sflag:s21], $0x400  }
0x48f: {  	[sflag:s21] =	ssyncset.done $0x0  }
0x490: {  	[sflag:s21] =	ssyncadd.s32 $0xFFFFFC00  }
0x491: {  	_ =	swait.ge [sflag:s21], $0x400  }
0x492: {  	[sflag:s21] =	ssyncset.done $0x0  }
0x493: {  	[sflag:s21] =	ssyncadd.s32 $0xFFFFFC00  }
0x494: {  	_ =	swait.ge [sflag:s21], $0x400  }
0x495: {  	[sflag:s21] =	ssyncset.done $0x0  }
0x496: {  	[sflag:s21] =	ssyncadd.s32 $0xFFFFFC00  }
0x497: {  	_ =	swait.ge [sflag:s21], $0x400  }
0x498: {  	[sflag:s21] =	ssyncset.done $0x0  }
0x499: {  	[sflag:s21] =	ssyncadd.s32 $0xFFFFFC00  }
0x49a: {  	_ =	swait.ge [sflag:s21], $0x400  }
0x49b: {  	[sflag:s21] =	ssyncset.done $0x0  }
0x49c: {  	[sflag:s21] =	ssyncadd.s32 $0xFFFFFC00  }
0x49d: {  	_ =	swait.ge [sflag:s21], $0x400  }
0x49e: {  	[sflag:s21] =	ssyncset.done $0x0  }
0x49f: {  	[sflag:s21] =	ssyncadd.s32 $0xFFFFFC00  }
0x4a0: {  	_ =	swait.ge [sflag:s21], $0x400  }
0x4a1: {  	[sflag:s21] =	ssyncset.done $0x0  }
0x4a2: {  	[sflag:s21] =	ssyncadd.s32 $0xFFFFFC00  }
0x4a3: {  	_ =	swait.ge [sflag:s21], $0x400  }
0x4a4: {  	[sflag:s21] =	ssyncset.done $0x0  }
0x4a5: {  	[sflag:s21] =	ssyncadd.s32 $0xFFFFFC00  }
0x4a6: {  	_ =	swait.ge [sflag:s21], $0x400  }
0x4a7: {  	[sflag:s21] =	ssyncset.done $0x0  }
0x4a8: {  	[sflag:s21] =	ssyncadd.s32 $0xFFFFFC00  }
0x4a9: {  	_ =	swait.ge [sflag:s21], $0x400  }
0x4aa: {  	[sflag:s21] =	ssyncset.done $0x0  }
0x4ab: {  	[sflag:s21] =	ssyncadd.s32 $0xFFFFFC00  }
0x4ac: {  	_ =	swait.ge [sflag:s21], $0x400  }
0x4ad: {  	[sflag:s21] =	ssyncset.done $0x0  }
0x4ae: {  	[sflag:s21] =	ssyncadd.s32 $0xFFFFFC00  }
0x4af: {  	_ =	swait.ge [sflag:s21], $0x400  }
0x4b0: {  	[sflag:s21] =	ssyncset.done $0x0  }
0x4b1: {  	[sflag:s21] =	ssyncadd.s32 $0xFFFFFC00  }
0x4b2: {  	_ =	swait.ge [sflag:s21], $0x400  }
0x4b3: {  	[sflag:s21] =	ssyncset.done $0x0  }
0x4b4: {  	[sflag:s21] =	ssyncadd.s32 $0xFFFFFC00  }
0x4b5: {  	_ =	swait.ge [sflag:s21], $0x400  }
0x4b6: {  	[sflag:s21] =	ssyncset.done $0x0  }
0x4b7: {  	[sflag:s21] =	ssyncadd.s32 $0xFFFFFC00  }
0x4b8: {  	_ =	swait.ge [sflag:s21], $0x400  }
0x4b9: {  	[sflag:s21] =	ssyncset.done $0x0  }
0x4ba: {  	[sflag:s21] =	ssyncadd.s32 $0xFFFFFC00  }
0x4bb: {  	_ =	swait.ge [sflag:s21], $0x400  }
0x4bc: {  	[sflag:s21] =	ssyncset.done $0x0  }
0x4bd: {  	[sflag:s21] =	ssyncadd.s32 $0xFFFFFC00  }
0x4be: {  	_ =	swait.ge [sflag:s21], $0x400  }
0x4bf: {  	[sflag:s21] =	ssyncset.done $0x0  }
0x4c0: {  	[sflag:s21] =	ssyncadd.s32 $0xFFFFFC00  }
0x4c1: {  	_ =	swait.ge [sflag:s21], $0x400  }
0x4c2: {  	[sflag:s21] =	ssyncset.done $0x0  }
0x4c3: {  	[sflag:s21] =	ssyncadd.s32 $0xFFFFFC00  }
0x4c4: {  	_ =	swait.ge [sflag:s21], $0x400  }
0x4c5: {  	[sflag:s21] =	ssyncset.done $0x0  }
0x4c6: {  	[sflag:s21] =	ssyncadd.s32 $0xFFFFFC00  }
0x4c7: {  	_ =	swait.ge [sflag:s21], $0x400  }
0x4c8: {  	[sflag:s21] =	ssyncset.done $0x0  }
0x4c9: {  	[sflag:s21] =	ssyncadd.s32 $0xFFFFFC00  }
0x4ca: {  	_ =	swait.ge [sflag:s21], $0x400  }
0x4cb: {  	[sflag:s21] =	ssyncset.done $0x0  }
0x4cc: {  	[sflag:s21] =	ssyncadd.s32 $0xFFFFFC00  }
0x4cd: {  	_ =	swait.ge [sflag:s19], $0x69A0  }
0x4ce: {  	s22 =	simm.s32 $0x0;
	[sflag:s19] =	ssyncset.done $0x0  }
0x4cf: {  	s23 =	simm.s32 $0xD;
	s24 =	simm.s32 $0xA120;
	[sflag:s19] =	ssyncadd.s32 $0xFFFF9660  }
.LBB2_60:
0x4d0: {  	s25 =	smul.u32 $0x34, s22;
	_ =	sdelay $0x1  }
0x4d1: {  	s25 =	sshra.s32 s25, $0x2  }
0x4d2: {  	v0 =	vld [tilespmem:s25+$0x3400];
	_ =	sdelay $0x1  }
0x4d3: {  	s30 =	smul.u32 $0x34D, s22  }
0x4d4: {  	s26 =	sand.u32 $0x7, s21;
	s28 =	sand.u32 $0x3FFFFFF8, s23  }
0x4d5: {  	s26 =	sor.u32 s26, s28;
	s25 =	sand.u32 $0x7FFF, s30  }
0x4d6: {  	s26 =	sadd.s32 $0x10910, s26;
	[tilespmem:s25+$0x172B0] =	vst v0  }
0x4d7: {  	s28 =	simm.s32 $0x0;
	v0 =	vmov s26;
	s26 =	simm.s32 $0x80;
	s25 =	smov.u32 s24;
	v1 =	vld [tilespmem:s24+$0xFFFFFFF0]  }
.LBB2_61:
0x4d8: {  	p0 =	sne.s32 s26, $0xC80;
	_ =	sdelay $0x2  }
0x4d9: {  	s29 =	sshra.s32 s28, $0x2;
	s28 =	smov.u32 s26  }
0x4da: {  	[tilespmem:v0+s29+$0x69A0 ss:$0x1] =	vst.idx.msk $0xffff, v1  }
0x4db: {  	v1 =	vld [tilespmem:s25+$0x0];
	_ =	sdelay $0x1  }
.Ltmp29:
0x4dc: {  	(pc) =	sbr.rel @p0 .LBB2_61-.Ltmp29, $3  }
0x4dd: {  	_ =	sdelay $0x1  }
0x4de: {  	s25 =	sadd.s32 $0x400, s25;
	[tilespmem:v0+s29+$0x69B0 ss:$0x1] =	vst.idx.msk $0xffff, v1  }
0x4df: {  	s26 =	sadd.s32 $0x80, s26;
	v1 =	vld [tilespmem:s25+$0xFFFFFFF0]  }
0x4e0: {  	_ =	sdelay $0x2  }
0x4e1: {  	s26 =	sshra.s32 s28, $0x2  }
0x4e2: {  	s22 =	sadd.s32 $0x1, s22;
	[tilespmem:v0+s26+$0x69A0 ss:$0x1] =	vst.idx.msk $0xffff, v1  }
0x4e3: {  	p0 =	sne.s32 s22, $0x20;
	v1 =	vld [tilespmem:s25+$0x0]  }
.Ltmp30:
0x4e4: {  	_ = 	snop;
	(pc) =	sbr.rel @p0 .LBB2_60-.Ltmp30, $2  }
0x4e5: {  	_ =	sdelay $0x2  }
0x4e6: {  	s23 =	sadd.s32 $0x34D, s23;
	s21 =	sadd.s32 $0x5, s21;
	s24 =	sadd.s32 $0x20, s24;
	[tilespmem:v0+s26+$0x69B0 ss:$0x1] =	vst.idx.msk $0xffff, v1  }
0x4e7: {  	s21 =	rddreg [dreg:$0x1c]  }
0x4e8: {  	[hbm4b:s21+s1] =	stream.linear.scatter [tilespmem:s17], [sflag:$0x7], $0x69A0, $0x38;
	[tilespmem:$0x1DC50] =	vst v63  }
0x4e9: {  	s30 =	rddreg [dreg:$0xf]  }
0x4ea: {  	[tilespmem:s8], [sflag:$0x1] =	stream.linear.gather [hbm4b:s30+s1], $0x1A0, $0x38;
	[tilespmem:$0x1DC50] =	vst v63  }
0x4eb: {  	s22 =	simm.s32 $0xD80;
	s26 =	simm.s32 $0x160;
	_ =	swait.ge [sflag:s16], $0x1A0  }
0x4ec: {  	s23 =	simm.s32 $0xA510;
	s24 =	sadd.s32 $0x61A80, s4;
	[sflag:s16] =	ssyncset.done $0x0  }
0x4ed: {  	s25 =	smov.u32 s4;
	s21 =	simm.s32 $0xA110;
	[sflag:s16] =	ssyncadd.s32 $0xFFFFFE60  }
.LBB2_64:
0x4ee: {  	[tilespmem:s21], [sflag:$0x5] =	stream.indirect.gather [hbm4b:s25+s11], $0x20, s26, s11, $0xb8;
	[tilespmem:$0x1DC50] =	vst v63  }
0x4ef: {  	s26 =	smov.u32 s22  }
0x4f0: {  	s21 =	smov.u32 s23;
	s25 =	smov.u32 s24;
	p0 =	sne.s32 s22, $0xCD80  }
.Ltmp31:
0x4f1: {  	s22 =	sadd.s32 $0x800, s22;
	(pc) =	sbr.rel @p0 .LBB2_64-.Ltmp31, $2  }
0x4f2: {  	_ =	sdelay $0x2  }
0x4f3: {  	s23 =	sadd.s32 $0x400, s23;
	s24 =	sadd.s32 $0x61A80, s24;
	s26 =	sshra.s32 s26, $0x2  }
0x4f4: {  	[tilespmem:s21], [sflag:$0x5] =	stream.indirect.gather [hbm4b:s25+s11], $0x20, s26, s11, $0xb8;
	[tilespmem:$0x1DC50] =	vst v63  }
0x4f5: {  	_ =	swait.ge [sflag:s14], $0x400  }
0x4f6: {  	[sflag:s14] =	ssyncset.done $0x0  }
0x4f7: {  	[sflag:s14] =	ssyncadd.s32 $0xFFFFFC00  }
0x4f8: {  	_ =	swait.ge [sflag:s14], $0x400  }
0x4f9: {  	[sflag:s14] =	ssyncset.done $0x0  }
0x4fa: {  	[sflag:s14] =	ssyncadd.s32 $0xFFFFFC00  }
0x4fb: {  	_ =	swait.ge [sflag:s14], $0x400  }
0x4fc: {  	[sflag:s14] =	ssyncset.done $0x0  }
0x4fd: {  	[sflag:s14] =	ssyncadd.s32 $0xFFFFFC00  }
0x4fe: {  	_ =	swait.ge [sflag:s14], $0x400  }
0x4ff: {  	[sflag:s14] =	ssyncset.done $0x0  }
0x500: {  	[sflag:s14] =	ssyncadd.s32 $0xFFFFFC00  }
0x501: {  	_ =	swait.ge [sflag:s14], $0x400  }
0x502: {  	[sflag:s14] =	ssyncset.done $0x0  }
0x503: {  	[sflag:s14] =	ssyncadd.s32 $0xFFFFFC00  }
0x504: {  	_ =	swait.ge [sflag:s14], $0x400  }
0x505: {  	[sflag:s14] =	ssyncset.done $0x0  }
0x506: {  	[sflag:s14] =	ssyncadd.s32 $0xFFFFFC00  }
0x507: {  	_ =	swait.ge [sflag:s14], $0x400  }
0x508: {  	[sflag:s14] =	ssyncset.done $0x0  }
0x509: {  	[sflag:s14] =	ssyncadd.s32 $0xFFFFFC00  }
0x50a: {  	_ =	swait.ge [sflag:s14], $0x400  }
0x50b: {  	[sflag:s14] =	ssyncset.done $0x0  }
0x50c: {  	[sflag:s14] =	ssyncadd.s32 $0xFFFFFC00  }
0x50d: {  	_ =	swait.ge [sflag:s14], $0x400  }
0x50e: {  	[sflag:s14] =	ssyncset.done $0x0  }
0x50f: {  	[sflag:s14] =	ssyncadd.s32 $0xFFFFFC00  }
0x510: {  	_ =	swait.ge [sflag:s14], $0x400  }
0x511: {  	[sflag:s14] =	ssyncset.done $0x0  }
0x512: {  	[sflag:s14] =	ssyncadd.s32 $0xFFFFFC00  }
0x513: {  	_ =	swait.ge [sflag:s14], $0x400  }
0x514: {  	[sflag:s14] =	ssyncset.done $0x0  }
0x515: {  	[sflag:s14] =	ssyncadd.s32 $0xFFFFFC00  }
0x516: {  	_ =	swait.ge [sflag:s14], $0x400  }
0x517: {  	[sflag:s14] =	ssyncset.done $0x0  }
0x518: {  	[sflag:s14] =	ssyncadd.s32 $0xFFFFFC00  }
0x519: {  	_ =	swait.ge [sflag:s14], $0x400  }
0x51a: {  	[sflag:s14] =	ssyncset.done $0x0  }
0x51b: {  	[sflag:s14] =	ssyncadd.s32 $0xFFFFFC00  }
0x51c: {  	_ =	swait.ge [sflag:s14], $0x400  }
0x51d: {  	[sflag:s14] =	ssyncset.done $0x0  }
0x51e: {  	[sflag:s14] =	ssyncadd.s32 $0xFFFFFC00  }
0x51f: {  	_ =	swait.ge [sflag:s14], $0x400  }
0x520: {  	[sflag:s14] =	ssyncset.done $0x0  }
0x521: {  	[sflag:s14] =	ssyncadd.s32 $0xFFFFFC00  }
0x522: {  	_ =	swait.ge [sflag:s14], $0x400  }
0x523: {  	[sflag:s14] =	ssyncset.done $0x0  }
0x524: {  	[sflag:s14] =	ssyncadd.s32 $0xFFFFFC00  }
0x525: {  	_ =	swait.ge [sflag:s14], $0x400  }
0x526: {  	[sflag:s14] =	ssyncset.done $0x0  }
0x527: {  	[sflag:s14] =	ssyncadd.s32 $0xFFFFFC00  }
0x528: {  	_ =	swait.ge [sflag:s14], $0x400  }
0x529: {  	[sflag:s14] =	ssyncset.done $0x0  }
0x52a: {  	[sflag:s14] =	ssyncadd.s32 $0xFFFFFC00  }
0x52b: {  	_ =	swait.ge [sflag:s14], $0x400  }
0x52c: {  	[sflag:s14] =	ssyncset.done $0x0  }
0x52d: {  	[sflag:s14] =	ssyncadd.s32 $0xFFFFFC00  }
0x52e: {  	_ =	swait.ge [sflag:s14], $0x400  }
0x52f: {  	[sflag:s14] =	ssyncset.done $0x0  }
0x530: {  	[sflag:s14] =	ssyncadd.s32 $0xFFFFFC00  }
0x531: {  	_ =	swait.ge [sflag:s14], $0x400  }
0x532: {  	[sflag:s14] =	ssyncset.done $0x0  }
0x533: {  	[sflag:s14] =	ssyncadd.s32 $0xFFFFFC00  }
0x534: {  	_ =	swait.ge [sflag:s14], $0x400  }
0x535: {  	[sflag:s14] =	ssyncset.done $0x0  }
0x536: {  	[sflag:s14] =	ssyncadd.s32 $0xFFFFFC00  }
0x537: {  	_ =	swait.ge [sflag:s14], $0x400  }
0x538: {  	[sflag:s14] =	ssyncset.done $0x0  }
0x539: {  	[sflag:s14] =	ssyncadd.s32 $0xFFFFFC00  }
0x53a: {  	_ =	swait.ge [sflag:s14], $0x400  }
0x53b: {  	[sflag:s14] =	ssyncset.done $0x0  }
0x53c: {  	[sflag:s14] =	ssyncadd.s32 $0xFFFFFC00  }
0x53d: {  	_ =	swait.ge [sflag:s14], $0x400  }
0x53e: {  	[sflag:s14] =	ssyncset.done $0x0  }
0x53f: {  	[sflag:s14] =	ssyncadd.s32 $0xFFFFFC00  }
0x540: {  	_ =	swait.ge [sflag:s14], $0x400  }
0x541: {  	[sflag:s14] =	ssyncset.done $0x0  }
0x542: {  	[sflag:s14] =	ssyncadd.s32 $0xFFFFFC00  }
0x543: {  	s21 =	simm.s32 $0x0;
	_ =	swait.ge [sflag:s18], $0x69A0  }
0x544: {  	s22 =	simm.s32 $0xD;
	s23 =	simm.s32 $0x5;
	[sflag:s18] =	ssyncset.done $0x0  }
0x545: {  	s24 =	simm.s32 $0x1091D;
	s25 =	simm.s32 $0x3920;
	[sflag:s18] =	ssyncadd.s32 $0xFFFF9660  }
.LBB2_66:
0x546: {  	s26 =	smul.u32 $0xD, s21;
	_ =	sdelay $0x1  }
0x547: {  	s26 =	sand.u32 $0x1FF, s26  }
0x548: {  	v0 =	vld [tilespmem:s26+$0x35B0];
	_ =	sdelay $0x2  }
0x549: {  	s30 =	sand.u32 $0x7, s23;
	s28 =	sand.u32 $0x3FFFFFF8, s22;
	s29 =	smul.u32 $0x34D, s21  }
0x54a: {  	s26 =	sor.u32 s30, s28  }
0x54b: {  	s26 =	sadd.s32 $0x10920, s26;
	[tilespmem:s29+$0x10910] =	vst v0  }
0x54c: {  	v1 =	vmov s24;
	s28 =	simm.s32 $0x80;
	v0 =	vmov s26;
	s29 =	simm.s32 $0x0;
	s26 =	smov.u32 s25;
	v2 =	vld [tilespmem:s25+$0xFFFFFFF0]  }
.LBB2_67:
0x54d: {  	p0 =	sne.s32 s28, $0xC80;
	_ =	sdelay $0x2  }
0x54e: {  	s30 =	sshra.s32 s29, $0x2;
	s29 =	smov.u32 s28  }
0x54f: {  	[tilespmem:v1+s30+$0x0 ss:$0x1] =	vst.idx.msk $0xffff, v2  }
0x550: {  	v2 =	vld [tilespmem:s26+$0x0];
	_ =	sdelay $0x1  }
.Ltmp32:
0x551: {  	(pc) =	sbr.rel @p0 .LBB2_67-.Ltmp32, $3  }
0x552: {  	_ =	sdelay $0x1  }
0x553: {  	s26 =	sadd.s32 $0x400, s26;
	[tilespmem:v0+s30+$0x0 ss:$0x1] =	vst.idx.msk $0xffff, v2  }
0x554: {  	s28 =	sadd.s32 $0x80, s28;
	v2 =	vld [tilespmem:s26+$0xFFFFFFF0]  }
0x555: {  	_ =	sdelay $0x2  }
0x556: {  	s28 =	sshra.s32 s29, $0x2  }
0x557: {  	s21 =	sadd.s32 $0x1, s21;
	[tilespmem:v1+s28+$0x0 ss:$0x1] =	vst.idx.msk $0xffff, v2  }
0x558: {  	p0 =	sne.s32 s21, $0x20;
	v1 =	vld [tilespmem:s26+$0x0]  }
.Ltmp33:
0x559: {  	_ = 	snop;
	(pc) =	sbr.rel @p0 .LBB2_66-.Ltmp33, $3  }
0x55a: {  	_ =	sdelay $0x1  }
0x55b: {  	s22 =	sadd.s32 $0x34D, s22  }
0x55c: {  	s23 =	sadd.s32 $0x5, s23;
	s24 =	sadd.s32 $0x34D, s24;
	s25 =	sadd.s32 $0x20, s25;
	[tilespmem:v0+s28+$0x0 ss:$0x1] =	vst.idx.msk $0xffff, v1  }
0x55d: {  	s21 =	rddreg [dreg:$0x1d]  }
0x55e: {  	[hbm4b:s21+s1] =	stream.linear.scatter [tilespmem:s15], [sflag:$0x6], $0x69A0, $0x38;
	[tilespmem:$0x1DC50] =	vst v63  }
0x55f: {  	s30 =	rddreg [dreg:$0x10]  }
0x560: {  	[tilespmem:s9], [sflag:$0x2] =	stream.linear.gather [hbm4b:s30+s1], $0x1A0, $0x38;
	[tilespmem:$0x1DC50] =	vst v63  }
0x561: {  	s22 =	simm.s32 $0xE00;
	s26 =	simm.s32 $0x180;
	_ =	swait.ge [sflag:s10], $0x1A0  }
0x562: {  	s23 =	simm.s32 $0x3D10;
	s24 =	sadd.s32 $0x61A80, s4;
	[sflag:s10] =	ssyncset.done $0x0  }
0x563: {  	s25 =	smov.u32 s4;
	s21 =	simm.s32 $0x3910;
	[sflag:s10] =	ssyncadd.s32 $0xFFFFFE60  }
.LBB2_70:
0x564: {  	[tilespmem:s21], [sflag:$0x4] =	stream.indirect.gather [hbm4b:s25+s11], $0x20, s26, s11, $0xb8;
	[tilespmem:$0x1DC50] =	vst v63  }
0x565: {  	s26 =	smov.u32 s22  }
0x566: {  	s21 =	smov.u32 s23;
	s25 =	smov.u32 s24;
	p0 =	sne.s32 s22, $0xCE00  }
.Ltmp34:
0x567: {  	s22 =	sadd.s32 $0x800, s22;
	(pc) =	sbr.rel @p0 .LBB2_70-.Ltmp34, $2  }
0x568: {  	_ =	sdelay $0x2  }
0x569: {  	s23 =	sadd.s32 $0x400, s23;
	s24 =	sadd.s32 $0x61A80, s24;
	s26 =	sshra.s32 s26, $0x2  }
0x56a: {  	[tilespmem:s21], [sflag:$0x4] =	stream.indirect.gather [hbm4b:s25+s11], $0x20, s26, s11, $0xb8;
	[tilespmem:$0x1DC50] =	vst v63  }
0x56b: {  	s21 =	simm.s32 $0x5  }
0x56c: {  	_ =	swait.ge [sflag:s21], $0x400  }
0x56d: {  	[sflag:s21] =	ssyncset.done $0x0  }
0x56e: {  	[sflag:s21] =	ssyncadd.s32 $0xFFFFFC00  }
0x56f: {  	_ =	swait.ge [sflag:s21], $0x400  }
0x570: {  	[sflag:s21] =	ssyncset.done $0x0  }
0x571: {  	[sflag:s21] =	ssyncadd.s32 $0xFFFFFC00  }
0x572: {  	_ =	swait.ge [sflag:s21], $0x400  }
0x573: {  	[sflag:s21] =	ssyncset.done $0x0  }
0x574: {  	[sflag:s21] =	ssyncadd.s32 $0xFFFFFC00  }
0x575: {  	_ =	swait.ge [sflag:s21], $0x400  }
0x576: {  	[sflag:s21] =	ssyncset.done $0x0  }
0x577: {  	[sflag:s21] =	ssyncadd.s32 $0xFFFFFC00  }
0x578: {  	_ =	swait.ge [sflag:s21], $0x400  }
0x579: {  	[sflag:s21] =	ssyncset.done $0x0  }
0x57a: {  	[sflag:s21] =	ssyncadd.s32 $0xFFFFFC00  }
0x57b: {  	_ =	swait.ge [sflag:s21], $0x400  }
0x57c: {  	[sflag:s21] =	ssyncset.done $0x0  }
0x57d: {  	[sflag:s21] =	ssyncadd.s32 $0xFFFFFC00  }
0x57e: {  	_ =	swait.ge [sflag:s21], $0x400  }
0x57f: {  	[sflag:s21] =	ssyncset.done $0x0  }
0x580: {  	[sflag:s21] =	ssyncadd.s32 $0xFFFFFC00  }
0x581: {  	_ =	swait.ge [sflag:s21], $0x400  }
0x582: {  	[sflag:s21] =	ssyncset.done $0x0  }
0x583: {  	[sflag:s21] =	ssyncadd.s32 $0xFFFFFC00  }
0x584: {  	_ =	swait.ge [sflag:s21], $0x400  }
0x585: {  	[sflag:s21] =	ssyncset.done $0x0  }
0x586: {  	[sflag:s21] =	ssyncadd.s32 $0xFFFFFC00  }
0x587: {  	_ =	swait.ge [sflag:s21], $0x400  }
0x588: {  	[sflag:s21] =	ssyncset.done $0x0  }
0x589: {  	[sflag:s21] =	ssyncadd.s32 $0xFFFFFC00  }
0x58a: {  	_ =	swait.ge [sflag:s21], $0x400  }
0x58b: {  	[sflag:s21] =	ssyncset.done $0x0  }
0x58c: {  	[sflag:s21] =	ssyncadd.s32 $0xFFFFFC00  }
0x58d: {  	_ =	swait.ge [sflag:s21], $0x400  }
0x58e: {  	[sflag:s21] =	ssyncset.done $0x0  }
0x58f: {  	[sflag:s21] =	ssyncadd.s32 $0xFFFFFC00  }
0x590: {  	_ =	swait.ge [sflag:s21], $0x400  }
0x591: {  	[sflag:s21] =	ssyncset.done $0x0  }
0x592: {  	[sflag:s21] =	ssyncadd.s32 $0xFFFFFC00  }
0x593: {  	_ =	swait.ge [sflag:s21], $0x400  }
0x594: {  	[sflag:s21] =	ssyncset.done $0x0  }
0x595: {  	[sflag:s21] =	ssyncadd.s32 $0xFFFFFC00  }
0x596: {  	_ =	swait.ge [sflag:s21], $0x400  }
0x597: {  	[sflag:s21] =	ssyncset.done $0x0  }
0x598: {  	[sflag:s21] =	ssyncadd.s32 $0xFFFFFC00  }
0x599: {  	_ =	swait.ge [sflag:s21], $0x400  }
0x59a: {  	[sflag:s21] =	ssyncset.done $0x0  }
0x59b: {  	[sflag:s21] =	ssyncadd.s32 $0xFFFFFC00  }
0x59c: {  	_ =	swait.ge [sflag:s21], $0x400  }
0x59d: {  	[sflag:s21] =	ssyncset.done $0x0  }
0x59e: {  	[sflag:s21] =	ssyncadd.s32 $0xFFFFFC00  }
0x59f: {  	_ =	swait.ge [sflag:s21], $0x400  }
0x5a0: {  	[sflag:s21] =	ssyncset.done $0x0  }
0x5a1: {  	[sflag:s21] =	ssyncadd.s32 $0xFFFFFC00  }
0x5a2: {  	_ =	swait.ge [sflag:s21], $0x400  }
0x5a3: {  	[sflag:s21] =	ssyncset.done $0x0  }
0x5a4: {  	[sflag:s21] =	ssyncadd.s32 $0xFFFFFC00  }
0x5a5: {  	_ =	swait.ge [sflag:s21], $0x400  }
0x5a6: {  	[sflag:s21] =	ssyncset.done $0x0  }
0x5a7: {  	[sflag:s21] =	ssyncadd.s32 $0xFFFFFC00  }
0x5a8: {  	_ =	swait.ge [sflag:s21], $0x400  }
0x5a9: {  	[sflag:s21] =	ssyncset.done $0x0  }
0x5aa: {  	[sflag:s21] =	ssyncadd.s32 $0xFFFFFC00  }
0x5ab: {  	_ =	swait.ge [sflag:s21], $0x400  }
0x5ac: {  	[sflag:s21] =	ssyncset.done $0x0  }
0x5ad: {  	[sflag:s21] =	ssyncadd.s32 $0xFFFFFC00  }
0x5ae: {  	_ =	swait.ge [sflag:s21], $0x400  }
0x5af: {  	[sflag:s21] =	ssyncset.done $0x0  }
0x5b0: {  	[sflag:s21] =	ssyncadd.s32 $0xFFFFFC00  }
0x5b1: {  	_ =	swait.ge [sflag:s21], $0x400  }
0x5b2: {  	[sflag:s21] =	ssyncset.done $0x0  }
0x5b3: {  	[sflag:s21] =	ssyncadd.s32 $0xFFFFFC00  }
0x5b4: {  	_ =	swait.ge [sflag:s21], $0x400  }
0x5b5: {  	[sflag:s21] =	ssyncset.done $0x0  }
0x5b6: {  	[sflag:s21] =	ssyncadd.s32 $0xFFFFFC00  }
0x5b7: {  	_ =	swait.ge [sflag:s21], $0x400  }
0x5b8: {  	[sflag:s21] =	ssyncset.done $0x0  }
0x5b9: {  	[sflag:s21] =	ssyncadd.s32 $0xFFFFFC00  }
0x5ba: {  	_ =	swait.ge [sflag:s19], $0x69A0  }
0x5bb: {  	s22 =	simm.s32 $0x0;
	[sflag:s19] =	ssyncset.done $0x0  }
0x5bc: {  	s23 =	simm.s32 $0xD;
	s24 =	simm.s32 $0xA120;
	[sflag:s19] =	ssyncadd.s32 $0xFFFF9660  }
.LBB2_72:
0x5bd: {  	s25 =	smul.u32 $0xD, s22;
	_ =	sdelay $0x1  }
0x5be: {  	s25 =	sand.u32 $0x1FF, s25  }
0x5bf: {  	v0 =	vld [tilespmem:s25+$0x3760];
	_ =	sdelay $0x1  }
0x5c0: {  	s30 =	smul.u32 $0x34D, s22  }
0x5c1: {  	s26 =	sand.u32 $0x7, s21;
	s28 =	sand.u32 $0x3FFFFFF8, s23  }
0x5c2: {  	s26 =	sor.u32 s26, s28;
	s25 =	sand.u32 $0x7FFF, s30  }
0x5c3: {  	s26 =	sadd.s32 $0x10910, s26;
	[tilespmem:s25+$0x172B0] =	vst v0  }
0x5c4: {  	s28 =	simm.s32 $0x0;
	v0 =	vmov s26;
	s26 =	simm.s32 $0x80;
	s25 =	smov.u32 s24;
	v1 =	vld [tilespmem:s24+$0xFFFFFFF0]  }
.LBB2_73:
0x5c5: {  	p0 =	sne.s32 s26, $0xC80;
	_ =	sdelay $0x2  }
0x5c6: {  	s29 =	sshra.s32 s28, $0x2;
	s28 =	smov.u32 s26  }
0x5c7: {  	[tilespmem:v0+s29+$0x69A0 ss:$0x1] =	vst.idx.msk $0xffff, v1  }
0x5c8: {  	v1 =	vld [tilespmem:s25+$0x0];
	_ =	sdelay $0x1  }
.Ltmp35:
0x5c9: {  	(pc) =	sbr.rel @p0 .LBB2_73-.Ltmp35, $3  }
0x5ca: {  	_ =	sdelay $0x1  }
0x5cb: {  	s25 =	sadd.s32 $0x400, s25;
	[tilespmem:v0+s29+$0x69B0 ss:$0x1] =	vst.idx.msk $0xffff, v1  }
0x5cc: {  	s26 =	sadd.s32 $0x80, s26;
	v1 =	vld [tilespmem:s25+$0xFFFFFFF0]  }
0x5cd: {  	_ =	sdelay $0x2  }
0x5ce: {  	s26 =	sshra.s32 s28, $0x2  }
0x5cf: {  	s22 =	sadd.s32 $0x1, s22;
	[tilespmem:v0+s26+$0x69A0 ss:$0x1] =	vst.idx.msk $0xffff, v1  }
0x5d0: {  	p0 =	sne.s32 s22, $0x20;
	v1 =	vld [tilespmem:s25+$0x0]  }
.Ltmp36:
0x5d1: {  	_ = 	snop;
	(pc) =	sbr.rel @p0 .LBB2_72-.Ltmp36, $2  }
0x5d2: {  	_ =	sdelay $0x2  }
0x5d3: {  	s23 =	sadd.s32 $0x34D, s23;
	s21 =	sadd.s32 $0x5, s21;
	s24 =	sadd.s32 $0x20, s24;
	[tilespmem:v0+s26+$0x69B0 ss:$0x1] =	vst.idx.msk $0xffff, v1  }
0x5d4: {  	s21 =	rddreg [dreg:$0x1e]  }
0x5d5: {  	[hbm4b:s21+s1] =	stream.linear.scatter [tilespmem:s17], [sflag:$0x7], $0x69A0, $0x38;
	[tilespmem:$0x1DC50] =	vst v63  }
0x5d6: {  	s30 =	rddreg [dreg:$0x11]  }
0x5d7: {  	[tilespmem:s12], [sflag:$0x3] =	stream.linear.gather [hbm4b:s30+s1], $0x1A0, $0x38;
	[tilespmem:$0x1DC50] =	vst v63  }
0x5d8: {  	s22 =	simm.s32 $0xE80;
	s26 =	simm.s32 $0x1A0;
	_ =	swait.ge [sflag:s13], $0x1A0  }
0x5d9: {  	s23 =	simm.s32 $0xA510;
	s24 =	sadd.s32 $0x61A80, s4;
	[sflag:s13] =	ssyncset.done $0x0  }
0x5da: {  	s25 =	smov.u32 s4;
	s21 =	simm.s32 $0xA110;
	[sflag:s13] =	ssyncadd.s32 $0xFFFFFE60  }
.LBB2_76:
0x5db: {  	[tilespmem:s21], [sflag:$0x5] =	stream.indirect.gather [hbm4b:s25+s11], $0x20, s26, s11, $0xb8;
	[tilespmem:$0x1DC50] =	vst v63  }
0x5dc: {  	s26 =	smov.u32 s22  }
0x5dd: {  	s21 =	smov.u32 s23;
	s25 =	smov.u32 s24;
	p0 =	sne.s32 s22, $0xCE80  }
.Ltmp37:
0x5de: {  	s22 =	sadd.s32 $0x800, s22;
	(pc) =	sbr.rel @p0 .LBB2_76-.Ltmp37, $2  }
0x5df: {  	_ =	sdelay $0x2  }
0x5e0: {  	s23 =	sadd.s32 $0x400, s23;
	s24 =	sadd.s32 $0x61A80, s24;
	s26 =	sshra.s32 s26, $0x2  }
0x5e1: {  	[tilespmem:s21], [sflag:$0x5] =	stream.indirect.gather [hbm4b:s25+s11], $0x20, s26, s11, $0xb8;
	[tilespmem:$0x1DC50] =	vst v63  }
0x5e2: {  	_ =	swait.ge [sflag:s14], $0x400  }
0x5e3: {  	[sflag:s14] =	ssyncset.done $0x0  }
0x5e4: {  	[sflag:s14] =	ssyncadd.s32 $0xFFFFFC00  }
0x5e5: {  	_ =	swait.ge [sflag:s14], $0x400  }
0x5e6: {  	[sflag:s14] =	ssyncset.done $0x0  }
0x5e7: {  	[sflag:s14] =	ssyncadd.s32 $0xFFFFFC00  }
0x5e8: {  	_ =	swait.ge [sflag:s14], $0x400  }
0x5e9: {  	[sflag:s14] =	ssyncset.done $0x0  }
0x5ea: {  	[sflag:s14] =	ssyncadd.s32 $0xFFFFFC00  }
0x5eb: {  	_ =	swait.ge [sflag:s14], $0x400  }
0x5ec: {  	[sflag:s14] =	ssyncset.done $0x0  }
0x5ed: {  	[sflag:s14] =	ssyncadd.s32 $0xFFFFFC00  }
0x5ee: {  	_ =	swait.ge [sflag:s14], $0x400  }
0x5ef: {  	[sflag:s14] =	ssyncset.done $0x0  }
0x5f0: {  	[sflag:s14] =	ssyncadd.s32 $0xFFFFFC00  }
0x5f1: {  	_ =	swait.ge [sflag:s14], $0x400  }
0x5f2: {  	[sflag:s14] =	ssyncset.done $0x0  }
0x5f3: {  	[sflag:s14] =	ssyncadd.s32 $0xFFFFFC00  }
0x5f4: {  	_ =	swait.ge [sflag:s14], $0x400  }
0x5f5: {  	[sflag:s14] =	ssyncset.done $0x0  }
0x5f6: {  	[sflag:s14] =	ssyncadd.s32 $0xFFFFFC00  }
0x5f7: {  	_ =	swait.ge [sflag:s14], $0x400  }
0x5f8: {  	[sflag:s14] =	ssyncset.done $0x0  }
0x5f9: {  	[sflag:s14] =	ssyncadd.s32 $0xFFFFFC00  }
0x5fa: {  	_ =	swait.ge [sflag:s14], $0x400  }
0x5fb: {  	[sflag:s14] =	ssyncset.done $0x0  }
0x5fc: {  	[sflag:s14] =	ssyncadd.s32 $0xFFFFFC00  }
0x5fd: {  	_ =	swait.ge [sflag:s14], $0x400  }
0x5fe: {  	[sflag:s14] =	ssyncset.done $0x0  }
0x5ff: {  	[sflag:s14] =	ssyncadd.s32 $0xFFFFFC00  }
0x600: {  	_ =	swait.ge [sflag:s14], $0x400  }
0x601: {  	[sflag:s14] =	ssyncset.done $0x0  }
0x602: {  	[sflag:s14] =	ssyncadd.s32 $0xFFFFFC00  }
0x603: {  	_ =	swait.ge [sflag:s14], $0x400  }
0x604: {  	[sflag:s14] =	ssyncset.done $0x0  }
0x605: {  	[sflag:s14] =	ssyncadd.s32 $0xFFFFFC00  }
0x606: {  	_ =	swait.ge [sflag:s14], $0x400  }
0x607: {  	[sflag:s14] =	ssyncset.done $0x0  }
0x608: {  	[sflag:s14] =	ssyncadd.s32 $0xFFFFFC00  }
0x609: {  	_ =	swait.ge [sflag:s14], $0x400  }
0x60a: {  	[sflag:s14] =	ssyncset.done $0x0  }
0x60b: {  	[sflag:s14] =	ssyncadd.s32 $0xFFFFFC00  }
0x60c: {  	_ =	swait.ge [sflag:s14], $0x400  }
0x60d: {  	[sflag:s14] =	ssyncset.done $0x0  }
0x60e: {  	[sflag:s14] =	ssyncadd.s32 $0xFFFFFC00  }
0x60f: {  	_ =	swait.ge [sflag:s14], $0x400  }
0x610: {  	[sflag:s14] =	ssyncset.done $0x0  }
0x611: {  	[sflag:s14] =	ssyncadd.s32 $0xFFFFFC00  }
0x612: {  	_ =	swait.ge [sflag:s14], $0x400  }
0x613: {  	[sflag:s14] =	ssyncset.done $0x0  }
0x614: {  	[sflag:s14] =	ssyncadd.s32 $0xFFFFFC00  }
0x615: {  	_ =	swait.ge [sflag:s14], $0x400  }
0x616: {  	[sflag:s14] =	ssyncset.done $0x0  }
0x617: {  	[sflag:s14] =	ssyncadd.s32 $0xFFFFFC00  }
0x618: {  	_ =	swait.ge [sflag:s14], $0x400  }
0x619: {  	[sflag:s14] =	ssyncset.done $0x0  }
0x61a: {  	[sflag:s14] =	ssyncadd.s32 $0xFFFFFC00  }
0x61b: {  	_ =	swait.ge [sflag:s14], $0x400  }
0x61c: {  	[sflag:s14] =	ssyncset.done $0x0  }
0x61d: {  	[sflag:s14] =	ssyncadd.s32 $0xFFFFFC00  }
0x61e: {  	_ =	swait.ge [sflag:s14], $0x400  }
0x61f: {  	[sflag:s14] =	ssyncset.done $0x0  }
0x620: {  	[sflag:s14] =	ssyncadd.s32 $0xFFFFFC00  }
0x621: {  	_ =	swait.ge [sflag:s14], $0x400  }
0x622: {  	[sflag:s14] =	ssyncset.done $0x0  }
0x623: {  	[sflag:s14] =	ssyncadd.s32 $0xFFFFFC00  }
0x624: {  	_ =	swait.ge [sflag:s14], $0x400  }
0x625: {  	[sflag:s14] =	ssyncset.done $0x0  }
0x626: {  	[sflag:s14] =	ssyncadd.s32 $0xFFFFFC00  }
0x627: {  	_ =	swait.ge [sflag:s14], $0x400  }
0x628: {  	[sflag:s14] =	ssyncset.done $0x0  }
0x629: {  	[sflag:s14] =	ssyncadd.s32 $0xFFFFFC00  }
0x62a: {  	_ =	swait.ge [sflag:s14], $0x400  }
0x62b: {  	[sflag:s14] =	ssyncset.done $0x0  }
0x62c: {  	[sflag:s14] =	ssyncadd.s32 $0xFFFFFC00  }
0x62d: {  	_ =	swait.ge [sflag:s14], $0x400  }
0x62e: {  	[sflag:s14] =	ssyncset.done $0x0  }
0x62f: {  	[sflag:s14] =	ssyncadd.s32 $0xFFFFFC00  }
0x630: {  	s21 =	simm.s32 $0x0;
	_ =	swait.ge [sflag:s18], $0x69A0  }
0x631: {  	s22 =	simm.s32 $0xD;
	s23 =	simm.s32 $0x5;
	[sflag:s18] =	ssyncset.done $0x0  }
0x632: {  	s24 =	simm.s32 $0x1091D;
	s25 =	simm.s32 $0x3920;
	[sflag:s18] =	ssyncadd.s32 $0xFFFF9660  }
.LBB2_78:
0x633: {  	s26 =	smul.u32 $0x34, s21;
	_ =	sdelay $0x1  }
0x634: {  	s26 =	sshra.s32 s26, $0x2  }
0x635: {  	v0 =	vld [tilespmem:s26+$0x3400];
	_ =	sdelay $0x2  }
0x636: {  	s30 =	sand.u32 $0x7, s23;
	s28 =	sand.u32 $0x3FFFFFF8, s22;
	s29 =	smul.u32 $0x34D, s21  }
0x637: {  	s26 =	sor.u32 s30, s28  }
0x638: {  	s26 =	sadd.s32 $0x10920, s26;
	[tilespmem:s29+$0x10910] =	vst v0  }
0x639: {  	v1 =	vmov s24;
	s28 =	simm.s32 $0x80;
	v0 =	vmov s26;
	s29 =	simm.s32 $0x0;
	s26 =	smov.u32 s25;
	v2 =	vld [tilespmem:s25+$0xFFFFFFF0]  }
.LBB2_79:
0x63a: {  	p0 =	sne.s32 s28, $0xC80;
	_ =	sdelay $0x2  }
0x63b: {  	s30 =	sshra.s32 s29, $0x2;
	s29 =	smov.u32 s28  }
0x63c: {  	[tilespmem:v1+s30+$0x0 ss:$0x1] =	vst.idx.msk $0xffff, v2  }
0x63d: {  	v2 =	vld [tilespmem:s26+$0x0];
	_ =	sdelay $0x1  }
.Ltmp38:
0x63e: {  	(pc) =	sbr.rel @p0 .LBB2_79-.Ltmp38, $3  }
0x63f: {  	_ =	sdelay $0x1  }
0x640: {  	s26 =	sadd.s32 $0x400, s26;
	[tilespmem:v0+s30+$0x0 ss:$0x1] =	vst.idx.msk $0xffff, v2  }
0x641: {  	s28 =	sadd.s32 $0x80, s28;
	v2 =	vld [tilespmem:s26+$0xFFFFFFF0]  }
0x642: {  	_ =	sdelay $0x2  }
0x643: {  	s28 =	sshra.s32 s29, $0x2  }
0x644: {  	s21 =	sadd.s32 $0x1, s21;
	[tilespmem:v1+s28+$0x0 ss:$0x1] =	vst.idx.msk $0xffff, v2  }
0x645: {  	p0 =	sne.s32 s21, $0x20;
	v1 =	vld [tilespmem:s26+$0x0]  }
.Ltmp39:
0x646: {  	_ = 	snop;
	(pc) =	sbr.rel @p0 .LBB2_78-.Ltmp39, $3  }
0x647: {  	_ =	sdelay $0x1  }
0x648: {  	s22 =	sadd.s32 $0x34D, s22  }
0x649: {  	s23 =	sadd.s32 $0x5, s23;
	s24 =	sadd.s32 $0x34D, s24;
	s25 =	sadd.s32 $0x20, s25;
	[tilespmem:v0+s28+$0x0 ss:$0x1] =	vst.idx.msk $0xffff, v1  }
0x64a: {  	[hbm4b:s31+s1] =	stream.linear.scatter [tilespmem:s15], [sflag:$0x6], $0x69A0, $0x38;
	[tilespmem:$0x1DC50] =	vst v63  }
0x64b: {  	s21 =	rddreg [dreg:$0x12]  }
0x64c: {  	[tilespmem:s8], [sflag:$0x1] =	stream.linear.gather [hbm4b:s21+s1], $0x1A0, $0x38;
	[tilespmem:$0x1DC50] =	vst v63  }
0x64d: {  	s22 =	simm.s32 $0xF00;
	s26 =	simm.s32 $0x1C0;
	_ =	swait.ge [sflag:s16], $0x1A0  }
0x64e: {  	s23 =	simm.s32 $0x3D10;
	s24 =	sadd.s32 $0x61A80, s4;
	[sflag:s16] =	ssyncset.done $0x0  }
0x64f: {  	s25 =	smov.u32 s4;
	s21 =	simm.s32 $0x3910;
	[sflag:s16] =	ssyncadd.s32 $0xFFFFFE60  }
.LBB2_82:
0x650: {  	[tilespmem:s21], [sflag:$0x4] =	stream.indirect.gather [hbm4b:s25+s11], $0x20, s26, s11, $0xb8;
	[tilespmem:$0x1DC50] =	vst v63  }
0x651: {  	s26 =	smov.u32 s22  }
0x652: {  	s21 =	smov.u32 s23;
	s25 =	smov.u32 s24;
	p0 =	sne.s32 s22, $0xCF00  }
.Ltmp40:
0x653: {  	s22 =	sadd.s32 $0x800, s22;
	(pc) =	sbr.rel @p0 .LBB2_82-.Ltmp40, $2  }
0x654: {  	_ =	sdelay $0x2  }
0x655: {  	s23 =	sadd.s32 $0x400, s23;
	s24 =	sadd.s32 $0x61A80, s24;
	s26 =	sshra.s32 s26, $0x2  }
0x656: {  	[tilespmem:s21], [sflag:$0x4] =	stream.indirect.gather [hbm4b:s25+s11], $0x20, s26, s11, $0xb8;
	[tilespmem:$0x1DC50] =	vst v63  }
0x657: {  	s21 =	simm.s32 $0x5  }
0x658: {  	_ =	swait.ge [sflag:s21], $0x400  }
0x659: {  	[sflag:s21] =	ssyncset.done $0x0  }
0x65a: {  	[sflag:s21] =	ssyncadd.s32 $0xFFFFFC00  }
0x65b: {  	_ =	swait.ge [sflag:s21], $0x400  }
0x65c: {  	[sflag:s21] =	ssyncset.done $0x0  }
0x65d: {  	[sflag:s21] =	ssyncadd.s32 $0xFFFFFC00  }
0x65e: {  	_ =	swait.ge [sflag:s21], $0x400  }
0x65f: {  	[sflag:s21] =	ssyncset.done $0x0  }
0x660: {  	[sflag:s21] =	ssyncadd.s32 $0xFFFFFC00  }
0x661: {  	_ =	swait.ge [sflag:s21], $0x400  }
0x662: {  	[sflag:s21] =	ssyncset.done $0x0  }
0x663: {  	[sflag:s21] =	ssyncadd.s32 $0xFFFFFC00  }
0x664: {  	_ =	swait.ge [sflag:s21], $0x400  }
0x665: {  	[sflag:s21] =	ssyncset.done $0x0  }
0x666: {  	[sflag:s21] =	ssyncadd.s32 $0xFFFFFC00  }
0x667: {  	_ =	swait.ge [sflag:s21], $0x400  }
0x668: {  	[sflag:s21] =	ssyncset.done $0x0  }
0x669: {  	[sflag:s21] =	ssyncadd.s32 $0xFFFFFC00  }
0x66a: {  	_ =	swait.ge [sflag:s21], $0x400  }
0x66b: {  	[sflag:s21] =	ssyncset.done $0x0  }
0x66c: {  	[sflag:s21] =	ssyncadd.s32 $0xFFFFFC00  }
0x66d: {  	_ =	swait.ge [sflag:s21], $0x400  }
0x66e: {  	[sflag:s21] =	ssyncset.done $0x0  }
0x66f: {  	[sflag:s21] =	ssyncadd.s32 $0xFFFFFC00  }
0x670: {  	_ =	swait.ge [sflag:s21], $0x400  }
0x671: {  	[sflag:s21] =	ssyncset.done $0x0  }
0x672: {  	[sflag:s21] =	ssyncadd.s32 $0xFFFFFC00  }
0x673: {  	_ =	swait.ge [sflag:s21], $0x400  }
0x674: {  	[sflag:s21] =	ssyncset.done $0x0  }
0x675: {  	[sflag:s21] =	ssyncadd.s32 $0xFFFFFC00  }
0x676: {  	_ =	swait.ge [sflag:s21], $0x400  }
0x677: {  	[sflag:s21] =	ssyncset.done $0x0  }
0x678: {  	[sflag:s21] =	ssyncadd.s32 $0xFFFFFC00  }
0x679: {  	_ =	swait.ge [sflag:s21], $0x400  }
0x67a: {  	[sflag:s21] =	ssyncset.done $0x0  }
0x67b: {  	[sflag:s21] =	ssyncadd.s32 $0xFFFFFC00  }
0x67c: {  	_ =	swait.ge [sflag:s21], $0x400  }
0x67d: {  	[sflag:s21] =	ssyncset.done $0x0  }
0x67e: {  	[sflag:s21] =	ssyncadd.s32 $0xFFFFFC00  }
0x67f: {  	_ =	swait.ge [sflag:s21], $0x400  }
0x680: {  	[sflag:s21] =	ssyncset.done $0x0  }
0x681: {  	[sflag:s21] =	ssyncadd.s32 $0xFFFFFC00  }
0x682: {  	_ =	swait.ge [sflag:s21], $0x400  }
0x683: {  	[sflag:s21] =	ssyncset.done $0x0  }
0x684: {  	[sflag:s21] =	ssyncadd.s32 $0xFFFFFC00  }
0x685: {  	_ =	swait.ge [sflag:s21], $0x400  }
0x686: {  	[sflag:s21] =	ssyncset.done $0x0  }
0x687: {  	[sflag:s21] =	ssyncadd.s32 $0xFFFFFC00  }
0x688: {  	_ =	swait.ge [sflag:s21], $0x400  }
0x689: {  	[sflag:s21] =	ssyncset.done $0x0  }
0x68a: {  	[sflag:s21] =	ssyncadd.s32 $0xFFFFFC00  }
0x68b: {  	_ =	swait.ge [sflag:s21], $0x400  }
0x68c: {  	[sflag:s21] =	ssyncset.done $0x0  }
0x68d: {  	[sflag:s21] =	ssyncadd.s32 $0xFFFFFC00  }
0x68e: {  	_ =	swait.ge [sflag:s21], $0x400  }
0x68f: {  	[sflag:s21] =	ssyncset.done $0x0  }
0x690: {  	[sflag:s21] =	ssyncadd.s32 $0xFFFFFC00  }
0x691: {  	_ =	swait.ge [sflag:s21], $0x400  }
0x692: {  	[sflag:s21] =	ssyncset.done $0x0  }
0x693: {  	[sflag:s21] =	ssyncadd.s32 $0xFFFFFC00  }
0x694: {  	_ =	swait.ge [sflag:s21], $0x400  }
0x695: {  	[sflag:s21] =	ssyncset.done $0x0  }
0x696: {  	[sflag:s21] =	ssyncadd.s32 $0xFFFFFC00  }
0x697: {  	_ =	swait.ge [sflag:s21], $0x400  }
0x698: {  	[sflag:s21] =	ssyncset.done $0x0  }
0x699: {  	[sflag:s21] =	ssyncadd.s32 $0xFFFFFC00  }
0x69a: {  	_ =	swait.ge [sflag:s21], $0x400  }
0x69b: {  	[sflag:s21] =	ssyncset.done $0x0  }
0x69c: {  	[sflag:s21] =	ssyncadd.s32 $0xFFFFFC00  }
0x69d: {  	_ =	swait.ge [sflag:s21], $0x400  }
0x69e: {  	[sflag:s21] =	ssyncset.done $0x0  }
0x69f: {  	[sflag:s21] =	ssyncadd.s32 $0xFFFFFC00  }
0x6a0: {  	_ =	swait.ge [sflag:s21], $0x400  }
0x6a1: {  	[sflag:s21] =	ssyncset.done $0x0  }
0x6a2: {  	[sflag:s21] =	ssyncadd.s32 $0xFFFFFC00  }
0x6a3: {  	_ =	swait.ge [sflag:s21], $0x400  }
0x6a4: {  	[sflag:s21] =	ssyncset.done $0x0  }
0x6a5: {  	[sflag:s21] =	ssyncadd.s32 $0xFFFFFC00  }
0x6a6: {  	_ =	swait.ge [sflag:s19], $0x69A0  }
0x6a7: {  	s22 =	simm.s32 $0x0;
	[sflag:s19] =	ssyncset.done $0x0  }
0x6a8: {  	s23 =	simm.s32 $0xD;
	s24 =	simm.s32 $0xA120;
	[sflag:s19] =	ssyncadd.s32 $0xFFFF9660  }
.LBB2_84:
0x6a9: {  	s25 =	smul.u32 $0xD, s22;
	_ =	sdelay $0x1  }
0x6aa: {  	s25 =	sand.u32 $0x1FF, s25  }
0x6ab: {  	v0 =	vld [tilespmem:s25+$0x35B0];
	_ =	sdelay $0x1  }
0x6ac: {  	s30 =	smul.u32 $0x34D, s22  }
0x6ad: {  	s26 =	sand.u32 $0x7, s21;
	s28 =	sand.u32 $0x3FFFFFF8, s23  }
0x6ae: {  	s26 =	sor.u32 s26, s28;
	s25 =	sand.u32 $0x7FFF, s30  }
0x6af: {  	s26 =	sadd.s32 $0x10910, s26;
	[tilespmem:s25+$0x172B0] =	vst v0  }
0x6b0: {  	s28 =	simm.s32 $0x0;
	v0 =	vmov s26;
	s26 =	simm.s32 $0x80;
	s25 =	smov.u32 s24;
	v1 =	vld [tilespmem:s24+$0xFFFFFFF0]  }
.LBB2_85:
0x6b1: {  	p0 =	sne.s32 s26, $0xC80;
	_ =	sdelay $0x2  }
0x6b2: {  	s29 =	sshra.s32 s28, $0x2;
	s28 =	smov.u32 s26  }
0x6b3: {  	[tilespmem:v0+s29+$0x69A0 ss:$0x1] =	vst.idx.msk $0xffff, v1  }
0x6b4: {  	v1 =	vld [tilespmem:s25+$0x0];
	_ =	sdelay $0x1  }
.Ltmp41:
0x6b5: {  	(pc) =	sbr.rel @p0 .LBB2_85-.Ltmp41, $3  }
0x6b6: {  	_ =	sdelay $0x1  }
0x6b7: {  	s25 =	sadd.s32 $0x400, s25;
	[tilespmem:v0+s29+$0x69B0 ss:$0x1] =	vst.idx.msk $0xffff, v1  }
0x6b8: {  	s26 =	sadd.s32 $0x80, s26;
	v1 =	vld [tilespmem:s25+$0xFFFFFFF0]  }
0x6b9: {  	_ =	sdelay $0x2  }
0x6ba: {  	s26 =	sshra.s32 s28, $0x2  }
0x6bb: {  	s22 =	sadd.s32 $0x1, s22;
	[tilespmem:v0+s26+$0x69A0 ss:$0x1] =	vst.idx.msk $0xffff, v1  }
0x6bc: {  	p0 =	sne.s32 s22, $0x20;
	v1 =	vld [tilespmem:s25+$0x0]  }
.Ltmp42:
0x6bd: {  	_ = 	snop;
	(pc) =	sbr.rel @p0 .LBB2_84-.Ltmp42, $2  }
0x6be: {  	_ =	sdelay $0x2  }
0x6bf: {  	s23 =	sadd.s32 $0x34D, s23;
	s21 =	sadd.s32 $0x5, s21;
	s24 =	sadd.s32 $0x20, s24;
	[tilespmem:v0+s26+$0x69B0 ss:$0x1] =	vst.idx.msk $0xffff, v1  }
0x6c0: {  	[hbm4b:s0+s1] =	stream.linear.scatter [tilespmem:s17], [sflag:$0x7], $0x69A0, $0x38;
	[tilespmem:$0x1DC50] =	vst v63  }
0x6c1: {  	s21 =	simm.s32 $0xA110;
	s22 =	simm.s32 $0xF80;
	_ =	swait.ge [sflag:s10], $0x1A0  }
0x6c2: {  	s26 =	simm.s32 $0x1E0;
	s23 =	simm.s32 $0xA510;
	[sflag:s10] =	ssyncset.done $0x0  }
0x6c3: {  	s24 =	sadd.s32 $0x61A80, s4;
	s25 =	smov.u32 s4;
	[sflag:s10] =	ssyncadd.s32 $0xFFFFFE60  }
.LBB2_88:
0x6c4: {  	[tilespmem:s21], [sflag:$0x5] =	stream.indirect.gather [hbm4b:s25+s11], $0x20, s26, s11, $0xb8;
	[tilespmem:$0x1DC50] =	vst v63  }
0x6c5: {  	s26 =	smov.u32 s22  }
0x6c6: {  	s21 =	smov.u32 s23;
	s25 =	smov.u32 s24;
	p0 =	sne.s32 s22, $0xCF80  }
.Ltmp43:
0x6c7: {  	s22 =	sadd.s32 $0x800, s22;
	(pc) =	sbr.rel @p0 .LBB2_88-.Ltmp43, $2  }
0x6c8: {  	_ =	sdelay $0x2  }
0x6c9: {  	s23 =	sadd.s32 $0x400, s23;
	s24 =	sadd.s32 $0x61A80, s24;
	s26 =	sshra.s32 s26, $0x2  }
0x6ca: {  	[tilespmem:s21], [sflag:$0x5] =	stream.indirect.gather [hbm4b:s25+s11], $0x20, s26, s11, $0xb8;
	[tilespmem:$0x1DC50] =	vst v63  }
0x6cb: {  	_ =	swait.ge [sflag:s14], $0x400  }
0x6cc: {  	[sflag:s14] =	ssyncset.done $0x0  }
0x6cd: {  	[sflag:s14] =	ssyncadd.s32 $0xFFFFFC00  }
0x6ce: {  	_ =	swait.ge [sflag:s14], $0x400  }
0x6cf: {  	[sflag:s14] =	ssyncset.done $0x0  }
0x6d0: {  	[sflag:s14] =	ssyncadd.s32 $0xFFFFFC00  }
0x6d1: {  	_ =	swait.ge [sflag:s14], $0x400  }
0x6d2: {  	[sflag:s14] =	ssyncset.done $0x0  }
0x6d3: {  	[sflag:s14] =	ssyncadd.s32 $0xFFFFFC00  }
0x6d4: {  	_ =	swait.ge [sflag:s14], $0x400  }
0x6d5: {  	[sflag:s14] =	ssyncset.done $0x0  }
0x6d6: {  	[sflag:s14] =	ssyncadd.s32 $0xFFFFFC00  }
0x6d7: {  	_ =	swait.ge [sflag:s14], $0x400  }
0x6d8: {  	[sflag:s14] =	ssyncset.done $0x0  }
0x6d9: {  	[sflag:s14] =	ssyncadd.s32 $0xFFFFFC00  }
0x6da: {  	_ =	swait.ge [sflag:s14], $0x400  }
0x6db: {  	[sflag:s14] =	ssyncset.done $0x0  }
0x6dc: {  	[sflag:s14] =	ssyncadd.s32 $0xFFFFFC00  }
0x6dd: {  	_ =	swait.ge [sflag:s14], $0x400  }
0x6de: {  	[sflag:s14] =	ssyncset.done $0x0  }
0x6df: {  	[sflag:s14] =	ssyncadd.s32 $0xFFFFFC00  }
0x6e0: {  	_ =	swait.ge [sflag:s14], $0x400  }
0x6e1: {  	[sflag:s14] =	ssyncset.done $0x0  }
0x6e2: {  	[sflag:s14] =	ssyncadd.s32 $0xFFFFFC00  }
0x6e3: {  	_ =	swait.ge [sflag:s14], $0x400  }
0x6e4: {  	[sflag:s14] =	ssyncset.done $0x0  }
0x6e5: {  	[sflag:s14] =	ssyncadd.s32 $0xFFFFFC00  }
0x6e6: {  	_ =	swait.ge [sflag:s14], $0x400  }
0x6e7: {  	[sflag:s14] =	ssyncset.done $0x0  }
0x6e8: {  	[sflag:s14] =	ssyncadd.s32 $0xFFFFFC00  }
0x6e9: {  	_ =	swait.ge [sflag:s14], $0x400  }
0x6ea: {  	[sflag:s14] =	ssyncset.done $0x0  }
0x6eb: {  	[sflag:s14] =	ssyncadd.s32 $0xFFFFFC00  }
0x6ec: {  	_ =	swait.ge [sflag:s14], $0x400  }
0x6ed: {  	[sflag:s14] =	ssyncset.done $0x0  }
0x6ee: {  	[sflag:s14] =	ssyncadd.s32 $0xFFFFFC00  }
0x6ef: {  	_ =	swait.ge [sflag:s14], $0x400  }
0x6f0: {  	[sflag:s14] =	ssyncset.done $0x0  }
0x6f1: {  	[sflag:s14] =	ssyncadd.s32 $0xFFFFFC00  }
0x6f2: {  	_ =	swait.ge [sflag:s14], $0x400  }
0x6f3: {  	[sflag:s14] =	ssyncset.done $0x0  }
0x6f4: {  	[sflag:s14] =	ssyncadd.s32 $0xFFFFFC00  }
0x6f5: {  	_ =	swait.ge [sflag:s14], $0x400  }
0x6f6: {  	[sflag:s14] =	ssyncset.done $0x0  }
0x6f7: {  	[sflag:s14] =	ssyncadd.s32 $0xFFFFFC00  }
0x6f8: {  	_ =	swait.ge [sflag:s14], $0x400  }
0x6f9: {  	[sflag:s14] =	ssyncset.done $0x0  }
0x6fa: {  	[sflag:s14] =	ssyncadd.s32 $0xFFFFFC00  }
0x6fb: {  	_ =	swait.ge [sflag:s14], $0x400  }
0x6fc: {  	[sflag:s14] =	ssyncset.done $0x0  }
0x6fd: {  	[sflag:s14] =	ssyncadd.s32 $0xFFFFFC00  }
0x6fe: {  	_ =	swait.ge [sflag:s14], $0x400  }
0x6ff: {  	[sflag:s14] =	ssyncset.done $0x0  }
0x700: {  	[sflag:s14] =	ssyncadd.s32 $0xFFFFFC00  }
0x701: {  	_ =	swait.ge [sflag:s14], $0x400  }
0x702: {  	[sflag:s14] =	ssyncset.done $0x0  }
0x703: {  	[sflag:s14] =	ssyncadd.s32 $0xFFFFFC00  }
0x704: {  	_ =	swait.ge [sflag:s14], $0x400  }
0x705: {  	[sflag:s14] =	ssyncset.done $0x0  }
0x706: {  	[sflag:s14] =	ssyncadd.s32 $0xFFFFFC00  }
0x707: {  	_ =	swait.ge [sflag:s14], $0x400  }
0x708: {  	[sflag:s14] =	ssyncset.done $0x0  }
0x709: {  	[sflag:s14] =	ssyncadd.s32 $0xFFFFFC00  }
0x70a: {  	_ =	swait.ge [sflag:s14], $0x400  }
0x70b: {  	[sflag:s14] =	ssyncset.done $0x0  }
0x70c: {  	[sflag:s14] =	ssyncadd.s32 $0xFFFFFC00  }
0x70d: {  	_ =	swait.ge [sflag:s14], $0x400  }
0x70e: {  	[sflag:s14] =	ssyncset.done $0x0  }
0x70f: {  	[sflag:s14] =	ssyncadd.s32 $0xFFFFFC00  }
0x710: {  	_ =	swait.ge [sflag:s14], $0x400  }
0x711: {  	[sflag:s14] =	ssyncset.done $0x0  }
0x712: {  	[sflag:s14] =	ssyncadd.s32 $0xFFFFFC00  }
0x713: {  	_ =	swait.ge [sflag:s14], $0x400  }
0x714: {  	[sflag:s14] =	ssyncset.done $0x0  }
0x715: {  	[sflag:s14] =	ssyncadd.s32 $0xFFFFFC00  }
0x716: {  	_ =	swait.ge [sflag:s14], $0x400  }
0x717: {  	[sflag:s14] =	ssyncset.done $0x0  }
0x718: {  	[sflag:s14] =	ssyncadd.s32 $0xFFFFFC00  }
0x719: {  	s21 =	simm.s32 $0x0;
	_ =	swait.ge [sflag:s18], $0x69A0  }
0x71a: {  	s22 =	simm.s32 $0xD;
	s23 =	simm.s32 $0x5;
	[sflag:s18] =	ssyncset.done $0x0  }
0x71b: {  	s24 =	simm.s32 $0x1091D;
	s25 =	simm.s32 $0x3920;
	[sflag:s18] =	ssyncadd.s32 $0xFFFF9660  }
.LBB2_90:
0x71c: {  	s26 =	smul.u32 $0xD, s21;
	_ =	sdelay $0x1  }
0x71d: {  	s26 =	sand.u32 $0x1FF, s26  }
0x71e: {  	v0 =	vld [tilespmem:s26+$0x3760];
	_ =	sdelay $0x2  }
0x71f: {  	s30 =	sand.u32 $0x7, s23;
	s28 =	sand.u32 $0x3FFFFFF8, s22;
	s29 =	smul.u32 $0x34D, s21  }
0x720: {  	s26 =	sor.u32 s30, s28  }
0x721: {  	s26 =	sadd.s32 $0x10920, s26;
	[tilespmem:s29+$0x10910] =	vst v0  }
0x722: {  	v1 =	vmov s24;
	s28 =	simm.s32 $0x80;
	v0 =	vmov s26;
	s29 =	simm.s32 $0x0;
	s26 =	smov.u32 s25;
	v2 =	vld [tilespmem:s25+$0xFFFFFFF0]  }
.LBB2_91:
0x723: {  	p0 =	sne.s32 s28, $0xC80;
	_ =	sdelay $0x2  }
0x724: {  	s30 =	sshra.s32 s29, $0x2;
	s29 =	smov.u32 s28  }
0x725: {  	[tilespmem:v1+s30+$0x0 ss:$0x1] =	vst.idx.msk $0xffff, v2  }
0x726: {  	v2 =	vld [tilespmem:s26+$0x0];
	_ =	sdelay $0x1  }
.Ltmp44:
0x727: {  	(pc) =	sbr.rel @p0 .LBB2_91-.Ltmp44, $3  }
0x728: {  	_ =	sdelay $0x1  }
0x729: {  	s26 =	sadd.s32 $0x400, s26;
	[tilespmem:v0+s30+$0x0 ss:$0x1] =	vst.idx.msk $0xffff, v2  }
0x72a: {  	s28 =	sadd.s32 $0x80, s28;
	v2 =	vld [tilespmem:s26+$0xFFFFFFF0]  }
0x72b: {  	_ =	sdelay $0x2  }
0x72c: {  	s28 =	sshra.s32 s29, $0x2  }
0x72d: {  	s21 =	sadd.s32 $0x1, s21;
	[tilespmem:v1+s28+$0x0 ss:$0x1] =	vst.idx.msk $0xffff, v2  }
0x72e: {  	p0 =	sne.s32 s21, $0x20;
	v1 =	vld [tilespmem:s26+$0x0]  }
.Ltmp45:
0x72f: {  	_ = 	snop;
	(pc) =	sbr.rel @p0 .LBB2_90-.Ltmp45, $3  }
0x730: {  	_ =	sdelay $0x1  }
0x731: {  	s22 =	sadd.s32 $0x34D, s22  }
0x732: {  	s23 =	sadd.s32 $0x5, s23;
	s24 =	sadd.s32 $0x34D, s24;
	s25 =	sadd.s32 $0x20, s25;
	[tilespmem:v0+s28+$0x0 ss:$0x1] =	vst.idx.msk $0xffff, v1  }
0x733: {  	s21 =	simm.s32 $0x0;
	s22 =	simm.s32 $0x5  }
0x734: {  	[hbm4b:s2+s21] =	stream.linear.scatter [tilespmem:s15], [sflag:$0x6], $0x69A0, $0x38;
	[tilespmem:$0x1DC50] =	vst v63  }
0x735: {  	_ =	swait.ge [sflag:s22], $0x400  }
0x736: {  	[sflag:s22] =	ssyncset.done $0x0  }
0x737: {  	[sflag:s22] =	ssyncadd.s32 $0xFFFFFC00  }
0x738: {  	_ =	swait.ge [sflag:s22], $0x400  }
0x739: {  	[sflag:s22] =	ssyncset.done $0x0  }
0x73a: {  	[sflag:s22] =	ssyncadd.s32 $0xFFFFFC00  }
0x73b: {  	_ =	swait.ge [sflag:s22], $0x400  }
0x73c: {  	[sflag:s22] =	ssyncset.done $0x0  }
0x73d: {  	[sflag:s22] =	ssyncadd.s32 $0xFFFFFC00  }
0x73e: {  	_ =	swait.ge [sflag:s22], $0x400  }
0x73f: {  	[sflag:s22] =	ssyncset.done $0x0  }
0x740: {  	[sflag:s22] =	ssyncadd.s32 $0xFFFFFC00  }
0x741: {  	_ =	swait.ge [sflag:s22], $0x400  }
0x742: {  	[sflag:s22] =	ssyncset.done $0x0  }
0x743: {  	[sflag:s22] =	ssyncadd.s32 $0xFFFFFC00  }
0x744: {  	_ =	swait.ge [sflag:s22], $0x400  }
0x745: {  	[sflag:s22] =	ssyncset.done $0x0  }
0x746: {  	[sflag:s22] =	ssyncadd.s32 $0xFFFFFC00  }
0x747: {  	_ =	swait.ge [sflag:s22], $0x400  }
0x748: {  	[sflag:s22] =	ssyncset.done $0x0  }
0x749: {  	[sflag:s22] =	ssyncadd.s32 $0xFFFFFC00  }
0x74a: {  	_ =	swait.ge [sflag:s22], $0x400  }
0x74b: {  	[sflag:s22] =	ssyncset.done $0x0  }
0x74c: {  	[sflag:s22] =	ssyncadd.s32 $0xFFFFFC00  }
0x74d: {  	_ =	swait.ge [sflag:s22], $0x400  }
0x74e: {  	[sflag:s22] =	ssyncset.done $0x0  }
0x74f: {  	[sflag:s22] =	ssyncadd.s32 $0xFFFFFC00  }
0x750: {  	_ =	swait.ge [sflag:s22], $0x400  }
0x751: {  	[sflag:s22] =	ssyncset.done $0x0  }
0x752: {  	[sflag:s22] =	ssyncadd.s32 $0xFFFFFC00  }
0x753: {  	_ =	swait.ge [sflag:s22], $0x400  }
0x754: {  	[sflag:s22] =	ssyncset.done $0x0  }
0x755: {  	[sflag:s22] =	ssyncadd.s32 $0xFFFFFC00  }
0x756: {  	_ =	swait.ge [sflag:s22], $0x400  }
0x757: {  	[sflag:s22] =	ssyncset.done $0x0  }
0x758: {  	[sflag:s22] =	ssyncadd.s32 $0xFFFFFC00  }
0x759: {  	_ =	swait.ge [sflag:s22], $0x400  }
0x75a: {  	[sflag:s22] =	ssyncset.done $0x0  }
0x75b: {  	[sflag:s22] =	ssyncadd.s32 $0xFFFFFC00  }
0x75c: {  	_ =	swait.ge [sflag:s22], $0x400  }
0x75d: {  	[sflag:s22] =	ssyncset.done $0x0  }
0x75e: {  	[sflag:s22] =	ssyncadd.s32 $0xFFFFFC00  }
0x75f: {  	_ =	swait.ge [sflag:s22], $0x400  }
0x760: {  	[sflag:s22] =	ssyncset.done $0x0  }
0x761: {  	[sflag:s22] =	ssyncadd.s32 $0xFFFFFC00  }
0x762: {  	_ =	swait.ge [sflag:s22], $0x400  }
0x763: {  	[sflag:s22] =	ssyncset.done $0x0  }
0x764: {  	[sflag:s22] =	ssyncadd.s32 $0xFFFFFC00  }
0x765: {  	_ =	swait.ge [sflag:s22], $0x400  }
0x766: {  	[sflag:s22] =	ssyncset.done $0x0  }
0x767: {  	[sflag:s22] =	ssyncadd.s32 $0xFFFFFC00  }
0x768: {  	_ =	swait.ge [sflag:s22], $0x400  }
0x769: {  	[sflag:s22] =	ssyncset.done $0x0  }
0x76a: {  	[sflag:s22] =	ssyncadd.s32 $0xFFFFFC00  }
0x76b: {  	_ =	swait.ge [sflag:s22], $0x400  }
0x76c: {  	[sflag:s22] =	ssyncset.done $0x0  }
0x76d: {  	[sflag:s22] =	ssyncadd.s32 $0xFFFFFC00  }
0x76e: {  	_ =	swait.ge [sflag:s22], $0x400  }
0x76f: {  	[sflag:s22] =	ssyncset.done $0x0  }
0x770: {  	[sflag:s22] =	ssyncadd.s32 $0xFFFFFC00  }
0x771: {  	_ =	swait.ge [sflag:s22], $0x400  }
0x772: {  	[sflag:s22] =	ssyncset.done $0x0  }
0x773: {  	[sflag:s22] =	ssyncadd.s32 $0xFFFFFC00  }
0x774: {  	_ =	swait.ge [sflag:s22], $0x400  }
0x775: {  	[sflag:s22] =	ssyncset.done $0x0  }
0x776: {  	[sflag:s22] =	ssyncadd.s32 $0xFFFFFC00  }
0x777: {  	_ =	swait.ge [sflag:s22], $0x400  }
0x778: {  	[sflag:s22] =	ssyncset.done $0x0  }
0x779: {  	[sflag:s22] =	ssyncadd.s32 $0xFFFFFC00  }
0x77a: {  	_ =	swait.ge [sflag:s22], $0x400  }
0x77b: {  	[sflag:s22] =	ssyncset.done $0x0  }
0x77c: {  	[sflag:s22] =	ssyncadd.s32 $0xFFFFFC00  }
0x77d: {  	_ =	swait.ge [sflag:s22], $0x400  }
0x77e: {  	[sflag:s22] =	ssyncset.done $0x0  }
0x77f: {  	[sflag:s22] =	ssyncadd.s32 $0xFFFFFC00  }
0x780: {  	_ =	swait.ge [sflag:s22], $0x400  }
0x781: {  	[sflag:s22] =	ssyncset.done $0x0  }
0x782: {  	[sflag:s22] =	ssyncadd.s32 $0xFFFFFC00  }
0x783: {  	_ =	swait.ge [sflag:s19], $0x69A0  }
0x784: {  	[sflag:s19] =	ssyncset.done $0x0  }
0x785: {  	s23 =	simm.s32 $0xD;
	s24 =	simm.s32 $0xA120;
	[sflag:s19] =	ssyncadd.s32 $0xFFFF9660  }
.LBB2_94:
0x786: {  	s25 =	smul.u32 $0x34, s21;
	_ =	sdelay $0x1  }
0x787: {  	s25 =	sshra.s32 s25, $0x2  }
0x788: {  	v0 =	vld [tilespmem:s25+$0x3400];
	_ =	sdelay $0x1  }
0x789: {  	s30 =	smul.u32 $0x34D, s21  }
0x78a: {  	s26 =	sand.u32 $0x7, s22;
	s28 =	sand.u32 $0x3FFFFFF8, s23  }
0x78b: {  	s26 =	sor.u32 s26, s28;
	s25 =	sand.u32 $0x7FFF, s30  }
0x78c: {  	s26 =	sadd.s32 $0x10910, s26;
	[tilespmem:s25+$0x172B0] =	vst v0  }
0x78d: {  	s28 =	simm.s32 $0x0;
	v0 =	vmov s26;
	s26 =	simm.s32 $0x80;
	s25 =	smov.u32 s24;
	v1 =	vld [tilespmem:s24+$0xFFFFFFF0]  }
.LBB2_95:
0x78e: {  	p0 =	sne.s32 s26, $0xC80;
	_ =	sdelay $0x2  }
0x78f: {  	s29 =	sshra.s32 s28, $0x2;
	s28 =	smov.u32 s26  }
0x790: {  	[tilespmem:v0+s29+$0x69A0 ss:$0x1] =	vst.idx.msk $0xffff, v1  }
0x791: {  	v1 =	vld [tilespmem:s25+$0x0];
	_ =	sdelay $0x1  }
.Ltmp46:
0x792: {  	(pc) =	sbr.rel @p0 .LBB2_95-.Ltmp46, $3  }
0x793: {  	_ =	sdelay $0x1  }
0x794: {  	s25 =	sadd.s32 $0x400, s25;
	[tilespmem:v0+s29+$0x69B0 ss:$0x1] =	vst.idx.msk $0xffff, v1  }
0x795: {  	s26 =	sadd.s32 $0x80, s26;
	v1 =	vld [tilespmem:s25+$0xFFFFFFF0]  }
0x796: {  	_ =	sdelay $0x2  }
0x797: {  	s26 =	sshra.s32 s28, $0x2  }
0x798: {  	s21 =	sadd.s32 $0x1, s21;
	[tilespmem:v0+s26+$0x69A0 ss:$0x1] =	vst.idx.msk $0xffff, v1  }
0x799: {  	p0 =	sne.s32 s21, $0x20;
	v1 =	vld [tilespmem:s25+$0x0]  }
.Ltmp47:
0x79a: {  	_ = 	snop;
	(pc) =	sbr.rel @p0 .LBB2_94-.Ltmp47, $2  }
0x79b: {  	_ =	sdelay $0x2  }
0x79c: {  	s23 =	sadd.s32 $0x34D, s23;
	s22 =	sadd.s32 $0x5, s22;
	s24 =	sadd.s32 $0x20, s24;
	[tilespmem:v0+s26+$0x69B0 ss:$0x1] =	vst.idx.msk $0xffff, v1  }
0x79d: {  	[hbm4b:s3+s1] =	stream.linear.scatter [tilespmem:s17], [sflag:$0x7], $0x69A0, $0x38;
	[tilespmem:$0x1DC50] =	vst v63  }
0x79e: {  	s20 =	sadd.s32 $0x1, s20  }
0x79f: {  	_ =	swait.ge [sflag:s18], $0x69A0;
	p0 =	sne.s32 s20, s6  }
.Ltmp48:
0x7a0: {  	[sflag:s18] =	ssyncset.done $0x0;
	(pc) =	sbr.rel @p0 .LBB2_1-.Ltmp48, $4  }
0x7a1: {  	[sflag:s18] =	ssyncadd.s32 $0xFFFF9660  }
0x7a2: {  	_ =	swait.ge [sflag:s19], $0x69A0  }
0x7a3: {  	[sflag:s19] =	ssyncset.done $0x0  }
0x7a4: {  	[sflag:s19] =	ssyncadd.s32 $0xFFFF9660  }
0x7a5: {  	_ =	sfence.sel $0x180000  }
0x7a6: {  	[bflag:$0x0] =	sbarrier.arrive $0xFFFF  }
0x7a7: {  	_ =	strace $0x90000047  }
0x7a8: {  	s0 =	stileid.u32;
	[bflag:$0x2] =	sbarrier.arrive $0xFFFF  }
0x7a9: {  	p0 =	sne.s32 s0, $0x0;
	s0 =	rddreg [dreg:$0x2]  }
0x7aa: {  	s0 =	sadd.s32 @!p0 $0x100000, s0  }
0x7ab: {  	[sflag:s0] =	ssyncadd.tile.s32 @!p0 $0x1;
	_ =	shalt  }
.Lfunc_end2:
_tile_overlayer_lowered:
.L_overlay_start_2:
0x7ac: {  	(tag) =	ssettag $0x2  }
0x7ad: {  	s0 =	rddreg [dreg:$0x0];
	s2 =	stileid.u32  }
0x7ae: {  	s1 =	rddreg [dreg:$0x1];
	p0 =	sne.s32 s2, $0x0  }
0x7af: {  	s3 =	rddreg [dreg:$0x2];
	[bflag:$0x3] =	sbarrier.arrive $0xFFFF;
	s2 =	simm.s32 @!p0 $0x1C08  }
0x7b0: {  	[timem:s3], [sflag:s2] =	dma.local @!p0 [hbm:s0], s1  }
0x7b1: {  	s0 =	simm.s32 @!p0 $0x8  }
0x7b2: {  	_ =	swait.ge @!p0 [sflag:s0], s1  }
0x7b3: {  	s1 =	ssub.s32 @!p0 $0x0, s1;
	[sflag:s0] =	ssyncset.done @!p0 $0x0  }
0x7b4: {  	[sflag:s0] =	ssyncadd.s32 @!p0 s1  }
0x7b5: {  	[bflag:$0x3] =	sbarrier.arrive $0xFFFF  }
0x7b6: {  	_ =	shalt  }

// kernel: sparse-core-data-format-call.cloned.1.call-start
scs
called_computation_lowered:
.L_overlay_start_0:
0x0: {  	s2 =	sld [smem:$0x3FD9]  }
0x1: {  	s3 =	sld [smem:$0x3FFE];
	_ =	sdelay $0x1  }
0x2: {  	s1 =	srdreg.scid  }
0x3: {  	s0 =	sand.u32 $0x1, s1  }
0x4: {  	s18 =	sshll.u32 s0, $0xA;
	s2 =	sadd.s32 s3, s2  }
0x5: {  	s2 =	sadd.s32 s2, s18  }
0x6: {  	[smem:$0x3FC5] =	sst s2  }
0x7: {  	_ = 	snop  }
0x8: {  	s2 =	sld [smem:$0x3FD0];
	(tm) =	ssettm $0x1  }
0x9: {  	s19 =	sld [smem:$0x3FFB];
	_ =	sdelay $0x3  }
0xa: {  	_ =	strace s19  }
0xb: {  	s3 =	sld [smem:$0x3FFC];
	_ =	sdelay $0x3  }
0xc: {  	_ =	strace s3  }
0xd: {  	s3 =	sld [smem:$0x3FFD];
	_ =	sdelay $0x3  }
0xe: {  	_ =	strace s3  }
0xf: {  	_ =	strace $0x8FFFFFFF  }
0x10: {  	s20 =	sld [smem:$0x3FDB];
	_ =	sdelay $0x1  }
0x11: {  	s4 =	simm.s32 $_scs_section_size  }
0x12: {  	s5 =	simm.s32 $_size__tile_overlayer_lowered;
	s6 =	simm.s32 $_tile_overlayer_lowered  }
0x13: {  	s23 =	simm.s32 $0x1BFF;
	s22 =	sshll.u32 s6, $0x1;
	s3 =	sadd.s32 s4, s20  }
0x14: {  	s7 =	simm.s32 $0x0;
	s21 =	sshll.u32 s5, $0x1;
	s5 =	sadd.s32 s22, s3  }
0x15: {  	[timem:s7], [sflag:s23] =	dma.local [hbm:s5], s21  }
0x16: {  	_ =	swait.ge [sflag:s23], s21  }
0x17: {  	s4 =	ssub.s32 $0x0, s21;
	[sflag:s23] =	ssyncset.done $0x0  }
0x18: {  	[sflag:s23] =	ssyncadd.s32 s4;
	_ =	sdelay $0x1  }
0x19: {  	s24 =	simm.s32 $0x1B8B  }
0x1a: {  	_ =	swait.ge [sflag:s24], $0x1  }
0x1b: {  	[sflag:s24] =	ssyncset.done $0x0  }
0x1c: {  	s26 =	simm.s32 $0x1B8E;
	s25 =	sld [smem:$0x3FFE];
	[sflag:s24] =	ssyncadd.s32 $0xFFFFFFFF  }
0x1d: {  	s27 =	simm.s32 $execute0_lowered;
	[smem:$0x3FD2] =	sst s26  }
0x1e: {  	s5 =	sshll.u32 s27, $0x1;
	_ =	strace $0x80000049;
	[dreg:$0x1] =	wrdreg $0xFFFFFFFF  }
0x1f: {  	s28 =	simm.s32 $_size_execute0_lowered;
	s3 =	sadd.s32 s3, s5;
	[dreg:$0x0] =	wrdreg $0x0  }
0x20: {  	s5 =	sshll.u32 s28, $0x1;
	[dreg:$0x2] =	wrdreg s3  }
0x21: {  	[dreg:$0x3] =	wrdreg s5  }
0x22: {  	[dreg:$0x4] =	wrdreg $0xC0  }
0x23: {  	_ =	task [dreg:s7], $0x5FFFF  }
0x24: {  	[dreg:$0x1] =	wrdreg $0xFFFFFFFF  }
0x25: {  	[dreg:$0x0] =	wrdreg $0x60  }
0x26: {  	[dreg:$0x2] =	wrdreg s25  }
0x27: {  	[dreg:$0x3] =	wrdreg s2  }
0x28: {  	[dreg:$0x4] =	wrdreg $0x9  }
0x29: {  	_ =	task.clear_ibuf [dreg:s7], $0x5FFFF;
	_ =	strace $0x90000049  }
0x2a: {  	s29 =	simm.s32 $0x9;
	_ =	strace $0x8000004B  }
0x2b: {  	_ =	swait.ge [sflag:s29], $0x1  }
0x2c: {  	[sflag:s29] =	ssyncadd.s32 $0xFFFFFFFF  }
0x2d: {  	_ =	strace $0x9000004B  }
0x2e: {  	_ =	sfence  }
0x2f: {  	s30 =	sld [smem:$0x0];
	_ =	sdelay $0x2  }
0x30: {  	s31 =	sshll.u32 s1, $0xD;
	s1 =	sshrl.u32 s1, $0x2  }
0x31: {  	s3 =	sand.u32 $0x4000, s31;
	s1 =	sadd.s32 s1, s30  }
0x32: {  	s0 =	sor.u32 s3, s0;
	s1 =	sshll.u32 s1, $0x11  }
0x33: {  	s0 =	sor.u32 s1, s0  }
0x34: {  	s0 =	sadd.s32 $0x8F2B, s0  }
0x35: {  	[sflag:s0] =	ssyncadd.remote.s32 $0x1  }
0x36: {  	_ =	sfence.sel $0xFFFF  }
0x37: {  	[dreg:$0x0] =	wrdreg $0xFFFFFFFF;
	(pc) =	sbr.abs _section_cstart, $3  }
0x38: {  	[dreg:$0x1] =	wrdreg $0xFFFFFFFF  }
0x39: {  	_ =	task.clear_ibuf [dreg:s7], $0x2FFFF;
	_ =	strace $0x9FFFFFFF  }
0x3a: {  	(tm) =	ssettm $0x7FFFFFFF  }
0x3b: {  	_ =	shalt  }
tec
execute0_lowered:
.L_overlay_start_1:
0x0: {  	(tag) =	ssettag $0x1  }
0x1: {  	s0 =	srdreg.scid  }
0x2: {  	s1 =	sshll.u32 s0, $0x4  }
0x3: {  	s6 =	rddreg [dreg:$0x0];
	s0 =	stileid.u32;
	s1 =	sand.u32 $0x10, s1  }
0x4: {  	s3 =	rddreg [dreg:$0x1];
	s1 =	sor.u32 s0, s1  }
0x5: {  	s5 =	simm.s32 $0x1;
	s31 =	simm.s32 $0x2;
	s2 =	sshll.u32 s1, $0x7  }
0x6: {  	s15 =	simm.s32 $0x0;
	s8 =	simm.s32 $0x20000;
	s4 =	ssub.s32 $0x4000, s2  }
0x7: {  	s14 =	simm.s32 $0x0;
	s9 =	simm.s32 $0x0;
	s30 =	sand.u32 $0xF80, s4  }
0x8: {  	s10 =	simm.s32 $0x0;
	s11 =	simm.s32 $0x0;
	p0 =	sne.s32 s30, $0x0  }
.Ltmp0:
0x9: {  	s7 =	sshrl.u32 s4, $0xC;
	s5 =	simm.s32 @!p0 $0x0;
	(pc) =	sbr.rel .LBB1_1-.Ltmp0, $4  }
0xa: {  	s13 =	simm.s32 $0x0;
	s1 =	rddreg [dreg:$0x2];
	s5 =	sadd.s32 s5, s7  }
0xb: {  	_ =	strace $0x8000004A;
	s4 =	simm.s32 $0x1;
	s5 =	smul.u32 $0x7, s5  }
0xc: {  	s6 =	sadd.s32 $0xC00, s6;
	s12 =	smov.u32 s2;
	[sflag:s4] =	ssyncpa.u1 $0x0  }
0xd: {  	[sflag:s31] =	ssyncpa.u1 $0x0;
	p0 =	por $0x0, $0x0;
	s7 =	sadd.s32 $0x1, s5  }
.LBB1_4:
0xe: {  	s20 =	sshra.s32 s20, $0x2  }
0xf: {  	s28 =	sand.u32 $0x78, s10;
	s21 =	sshll.u32 s9, $0xE;
	s22 =	sshll.u32 s10, $0x3  }
0x10: {  	s24 =	sshll.u32 s9, $0x7;
	p1 =	sgt.s32 s9, $0x2D0;
	s30 =	sshra.s32 s9, $0x1F  }
0x11: {  	s26 =	sshra.s32 s10, $0x1F;
	s19 =	sadd.s32 s20, s19;
	s21 =	sand.u32 $0xFFFE0000, s21  }
0x12: {  	v5 =	vld [tilespmem:s17+$0xFFFFFFD0];
	[tilespmem:s18+$0x2040 ss:$0x81] =	vst.msk $0xffff, v4;
	s23 =	sand.u32 $0xFFFFFC00, s22;
	s29 =	sand.u32 $0x380, s24;
	s22 =	sand.u32 $0x3C00, s22  }
0x13: {  	v58 =	vld [tilespmem:s17+$0xFFFFFFE0];
	[tilespmem:s18+$0x2850 ss:$0x81] =	vst.msk $0xffff, v3;
	s21 =	sadd.s32 s23, s21;
	s20 =	sor.u32 s28, s22;
	s22 =	smov.u32 s9  }
0x14: {  	v59 =	vld [tilespmem:s17+$0xFFFFFFF0];
	[tilespmem:s18+$0x3060 ss:$0x81] =	vst.msk $0xffff, v2;
	s24 =	sand.u32 s30, s9;
	s21 =	sshrl.u32 s21, $0xE;
	s22 =	simm.s32 @!p1 $0x2D0  }
0x15: {  	v60 =	vld [tilespmem:s17+$0x0];
	[tilespmem:s18+$0x0 ss:$0x81] =	vst.msk $0xffff, v1;
	p1 =	sgt.s32 s10, $0x3F80;
	s31 =	ssub.s32 s22, s24;
	s22 =	smov.u32 s10  }
0x16: {  	v61 =	vld [tilespmem:s17+$0x10];
	[tilespmem:s19+$0x3870 ss:$0x81] =	vst.msk $0xffff, v0;
	s25 =	smulhi.u32 $0x4D4874, s21;
	s24 =	sand.u32 s26, s10;
	s22 =	simm.s32 @!p1 $0x3F80  }
0x17: {  	v62 =	vld [tilespmem:s17+$0x20];
	s20 =	sor.u32 s29, s20;
	[tilespmem:s19+$0x810 ss:$0x81] =	vst.msk $0xffff, v5;
	s27 =	sadd.s32 $0xFFFFFD30, s31;
	s22 =	ssub.s32 s22, s24  }
0x18: {  	v63 =	vld [tilespmem:s17+$0xFFFFFFC0];
	[tilespmem:s19+$0x1020 ss:$0x81] =	vst.msk $0xffff, v58;
	s18 =	ssub.s32 $0x350, s31;
	s28 =	smul.u32 $0x350, s25;
	s29 =	sadd.s32 $0xFFFFC080, s22  }
0x19: {  	[tilespmem:s19+$0x1830 ss:$0x81] =	vst.msk $0xffff, v59;
	p1 =	sgt.s32 s27, $0x7F;
	s22 =	ssub.s32 $0x4000, s22;
	p2 =	sgt.s32 s29, $0x7F  }
0x1a: {  	s30 =	sand.u32 $0x7, s10;
	[tilespmem:s19+$0x2040 ss:$0x81] =	vst.msk $0xffff, v60;
	s18 =	simm.s32 @p1 $0x0;
	s22 =	simm.s32 @p2 $0x0  }
0x1b: {  	s20 =	sshrl.u32 s20, $0x3;
	[tilespmem:s19+$0x2850 ss:$0x81] =	vst.msk $0xffff, v61;
	s17 =	ssub.s32 s21, s28;
	s18 =	smul.u32 s22, s18  }
0x1c: {  	[tilespmem:s19+$0x3060 ss:$0x81] =	vst.msk $0xffff, v62;
	s20 =	sadd.s32 s3, s20;
	s21 =	sshll.u32 s30, $0x12;
	s17 =	sshll.u32 s17, $0xB  }
0x1d: {  	[tilespmem:s19+$0x0 ss:$0x81] =	vst.msk $0xffff, v63;
	s31 =	sor.u32 $0x400, s21;
	s17 =	sadd.s32 s17, s20;
	s18 =	sand.u32 $0x3FFFFFFF, s18  }
0x1e: {  	[hbm4b:s17+s31] =	stream.strided.scatter [tilespmem:s16], [sflag:$0x2], s18, s8, s31, $0x20;
	[tilespmem:$0x10100] =	vst v63  }
.LBB1_5:
0x1f: {  	p1 =	slt.u32 s13, $0x2  }
0x20: {  	s17 =	smov.u32 s15;
	p2 =	sgt.s32 @!p1 s15, $0x2D0;
	s16 =	sshra.s32 @!p1 s15, $0x1F  }
0x21: {  	p3 =	sgt.s32 @!p1 s14, $0x3F80;
	s18 =	sshra.s32 @!p1 s14, $0x1F;
	p2 =	por !p2, p1  }
0x22: {  	s15 =	sand.u32 @!p1 s16, s15;
	p3 =	por !p3, p1;
	s16 =	smov.u32 s14  }
0x23: {  	s14 =	sand.u32 @!p1 s18, s14;
	s17 =	simm.s32 @p2 $0x2D0;
	s16 =	simm.s32 @p3 $0x3F80  }
0x24: {  	s15 =	ssub.s32 @!p1 s17, s15;
	s14 =	ssub.s32 @!p1 s16, s14  }
0x25: {  	s18 =	smov.u32 s12;
	s16 =	sadd.s32 @!p1 $0xFFFFFD30, s15;
	s17 =	sadd.s32 @!p1 $0xFFFFC080, s14  }
0x26: {  	s15 =	ssub.s32 @!p1 $0x350, s15;
	p2 =	sgt.s32 @!p1 s16, $0x7F;
	p3 =	sgt.s32 @!p1 s17, $0x7F  }
0x27: {  	s14 =	ssub.s32 @!p1 $0x4000, s14;
	p2 =	por !p2, p1;
	p3 =	por !p3, p1  }
0x28: {  	s16 =	sadd.s32 $0x80, s11;
	s15 =	simm.s32 @!p2 $0x0;
	s14 =	simm.s32 @!p3 $0x0  }
0x29: {  	p2 =	sgt.s32 s16, $0x34C;
	s14 =	smul.u32 @!p1 s14, s15;
	s15 =	sadd.s32 $0x1000, s12  }
0x2a: {  	s18 =	smov.u32 @p2 s15  }
0x2b: {  	s16 =	simm.s32 @p2 $0x0;
	p2 =	sgt.s32 s18, $0x3FFF  }
0x2c: {  	s18 =	smov.u32 @p2 s2;
	p2 =	sne.s32 s13, s7  }
.Ltmp1:
0x2d: {  	p0 =	por !p0, !p0;
	s17 =	simm.s32 @!p1 $0x2;
	(pc) =	sbr.rel @!p2 .LBB1_6-.Ltmp1, $4  }
0x2e: {  	s15 =	smov.u32 s9;
	s9 =	smov.u32 s11;
	s14 =	sand.u32 @!p1 $0x3FFFFFFF, s14  }
0x2f: {  	s11 =	smov.u32 s16;
	_ =	swait.ge @!p1 [sflag:s17], s14;
	s19 =	ssub.s32 @!p1 $0x0, s14  }
0x30: {  	s14 =	smov.u32 s10;
	s13 =	sadd.s32 $0x1, s13;
	[sflag:s17] =	ssyncset.done @!p1 $0x0  }
0x31: {  	s10 =	smov.u32 s12;
	s12 =	smov.u32 s18;
	[sflag:s17] =	ssyncadd.s32 @!p1 s19  }
.LBB1_1:
0x32: {  	p1 =	sge.u32 s13, s5  }
0x33: {  	s16 =	sshrl.u32 @!p1 s12, $0x3  }
0x34: {  	s17 =	sshll.u32 @!p1 s11, $0x3;
	s16 =	smul.u32 @!p1 $0x1C00, s16  }
0x35: {  	s18 =	sshll.u32 @!p1 s12, $0x7;
	s17 =	sand.u32 @!p1 $0xFFFFFC00, s17  }
0x36: {  	s16 =	sadd.s32 @!p1 s16, s17;
	s17 =	sand.u32 @!p1 $0x380, s18  }
0x37: {  	s16 =	sor.u32 @!p1 s17, s16  }
0x38: {  	s17 =	sshrl.u32 @!p1 s16, $0x7  }
0x39: {  	s17 =	smulhi.u32 @!p1 $0x24924925, s17;
	_ =	sdelay $0x1  }
0x3a: {  	s18 =	sand.u32 @!p1 $0x7F, s11;
	s19 =	smul.u32 @!p1 $0x380, s17  }
0x3b: {  	s31 =	sadd.s32 $0xFFFFFFFF, s13;
	s16 =	sor.u32 @!p1 s18, s16;
	s18 =	sxor.u32 @!p1 $0xFFFFFFFF, s13  }
0x3c: {  	s18 =	sshll.u32 @!p1 s18, $0xE;
	s17 =	sand.u32 @!p1 $0x3FFF, s17;
	s16 =	ssub.s32 @!p1 s16, s19  }
0x3d: {  	s17 =	smul.u32 @!p1 $0x70, s17;
	s19 =	sshrl.u32 @!p1 s16, $0x3;
	s16 =	sand.u32 @!p1 $0x7, s16  }
0x3e: {  	s18 =	sand.u32 @!p1 $0x4000, s18;
	s19 =	sadd.s32 @!p1 s6, s19;
	s16 =	sshll.u32 @!p1 s16, $0x12  }
0x3f: {  	s17 =	sadd.s32 @!p1 s17, s19;
	s16 =	sor.u32 @!p1 $0x400, s16;
	s19 =	simm.s32 @!p1 $0x1C00  }
0x40: {  	[tilespmem:s18], [sflag:$0x1] =	stream.strided.gather @!p1 [hbm4b:s17+s16], $0x4000, s19, s16, $0x38;
	[tilespmem:$0x10100] =	vst v63  }
0x41: {  	p1 =	sge.u32 s31, s5  }
.Ltmp2:
0x42: {  	_ = 	snop;
	(pc) =	sbr.rel @p1 .LBB1_5-.Ltmp2, $1  }
0x43: {  	_ =	sdelay $0x3  }
0x44: {  	s16 =	simm.s32 $0x1  }
0x45: {  	_ =	swait.ge [sflag:s4], $0x4000;
	s16 =	simm.s32 @!p0 $0x0  }
0x46: {  	[sflag:s4] =	ssyncset.done $0x0;
	s17 =	sshll.u32 s16, $0xE  }
0x47: {  	[sflag:s4] =	ssyncadd.s32 $0xFFFFC000;
	s17 =	sor.u32 $0x40, s17  }
0x48: {  	s16 =	smul.u32 $0x10200, s16;
	v0 =	vld [tilespmem:s17+$0x30]  }
0x49: {  	v1 =	vld [tilespmem:s17+$0xFFFFFFD0]  }
0x4a: {  	s16 =	sshrl.u32 s16, $0x2;
	v5 =	vld [tilespmem:s17+$0xFFFFFFE0]  }
0x4b: {  	v6 =	vld [tilespmem:s17+$0xFFFFFFF0];
	s19 =	sor.u32 $0x8000, s16  }
0x4c: {  	s31 =	sand.u32 $0x1, s13;
	v4 =	vld [tilespmem:s17+$0x0];
	s18 =	sadd.s32 $0x0, s19  }
0x4d: {  	v3 =	vld [tilespmem:s17+$0x10];
	s16 =	smul.u32 $0x10200, s31;
	[tilespmem:s18+$0x3870 ss:$0x81] =	vst.msk $0xffff, v0  }
0x4e: {  	v2 =	vld [tilespmem:s17+$0x20];
	[tilespmem:s18+$0x810 ss:$0x81] =	vst.msk $0xffff, v1  }
0x4f: {  	s16 =	sshrl.u32 s16, $0x2;
	v1 =	vld [tilespmem:s17+$0xFFFFFFC0];
	[tilespmem:s18+$0x1020 ss:$0x81] =	vst.msk $0xffff, v5;
	s17 =	sadd.s32 $0x80, s17  }
0x50: {  	s20 =	simm.s32 $0x4;
	s21 =	simm.s32 $0x8;
	s16 =	sor.u32 $0x8000, s16;
	[tilespmem:s18+$0x1830 ss:$0x81] =	vst.msk $0xffff, v6;
	v0 =	vld [tilespmem:s17+$0x30]  }
.LBB1_3:
0x51: {  	p1 =	sne.s32 s21, $0x1FC;
	v5 =	vld [tilespmem:s17+$0xFFFFFFD0];
	[tilespmem:s18+$0x2040 ss:$0x81] =	vst.msk $0xffff, v4  }
0x52: {  	v6 =	vld [tilespmem:s17+$0xFFFFFFE0];
	[tilespmem:s18+$0x2850 ss:$0x81] =	vst.msk $0xffff, v3  }
0x53: {  	s22 =	sshra.s32 s20, $0x2;
	s20 =	smov.u32 s21;
	v7 =	vld [tilespmem:s17+$0xFFFFFFF0];
	[tilespmem:s18+$0x3060 ss:$0x81] =	vst.msk $0xffff, v2  }
.Ltmp3:
0x54: {  	v4 =	vld [tilespmem:s17+$0x0];
	[tilespmem:s18+$0x0 ss:$0x81] =	vst.msk $0xffff, v1;
	s18 =	sadd.s32 s22, s19;
	(pc) =	sbr.rel @p1 .LBB1_3-.Ltmp3, $4  }
0x55: {  	v3 =	vld [tilespmem:s17+$0x10];
	[tilespmem:s18+$0x3870 ss:$0x81] =	vst.msk $0xffff, v0  }
0x56: {  	[tilespmem:s18+$0x810 ss:$0x81] =	vst.msk $0xffff, v5;
	v2 =	vld [tilespmem:s17+$0x20]  }
0x57: {  	v1 =	vld [tilespmem:s17+$0xFFFFFFC0];
	[tilespmem:s18+$0x1020 ss:$0x81] =	vst.msk $0xffff, v6;
	s17 =	sadd.s32 $0x80, s17  }
0x58: {  	s21 =	sadd.s32 $0x4, s21;
	v0 =	vld [tilespmem:s17+$0x30];
	[tilespmem:s18+$0x1830 ss:$0x81] =	vst.msk $0xffff, v7  }
.Ltmp4:
0x59: {  	_ = 	snop;
	(pc) =	sbr.rel .LBB1_4-.Ltmp4, $1  }
0x5a: {  	_ =	sdelay $0x3  }
.LBB1_6:
0x5b: {  	_ =	sfence.sel $0x180000  }
0x5c: {  	s2 =	simm.s32 $0x1;
	[bflag:$0x0] =	sbarrier.arrive $0xFFFF  }
0x5d: {  	s31 =	simm.s32 $0x2;
	[sflag:s2] =	ssyncpa.u1 $0x1  }
0x5e: {  	[sflag:s31] =	ssyncpa.u1 $0x1  }
0x5f: {  	p0 =	sne.s32 s0, $0x0;
	_ =	strace $0x9000004A  }
0x60: {  	s0 =	sadd.s32 @!p0 $0x100000, s1;
	[bflag:$0x2] =	sbarrier.arrive $0xFFFF  }
0x61: {  	[sflag:s0] =	ssyncadd.tile.s32 @!p0 $0x1;
	_ =	shalt  }
.Lfunc_end1:
_tile_overlayer_lowered:
.L_overlay_start_2:
0x62: {  	(tag) =	ssettag $0x2  }
0x63: {  	s0 =	rddreg [dreg:$0x0];
	s2 =	stileid.u32  }
0x64: {  	s1 =	rddreg [dreg:$0x1];
	p0 =	sne.s32 s2, $0x0  }
0x65: {  	s3 =	rddreg [dreg:$0x2];
	[bflag:$0x3] =	sbarrier.arrive $0xFFFF;
	s2 =	simm.s32 @!p0 $0x1C01  }
0x66: {  	[timem:s3], [sflag:s2] =	dma.local @!p0 [hbm:s0], s1  }
0x67: {  	s0 =	simm.s32 @!p0 $0x1  }
0x68: {  	_ =	swait.ge @!p0 [sflag:s0], s1  }
0x69: {  	s1 =	ssub.s32 @!p0 $0x0, s1;
	[sflag:s0] =	ssyncset.done @!p0 $0x0  }
0x6a: {  	[sflag:s0] =	ssyncadd.s32 @!p0 s1  }
0x6b: {  	[bflag:$0x3] =	sbarrier.arrive $0xFFFF  }
0x6c: {  	_ =	shalt  }

</sc_bundles>
